<compile_context>
chip_gen: v7x
topology: tpu7x:2x2x1
jax: 0.10.2.dev20260603
libtpu: 0.0.44.dev20260713+nightly
codegen_flags: <defaults>
</compile_context>

<pallas_src>
import functools

import jax
import jax.numpy as jnp
from jax import lax
from jax.experimental import pallas as pl
from jax.experimental.pallas import tpu as pltpu
from jax.experimental.pallas import tpu_sc as plsc

B = 16
L = 512
T = B * L
V = 50265
D = 1024
P = 514
PAD = 1
EPS = 1e-5

NC = 2
NS = 16
NW = NC * NS
TPW = T // NW
K = 8
NCHUNK = TPW // K
LPS = L // 16


def _combine_tables(pos_emb, type_emb):
    def body(pos_ref, type_ref, out_ref):
        out_ref[...] = pos_ref[...] + type_ref[0, :][None, :]
    return pl.pallas_call(
        body,
        out_shape=jax.ShapeDtypeStruct((P, D), jnp.float32),
    )(pos_emb, type_emb)


def _sc_embed_body(ids_hbm, word_hbm, pt_hbm, lnw_hbm, lnb_hbm, out_hbm,
                   ids_v, pos_v, cnt_v, lnw_v, lnb_v,
                   wbuf0, wbuf1, pbuf0, pbuf1, obuf0, obuf1, jbuf0, jbuf1,
                   sp_pt, gw0, gw1, gp0, gp1, so0, so1, stg):
    wbufs = (wbuf0, wbuf1)
    pbufs = (pbuf0, pbuf1)
    obufs = (obuf0, obuf1)
    jbufs = (jbuf0, jbuf1)
    gws = (gw0, gw1)
    gps = (gp0, gp1)
    sos = (so0, so1)

    cid = lax.axis_index("c")
    sid = lax.axis_index("s")
    wid = sid * NC + cid
    seq = wid // 2
    half = wid % 2

    RPS = 32
    pltpu.async_copy(pt_hbm.at[pl.ds(sid * RPS, RPS)],
                     sp_pt.at[pl.ds(sid * RPS, RPS)], stg)

    @pl.when(sid == NS - 1)
    def _stage_tail():
        pltpu.async_copy(pt_hbm.at[pl.ds(NS * RPS, P - NS * RPS)],
                         sp_pt.at[pl.ds(NS * RPS, P - NS * RPS)], stg)

    pltpu.sync_copy(ids_hbm.at[pl.ds(seq * L, L)], ids_v.at[pl.ds(0, L)])
    pltpu.sync_copy(lnw_hbm, lnw_v)
    pltpu.sync_copy(lnb_hbm, lnb_v)

    def posloop(g, carry):
        vec = ids_v[pl.ds(g * 16, 16)]
        m = vec != PAD
        mi = jnp.where(m, jnp.int32(1), jnp.int32(0))
        cs = plsc.cumsum(mi) + carry
        cnt_v[pl.ds(g * 16, 16)] = cs
        pos_v[pl.ds(g * 16, 16)] = jnp.where(m, cs, jnp.int32(0)) + PAD
        return carry + jnp.sum(mi)
    lax.fori_loop(0, LPS, posloop, jnp.int32(0), unroll=False)

    half_base = half * TPW

    pltpu.make_async_copy(pt_hbm.at[pl.ds(0, RPS)],
                          sp_pt.at[pl.ds(0, RPS)], stg).wait()

    @pl.when(sid == NS - 1)
    def _stage_tail_wait():
        pltpu.make_async_copy(pt_hbm.at[pl.ds(0, P - NS * RPS)],
                              sp_pt.at[pl.ds(0, P - NS * RPS)], stg).wait()

    plsc.subcore_barrier()

    for b in range(2):
        pltpu.sync_copy(pt_hbm.at[pl.ds(PAD, 1)], pbufs[b].at[pl.ds(16, 1)])

    def issue_gathers(c, b):
        base = half_base + c * K
        pltpu.async_copy(word_hbm.at[ids_v.at[pl.ds(base, K)]], wbufs[b],
                         gws[b])
        am = jnp.maximum(base - 1, 0)
        s_c = jnp.where(base > 0, cnt_v[pl.ds(am, 16)][0], jnp.int32(0))
        slab_lo = s_c + 1
        al = pl.multiple_of(slab_lo - lax.rem(slab_lo, 8), 8)
        pltpu.async_copy(sp_pt.at[pl.ds(al, 16)],
                         pbufs[b].at[pl.ds(0, 16)], gps[b])
        pos16 = pos_v[pl.ds(base, 16)]
        ids16 = ids_v[pl.ds(base, 16)]
        jvec = pos16 - jnp.broadcast_to(al, (16,))
        jbufs[b][...] = jnp.where(ids16 == PAD, jnp.int32(16), jvec)

    for b in range(2):
        issue_gathers(jnp.int32(b), b)

    def do_chunk(c, b):
        wbuf, pbuf, obuf = wbufs[b], pbufs[b], obufs[b]
        pltpu.make_async_copy(word_hbm.at[pl.ds(0, K)], wbuf, gws[b]).wait()
        pltpu.make_async_copy(sp_pt.at[pl.ds(0, 16)],
                              pbuf.at[pl.ds(0, 16)], gps[b]).wait()
        jvec_l = jbufs[b][...]
        jts = [jvec_l[t] for t in range(K)]
        iota = lax.iota(jnp.int32, 16)

        def splat_sum(x):
            for sh in (1, 2, 4, 8):
                perm = (iota + sh) & 15
                x = x + x.at[perm].get(mode="promise_in_bounds")
            return x

        zero = jnp.zeros((16,), jnp.float32)

        @plsc.parallel_loop(0, D // 16, carry=(zero,) * (2 * K))
        def p1(dd, acc):
            accs = list(acc)
            sl = pl.ds(dd * 16, 16)
            for t in range(K):
                v = wbuf[t, sl] + pbuf[jts[t], sl]
                obuf[t, sl] = v
                accs[2 * t] = accs[2 * t] + v
                accs[2 * t + 1] = accs[2 * t + 1] + v * v
            return tuple(accs)
        acc = p1

        stats = []
        for t in range(K):
            s, q = acc[2 * t], acc[2 * t + 1]
            mean = splat_sum(s) * (1.0 / D)
            x = splat_sum(q) * (1.0 / D) - mean * mean + EPS
            iv = plsc.bitcast(x, jnp.int32)
            iv = jnp.int32(0x5F3759DF) - (iv >> 1)
            y = plsc.bitcast(iv, jnp.float32)
            for _ in range(3):
                y = y * (1.5 - 0.5 * x * y * y)
            stats.append((y, mean * y))

        @plsc.parallel_loop(0, D // 16)
        def p2(dd):
            sl = pl.ds(dd * 16, 16)
            wv = lnw_v[sl]
            bv = lnb_v[sl]
            for t in range(K):
                a, am = stats[t]
                v = obuf[t, sl]
                obuf[t, sl] = (v * a - am) * wv + bv
        row0 = seq * L + half_base + c * K
        pltpu.async_copy(obuf, out_hbm.at[pl.ds(row0, K)], sos[b])

    def pairloop(i, _):
        for b in range(2):
            c = 2 * i + b

            @pl.when(i > 0)
            def _wait_out():
                pltpu.make_async_copy(
                    obufs[b], out_hbm.at[pl.ds(0, K)], sos[b]).wait()

            do_chunk(c, b)

            @pl.when(c + 2 < NCHUNK)
            def _next_gather():
                issue_gathers(c + 2, b)
        return 0
    lax.fori_loop(0, NCHUNK // 2, pairloop, 0, unroll=False)
    for b in range(2):
        pltpu.make_async_copy(obufs[b], out_hbm.at[pl.ds(0, K)], sos[b]).wait()


_sc_embed = functools.partial(
    pl.kernel,
    out_type=jax.ShapeDtypeStruct((T, D), jnp.float32),
    mesh=plsc.VectorSubcoreMesh(core_axis_name="c", subcore_axis_name="s"),
    compiler_params=pltpu.CompilerParams(needs_layout_passes=False),
    scratch_types=[
        pltpu.VMEM((L + 16,), jnp.int32),
        pltpu.VMEM((L + 16,), jnp.int32),
        pltpu.VMEM((L + 16,), jnp.int32),
        pltpu.VMEM((D,), jnp.float32),
        pltpu.VMEM((D,), jnp.float32),
        pltpu.VMEM((K, D), jnp.float32),
        pltpu.VMEM((K, D), jnp.float32),
        pltpu.VMEM((17, D), jnp.float32),
        pltpu.VMEM((17, D), jnp.float32),
        pltpu.VMEM((K, D), jnp.float32),
        pltpu.VMEM((K, D), jnp.float32),
        pltpu.VMEM((16,), jnp.int32),
        pltpu.VMEM((16,), jnp.int32),
        pltpu.VMEM_SHARED((528, D), jnp.float32),
        pltpu.SemaphoreType.DMA,
        pltpu.SemaphoreType.DMA,
        pltpu.SemaphoreType.DMA,
        pltpu.SemaphoreType.DMA,
        pltpu.SemaphoreType.DMA,
        pltpu.SemaphoreType.DMA,
        pltpu.SemaphoreType.DMA,
    ],
)(_sc_embed_body)


def kernel(input_ids, seq_lens, position_ids, token_type_ids,
           word_emb, pos_emb, type_emb, ln_w, ln_b):
    pt = _combine_tables(pos_emb, type_emb)
    return _sc_embed(input_ids, word_emb, pt, ln_w, ln_b)

# --- scband reference (transcript-rebuilt; emitter-appended) ---
"""Pipeline reference for scband-roberta-embedding-58755152609329 (READ-ONLY COPY).

The authoritative reference and input builder live on the scoring server;
editing this copy changes nothing except your own understanding.
"""

import jax, jax.numpy as jnp
import numpy as np

B = 16
L = 512
T = B * L
V = 50265
D = 1024
P = 514
TYPES = 1
PAD = 1
EPS = 1e-5


def setup_inputs(seed: int = 0) -> dict:
    key = jax.random.key(seed)
    k1, k2, k3, k4 = jax.random.split(key, 4)
    input_ids = jax.random.randint(k1, (T,), 0, V, dtype=jnp.int32)
    # module asserts position_ids per sequence equal arange(seq_len)
    seq_lens = jnp.full((B,), L, dtype=jnp.int32)
    position_ids = jnp.tile(jnp.arange(L, dtype=jnp.int32), B)
    token_type_ids = jnp.zeros((T,), dtype=jnp.int32)
    word_emb = jax.random.normal(k2, (V, D), dtype=jnp.float32) * 0.02
    pos_emb = jax.random.normal(k3, (P, D), dtype=jnp.float32) * 0.02
    pos_emb = pos_emb.at[PAD].set(0.0)  # nn.Embedding padding_idx row zeroed
    type_emb = jax.random.normal(k4, (TYPES, D), dtype=jnp.float32) * 0.02
    ln_w = jnp.ones((D,), dtype=jnp.float32)
    ln_b = jnp.zeros((D,), dtype=jnp.float32)
    return {
        "input_ids": input_ids,
        "seq_lens": seq_lens,
        "position_ids": position_ids,
        "token_type_ids": token_type_ids,
        "word_emb": word_emb,
        "pos_emb": pos_emb,
        "type_emb": type_emb,
        "ln_w": ln_w,
        "ln_b": ln_b,
    }


def _layer_norm(x, w, b):
    mean = jnp.mean(x, axis=-1, keepdims=True)
    var = jnp.mean((x - mean) ** 2, axis=-1, keepdims=True)
    return (x - mean) / jnp.sqrt(var + EPS) * w + b


def reference(input_ids, seq_lens, position_ids, token_type_ids, word_emb, pos_emb, type_emb, ln_w, ln_b):
    # word embedding gather (VocabParallelEmbedding == plain gather in single-chip reference)
    inputs_embeds = jnp.take(word_emb, input_ids, axis=0)
    # per-sequence recompute of position ids from tokens (create_position_ids_from_input_ids)
    # all sequences have equal length L so we vectorize the python loop as a reshape
    tokens = input_ids.reshape(B, L)
    mask = (tokens != PAD).astype(jnp.int32)
    incremental = jnp.cumsum(mask, axis=1) * mask
    new_position_ids = (incremental + PAD).reshape(-1)
    position_embeddings = jnp.take(pos_emb, new_position_ids, axis=0)
    token_type_embeddings = jnp.take(type_emb, token_type_ids, axis=0)
    embeddings = inputs_embeds + token_type_embeddings + position_embeddings
    embeddings = _layer_norm(embeddings, ln_w, ln_b)
    return embeddings

if __name__ == "__main__":
    import jax
    _d = setup_inputs()
    print(jax.jit(kernel)(*tuple(_d.values())))

</pallas_src>

<mosaic_0001>
#map = affine_map<(d0, d1) -> (0)>
#map1 = affine_map<(d0, d1) -> (0, 0)>
module attributes {stable_mosaic.version = 14 : i64} {
  func.func @_sc_embed_body(%arg0: i32, %arg1: i32, %arg2: memref<8192xi32, #tpu.memory_space<hbm>>, %arg3: memref<50265x1024xf32, #tpu.memory_space<hbm>>, %arg4: memref<514x1024xf32, #tpu.memory_space<hbm>>, %arg5: memref<1024xf32, #tpu.memory_space<hbm>>, %arg6: memref<1024xf32, #tpu.memory_space<hbm>>, %arg7: memref<8192x1024xf32, #tpu.memory_space<hbm>>, %arg8: memref<528xi32, #tpu.memory_space<vmem>>, %arg9: memref<528xi32, #tpu.memory_space<vmem>>, %arg10: memref<528xi32, #tpu.memory_space<vmem>>, %arg11: memref<1024xf32, #tpu.memory_space<vmem>>, %arg12: memref<1024xf32, #tpu.memory_space<vmem>>, %arg13: memref<8x1024xf32, #tpu.memory_space<vmem>>, %arg14: memref<8x1024xf32, #tpu.memory_space<vmem>>, %arg15: memref<17x1024xf32, #tpu.memory_space<vmem>>, %arg16: memref<17x1024xf32, #tpu.memory_space<vmem>>, %arg17: memref<8x1024xf32, #tpu.memory_space<vmem>>, %arg18: memref<8x1024xf32, #tpu.memory_space<vmem>>, %arg19: memref<16xi32, #tpu.memory_space<vmem>>, %arg20: memref<16xi32, #tpu.memory_space<vmem>>, %arg21: memref<528x1024xf32, #tpu.memory_space<vmem_shared>>, %arg22: memref<!tpu.dma_semaphore, #tpu.memory_space<semaphore_mem>>, %arg23: memref<!tpu.dma_semaphore, #tpu.memory_space<semaphore_mem>>, %arg24: memref<!tpu.dma_semaphore, #tpu.memory_space<semaphore_mem>>, %arg25: memref<!tpu.dma_semaphore, #tpu.memory_space<semaphore_mem>>, %arg26: memref<!tpu.dma_semaphore, #tpu.memory_space<semaphore_mem>>, %arg27: memref<!tpu.dma_semaphore, #tpu.memory_space<semaphore_mem>>, %arg28: memref<!tpu.dma_semaphore, #tpu.memory_space<semaphore_mem>>) attributes {dimension_semantics = [#tpu.dimension_semantics<core_parallel>, #tpu.dimension_semantics<subcore_parallel>], iteration_bounds = array<i64: 2, 16>, scalar_prefetch = 0 : i64, scratch_operands = 21 : i64, tpu.core_type = #tpu.core_type<sc_vector_subcore>, window_params = [{transform_indices = #map}, {transform_indices = #map1}, {transform_indices = #map1}, {transform_indices = #map}, {transform_indices = #map}, {transform_indices = #map1}]} {
    %mul3A = arith.constant 2 : i32
    %mul3A_0 = arith.muli %arg1, %mul3A : i32
    %add3A = arith.addi %mul3A_0, %arg0 : i32
    %jit3A = arith.constant 2 : i32
    %div3A = arith.divsi %add3A, %jit3A : i32
    %sign3A = arith.constant 0 : i32
    %sign3A_1 = arith.cmpi sgt, %add3A, %sign3A : i32
    %sign3A_2 = arith.extui %sign3A_1 : i1 to i32
    %sign3A_3 = arith.constant 0 : i32
    %sign3A_4 = arith.cmpi slt, %add3A, %sign3A_3 : i32
    %sign3A_5 = arith.extui %sign3A_4 : i1 to i32
    %sign3A_6 = arith.subi %sign3A_2, %sign3A_5 : i32
    %sign3A_7 = arith.constant 0 : i32
    %sign3A_8 = arith.cmpi sgt, %jit3A, %sign3A_7 : i32
    %sign3A_9 = arith.extui %sign3A_8 : i1 to i32
    %sign3A_10 = arith.constant 0 : i32
    %sign3A_11 = arith.cmpi slt, %jit3A, %sign3A_10 : i32
    %sign3A_12 = arith.extui %sign3A_11 : i1 to i32
    %sign3A_13 = arith.subi %sign3A_9, %sign3A_12 : i32
    %ne3A = arith.cmpi ne, %sign3A_6, %sign3A_13 : i32
    %rem3A = arith.remsi %add3A, %jit3A : i32
    %ne3A_14 = arith.constant 0 : i32
    %ne3A_15 = arith.cmpi ne, %rem3A, %ne3A_14 : i32
    %and3A = arith.andi %ne3A, %ne3A_15 : i1
    %sub3A = arith.constant 1 : i32
    %sub3A_16 = arith.subi %div3A, %sub3A : i32
    %select_n3A = arith.select %and3A, %sub3A_16, %div3A : i32
    %jit3A_17 = arith.constant 2 : i32
    %eq3A = arith.constant 0 : i32
    %eq3A_18 = arith.cmpi eq, %jit3A_17, %eq3A : i32
    %jit3A_19 = arith.constant 1 : i32
    %select_n3A_20 = arith.select %eq3A_18, %jit3A_19, %jit3A_17 : i32
    %rem3A_21 = arith.remsi %add3A, %select_n3A_20 : i32
    %ne3A_22 = arith.constant 0 : i32
    %ne3A_23 = arith.cmpi ne, %rem3A_21, %ne3A_22 : i32
    %lt3A = arith.constant 0 : i32
    %lt3A_24 = arith.cmpi slt, %rem3A_21, %lt3A : i32
    %lt3A_25 = arith.constant 0 : i32
    %lt3A_26 = arith.cmpi slt, %select_n3A_20, %lt3A_25 : i32
    %ne3A_27 = arith.xori %lt3A_24, %lt3A_26 : i1
    %and3A_28 = arith.andi %ne3A_27, %ne3A_23 : i1
    %add3A_29 = arith.addi %rem3A_21, %select_n3A_20 : i32
    %select_n3A_30 = arith.select %and3A_28, %add3A_29, %rem3A_21 : i32
    %mul3A_31 = arith.constant 32 : i32
    %mul3A_32 = arith.muli %arg1, %mul3A_31 : i32
    %mul3A_33 = arith.constant 32 : i32
    %mul3A_34 = arith.muli %arg1, %mul3A_33 : i32
    %dma_start3A = arith.constant 0 : i32
    %dma_start3A_35 = tpu.memref_slice %arg21[%mul3A_34, %dma_start3A] : memref<528x1024xf32, #tpu.memory_space<vmem_shared>> -> memref<32x1024xf32, #tpu.memory_space<vmem_shared>>
    %dma_start3A_36 = arith.constant 0 : i32
    %dma_start3A_37 = tpu.memref_slice %arg4[%mul3A_32, %dma_start3A_36] : memref<514x1024xf32, #tpu.memory_space<hbm>> -> memref<32x1024xf32, #tpu.memory_space<hbm>>
    tpu.enqueue_dma source(%dma_start3A_37 : memref<32x1024xf32, #tpu.memory_space<hbm>>) target(%dma_start3A_35 : memref<32x1024xf32, #tpu.memory_space<vmem_shared>>) target_semaphore(%arg28 : memref<!tpu.dma_semaphore, #tpu.memory_space<semaphore_mem>>)
    %eq3A_38 = arith.constant 15 : i32
    %eq3A_39 = arith.cmpi eq, %arg1, %eq3A_38 : i32
    %convert_element_type3A = arith.extui %eq3A_39 : i1 to i32
    %cond3A = arith.constant 0 : i32
    %cond3A_40 = arith.cmpi ne, %convert_element_type3A, %cond3A : i32
    scf.if %cond3A_40 {
      %dma_start3A_172 = arith.constant 512 : i32
      %dma_start3A_173 = arith.constant 0 : i32
      %dma_start3A_174 = tpu.memref_slice %arg21[%dma_start3A_172, %dma_start3A_173] : memref<528x1024xf32, #tpu.memory_space<vmem_shared>> -> memref<2x1024xf32, #tpu.memory_space<vmem_shared>>
      %dma_start3A_175 = arith.constant 512 : i32
      %dma_start3A_176 = arith.constant 0 : i32
      %dma_start3A_177 = tpu.memref_slice %arg4[%dma_start3A_175, %dma_start3A_176] : memref<514x1024xf32, #tpu.memory_space<hbm>> -> memref<2x1024xf32, #tpu.memory_space<hbm>>
      tpu.enqueue_dma source(%dma_start3A_177 : memref<2x1024xf32, #tpu.memory_space<hbm>>) target(%dma_start3A_174 : memref<2x1024xf32, #tpu.memory_space<vmem_shared>>) target_semaphore(%arg28 : memref<!tpu.dma_semaphore, #tpu.memory_space<semaphore_mem>>)
    } else {
    }
    %mul3A_41 = arith.constant 512 : i32
    %mul3A_42 = arith.muli %select_n3A, %mul3A_41 : i32
    "tpu.region"() ({
      %run_scoped3A = tpu.sem_alloc : memref<!tpu.dma_semaphore, #tpu.memory_space<semaphore_mem>>
      %dma_start3A_172 = arith.constant 0 : i32
      %dma_start3A_173 = tpu.memref_slice %arg8[%dma_start3A_172] : memref<528xi32, #tpu.memory_space<vmem>> -> memref<512xi32, #tpu.memory_space<vmem>>
      %dma_start3A_174 = tpu.memref_slice %arg2[%mul3A_42] : memref<8192xi32, #tpu.memory_space<hbm>> -> memref<512xi32, #tpu.memory_space<hbm>>
      %dma_start3A_175 = arith.constant 0 : i32
      %dma_start3A_176 = tpu.memref_slice %arg8[%dma_start3A_175] : memref<528xi32, #tpu.memory_space<vmem>> -> memref<512xi32, #tpu.memory_space<vmem>>
      %dma_start3A_177 = tpu.memref_slice %arg2[%mul3A_42] : memref<8192xi32, #tpu.memory_space<hbm>> -> memref<512xi32, #tpu.memory_space<hbm>>
      tpu.enqueue_dma source(%dma_start3A_177 : memref<512xi32, #tpu.memory_space<hbm>>) target(%dma_start3A_176 : memref<512xi32, #tpu.memory_space<vmem>>) target_semaphore(%run_scoped3A : memref<!tpu.dma_semaphore, #tpu.memory_space<semaphore_mem>>)
      %dma_wait3A_178 = arith.constant 0 : i32
      %dma_wait3A_179 = tpu.memref_slice %arg8[%dma_wait3A_178] : memref<528xi32, #tpu.memory_space<vmem>> -> memref<512xi32, #tpu.memory_space<vmem>>
      %dma_wait3A_180 = tpu.memref_slice %arg2[%mul3A_42] : memref<8192xi32, #tpu.memory_space<hbm>> -> memref<512xi32, #tpu.memory_space<hbm>>
      %dma_wait3A_181 = arith.constant 0 : i32
      %dma_wait3A_182 = tpu.memref_slice %arg8[%dma_wait3A_181] : memref<528xi32, #tpu.memory_space<vmem>> -> memref<512xi32, #tpu.memory_space<vmem>>
      %dma_wait3A_183 = tpu.memref_slice %arg2[%mul3A_42] : memref<8192xi32, #tpu.memory_space<hbm>> -> memref<512xi32, #tpu.memory_space<hbm>>
      tpu.wait_dma2 semaphore(%run_scoped3A : memref<!tpu.dma_semaphore, #tpu.memory_space<semaphore_mem>>) src(%dma_wait3A_183 : memref<512xi32, #tpu.memory_space<hbm>>) dst(%dma_wait3A_182 : memref<512xi32, #tpu.memory_space<vmem>>)
      tpu.yield
    }) : () -> ()
    "tpu.region"() ({
      %run_scoped3A = tpu.sem_alloc : memref<!tpu.dma_semaphore, #tpu.memory_space<semaphore_mem>>
      tpu.enqueue_dma source(%arg5 : memref<1024xf32, #tpu.memory_space<hbm>>) target(%arg11 : memref<1024xf32, #tpu.memory_space<vmem>>) target_semaphore(%run_scoped3A : memref<!tpu.dma_semaphore, #tpu.memory_space<semaphore_mem>>)
      tpu.wait_dma2 semaphore(%run_scoped3A : memref<!tpu.dma_semaphore, #tpu.memory_space<semaphore_mem>>) src(%arg5 : memref<1024xf32, #tpu.memory_space<hbm>>) dst(%arg11 : memref<1024xf32, #tpu.memory_space<vmem>>)
      tpu.yield
    }) : () -> ()
    "tpu.region"() ({
      %run_scoped3A = tpu.sem_alloc : memref<!tpu.dma_semaphore, #tpu.memory_space<semaphore_mem>>
      tpu.enqueue_dma source(%arg6 : memref<1024xf32, #tpu.memory_space<hbm>>) target(%arg12 : memref<1024xf32, #tpu.memory_space<vmem>>) target_semaphore(%run_scoped3A : memref<!tpu.dma_semaphore, #tpu.memory_space<semaphore_mem>>)
      tpu.wait_dma2 semaphore(%run_scoped3A : memref<!tpu.dma_semaphore, #tpu.memory_space<semaphore_mem>>) src(%arg6 : memref<1024xf32, #tpu.memory_space<hbm>>) dst(%arg12 : memref<1024xf32, #tpu.memory_space<vmem>>)
      tpu.yield
    }) : () -> ()
    %scan3A = arith.constant 0 : i32
    %scan3A_43 = arith.constant 0 : i32
    %scan3A_44 = arith.constant 32 : i32
    %scan3A_45 = arith.addi %scan3A_43, %scan3A_44 : i32
    %scan3A_46 = arith.constant 1 : i32
    %scan3A_47 = scf.for %scan3A_172 = %scan3A_43 to %scan3A_45 step %scan3A_46 iter_args(%scan3A_173 = %scan3A) -> (i32)  : i32 {
      %mul3A_174 = arith.constant 16 : i32
      %mul3A_175 = arith.muli %scan3A_172, %mul3A_174 : i32
      %get3A_176 = arith.index_cast %mul3A_175 : i32 to index
      %get3A_177 = tpu.vector_load %arg8[%get3A_176] {strides = array<i32>} : memref<528xi32, #tpu.memory_space<vmem>>, vector<16xi32>,
      %ne3A_178 = arith.constant 1 : i32
      %ne3A_179 = vector.broadcast %ne3A_178 : i32 to vector<16xi32>
      %ne3A_180 = arith.cmpi ne, %get3A_177, %ne3A_179 : vector<16xi32>
      %jit3A_181 = arith.constant 1 : i32
      %jit3A_182 = arith.constant 0 : i32
      %broadcast_in_dim3A_183 = vector.broadcast %jit3A_181 : i32 to vector<16xi32>
      %broadcast_in_dim3A_184 = vector.broadcast %jit3A_182 : i32 to vector<16xi32>
      %select_n3A_185 = arith.select %ne3A_180, %broadcast_in_dim3A_183, %broadcast_in_dim3A_184 : vector<16xi1>, vector<16xi32>
      %broadcast_in_dim3A_186 = arith.constant true
      %broadcast_in_dim3A_187 = vector.broadcast %broadcast_in_dim3A_186 : i1 to vector<16xi1>
      %masked_cumsum3A = tpu.scan <sum>, %select_n3A_185 masked %broadcast_in_dim3A_187 : vector<16xi32>, vector<16xi1> -> vector<16xi32>
      %add3A_188 = vector.broadcast %scan3A_173 : i32 to vector<16xi32>
      %add3A_189 = arith.addi %masked_cumsum3A, %add3A_188 : vector<16xi32>
      %mul3A_190 = arith.constant 16 : i32
      %mul3A_191 = arith.muli %scan3A_172, %mul3A_190 : i32
      %swap3A_192 = arith.index_cast %mul3A_191 : i32 to index
      %swap3A_193 = tpu.vector_load %arg10[%swap3A_192] {strides = array<i32>} : memref<528xi32, #tpu.memory_space<vmem>>, vector<16xi32>,
      tpu.vector_store %arg10[%swap3A_192], %add3A_189 {strides = array<i32>} : memref<528xi32, #tpu.memory_space<vmem>>, vector<16xi32>,
      %jit3A_194 = arith.constant 0 : i32
      %broadcast_in_dim3A_195 = vector.broadcast %jit3A_194 : i32 to vector<16xi32>
      %select_n3A_196 = arith.select %ne3A_180, %add3A_189, %broadcast_in_dim3A_195 : vector<16xi1>, vector<16xi32>
      %add3A_197 = arith.constant 1 : i32
      %add3A_198 = vector.broadcast %add3A_197 : i32 to vector<16xi32>
      %add3A_199 = arith.addi %select_n3A_196, %add3A_198 : vector<16xi32>
      %mul3A_200 = arith.constant 16 : i32
      %mul3A_201 = arith.muli %scan3A_172, %mul3A_200 : i32
      %swap3A_202 = arith.index_cast %mul3A_201 : i32 to index
      %swap3A_203 = tpu.vector_load %arg9[%swap3A_202] {strides = array<i32>} : memref<528xi32, #tpu.memory_space<vmem>>, vector<16xi32>,
      tpu.vector_store %arg9[%swap3A_202], %add3A_199 {strides = array<i32>} : memref<528xi32, #tpu.memory_space<vmem>>, vector<16xi32>,
      %reduce_sum3A = arith.constant true
      %reduce_sum3A_204 = vector.broadcast %reduce_sum3A : i1 to vector<16xi1>
      %reduce_sum3A_205 = tpu.scan <sum>, %select_n3A_185 masked %reduce_sum3A_204 : vector<16xi32>, vector<16xi1> -> vector<16xi32>
      %reduce_sum3A_206 = vector.extract %reduce_sum3A_205[15] : i32 from vector<16xi32>
      %add3A_207 = arith.addi %scan3A_173, %reduce_sum3A_206 : i32
      scf.yield %add3A_207 : i32
    }
    %scan3A_48 = arith.constant 32 : i32
    %mul3A_49 = arith.constant 256 : i32
    %mul3A_50 = arith.muli %select_n3A_30, %mul3A_49 : i32
    %dma_wait3A = arith.constant 0 : i32
    %dma_wait3A_51 = arith.constant 0 : i32
    %dma_wait3A_52 = tpu.memref_slice %arg21[%dma_wait3A, %dma_wait3A_51] : memref<528x1024xf32, #tpu.memory_space<vmem_shared>> -> memref<32x1024xf32, #tpu.memory_space<vmem_shared>>
    %dma_wait3A_53 = arith.constant 0 : i32
    %dma_wait3A_54 = arith.constant 0 : i32
    %dma_wait3A_55 = tpu.memref_slice %arg4[%dma_wait3A_53, %dma_wait3A_54] : memref<514x1024xf32, #tpu.memory_space<hbm>> -> memref<32x1024xf32, #tpu.memory_space<hbm>>
    tpu.wait_dma2 semaphore(%arg28 : memref<!tpu.dma_semaphore, #tpu.memory_space<semaphore_mem>>) src(%dma_wait3A_55 : memref<32x1024xf32, #tpu.memory_space<hbm>>) dst(%dma_wait3A_52 : memref<32x1024xf32, #tpu.memory_space<vmem_shared>>)
    %eq3A_56 = arith.constant 15 : i32
    %eq3A_57 = arith.cmpi eq, %arg1, %eq3A_56 : i32
    %convert_element_type3A_58 = arith.extui %eq3A_57 : i1 to i32
    %cond3A_59 = arith.constant 0 : i32
    %cond3A_60 = arith.cmpi ne, %convert_element_type3A_58, %cond3A_59 : i32
    scf.if %cond3A_60 {
      %dma_wait3A_172 = arith.constant 0 : i32
      %dma_wait3A_173 = arith.constant 0 : i32
      %dma_wait3A_174 = tpu.memref_slice %arg21[%dma_wait3A_172, %dma_wait3A_173] : memref<528x1024xf32, #tpu.memory_space<vmem_shared>> -> memref<2x1024xf32, #tpu.memory_space<vmem_shared>>
      %dma_wait3A_175 = arith.constant 0 : i32
      %dma_wait3A_176 = arith.constant 0 : i32
      %dma_wait3A_177 = tpu.memref_slice %arg4[%dma_wait3A_175, %dma_wait3A_176] : memref<514x1024xf32, #tpu.memory_space<hbm>> -> memref<2x1024xf32, #tpu.memory_space<hbm>>
      tpu.wait_dma2 semaphore(%arg28 : memref<!tpu.dma_semaphore, #tpu.memory_space<semaphore_mem>>) src(%dma_wait3A_177 : memref<2x1024xf32, #tpu.memory_space<hbm>>) dst(%dma_wait3A_174 : memref<2x1024xf32, #tpu.memory_space<vmem_shared>>)
    } else {
    }
    %barrier3A = arith.constant 0 : index
    tpu.barrier barrier_id(%barrier3A)
    "tpu.region"() ({
      %run_scoped3A = tpu.sem_alloc : memref<!tpu.dma_semaphore, #tpu.memory_space<semaphore_mem>>
      %dma_start3A_172 = arith.constant 16 : i32
      %dma_start3A_173 = arith.constant 0 : i32
      %dma_start3A_174 = tpu.memref_slice %arg15[%dma_start3A_172, %dma_start3A_173] : memref<17x1024xf32, #tpu.memory_space<vmem>> -> memref<1x1024xf32, #tpu.memory_space<vmem>>
      %dma_start3A_175 = arith.constant 1 : i32
      %dma_start3A_176 = arith.constant 0 : i32
      %dma_start3A_177 = tpu.memref_slice %arg4[%dma_start3A_175, %dma_start3A_176] : memref<514x1024xf32, #tpu.memory_space<hbm>> -> memref<1x1024xf32, #tpu.memory_space<hbm>>
      %dma_start3A_178 = arith.constant 16 : i32
      %dma_start3A_179 = arith.constant 0 : i32
      %dma_start3A_180 = tpu.memref_slice %arg15[%dma_start3A_178, %dma_start3A_179] : memref<17x1024xf32, #tpu.memory_space<vmem>> -> memref<1x1024xf32, #tpu.memory_space<vmem>>
      %dma_start3A_181 = arith.constant 1 : i32
      %dma_start3A_182 = arith.constant 0 : i32
      %dma_start3A_183 = tpu.memref_slice %arg4[%dma_start3A_181, %dma_start3A_182] : memref<514x1024xf32, #tpu.memory_space<hbm>> -> memref<1x1024xf32, #tpu.memory_space<hbm>>
      tpu.enqueue_dma source(%dma_start3A_183 : memref<1x1024xf32, #tpu.memory_space<hbm>>) target(%dma_start3A_180 : memref<1x1024xf32, #tpu.memory_space<vmem>>) target_semaphore(%run_scoped3A : memref<!tpu.dma_semaphore, #tpu.memory_space<semaphore_mem>>)
      %dma_wait3A_184 = arith.constant 16 : i32
      %dma_wait3A_185 = arith.constant 0 : i32
      %dma_wait3A_186 = tpu.memref_slice %arg15[%dma_wait3A_184, %dma_wait3A_185] : memref<17x1024xf32, #tpu.memory_space<vmem>> -> memref<1x1024xf32, #tpu.memory_space<vmem>>
      %dma_wait3A_187 = arith.constant 1 : i32
      %dma_wait3A_188 = arith.constant 0 : i32
      %dma_wait3A_189 = tpu.memref_slice %arg4[%dma_wait3A_187, %dma_wait3A_188] : memref<514x1024xf32, #tpu.memory_space<hbm>> -> memref<1x1024xf32, #tpu.memory_space<hbm>>
      %dma_wait3A_190 = arith.constant 16 : i32
      %dma_wait3A_191 = arith.constant 0 : i32
      %dma_wait3A_192 = tpu.memref_slice %arg15[%dma_wait3A_190, %dma_wait3A_191] : memref<17x1024xf32, #tpu.memory_space<vmem>> -> memref<1x1024xf32, #tpu.memory_space<vmem>>
      %dma_wait3A_193 = arith.constant 1 : i32
      %dma_wait3A_194 = arith.constant 0 : i32
      %dma_wait3A_195 = tpu.memref_slice %arg4[%dma_wait3A_193, %dma_wait3A_194] : memref<514x1024xf32, #tpu.memory_space<hbm>> -> memref<1x1024xf32, #tpu.memory_space<hbm>>
      tpu.wait_dma2 semaphore(%run_scoped3A : memref<!tpu.dma_semaphore, #tpu.memory_space<semaphore_mem>>) src(%dma_wait3A_195 : memref<1x1024xf32, #tpu.memory_space<hbm>>) dst(%dma_wait3A_192 : memref<1x1024xf32, #tpu.memory_space<vmem>>)
      tpu.yield
    }) : () -> ()
    "tpu.region"() ({
      %run_scoped3A = tpu.sem_alloc : memref<!tpu.dma_semaphore, #tpu.memory_space<semaphore_mem>>
      %dma_start3A_172 = arith.constant 16 : i32
      %dma_start3A_173 = arith.constant 0 : i32
      %dma_start3A_174 = tpu.memref_slice %arg16[%dma_start3A_172, %dma_start3A_173] : memref<17x1024xf32, #tpu.memory_space<vmem>> -> memref<1x1024xf32, #tpu.memory_space<vmem>>
      %dma_start3A_175 = arith.constant 1 : i32
      %dma_start3A_176 = arith.constant 0 : i32
      %dma_start3A_177 = tpu.memref_slice %arg4[%dma_start3A_175, %dma_start3A_176] : memref<514x1024xf32, #tpu.memory_space<hbm>> -> memref<1x1024xf32, #tpu.memory_space<hbm>>
      %dma_start3A_178 = arith.constant 16 : i32
      %dma_start3A_179 = arith.constant 0 : i32
      %dma_start3A_180 = tpu.memref_slice %arg16[%dma_start3A_178, %dma_start3A_179] : memref<17x1024xf32, #tpu.memory_space<vmem>> -> memref<1x1024xf32, #tpu.memory_space<vmem>>
      %dma_start3A_181 = arith.constant 1 : i32
      %dma_start3A_182 = arith.constant 0 : i32
      %dma_start3A_183 = tpu.memref_slice %arg4[%dma_start3A_181, %dma_start3A_182] : memref<514x1024xf32, #tpu.memory_space<hbm>> -> memref<1x1024xf32, #tpu.memory_space<hbm>>
      tpu.enqueue_dma source(%dma_start3A_183 : memref<1x1024xf32, #tpu.memory_space<hbm>>) target(%dma_start3A_180 : memref<1x1024xf32, #tpu.memory_space<vmem>>) target_semaphore(%run_scoped3A : memref<!tpu.dma_semaphore, #tpu.memory_space<semaphore_mem>>)
      %dma_wait3A_184 = arith.constant 16 : i32
      %dma_wait3A_185 = arith.constant 0 : i32
      %dma_wait3A_186 = tpu.memref_slice %arg16[%dma_wait3A_184, %dma_wait3A_185] : memref<17x1024xf32, #tpu.memory_space<vmem>> -> memref<1x1024xf32, #tpu.memory_space<vmem>>
      %dma_wait3A_187 = arith.constant 1 : i32
      %dma_wait3A_188 = arith.constant 0 : i32
      %dma_wait3A_189 = tpu.memref_slice %arg4[%dma_wait3A_187, %dma_wait3A_188] : memref<514x1024xf32, #tpu.memory_space<hbm>> -> memref<1x1024xf32, #tpu.memory_space<hbm>>
      %dma_wait3A_190 = arith.constant 16 : i32
      %dma_wait3A_191 = arith.constant 0 : i32
      %dma_wait3A_192 = tpu.memref_slice %arg16[%dma_wait3A_190, %dma_wait3A_191] : memref<17x1024xf32, #tpu.memory_space<vmem>> -> memref<1x1024xf32, #tpu.memory_space<vmem>>
      %dma_wait3A_193 = arith.constant 1 : i32
      %dma_wait3A_194 = arith.constant 0 : i32
      %dma_wait3A_195 = tpu.memref_slice %arg4[%dma_wait3A_193, %dma_wait3A_194] : memref<514x1024xf32, #tpu.memory_space<hbm>> -> memref<1x1024xf32, #tpu.memory_space<hbm>>
      tpu.wait_dma2 semaphore(%run_scoped3A : memref<!tpu.dma_semaphore, #tpu.memory_space<semaphore_mem>>) src(%dma_wait3A_195 : memref<1x1024xf32, #tpu.memory_space<hbm>>) dst(%dma_wait3A_192 : memref<1x1024xf32, #tpu.memory_space<vmem>>)
      tpu.yield
    }) : () -> ()
    %mul3A_61 = arith.constant 0 : i32
    %mul3A_62 = arith.constant 8 : i32
    %mul3A_63 = arith.muli %mul3A_61, %mul3A_62 : i32
    %add3A_64 = arith.addi %mul3A_50, %mul3A_63 : i32
    %dma_start3A_65 = tpu.memref_slice %arg8[%add3A_64] : memref<528xi32, #tpu.memory_space<vmem>> -> memref<8xi32, #tpu.memory_space<vmem>>
    %dma_start3A_66 = arith.constant 0 : i32
    %dma_start3A_67 = arith.constant 0 : i32
    %dma_start3A_68 = tpu.memref_slice %arg3[%dma_start3A_66, %dma_start3A_67] : memref<50265x1024xf32, #tpu.memory_space<hbm>> -> memref<50265x1024xf32, #tpu.memory_space<hbm>>
    tpu.enqueue_indirect_dma source(%dma_start3A_68 : memref<50265x1024xf32, #tpu.memory_space<hbm>>) target(%arg13 : memref<8x1024xf32, #tpu.memory_space<vmem>>) offsets(%dma_start3A_65 : memref<8xi32, #tpu.memory_space<vmem>>) semaphore(%arg22 : memref<!tpu.dma_semaphore, #tpu.memory_space<semaphore_mem>>)
    %sub3A_69 = arith.constant 1 : i32
    %sub3A_70 = arith.subi %add3A_64, %sub3A_69 : i32
    %max3A = arith.constant 0 : i32
    %max3A_71 = arith.maxsi %sub3A_70, %max3A : i32
    %gt3A = arith.constant 0 : i32
    %gt3A_72 = arith.cmpi sgt, %add3A_64, %gt3A : i32
    %get3A = arith.index_cast %max3A_71 : i32 to index
    %get3A_73 = tpu.vector_load %arg10[%get3A] {strides = array<i32>} : memref<528xi32, #tpu.memory_space<vmem>>, vector<16xi32>,
    %slice3A = vector.extract_strided_slice %get3A_73 {offsets = [0], sizes = [1], strides = [1]} : vector<16xi32> to vector<1xi32>
    %squeeze3A = vector.extract %slice3A[0] : i32 from vector<1xi32>
    %jit3A_74 = arith.constant 0 : i32
    %select_n3A_75 = arith.select %gt3A_72, %squeeze3A, %jit3A_74 : i32
    %add3A_76 = arith.constant 1 : i32
    %add3A_77 = arith.addi %select_n3A_75, %add3A_76 : i32
    %rem3A_78 = arith.constant 8 : i32
    %rem3A_79 = arith.remsi %add3A_77, %rem3A_78 : i32
    %sub3A_80 = arith.subi %add3A_77, %rem3A_79 : i32
    %multiple_of3A = tpu.assume_multiple %sub3A_80, 8 : i32
    %dma_start3A_81 = arith.constant 0 : i32
    %dma_start3A_82 = arith.constant 0 : i32
    %dma_start3A_83 = tpu.memref_slice %arg15[%dma_start3A_81, %dma_start3A_82] : memref<17x1024xf32, #tpu.memory_space<vmem>> -> memref<16x1024xf32, #tpu.memory_space<vmem>>
    %dma_start3A_84 = arith.constant 0 : i32
    %dma_start3A_85 = tpu.memref_slice %arg21[%multiple_of3A, %dma_start3A_84] : memref<528x1024xf32, #tpu.memory_space<vmem_shared>> -> memref<16x1024xf32, #tpu.memory_space<vmem_shared>>
    %dma_start3A_86 = arith.constant 0 : i32
    %dma_start3A_87 = arith.constant 0 : i32
    %dma_start3A_88 = tpu.memref_slice %arg15[%dma_start3A_86, %dma_start3A_87] : memref<17x1024xf32, #tpu.memory_space<vmem>> -> memref<16x1024xf32, #tpu.memory_space<vmem>>
    %dma_start3A_89 = arith.constant 0 : i32
    %dma_start3A_90 = tpu.memref_slice %arg21[%multiple_of3A, %dma_start3A_89] : memref<528x1024xf32, #tpu.memory_space<vmem_shared>> -> memref<16x1024xf32, #tpu.memory_space<vmem_shared>>
    tpu.enqueue_dma source(%dma_start3A_90 : memref<16x1024xf32, #tpu.memory_space<vmem_shared>>) target(%dma_start3A_88 : memref<16x1024xf32, #tpu.memory_space<vmem>>) target_semaphore(%arg24 : memref<!tpu.dma_semaphore, #tpu.memory_space<semaphore_mem>>)
    %get3A_91 = arith.index_cast %add3A_64 : i32 to index
    %get3A_92 = tpu.vector_load %arg9[%get3A_91] {strides = array<i32>} : memref<528xi32, #tpu.memory_space<vmem>>, vector<16xi32>,
    %get3A_93 = arith.index_cast %add3A_64 : i32 to index
    %get3A_94 = tpu.vector_load %arg8[%get3A_93] {strides = array<i32>} : memref<528xi32, #tpu.memory_space<vmem>>, vector<16xi32>,
    %broadcast_in_dim3A = vector.broadcast %multiple_of3A : i32 to vector<16xi32>
    %sub3A_95 = arith.subi %get3A_92, %broadcast_in_dim3A : vector<16xi32>
    %eq3A_96 = arith.constant 1 : i32
    %eq3A_97 = vector.broadcast %eq3A_96 : i32 to vector<16xi32>
    %eq3A_98 = arith.cmpi eq, %get3A_94, %eq3A_97 : vector<16xi32>
    %jit3A_99 = arith.constant 16 : i32
    %broadcast_in_dim3A_100 = vector.broadcast %jit3A_99 : i32 to vector<16xi32>
    %select_n3A_101 = arith.select %eq3A_98, %broadcast_in_dim3A_100, %sub3A_95 : vector<16xi1>, vector<16xi32>
    %swap3A = arith.constant 0 : index
    %swap3A_102 = tpu.vector_load %arg19[%swap3A] {strides = array<i32>} : memref<16xi32, #tpu.memory_space<vmem>>, vector<16xi32>,
    tpu.vector_store %arg19[%swap3A], %select_n3A_101 {strides = array<i32>} : memref<16xi32, #tpu.memory_space<vmem>>, vector<16xi32>,
    %mul3A_103 = arith.constant 1 : i32
    %mul3A_104 = arith.constant 8 : i32
    %mul3A_105 = arith.muli %mul3A_103, %mul3A_104 : i32
    %add3A_106 = arith.addi %mul3A_50, %mul3A_105 : i32
    %dma_start3A_107 = tpu.memref_slice %arg8[%add3A_106] : memref<528xi32, #tpu.memory_space<vmem>> -> memref<8xi32, #tpu.memory_space<vmem>>
    %dma_start3A_108 = arith.constant 0 : i32
    %dma_start3A_109 = arith.constant 0 : i32
    %dma_start3A_110 = tpu.memref_slice %arg3[%dma_start3A_108, %dma_start3A_109] : memref<50265x1024xf32, #tpu.memory_space<hbm>> -> memref<50265x1024xf32, #tpu.memory_space<hbm>>
    tpu.enqueue_indirect_dma source(%dma_start3A_110 : memref<50265x1024xf32, #tpu.memory_space<hbm>>) target(%arg14 : memref<8x1024xf32, #tpu.memory_space<vmem>>) offsets(%dma_start3A_107 : memref<8xi32, #tpu.memory_space<vmem>>) semaphore(%arg23 : memref<!tpu.dma_semaphore, #tpu.memory_space<semaphore_mem>>)
    %sub3A_111 = arith.constant 1 : i32
    %sub3A_112 = arith.subi %add3A_106, %sub3A_111 : i32
    %max3A_113 = arith.constant 0 : i32
    %max3A_114 = arith.maxsi %sub3A_112, %max3A_113 : i32
    %gt3A_115 = arith.constant 0 : i32
    %gt3A_116 = arith.cmpi sgt, %add3A_106, %gt3A_115 : i32
    %get3A_117 = arith.index_cast %max3A_114 : i32 to index
    %get3A_118 = tpu.vector_load %arg10[%get3A_117] {strides = array<i32>} : memref<528xi32, #tpu.memory_space<vmem>>, vector<16xi32>,
    %slice3A_119 = vector.extract_strided_slice %get3A_118 {offsets = [0], sizes = [1], strides = [1]} : vector<16xi32> to vector<1xi32>
    %squeeze3A_120 = vector.extract %slice3A_119[0] : i32 from vector<1xi32>
    %jit3A_121 = arith.constant 0 : i32
    %select_n3A_122 = arith.select %gt3A_116, %squeeze3A_120, %jit3A_121 : i32
    %add3A_123 = arith.constant 1 : i32
    %add3A_124 = arith.addi %select_n3A_122, %add3A_123 : i32
    %rem3A_125 = arith.constant 8 : i32
    %rem3A_126 = arith.remsi %add3A_124, %rem3A_125 : i32
    %sub3A_127 = arith.subi %add3A_124, %rem3A_126 : i32
    %multiple_of3A_128 = tpu.assume_multiple %sub3A_127, 8 : i32
    %dma_start3A_129 = arith.constant 0 : i32
    %dma_start3A_130 = arith.constant 0 : i32
    %dma_start3A_131 = tpu.memref_slice %arg16[%dma_start3A_129, %dma_start3A_130] : memref<17x1024xf32, #tpu.memory_space<vmem>> -> memref<16x1024xf32, #tpu.memory_space<vmem>>
    %dma_start3A_132 = arith.constant 0 : i32
    %dma_start3A_133 = tpu.memref_slice %arg21[%multiple_of3A_128, %dma_start3A_132] : memref<528x1024xf32, #tpu.memory_space<vmem_shared>> -> memref<16x1024xf32, #tpu.memory_space<vmem_shared>>
    %dma_start3A_134 = arith.constant 0 : i32
    %dma_start3A_135 = arith.constant 0 : i32
    %dma_start3A_136 = tpu.memref_slice %arg16[%dma_start3A_134, %dma_start3A_135] : memref<17x1024xf32, #tpu.memory_space<vmem>> -> memref<16x1024xf32, #tpu.memory_space<vmem>>
    %dma_start3A_137 = arith.constant 0 : i32
    %dma_start3A_138 = tpu.memref_slice %arg21[%multiple_of3A_128, %dma_start3A_137] : memref<528x1024xf32, #tpu.memory_space<vmem_shared>> -> memref<16x1024xf32, #tpu.memory_space<vmem_shared>>
    tpu.enqueue_dma source(%dma_start3A_138 : memref<16x1024xf32, #tpu.memory_space<vmem_shared>>) target(%dma_start3A_136 : memref<16x1024xf32, #tpu.memory_space<vmem>>) target_semaphore(%arg25 : memref<!tpu.dma_semaphore, #tpu.memory_space<semaphore_mem>>)
    %get3A_139 = arith.index_cast %add3A_106 : i32 to index
    %get3A_140 = tpu.vector_load %arg9[%get3A_139] {strides = array<i32>} : memref<528xi32, #tpu.memory_space<vmem>>, vector<16xi32>,
    %get3A_141 = arith.index_cast %add3A_106 : i32 to index
    %get3A_142 = tpu.vector_load %arg8[%get3A_141] {strides = array<i32>} : memref<528xi32, #tpu.memory_space<vmem>>, vector<16xi32>,
    %broadcast_in_dim3A_143 = vector.broadcast %multiple_of3A_128 : i32 to vector<16xi32>
    %sub3A_144 = arith.subi %get3A_140, %broadcast_in_dim3A_143 : vector<16xi32>
    %eq3A_145 = arith.constant 1 : i32
    %eq3A_146 = vector.broadcast %eq3A_145 : i32 to vector<16xi32>
    %eq3A_147 = arith.cmpi eq, %get3A_142, %eq3A_146 : vector<16xi32>
    %jit3A_148 = arith.constant 16 : i32
    %broadcast_in_dim3A_149 = vector.broadcast %jit3A_148 : i32 to vector<16xi32>
    %select_n3A_150 = arith.select %eq3A_147, %broadcast_in_dim3A_149, %sub3A_144 : vector<16xi1>, vector<16xi32>
    %swap3A_151 = arith.constant 0 : index
    %swap3A_152 = tpu.vector_load %arg20[%swap3A_151] {strides = array<i32>} : memref<16xi32, #tpu.memory_space<vmem>>, vector<16xi32>,
    tpu.vector_store %arg20[%swap3A_151], %select_n3A_150 {strides = array<i32>} : memref<16xi32, #tpu.memory_space<vmem>>, vector<16xi32>,
    %scan3A_153 = arith.constant 0 : i32
    %scan3A_154 = arith.constant 0 : i32
    %scan3A_155 = arith.constant 16 : i32
    %scan3A_156 = arith.addi %scan3A_154, %scan3A_155 : i32
    %scan3A_157 = arith.constant 1 : i32
    %scan3A_158 = scf.for %scan3A_172 = %scan3A_154 to %scan3A_156 step %scan3A_157 iter_args(%scan3A_173 = %scan3A_153) -> (i32)  : i32 {
      %mul3A_174 = arith.constant 2 : i32
      %mul3A_175 = arith.muli %mul3A_174, %scan3A_172 : i32
      %add3A_176 = arith.constant 0 : i32
      %add3A_177 = arith.addi %mul3A_175, %add3A_176 : i32
      %gt3A_178 = arith.constant 0 : i32
      %gt3A_179 = arith.cmpi sgt, %scan3A_172, %gt3A_178 : i32
      %convert_element_type3A_180 = arith.extui %gt3A_179 : i1 to i32
      %cond3A_181 = arith.constant 0 : i32
      %cond3A_182 = arith.cmpi ne, %convert_element_type3A_180, %cond3A_181 : i32
      scf.if %cond3A_182 {
        %dma_wait3A_3242 = arith.constant 0 : i32
        %dma_wait3A_3243 = arith.constant 0 : i32
        %dma_wait3A_3244 = tpu.memref_slice %arg7[%dma_wait3A_3242, %dma_wait3A_3243] : memref<8192x1024xf32, #tpu.memory_space<hbm>> -> memref<8x1024xf32, #tpu.memory_space<hbm>>
        %dma_wait3A_3245 = arith.constant 0 : i32
        %dma_wait3A_3246 = arith.constant 0 : i32
        %dma_wait3A_3247 = tpu.memref_slice %arg7[%dma_wait3A_3245, %dma_wait3A_3246] : memref<8192x1024xf32, #tpu.memory_space<hbm>> -> memref<8x1024xf32, #tpu.memory_space<hbm>>
        tpu.wait_dma2 semaphore(%arg26 : memref<!tpu.dma_semaphore, #tpu.memory_space<semaphore_mem>>) src(%arg17 : memref<8x1024xf32, #tpu.memory_space<vmem>>) dst(%dma_wait3A_3247 : memref<8x1024xf32, #tpu.memory_space<hbm>>)
      } else {
      }
      %dma_wait3A_183 = arith.constant 0 : i32
      %dma_wait3A_184 = arith.constant 0 : i32
      %dma_wait3A_185 = tpu.memref_slice %arg3[%dma_wait3A_183, %dma_wait3A_184] : memref<50265x1024xf32, #tpu.memory_space<hbm>> -> memref<8x1024xf32, #tpu.memory_space<hbm>>
      %dma_wait3A_186 = arith.constant 0 : i32
      %dma_wait3A_187 = arith.constant 0 : i32
      %dma_wait3A_188 = tpu.memref_slice %arg3[%dma_wait3A_186, %dma_wait3A_187] : memref<50265x1024xf32, #tpu.memory_space<hbm>> -> memref<8x1024xf32, #tpu.memory_space<hbm>>
      tpu.wait_dma2 semaphore(%arg22 : memref<!tpu.dma_semaphore, #tpu.memory_space<semaphore_mem>>) src(%dma_wait3A_188 : memref<8x1024xf32, #tpu.memory_space<hbm>>) dst(%arg13 : memref<8x1024xf32, #tpu.memory_space<vmem>>)
      %dma_wait3A_189 = arith.constant 0 : i32
      %dma_wait3A_190 = arith.constant 0 : i32
      %dma_wait3A_191 = tpu.memref_slice %arg15[%dma_wait3A_189, %dma_wait3A_190] : memref<17x1024xf32, #tpu.memory_space<vmem>> -> memref<16x1024xf32, #tpu.memory_space<vmem>>
      %dma_wait3A_192 = arith.constant 0 : i32
      %dma_wait3A_193 = arith.constant 0 : i32
      %dma_wait3A_194 = tpu.memref_slice %arg21[%dma_wait3A_192, %dma_wait3A_193] : memref<528x1024xf32, #tpu.memory_space<vmem_shared>> -> memref<16x1024xf32, #tpu.memory_space<vmem_shared>>
      %dma_wait3A_195 = arith.constant 0 : i32
      %dma_wait3A_196 = arith.constant 0 : i32
      %dma_wait3A_197 = tpu.memref_slice %arg15[%dma_wait3A_195, %dma_wait3A_196] : memref<17x1024xf32, #tpu.memory_space<vmem>> -> memref<16x1024xf32, #tpu.memory_space<vmem>>
      %dma_wait3A_198 = arith.constant 0 : i32
      %dma_wait3A_199 = arith.constant 0 : i32
      %dma_wait3A_200 = tpu.memref_slice %arg21[%dma_wait3A_198, %dma_wait3A_199] : memref<528x1024xf32, #tpu.memory_space<vmem_shared>> -> memref<16x1024xf32, #tpu.memory_space<vmem_shared>>
      tpu.wait_dma2 semaphore(%arg24 : memref<!tpu.dma_semaphore, #tpu.memory_space<semaphore_mem>>) src(%dma_wait3A_200 : memref<16x1024xf32, #tpu.memory_space<vmem_shared>>) dst(%dma_wait3A_197 : memref<16x1024xf32, #tpu.memory_space<vmem>>)
      %get3A_201 = arith.constant 0 : index
      %get3A_202 = tpu.vector_load %arg19[%get3A_201] {strides = array<i32>} : memref<16xi32, #tpu.memory_space<vmem>>, vector<16xi32>,
      %slice3A_203 = vector.extract_strided_slice %get3A_202 {offsets = [0], sizes = [1], strides = [1]} : vector<16xi32> to vector<1xi32>
      %squeeze3A_204 = vector.extract %slice3A_203[0] : i32 from vector<1xi32>
      %slice3A_205 = vector.extract_strided_slice %get3A_202 {offsets = [1], sizes = [1], strides = [1]} : vector<16xi32> to vector<1xi32>
      %squeeze3A_206 = vector.extract %slice3A_205[0] : i32 from vector<1xi32>
      %slice3A_207 = vector.extract_strided_slice %get3A_202 {offsets = [2], sizes = [1], strides = [1]} : vector<16xi32> to vector<1xi32>
      %squeeze3A_208 = vector.extract %slice3A_207[0] : i32 from vector<1xi32>
      %slice3A_209 = vector.extract_strided_slice %get3A_202 {offsets = [3], sizes = [1], strides = [1]} : vector<16xi32> to vector<1xi32>
      %squeeze3A_210 = vector.extract %slice3A_209[0] : i32 from vector<1xi32>
      %slice3A_211 = vector.extract_strided_slice %get3A_202 {offsets = [4], sizes = [1], strides = [1]} : vector<16xi32> to vector<1xi32>
      %squeeze3A_212 = vector.extract %slice3A_211[0] : i32 from vector<1xi32>
      %slice3A_213 = vector.extract_strided_slice %get3A_202 {offsets = [5], sizes = [1], strides = [1]} : vector<16xi32> to vector<1xi32>
      %squeeze3A_214 = vector.extract %slice3A_213[0] : i32 from vector<1xi32>
      %slice3A_215 = vector.extract_strided_slice %get3A_202 {offsets = [6], sizes = [1], strides = [1]} : vector<16xi32> to vector<1xi32>
      %squeeze3A_216 = vector.extract %slice3A_215[0] : i32 from vector<1xi32>
      %slice3A_217 = vector.extract_strided_slice %get3A_202 {offsets = [7], sizes = [1], strides = [1]} : vector<16xi32> to vector<1xi32>
      %squeeze3A_218 = vector.extract %slice3A_217[0] : i32 from vector<1xi32>
      %iota3A = tpu.iota {dimensions = array<i32: 0>} : vector<16xi32>
      %broadcast_in_dim3A_219 = arith.constant 0.000000e+00 : f32
      %broadcast_in_dim3A_220 = vector.broadcast %broadcast_in_dim3A_219 : f32 to vector<16xf32>
      %parallel_loop3A = arith.constant 0 : i32
      %parallel_loop3A_221 = arith.constant 64 : i32
      %parallel_loop3A_222 = arith.constant 1 : i32
      %parallel_loop3A_223:16 = scf.for %parallel_loop3A_3242 = %parallel_loop3A to %parallel_loop3A_221 step %parallel_loop3A_222 iter_args(%parallel_loop3A_3243 = %broadcast_in_dim3A_220, %parallel_loop3A_3244 = %broadcast_in_dim3A_220, %parallel_loop3A_3245 = %broadcast_in_dim3A_220, %parallel_loop3A_3246 = %broadcast_in_dim3A_220, %parallel_loop3A_3247 = %broadcast_in_dim3A_220, %parallel_loop3A_3248 = %broadcast_in_dim3A_220, %parallel_loop3A_3249 = %broadcast_in_dim3A_220, %parallel_loop3A_3250 = %broadcast_in_dim3A_220, %parallel_loop3A_3251 = %broadcast_in_dim3A_220, %parallel_loop3A_3252 = %broadcast_in_dim3A_220, %parallel_loop3A_3253 = %broadcast_in_dim3A_220, %parallel_loop3A_3254 = %broadcast_in_dim3A_220, %parallel_loop3A_3255 = %broadcast_in_dim3A_220, %parallel_loop3A_3256 = %broadcast_in_dim3A_220, %parallel_loop3A_3257 = %broadcast_in_dim3A_220, %parallel_loop3A_3258 = %broadcast_in_dim3A_220) -> (vector<16xf32>, vector<16xf32>, vector<16xf32>, vector<16xf32>, vector<16xf32>, vector<16xf32>, vector<16xf32>, vector<16xf32>, vector<16xf32>, vector<16xf32>, vector<16xf32>, vector<16xf32>, vector<16xf32>, vector<16xf32>, vector<16xf32>, vector<16xf32>)  : i32 {
        %parallel_loop3A_3259 = arith.constant 16 : i32
        %parallel_loop3A_3260 = arith.muli %parallel_loop3A_3242, %parallel_loop3A_3259 : i32
        %parallel_loop3A_3261 = arith.constant 0 : i32
        %parallel_loop3A_3262 = arith.index_cast %parallel_loop3A_3261 : i32 to index
        %parallel_loop3A_3263 = arith.index_cast %parallel_loop3A_3260 : i32 to index
        %parallel_loop3A_3264 = tpu.vector_load %arg13[%parallel_loop3A_3262, %parallel_loop3A_3263] {strides = array<i32>} : memref<8x1024xf32, #tpu.memory_space<vmem>>, vector<16xf32>,
        %parallel_loop3A_3265 = arith.index_cast %squeeze3A_204 : i32 to index
        %parallel_loop3A_3266 = arith.index_cast %parallel_loop3A_3260 : i32 to index
        %parallel_loop3A_3267 = tpu.vector_load %arg15[%parallel_loop3A_3265, %parallel_loop3A_3266] {strides = array<i32>} : memref<17x1024xf32, #tpu.memory_space<vmem>>, vector<16xf32>,
        %parallel_loop3A_3268 = arith.addf %parallel_loop3A_3264, %parallel_loop3A_3267 : vector<16xf32>
        %parallel_loop3A_3269 = arith.constant 0 : i32
        %parallel_loop3A_3270 = arith.index_cast %parallel_loop3A_3269 : i32 to index
        %parallel_loop3A_3271 = arith.index_cast %parallel_loop3A_3260 : i32 to index
        %parallel_loop3A_3272 = tpu.vector_load %arg17[%parallel_loop3A_3270, %parallel_loop3A_3271] {strides = array<i32>} : memref<8x1024xf32, #tpu.memory_space<vmem>>, vector<16xf32>,
        tpu.vector_store %arg17[%parallel_loop3A_3270, %parallel_loop3A_3271], %parallel_loop3A_3268 {strides = array<i32>} : memref<8x1024xf32, #tpu.memory_space<vmem>>, vector<16xf32>,
        %parallel_loop3A_3273 = arith.addf %parallel_loop3A_3243, %parallel_loop3A_3268 : vector<16xf32>
        %parallel_loop3A_3274 = arith.mulf %parallel_loop3A_3268, %parallel_loop3A_3268 : vector<16xf32>
        %parallel_loop3A_3275 = arith.addf %parallel_loop3A_3244, %parallel_loop3A_3274 : vector<16xf32>
        %parallel_loop3A_3276 = arith.constant 1 : i32
        %parallel_loop3A_3277 = arith.index_cast %parallel_loop3A_3276 : i32 to index
        %parallel_loop3A_3278 = arith.index_cast %parallel_loop3A_3260 : i32 to index
        %parallel_loop3A_3279 = tpu.vector_load %arg13[%parallel_loop3A_3277, %parallel_loop3A_3278] {strides = array<i32>} : memref<8x1024xf32, #tpu.memory_space<vmem>>, vector<16xf32>,
        %parallel_loop3A_3280 = arith.index_cast %squeeze3A_206 : i32 to index
        %parallel_loop3A_3281 = arith.index_cast %parallel_loop3A_3260 : i32 to index
        %parallel_loop3A_3282 = tpu.vector_load %arg15[%parallel_loop3A_3280, %parallel_loop3A_3281] {strides = array<i32>} : memref<17x1024xf32, #tpu.memory_space<vmem>>, vector<16xf32>,
        %parallel_loop3A_3283 = arith.addf %parallel_loop3A_3279, %parallel_loop3A_3282 : vector<16xf32>
        %parallel_loop3A_3284 = arith.constant 1 : i32
        %parallel_loop3A_3285 = arith.index_cast %parallel_loop3A_3284 : i32 to index
        %parallel_loop3A_3286 = arith.index_cast %parallel_loop3A_3260 : i32 to index
        %parallel_loop3A_3287 = tpu.vector_load %arg17[%parallel_loop3A_3285, %parallel_loop3A_3286] {strides = array<i32>} : memref<8x1024xf32, #tpu.memory_space<vmem>>, vector<16xf32>,
        tpu.vector_store %arg17[%parallel_loop3A_3285, %parallel_loop3A_3286], %parallel_loop3A_3283 {strides = array<i32>} : memref<8x1024xf32, #tpu.memory_space<vmem>>, vector<16xf32>,
        %parallel_loop3A_3288 = arith.addf %parallel_loop3A_3245, %parallel_loop3A_3283 : vector<16xf32>
        %parallel_loop3A_3289 = arith.mulf %parallel_loop3A_3283, %parallel_loop3A_3283 : vector<16xf32>
        %parallel_loop3A_3290 = arith.addf %parallel_loop3A_3246, %parallel_loop3A_3289 : vector<16xf32>
        %parallel_loop3A_3291 = arith.constant 2 : i32
        %parallel_loop3A_3292 = arith.index_cast %parallel_loop3A_3291 : i32 to index
        %parallel_loop3A_3293 = arith.index_cast %parallel_loop3A_3260 : i32 to index
        %parallel_loop3A_3294 = tpu.vector_load %arg13[%parallel_loop3A_3292, %parallel_loop3A_3293] {strides = array<i32>} : memref<8x1024xf32, #tpu.memory_space<vmem>>, vector<16xf32>,
        %parallel_loop3A_3295 = arith.index_cast %squeeze3A_208 : i32 to index
        %parallel_loop3A_3296 = arith.index_cast %parallel_loop3A_3260 : i32 to index
        %parallel_loop3A_3297 = tpu.vector_load %arg15[%parallel_loop3A_3295, %parallel_loop3A_3296] {strides = array<i32>} : memref<17x1024xf32, #tpu.memory_space<vmem>>, vector<16xf32>,
        %parallel_loop3A_3298 = arith.addf %parallel_loop3A_3294, %parallel_loop3A_3297 : vector<16xf32>
        %parallel_loop3A_3299 = arith.constant 2 : i32
        %parallel_loop3A_3300 = arith.index_cast %parallel_loop3A_3299 : i32 to index
        %parallel_loop3A_3301 = arith.index_cast %parallel_loop3A_3260 : i32 to index
        %parallel_loop3A_3302 = tpu.vector_load %arg17[%parallel_loop3A_3300, %parallel_loop3A_3301] {strides = array<i32>} : memref<8x1024xf32, #tpu.memory_space<vmem>>, vector<16xf32>,
        tpu.vector_store %arg17[%parallel_loop3A_3300, %parallel_loop3A_3301], %parallel_loop3A_3298 {strides = array<i32>} : memref<8x1024xf32, #tpu.memory_space<vmem>>, vector<16xf32>,
        %parallel_loop3A_3303 = arith.addf %parallel_loop3A_3247, %parallel_loop3A_3298 : vector<16xf32>
        %parallel_loop3A_3304 = arith.mulf %parallel_loop3A_3298, %parallel_loop3A_3298 : vector<16xf32>
        %parallel_loop3A_3305 = arith.addf %parallel_loop3A_3248, %parallel_loop3A_3304 : vector<16xf32>
        %parallel_loop3A_3306 = arith.constant 3 : i32
        %parallel_loop3A_3307 = arith.index_cast %parallel_loop3A_3306 : i32 to index
        %parallel_loop3A_3308 = arith.index_cast %parallel_loop3A_3260 : i32 to index
        %parallel_loop3A_3309 = tpu.vector_load %arg13[%parallel_loop3A_3307, %parallel_loop3A_3308] {strides = array<i32>} : memref<8x1024xf32, #tpu.memory_space<vmem>>, vector<16xf32>,
        %parallel_loop3A_3310 = arith.index_cast %squeeze3A_210 : i32 to index
        %parallel_loop3A_3311 = arith.index_cast %parallel_loop3A_3260 : i32 to index
        %parallel_loop3A_3312 = tpu.vector_load %arg15[%parallel_loop3A_3310, %parallel_loop3A_3311] {strides = array<i32>} : memref<17x1024xf32, #tpu.memory_space<vmem>>, vector<16xf32>,
        %parallel_loop3A_3313 = arith.addf %parallel_loop3A_3309, %parallel_loop3A_3312 : vector<16xf32>
        %parallel_loop3A_3314 = arith.constant 3 : i32
        %parallel_loop3A_3315 = arith.index_cast %parallel_loop3A_3314 : i32 to index
        %parallel_loop3A_3316 = arith.index_cast %parallel_loop3A_3260 : i32 to index
        %parallel_loop3A_3317 = tpu.vector_load %arg17[%parallel_loop3A_3315, %parallel_loop3A_3316] {strides = array<i32>} : memref<8x1024xf32, #tpu.memory_space<vmem>>, vector<16xf32>,
        tpu.vector_store %arg17[%parallel_loop3A_3315, %parallel_loop3A_3316], %parallel_loop3A_3313 {strides = array<i32>} : memref<8x1024xf32, #tpu.memory_space<vmem>>, vector<16xf32>,
        %parallel_loop3A_3318 = arith.addf %parallel_loop3A_3249, %parallel_loop3A_3313 : vector<16xf32>
        %parallel_loop3A_3319 = arith.mulf %parallel_loop3A_3313, %parallel_loop3A_3313 : vector<16xf32>
        %parallel_loop3A_3320 = arith.addf %parallel_loop3A_3250, %parallel_loop3A_3319 : vector<16xf32>
        %parallel_loop3A_3321 = arith.constant 4 : i32
        %parallel_loop3A_3322 = arith.index_cast %parallel_loop3A_3321 : i32 to index
        %parallel_loop3A_3323 = arith.index_cast %parallel_loop3A_3260 : i32 to index
        %parallel_loop3A_3324 = tpu.vector_load %arg13[%parallel_loop3A_3322, %parallel_loop3A_3323] {strides = array<i32>} : memref<8x1024xf32, #tpu.memory_space<vmem>>, vector<16xf32>,
        %parallel_loop3A_3325 = arith.index_cast %squeeze3A_212 : i32 to index
        %parallel_loop3A_3326 = arith.index_cast %parallel_loop3A_3260 : i32 to index
        %parallel_loop3A_3327 = tpu.vector_load %arg15[%parallel_loop3A_3325, %parallel_loop3A_3326] {strides = array<i32>} : memref<17x1024xf32, #tpu.memory_space<vmem>>, vector<16xf32>,
        %parallel_loop3A_3328 = arith.addf %parallel_loop3A_3324, %parallel_loop3A_3327 : vector<16xf32>
        %parallel_loop3A_3329 = arith.constant 4 : i32
        %parallel_loop3A_3330 = arith.index_cast %parallel_loop3A_3329 : i32 to index
        %parallel_loop3A_3331 = arith.index_cast %parallel_loop3A_3260 : i32 to index
        %parallel_loop3A_3332 = tpu.vector_load %arg17[%parallel_loop3A_3330, %parallel_loop3A_3331] {strides = array<i32>} : memref<8x1024xf32, #tpu.memory_space<vmem>>, vector<16xf32>,
        tpu.vector_store %arg17[%parallel_loop3A_3330, %parallel_loop3A_3331], %parallel_loop3A_3328 {strides = array<i32>} : memref<8x1024xf32, #tpu.memory_space<vmem>>, vector<16xf32>,
        %parallel_loop3A_3333 = arith.addf %parallel_loop3A_3251, %parallel_loop3A_3328 : vector<16xf32>
        %parallel_loop3A_3334 = arith.mulf %parallel_loop3A_3328, %parallel_loop3A_3328 : vector<16xf32>
        %parallel_loop3A_3335 = arith.addf %parallel_loop3A_3252, %parallel_loop3A_3334 : vector<16xf32>
        %parallel_loop3A_3336 = arith.constant 5 : i32
        %parallel_loop3A_3337 = arith.index_cast %parallel_loop3A_3336 : i32 to index
        %parallel_loop3A_3338 = arith.index_cast %parallel_loop3A_3260 : i32 to index
        %parallel_loop3A_3339 = tpu.vector_load %arg13[%parallel_loop3A_3337, %parallel_loop3A_3338] {strides = array<i32>} : memref<8x1024xf32, #tpu.memory_space<vmem>>, vector<16xf32>,
        %parallel_loop3A_3340 = arith.index_cast %squeeze3A_214 : i32 to index
        %parallel_loop3A_3341 = arith.index_cast %parallel_loop3A_3260 : i32 to index
        %parallel_loop3A_3342 = tpu.vector_load %arg15[%parallel_loop3A_3340, %parallel_loop3A_3341] {strides = array<i32>} : memref<17x1024xf32, #tpu.memory_space<vmem>>, vector<16xf32>,
        %parallel_loop3A_3343 = arith.addf %parallel_loop3A_3339, %parallel_loop3A_3342 : vector<16xf32>
        %parallel_loop3A_3344 = arith.constant 5 : i32
        %parallel_loop3A_3345 = arith.index_cast %parallel_loop3A_3344 : i32 to index
        %parallel_loop3A_3346 = arith.index_cast %parallel_loop3A_3260 : i32 to index
        %parallel_loop3A_3347 = tpu.vector_load %arg17[%parallel_loop3A_3345, %parallel_loop3A_3346] {strides = array<i32>} : memref<8x1024xf32, #tpu.memory_space<vmem>>, vector<16xf32>,
        tpu.vector_store %arg17[%parallel_loop3A_3345, %parallel_loop3A_3346], %parallel_loop3A_3343 {strides = array<i32>} : memref<8x1024xf32, #tpu.memory_space<vmem>>, vector<16xf32>,
        %parallel_loop3A_3348 = arith.addf %parallel_loop3A_3253, %parallel_loop3A_3343 : vector<16xf32>
        %parallel_loop3A_3349 = arith.mulf %parallel_loop3A_3343, %parallel_loop3A_3343 : vector<16xf32>
        %parallel_loop3A_3350 = arith.addf %parallel_loop3A_3254, %parallel_loop3A_3349 : vector<16xf32>
        %parallel_loop3A_3351 = arith.constant 6 : i32
        %parallel_loop3A_3352 = arith.index_cast %parallel_loop3A_3351 : i32 to index
        %parallel_loop3A_3353 = arith.index_cast %parallel_loop3A_3260 : i32 to index
        %parallel_loop3A_3354 = tpu.vector_load %arg13[%parallel_loop3A_3352, %parallel_loop3A_3353] {strides = array<i32>} : memref<8x1024xf32, #tpu.memory_space<vmem>>, vector<16xf32>,
        %parallel_loop3A_3355 = arith.index_cast %squeeze3A_216 : i32 to index
        %parallel_loop3A_3356 = arith.index_cast %parallel_loop3A_3260 : i32 to index
        %parallel_loop3A_3357 = tpu.vector_load %arg15[%parallel_loop3A_3355, %parallel_loop3A_3356] {strides = array<i32>} : memref<17x1024xf32, #tpu.memory_space<vmem>>, vector<16xf32>,
        %parallel_loop3A_3358 = arith.addf %parallel_loop3A_3354, %parallel_loop3A_3357 : vector<16xf32>
        %parallel_loop3A_3359 = arith.constant 6 : i32
        %parallel_loop3A_3360 = arith.index_cast %parallel_loop3A_3359 : i32 to index
        %parallel_loop3A_3361 = arith.index_cast %parallel_loop3A_3260 : i32 to index
        %parallel_loop3A_3362 = tpu.vector_load %arg17[%parallel_loop3A_3360, %parallel_loop3A_3361] {strides = array<i32>} : memref<8x1024xf32, #tpu.memory_space<vmem>>, vector<16xf32>,
        tpu.vector_store %arg17[%parallel_loop3A_3360, %parallel_loop3A_3361], %parallel_loop3A_3358 {strides = array<i32>} : memref<8x1024xf32, #tpu.memory_space<vmem>>, vector<16xf32>,
        %parallel_loop3A_3363 = arith.addf %parallel_loop3A_3255, %parallel_loop3A_3358 : vector<16xf32>
        %parallel_loop3A_3364 = arith.mulf %parallel_loop3A_3358, %parallel_loop3A_3358 : vector<16xf32>
        %parallel_loop3A_3365 = arith.addf %parallel_loop3A_3256, %parallel_loop3A_3364 : vector<16xf32>
        %parallel_loop3A_3366 = arith.constant 7 : i32
        %parallel_loop3A_3367 = arith.index_cast %parallel_loop3A_3366 : i32 to index
        %parallel_loop3A_3368 = arith.index_cast %parallel_loop3A_3260 : i32 to index
        %parallel_loop3A_3369 = tpu.vector_load %arg13[%parallel_loop3A_3367, %parallel_loop3A_3368] {strides = array<i32>} : memref<8x1024xf32, #tpu.memory_space<vmem>>, vector<16xf32>,
        %parallel_loop3A_3370 = arith.index_cast %squeeze3A_218 : i32 to index
        %parallel_loop3A_3371 = arith.index_cast %parallel_loop3A_3260 : i32 to index
        %parallel_loop3A_3372 = tpu.vector_load %arg15[%parallel_loop3A_3370, %parallel_loop3A_3371] {strides = array<i32>} : memref<17x1024xf32, #tpu.memory_space<vmem>>, vector<16xf32>,
        %parallel_loop3A_3373 = arith.addf %parallel_loop3A_3369, %parallel_loop3A_3372 : vector<16xf32>
        %parallel_loop3A_3374 = arith.constant 7 : i32
        %parallel_loop3A_3375 = arith.index_cast %parallel_loop3A_3374 : i32 to index
        %parallel_loop3A_3376 = arith.index_cast %parallel_loop3A_3260 : i32 to index
        %parallel_loop3A_3377 = tpu.vector_load %arg17[%parallel_loop3A_3375, %parallel_loop3A_3376] {strides = array<i32>} : memref<8x1024xf32, #tpu.memory_space<vmem>>, vector<16xf32>,
        tpu.vector_store %arg17[%parallel_loop3A_3375, %parallel_loop3A_3376], %parallel_loop3A_3373 {strides = array<i32>} : memref<8x1024xf32, #tpu.memory_space<vmem>>, vector<16xf32>,
        %parallel_loop3A_3378 = arith.addf %parallel_loop3A_3257, %parallel_loop3A_3373 : vector<16xf32>
        %parallel_loop3A_3379 = arith.mulf %parallel_loop3A_3373, %parallel_loop3A_3373 : vector<16xf32>
        %parallel_loop3A_3380 = arith.addf %parallel_loop3A_3258, %parallel_loop3A_3379 : vector<16xf32>
        scf.yield %parallel_loop3A_3273, %parallel_loop3A_3275, %parallel_loop3A_3288, %parallel_loop3A_3290, %parallel_loop3A_3303, %parallel_loop3A_3305, %parallel_loop3A_3318, %parallel_loop3A_3320, %parallel_loop3A_3333, %parallel_loop3A_3335, %parallel_loop3A_3348, %parallel_loop3A_3350, %parallel_loop3A_3363, %parallel_loop3A_3365, %parallel_loop3A_3378, %parallel_loop3A_3380 : vector<16xf32>, vector<16xf32>, vector<16xf32>, vector<16xf32>, vector<16xf32>, vector<16xf32>, vector<16xf32>, vector<16xf32>, vector<16xf32>, vector<16xf32>, vector<16xf32>, vector<16xf32>, vector<16xf32>, vector<16xf32>, vector<16xf32>, vector<16xf32>
      } {sc.loop_unroll_factor = 1 : i64, sc.parallel_access}
      %add3A_224 = arith.constant 1 : i32
      %add3A_225 = vector.broadcast %add3A_224 : i32 to vector<16xi32>
      %add3A_226 = arith.addi %iota3A, %add3A_225 : vector<16xi32>
      %and3A_227 = arith.constant 15 : i32
      %and3A_228 = vector.broadcast %and3A_227 : i32 to vector<16xi32>
      %and3A_229 = arith.andi %add3A_226, %and3A_228 : vector<16xi32>
      %lt3A_230 = arith.constant 0 : i32
      %lt3A_231 = vector.broadcast %lt3A_230 : i32 to vector<16xi32>
      %lt3A_232 = arith.cmpi slt, %and3A_229, %lt3A_231 : vector<16xi32>
      %add3A_233 = arith.constant 16 : i32
      %add3A_234 = vector.broadcast %add3A_233 : i32 to vector<16xi32>
      %add3A_235 = arith.addi %and3A_229, %add3A_234 : vector<16xi32>
      %select_n3A_236 = arith.select %lt3A_232, %add3A_235, %and3A_229 : vector<16xi1>, vector<16xi32>
      %broadcast_in_dim3A_237 = vector.shape_cast %select_n3A_236 : vector<16xi32> to vector<16x1xi32>
      %gather3A = vector.shape_cast %broadcast_in_dim3A_237 : vector<16x1xi32> to vector<16xi32>
      %gather3A_238 = tpu.dynamic_gather %parallel_loop3A_223#0[%gather3A] in [0] : vector<16xf32>, vector<16xi32> -> vector<16xf32>
      %add3A_239 = arith.addf %parallel_loop3A_223#0, %gather3A_238 : vector<16xf32>
      %add3A_240 = arith.constant 2 : i32
      %add3A_241 = vector.broadcast %add3A_240 : i32 to vector<16xi32>
      %add3A_242 = arith.addi %iota3A, %add3A_241 : vector<16xi32>
      %and3A_243 = arith.constant 15 : i32
      %and3A_244 = vector.broadcast %and3A_243 : i32 to vector<16xi32>
      %and3A_245 = arith.andi %add3A_242, %and3A_244 : vector<16xi32>
      %lt3A_246 = arith.constant 0 : i32
      %lt3A_247 = vector.broadcast %lt3A_246 : i32 to vector<16xi32>
      %lt3A_248 = arith.cmpi slt, %and3A_245, %lt3A_247 : vector<16xi32>
      %add3A_249 = arith.constant 16 : i32
      %add3A_250 = vector.broadcast %add3A_249 : i32 to vector<16xi32>
      %add3A_251 = arith.addi %and3A_245, %add3A_250 : vector<16xi32>
      %select_n3A_252 = arith.select %lt3A_248, %add3A_251, %and3A_245 : vector<16xi1>, vector<16xi32>
      %broadcast_in_dim3A_253 = vector.shape_cast %select_n3A_252 : vector<16xi32> to vector<16x1xi32>
      %gather3A_254 = vector.shape_cast %broadcast_in_dim3A_253 : vector<16x1xi32> to vector<16xi32>
      %gather3A_255 = tpu.dynamic_gather %add3A_239[%gather3A_254] in [0] : vector<16xf32>, vector<16xi32> -> vector<16xf32>
      %add3A_256 = arith.addf %add3A_239, %gather3A_255 : vector<16xf32>
      %add3A_257 = arith.constant 4 : i32
      %add3A_258 = vector.broadcast %add3A_257 : i32 to vector<16xi32>
      %add3A_259 = arith.addi %iota3A, %add3A_258 : vector<16xi32>
      %and3A_260 = arith.constant 15 : i32
      %and3A_261 = vector.broadcast %and3A_260 : i32 to vector<16xi32>
      %and3A_262 = arith.andi %add3A_259, %and3A_261 : vector<16xi32>
      %lt3A_263 = arith.constant 0 : i32
      %lt3A_264 = vector.broadcast %lt3A_263 : i32 to vector<16xi32>
      %lt3A_265 = arith.cmpi slt, %and3A_262, %lt3A_264 : vector<16xi32>
      %add3A_266 = arith.constant 16 : i32
      %add3A_267 = vector.broadcast %add3A_266 : i32 to vector<16xi32>
      %add3A_268 = arith.addi %and3A_262, %add3A_267 : vector<16xi32>
      %select_n3A_269 = arith.select %lt3A_265, %add3A_268, %and3A_262 : vector<16xi1>, vector<16xi32>
      %broadcast_in_dim3A_270 = vector.shape_cast %select_n3A_269 : vector<16xi32> to vector<16x1xi32>
      %gather3A_271 = vector.shape_cast %broadcast_in_dim3A_270 : vector<16x1xi32> to vector<16xi32>
      %gather3A_272 = tpu.dynamic_gather %add3A_256[%gather3A_271] in [0] : vector<16xf32>, vector<16xi32> -> vector<16xf32>
      %add3A_273 = arith.addf %add3A_256, %gather3A_272 : vector<16xf32>
      %add3A_274 = arith.constant 8 : i32
      %add3A_275 = vector.broadcast %add3A_274 : i32 to vector<16xi32>
      %add3A_276 = arith.addi %iota3A, %add3A_275 : vector<16xi32>
      %and3A_277 = arith.constant 15 : i32
      %and3A_278 = vector.broadcast %and3A_277 : i32 to vector<16xi32>
      %and3A_279 = arith.andi %add3A_276, %and3A_278 : vector<16xi32>
      %lt3A_280 = arith.constant 0 : i32
      %lt3A_281 = vector.broadcast %lt3A_280 : i32 to vector<16xi32>
      %lt3A_282 = arith.cmpi slt, %and3A_279, %lt3A_281 : vector<16xi32>
      %add3A_283 = arith.constant 16 : i32
      %add3A_284 = vector.broadcast %add3A_283 : i32 to vector<16xi32>
      %add3A_285 = arith.addi %and3A_279, %add3A_284 : vector<16xi32>
      %select_n3A_286 = arith.select %lt3A_282, %add3A_285, %and3A_279 : vector<16xi1>, vector<16xi32>
      %broadcast_in_dim3A_287 = vector.shape_cast %select_n3A_286 : vector<16xi32> to vector<16x1xi32>
      %gather3A_288 = vector.shape_cast %broadcast_in_dim3A_287 : vector<16x1xi32> to vector<16xi32>
      %gather3A_289 = tpu.dynamic_gather %add3A_273[%gather3A_288] in [0] : vector<16xf32>, vector<16xi32> -> vector<16xf32>
      %add3A_290 = arith.addf %add3A_273, %gather3A_289 : vector<16xf32>
      %mul3A_291 = arith.constant 9.765625E-4 : f32
      %mul3A_292 = vector.broadcast %mul3A_291 : f32 to vector<16xf32>
      %mul3A_293 = arith.mulf %add3A_290, %mul3A_292 : vector<16xf32>
      %add3A_294 = arith.constant 1 : i32
      %add3A_295 = vector.broadcast %add3A_294 : i32 to vector<16xi32>
      %add3A_296 = arith.addi %iota3A, %add3A_295 : vector<16xi32>
      %and3A_297 = arith.constant 15 : i32
      %and3A_298 = vector.broadcast %and3A_297 : i32 to vector<16xi32>
      %and3A_299 = arith.andi %add3A_296, %and3A_298 : vector<16xi32>
      %lt3A_300 = arith.constant 0 : i32
      %lt3A_301 = vector.broadcast %lt3A_300 : i32 to vector<16xi32>
      %lt3A_302 = arith.cmpi slt, %and3A_299, %lt3A_301 : vector<16xi32>
      %add3A_303 = arith.constant 16 : i32
      %add3A_304 = vector.broadcast %add3A_303 : i32 to vector<16xi32>
      %add3A_305 = arith.addi %and3A_299, %add3A_304 : vector<16xi32>
      %select_n3A_306 = arith.select %lt3A_302, %add3A_305, %and3A_299 : vector<16xi1>, vector<16xi32>
      %broadcast_in_dim3A_307 = vector.shape_cast %select_n3A_306 : vector<16xi32> to vector<16x1xi32>
      %gather3A_308 = vector.shape_cast %broadcast_in_dim3A_307 : vector<16x1xi32> to vector<16xi32>
      %gather3A_309 = tpu.dynamic_gather %parallel_loop3A_223#1[%gather3A_308] in [0] : vector<16xf32>, vector<16xi32> -> vector<16xf32>
      %add3A_310 = arith.addf %parallel_loop3A_223#1, %gather3A_309 : vector<16xf32>
      %add3A_311 = arith.constant 2 : i32
      %add3A_312 = vector.broadcast %add3A_311 : i32 to vector<16xi32>
      %add3A_313 = arith.addi %iota3A, %add3A_312 : vector<16xi32>
      %and3A_314 = arith.constant 15 : i32
      %and3A_315 = vector.broadcast %and3A_314 : i32 to vector<16xi32>
      %and3A_316 = arith.andi %add3A_313, %and3A_315 : vector<16xi32>
      %lt3A_317 = arith.constant 0 : i32
      %lt3A_318 = vector.broadcast %lt3A_317 : i32 to vector<16xi32>
      %lt3A_319 = arith.cmpi slt, %and3A_316, %lt3A_318 : vector<16xi32>
      %add3A_320 = arith.constant 16 : i32
      %add3A_321 = vector.broadcast %add3A_320 : i32 to vector<16xi32>
      %add3A_322 = arith.addi %and3A_316, %add3A_321 : vector<16xi32>
      %select_n3A_323 = arith.select %lt3A_319, %add3A_322, %and3A_316 : vector<16xi1>, vector<16xi32>
      %broadcast_in_dim3A_324 = vector.shape_cast %select_n3A_323 : vector<16xi32> to vector<16x1xi32>
      %gather3A_325 = vector.shape_cast %broadcast_in_dim3A_324 : vector<16x1xi32> to vector<16xi32>
      %gather3A_326 = tpu.dynamic_gather %add3A_310[%gather3A_325] in [0] : vector<16xf32>, vector<16xi32> -> vector<16xf32>
      %add3A_327 = arith.addf %add3A_310, %gather3A_326 : vector<16xf32>
      %add3A_328 = arith.constant 4 : i32
      %add3A_329 = vector.broadcast %add3A_328 : i32 to vector<16xi32>
      %add3A_330 = arith.addi %iota3A, %add3A_329 : vector<16xi32>
      %and3A_331 = arith.constant 15 : i32
      %and3A_332 = vector.broadcast %and3A_331 : i32 to vector<16xi32>
      %and3A_333 = arith.andi %add3A_330, %and3A_332 : vector<16xi32>
      %lt3A_334 = arith.constant 0 : i32
      %lt3A_335 = vector.broadcast %lt3A_334 : i32 to vector<16xi32>
      %lt3A_336 = arith.cmpi slt, %and3A_333, %lt3A_335 : vector<16xi32>
      %add3A_337 = arith.constant 16 : i32
      %add3A_338 = vector.broadcast %add3A_337 : i32 to vector<16xi32>
      %add3A_339 = arith.addi %and3A_333, %add3A_338 : vector<16xi32>
      %select_n3A_340 = arith.select %lt3A_336, %add3A_339, %and3A_333 : vector<16xi1>, vector<16xi32>
      %broadcast_in_dim3A_341 = vector.shape_cast %select_n3A_340 : vector<16xi32> to vector<16x1xi32>
      %gather3A_342 = vector.shape_cast %broadcast_in_dim3A_341 : vector<16x1xi32> to vector<16xi32>
      %gather3A_343 = tpu.dynamic_gather %add3A_327[%gather3A_342] in [0] : vector<16xf32>, vector<16xi32> -> vector<16xf32>
      %add3A_344 = arith.addf %add3A_327, %gather3A_343 : vector<16xf32>
      %add3A_345 = arith.constant 8 : i32
      %add3A_346 = vector.broadcast %add3A_345 : i32 to vector<16xi32>
      %add3A_347 = arith.addi %iota3A, %add3A_346 : vector<16xi32>
      %and3A_348 = arith.constant 15 : i32
      %and3A_349 = vector.broadcast %and3A_348 : i32 to vector<16xi32>
      %and3A_350 = arith.andi %add3A_347, %and3A_349 : vector<16xi32>
      %lt3A_351 = arith.constant 0 : i32
      %lt3A_352 = vector.broadcast %lt3A_351 : i32 to vector<16xi32>
      %lt3A_353 = arith.cmpi slt, %and3A_350, %lt3A_352 : vector<16xi32>
      %add3A_354 = arith.constant 16 : i32
      %add3A_355 = vector.broadcast %add3A_354 : i32 to vector<16xi32>
      %add3A_356 = arith.addi %and3A_350, %add3A_355 : vector<16xi32>
      %select_n3A_357 = arith.select %lt3A_353, %add3A_356, %and3A_350 : vector<16xi1>, vector<16xi32>
      %broadcast_in_dim3A_358 = vector.shape_cast %select_n3A_357 : vector<16xi32> to vector<16x1xi32>
      %gather3A_359 = vector.shape_cast %broadcast_in_dim3A_358 : vector<16x1xi32> to vector<16xi32>
      %gather3A_360 = tpu.dynamic_gather %add3A_344[%gather3A_359] in [0] : vector<16xf32>, vector<16xi32> -> vector<16xf32>
      %add3A_361 = arith.addf %add3A_344, %gather3A_360 : vector<16xf32>
      %mul3A_362 = arith.constant 9.765625E-4 : f32
      %mul3A_363 = vector.broadcast %mul3A_362 : f32 to vector<16xf32>
      %mul3A_364 = arith.mulf %add3A_361, %mul3A_363 : vector<16xf32>
      %mul3A_365 = arith.mulf %mul3A_293, %mul3A_293 : vector<16xf32>
      %sub3A_366 = arith.subf %mul3A_364, %mul3A_365 : vector<16xf32>
      %add3A_367 = arith.constant 9.99999974E-6 : f32
      %add3A_368 = vector.broadcast %add3A_367 : f32 to vector<16xf32>
      %add3A_369 = arith.addf %sub3A_366, %add3A_368 : vector<16xf32>
      %bitcast3A = vector.bitcast %add3A_369 : vector<16xf32> to vector<16xi32>
      %shift_right_arithmetic3A = arith.constant 1 : i32
      %shift_right_arithmetic3A_370 = vector.broadcast %shift_right_arithmetic3A : i32 to vector<16xi32>
      %shift_right_arithmetic3A_371 = arith.shrsi %bitcast3A, %shift_right_arithmetic3A_370 : vector<16xi32>
      %sub3A_372 = arith.constant 1597463007 : i32
      %sub3A_373 = vector.broadcast %sub3A_372 : i32 to vector<16xi32>
      %sub3A_374 = arith.subi %sub3A_373, %shift_right_arithmetic3A_371 : vector<16xi32>
      %bitcast3A_375 = vector.bitcast %sub3A_374 : vector<16xi32> to vector<16xf32>
      %mul3A_376 = arith.constant 5.000000e-01 : f32
      %mul3A_377 = vector.broadcast %mul3A_376 : f32 to vector<16xf32>
      %mul3A_378 = arith.mulf %mul3A_377, %add3A_369 : vector<16xf32>
      %mul3A_379 = arith.mulf %mul3A_378, %bitcast3A_375 : vector<16xf32>
      %mul3A_380 = arith.mulf %mul3A_379, %bitcast3A_375 : vector<16xf32>
      %sub3A_381 = arith.constant 1.500000e+00 : f32
      %sub3A_382 = vector.broadcast %sub3A_381 : f32 to vector<16xf32>
      %sub3A_383 = arith.subf %sub3A_382, %mul3A_380 : vector<16xf32>
      %mul3A_384 = arith.mulf %bitcast3A_375, %sub3A_383 : vector<16xf32>
      %mul3A_385 = arith.constant 5.000000e-01 : f32
      %mul3A_386 = vector.broadcast %mul3A_385 : f32 to vector<16xf32>
      %mul3A_387 = arith.mulf %mul3A_386, %add3A_369 : vector<16xf32>
      %mul3A_388 = arith.mulf %mul3A_387, %mul3A_384 : vector<16xf32>
      %mul3A_389 = arith.mulf %mul3A_388, %mul3A_384 : vector<16xf32>
      %sub3A_390 = arith.constant 1.500000e+00 : f32
      %sub3A_391 = vector.broadcast %sub3A_390 : f32 to vector<16xf32>
      %sub3A_392 = arith.subf %sub3A_391, %mul3A_389 : vector<16xf32>
      %mul3A_393 = arith.mulf %mul3A_384, %sub3A_392 : vector<16xf32>
      %mul3A_394 = arith.constant 5.000000e-01 : f32
      %mul3A_395 = vector.broadcast %mul3A_394 : f32 to vector<16xf32>
      %mul3A_396 = arith.mulf %mul3A_395, %add3A_369 : vector<16xf32>
      %mul3A_397 = arith.mulf %mul3A_396, %mul3A_393 : vector<16xf32>
      %mul3A_398 = arith.mulf %mul3A_397, %mul3A_393 : vector<16xf32>
      %sub3A_399 = arith.constant 1.500000e+00 : f32
      %sub3A_400 = vector.broadcast %sub3A_399 : f32 to vector<16xf32>
      %sub3A_401 = arith.subf %sub3A_400, %mul3A_398 : vector<16xf32>
      %mul3A_402 = arith.mulf %mul3A_393, %sub3A_401 : vector<16xf32>
      %mul3A_403 = arith.mulf %mul3A_293, %mul3A_402 : vector<16xf32>
      %add3A_404 = arith.constant 1 : i32
      %add3A_405 = vector.broadcast %add3A_404 : i32 to vector<16xi32>
      %add3A_406 = arith.addi %iota3A, %add3A_405 : vector<16xi32>
      %and3A_407 = arith.constant 15 : i32
      %and3A_408 = vector.broadcast %and3A_407 : i32 to vector<16xi32>
      %and3A_409 = arith.andi %add3A_406, %and3A_408 : vector<16xi32>
      %lt3A_410 = arith.constant 0 : i32
      %lt3A_411 = vector.broadcast %lt3A_410 : i32 to vector<16xi32>
      %lt3A_412 = arith.cmpi slt, %and3A_409, %lt3A_411 : vector<16xi32>
      %add3A_413 = arith.constant 16 : i32
      %add3A_414 = vector.broadcast %add3A_413 : i32 to vector<16xi32>
      %add3A_415 = arith.addi %and3A_409, %add3A_414 : vector<16xi32>
      %select_n3A_416 = arith.select %lt3A_412, %add3A_415, %and3A_409 : vector<16xi1>, vector<16xi32>
      %broadcast_in_dim3A_417 = vector.shape_cast %select_n3A_416 : vector<16xi32> to vector<16x1xi32>
      %gather3A_418 = vector.shape_cast %broadcast_in_dim3A_417 : vector<16x1xi32> to vector<16xi32>
      %gather3A_419 = tpu.dynamic_gather %parallel_loop3A_223#2[%gather3A_418] in [0] : vector<16xf32>, vector<16xi32> -> vector<16xf32>
      %add3A_420 = arith.addf %parallel_loop3A_223#2, %gather3A_419 : vector<16xf32>
      %add3A_421 = arith.constant 2 : i32
      %add3A_422 = vector.broadcast %add3A_421 : i32 to vector<16xi32>
      %add3A_423 = arith.addi %iota3A, %add3A_422 : vector<16xi32>
      %and3A_424 = arith.constant 15 : i32
      %and3A_425 = vector.broadcast %and3A_424 : i32 to vector<16xi32>
      %and3A_426 = arith.andi %add3A_423, %and3A_425 : vector<16xi32>
      %lt3A_427 = arith.constant 0 : i32
      %lt3A_428 = vector.broadcast %lt3A_427 : i32 to vector<16xi32>
      %lt3A_429 = arith.cmpi slt, %and3A_426, %lt3A_428 : vector<16xi32>
      %add3A_430 = arith.constant 16 : i32
      %add3A_431 = vector.broadcast %add3A_430 : i32 to vector<16xi32>
      %add3A_432 = arith.addi %and3A_426, %add3A_431 : vector<16xi32>
      %select_n3A_433 = arith.select %lt3A_429, %add3A_432, %and3A_426 : vector<16xi1>, vector<16xi32>
      %broadcast_in_dim3A_434 = vector.shape_cast %select_n3A_433 : vector<16xi32> to vector<16x1xi32>
      %gather3A_435 = vector.shape_cast %broadcast_in_dim3A_434 : vector<16x1xi32> to vector<16xi32>
      %gather3A_436 = tpu.dynamic_gather %add3A_420[%gather3A_435] in [0] : vector<16xf32>, vector<16xi32> -> vector<16xf32>
      %add3A_437 = arith.addf %add3A_420, %gather3A_436 : vector<16xf32>
      %add3A_438 = arith.constant 4 : i32
      %add3A_439 = vector.broadcast %add3A_438 : i32 to vector<16xi32>
      %add3A_440 = arith.addi %iota3A, %add3A_439 : vector<16xi32>
      %and3A_441 = arith.constant 15 : i32
      %and3A_442 = vector.broadcast %and3A_441 : i32 to vector<16xi32>
      %and3A_443 = arith.andi %add3A_440, %and3A_442 : vector<16xi32>
      %lt3A_444 = arith.constant 0 : i32
      %lt3A_445 = vector.broadcast %lt3A_444 : i32 to vector<16xi32>
      %lt3A_446 = arith.cmpi slt, %and3A_443, %lt3A_445 : vector<16xi32>
      %add3A_447 = arith.constant 16 : i32
      %add3A_448 = vector.broadcast %add3A_447 : i32 to vector<16xi32>
      %add3A_449 = arith.addi %and3A_443, %add3A_448 : vector<16xi32>
      %select_n3A_450 = arith.select %lt3A_446, %add3A_449, %and3A_443 : vector<16xi1>, vector<16xi32>
      %broadcast_in_dim3A_451 = vector.shape_cast %select_n3A_450 : vector<16xi32> to vector<16x1xi32>
      %gather3A_452 = vector.shape_cast %broadcast_in_dim3A_451 : vector<16x1xi32> to vector<16xi32>
      %gather3A_453 = tpu.dynamic_gather %add3A_437[%gather3A_452] in [0] : vector<16xf32>, vector<16xi32> -> vector<16xf32>
      %add3A_454 = arith.addf %add3A_437, %gather3A_453 : vector<16xf32>
      %add3A_455 = arith.constant 8 : i32
      %add3A_456 = vector.broadcast %add3A_455 : i32 to vector<16xi32>
      %add3A_457 = arith.addi %iota3A, %add3A_456 : vector<16xi32>
      %and3A_458 = arith.constant 15 : i32
      %and3A_459 = vector.broadcast %and3A_458 : i32 to vector<16xi32>
      %and3A_460 = arith.andi %add3A_457, %and3A_459 : vector<16xi32>
      %lt3A_461 = arith.constant 0 : i32
      %lt3A_462 = vector.broadcast %lt3A_461 : i32 to vector<16xi32>
      %lt3A_463 = arith.cmpi slt, %and3A_460, %lt3A_462 : vector<16xi32>
      %add3A_464 = arith.constant 16 : i32
      %add3A_465 = vector.broadcast %add3A_464 : i32 to vector<16xi32>
      %add3A_466 = arith.addi %and3A_460, %add3A_465 : vector<16xi32>
      %select_n3A_467 = arith.select %lt3A_463, %add3A_466, %and3A_460 : vector<16xi1>, vector<16xi32>
      %broadcast_in_dim3A_468 = vector.shape_cast %select_n3A_467 : vector<16xi32> to vector<16x1xi32>
      %gather3A_469 = vector.shape_cast %broadcast_in_dim3A_468 : vector<16x1xi32> to vector<16xi32>
      %gather3A_470 = tpu.dynamic_gather %add3A_454[%gather3A_469] in [0] : vector<16xf32>, vector<16xi32> -> vector<16xf32>
      %add3A_471 = arith.addf %add3A_454, %gather3A_470 : vector<16xf32>
      %mul3A_472 = arith.constant 9.765625E-4 : f32
      %mul3A_473 = vector.broadcast %mul3A_472 : f32 to vector<16xf32>
      %mul3A_474 = arith.mulf %add3A_471, %mul3A_473 : vector<16xf32>
      %add3A_475 = arith.constant 1 : i32
      %add3A_476 = vector.broadcast %add3A_475 : i32 to vector<16xi32>
      %add3A_477 = arith.addi %iota3A, %add3A_476 : vector<16xi32>
      %and3A_478 = arith.constant 15 : i32
      %and3A_479 = vector.broadcast %and3A_478 : i32 to vector<16xi32>
      %and3A_480 = arith.andi %add3A_477, %and3A_479 : vector<16xi32>
      %lt3A_481 = arith.constant 0 : i32
      %lt3A_482 = vector.broadcast %lt3A_481 : i32 to vector<16xi32>
      %lt3A_483 = arith.cmpi slt, %and3A_480, %lt3A_482 : vector<16xi32>
      %add3A_484 = arith.constant 16 : i32
      %add3A_485 = vector.broadcast %add3A_484 : i32 to vector<16xi32>
      %add3A_486 = arith.addi %and3A_480, %add3A_485 : vector<16xi32>
      %select_n3A_487 = arith.select %lt3A_483, %add3A_486, %and3A_480 : vector<16xi1>, vector<16xi32>
      %broadcast_in_dim3A_488 = vector.shape_cast %select_n3A_487 : vector<16xi32> to vector<16x1xi32>
      %gather3A_489 = vector.shape_cast %broadcast_in_dim3A_488 : vector<16x1xi32> to vector<16xi32>
      %gather3A_490 = tpu.dynamic_gather %parallel_loop3A_223#3[%gather3A_489] in [0] : vector<16xf32>, vector<16xi32> -> vector<16xf32>
      %add3A_491 = arith.addf %parallel_loop3A_223#3, %gather3A_490 : vector<16xf32>
      %add3A_492 = arith.constant 2 : i32
      %add3A_493 = vector.broadcast %add3A_492 : i32 to vector<16xi32>
      %add3A_494 = arith.addi %iota3A, %add3A_493 : vector<16xi32>
      %and3A_495 = arith.constant 15 : i32
      %and3A_496 = vector.broadcast %and3A_495 : i32 to vector<16xi32>
      %and3A_497 = arith.andi %add3A_494, %and3A_496 : vector<16xi32>
      %lt3A_498 = arith.constant 0 : i32
      %lt3A_499 = vector.broadcast %lt3A_498 : i32 to vector<16xi32>
      %lt3A_500 = arith.cmpi slt, %and3A_497, %lt3A_499 : vector<16xi32>
      %add3A_501 = arith.constant 16 : i32
      %add3A_502 = vector.broadcast %add3A_501 : i32 to vector<16xi32>
      %add3A_503 = arith.addi %and3A_497, %add3A_502 : vector<16xi32>
      %select_n3A_504 = arith.select %lt3A_500, %add3A_503, %and3A_497 : vector<16xi1>, vector<16xi32>
      %broadcast_in_dim3A_505 = vector.shape_cast %select_n3A_504 : vector<16xi32> to vector<16x1xi32>
      %gather3A_506 = vector.shape_cast %broadcast_in_dim3A_505 : vector<16x1xi32> to vector<16xi32>
      %gather3A_507 = tpu.dynamic_gather %add3A_491[%gather3A_506] in [0] : vector<16xf32>, vector<16xi32> -> vector<16xf32>
      %add3A_508 = arith.addf %add3A_491, %gather3A_507 : vector<16xf32>
      %add3A_509 = arith.constant 4 : i32
      %add3A_510 = vector.broadcast %add3A_509 : i32 to vector<16xi32>
      %add3A_511 = arith.addi %iota3A, %add3A_510 : vector<16xi32>
      %and3A_512 = arith.constant 15 : i32
      %and3A_513 = vector.broadcast %and3A_512 : i32 to vector<16xi32>
      %and3A_514 = arith.andi %add3A_511, %and3A_513 : vector<16xi32>
      %lt3A_515 = arith.constant 0 : i32
      %lt3A_516 = vector.broadcast %lt3A_515 : i32 to vector<16xi32>
      %lt3A_517 = arith.cmpi slt, %and3A_514, %lt3A_516 : vector<16xi32>
      %add3A_518 = arith.constant 16 : i32
      %add3A_519 = vector.broadcast %add3A_518 : i32 to vector<16xi32>
      %add3A_520 = arith.addi %and3A_514, %add3A_519 : vector<16xi32>
      %select_n3A_521 = arith.select %lt3A_517, %add3A_520, %and3A_514 : vector<16xi1>, vector<16xi32>
      %broadcast_in_dim3A_522 = vector.shape_cast %select_n3A_521 : vector<16xi32> to vector<16x1xi32>
      %gather3A_523 = vector.shape_cast %broadcast_in_dim3A_522 : vector<16x1xi32> to vector<16xi32>
      %gather3A_524 = tpu.dynamic_gather %add3A_508[%gather3A_523] in [0] : vector<16xf32>, vector<16xi32> -> vector<16xf32>
      %add3A_525 = arith.addf %add3A_508, %gather3A_524 : vector<16xf32>
      %add3A_526 = arith.constant 8 : i32
      %add3A_527 = vector.broadcast %add3A_526 : i32 to vector<16xi32>
      %add3A_528 = arith.addi %iota3A, %add3A_527 : vector<16xi32>
      %and3A_529 = arith.constant 15 : i32
      %and3A_530 = vector.broadcast %and3A_529 : i32 to vector<16xi32>
      %and3A_531 = arith.andi %add3A_528, %and3A_530 : vector<16xi32>
      %lt3A_532 = arith.constant 0 : i32
      %lt3A_533 = vector.broadcast %lt3A_532 : i32 to vector<16xi32>
      %lt3A_534 = arith.cmpi slt, %and3A_531, %lt3A_533 : vector<16xi32>
      %add3A_535 = arith.constant 16 : i32
      %add3A_536 = vector.broadcast %add3A_535 : i32 to vector<16xi32>
      %add3A_537 = arith.addi %and3A_531, %add3A_536 : vector<16xi32>
      %select_n3A_538 = arith.select %lt3A_534, %add3A_537, %and3A_531 : vector<16xi1>, vector<16xi32>
      %broadcast_in_dim3A_539 = vector.shape_cast %select_n3A_538 : vector<16xi32> to vector<16x1xi32>
      %gather3A_540 = vector.shape_cast %broadcast_in_dim3A_539 : vector<16x1xi32> to vector<16xi32>
      %gather3A_541 = tpu.dynamic_gather %add3A_525[%gather3A_540] in [0] : vector<16xf32>, vector<16xi32> -> vector<16xf32>
      %add3A_542 = arith.addf %add3A_525, %gather3A_541 : vector<16xf32>
      %mul3A_543 = arith.constant 9.765625E-4 : f32
      %mul3A_544 = vector.broadcast %mul3A_543 : f32 to vector<16xf32>
      %mul3A_545 = arith.mulf %add3A_542, %mul3A_544 : vector<16xf32>
      %mul3A_546 = arith.mulf %mul3A_474, %mul3A_474 : vector<16xf32>
      %sub3A_547 = arith.subf %mul3A_545, %mul3A_546 : vector<16xf32>
      %add3A_548 = arith.constant 9.99999974E-6 : f32
      %add3A_549 = vector.broadcast %add3A_548 : f32 to vector<16xf32>
      %add3A_550 = arith.addf %sub3A_547, %add3A_549 : vector<16xf32>
      %bitcast3A_551 = vector.bitcast %add3A_550 : vector<16xf32> to vector<16xi32>
      %shift_right_arithmetic3A_552 = arith.constant 1 : i32
      %shift_right_arithmetic3A_553 = vector.broadcast %shift_right_arithmetic3A_552 : i32 to vector<16xi32>
      %shift_right_arithmetic3A_554 = arith.shrsi %bitcast3A_551, %shift_right_arithmetic3A_553 : vector<16xi32>
      %sub3A_555 = arith.constant 1597463007 : i32
      %sub3A_556 = vector.broadcast %sub3A_555 : i32 to vector<16xi32>
      %sub3A_557 = arith.subi %sub3A_556, %shift_right_arithmetic3A_554 : vector<16xi32>
      %bitcast3A_558 = vector.bitcast %sub3A_557 : vector<16xi32> to vector<16xf32>
      %mul3A_559 = arith.constant 5.000000e-01 : f32
      %mul3A_560 = vector.broadcast %mul3A_559 : f32 to vector<16xf32>
      %mul3A_561 = arith.mulf %mul3A_560, %add3A_550 : vector<16xf32>
      %mul3A_562 = arith.mulf %mul3A_561, %bitcast3A_558 : vector<16xf32>
      %mul3A_563 = arith.mulf %mul3A_562, %bitcast3A_558 : vector<16xf32>
      %sub3A_564 = arith.constant 1.500000e+00 : f32
      %sub3A_565 = vector.broadcast %sub3A_564 : f32 to vector<16xf32>
      %sub3A_566 = arith.subf %sub3A_565, %mul3A_563 : vector<16xf32>
      %mul3A_567 = arith.mulf %bitcast3A_558, %sub3A_566 : vector<16xf32>
      %mul3A_568 = arith.constant 5.000000e-01 : f32
      %mul3A_569 = vector.broadcast %mul3A_568 : f32 to vector<16xf32>
      %mul3A_570 = arith.mulf %mul3A_569, %add3A_550 : vector<16xf32>
      %mul3A_571 = arith.mulf %mul3A_570, %mul3A_567 : vector<16xf32>
      %mul3A_572 = arith.mulf %mul3A_571, %mul3A_567 : vector<16xf32>
      %sub3A_573 = arith.constant 1.500000e+00 : f32
      %sub3A_574 = vector.broadcast %sub3A_573 : f32 to vector<16xf32>
      %sub3A_575 = arith.subf %sub3A_574, %mul3A_572 : vector<16xf32>
      %mul3A_576 = arith.mulf %mul3A_567, %sub3A_575 : vector<16xf32>
      %mul3A_577 = arith.constant 5.000000e-01 : f32
      %mul3A_578 = vector.broadcast %mul3A_577 : f32 to vector<16xf32>
      %mul3A_579 = arith.mulf %mul3A_578, %add3A_550 : vector<16xf32>
      %mul3A_580 = arith.mulf %mul3A_579, %mul3A_576 : vector<16xf32>
      %mul3A_581 = arith.mulf %mul3A_580, %mul3A_576 : vector<16xf32>
      %sub3A_582 = arith.constant 1.500000e+00 : f32
      %sub3A_583 = vector.broadcast %sub3A_582 : f32 to vector<16xf32>
      %sub3A_584 = arith.subf %sub3A_583, %mul3A_581 : vector<16xf32>
      %mul3A_585 = arith.mulf %mul3A_576, %sub3A_584 : vector<16xf32>
      %mul3A_586 = arith.mulf %mul3A_474, %mul3A_585 : vector<16xf32>
      %add3A_587 = arith.constant 1 : i32
      %add3A_588 = vector.broadcast %add3A_587 : i32 to vector<16xi32>
      %add3A_589 = arith.addi %iota3A, %add3A_588 : vector<16xi32>
      %and3A_590 = arith.constant 15 : i32
      %and3A_591 = vector.broadcast %and3A_590 : i32 to vector<16xi32>
      %and3A_592 = arith.andi %add3A_589, %and3A_591 : vector<16xi32>
      %lt3A_593 = arith.constant 0 : i32
      %lt3A_594 = vector.broadcast %lt3A_593 : i32 to vector<16xi32>
      %lt3A_595 = arith.cmpi slt, %and3A_592, %lt3A_594 : vector<16xi32>
      %add3A_596 = arith.constant 16 : i32
      %add3A_597 = vector.broadcast %add3A_596 : i32 to vector<16xi32>
      %add3A_598 = arith.addi %and3A_592, %add3A_597 : vector<16xi32>
      %select_n3A_599 = arith.select %lt3A_595, %add3A_598, %and3A_592 : vector<16xi1>, vector<16xi32>
      %broadcast_in_dim3A_600 = vector.shape_cast %select_n3A_599 : vector<16xi32> to vector<16x1xi32>
      %gather3A_601 = vector.shape_cast %broadcast_in_dim3A_600 : vector<16x1xi32> to vector<16xi32>
      %gather3A_602 = tpu.dynamic_gather %parallel_loop3A_223#4[%gather3A_601] in [0] : vector<16xf32>, vector<16xi32> -> vector<16xf32>
      %add3A_603 = arith.addf %parallel_loop3A_223#4, %gather3A_602 : vector<16xf32>
      %add3A_604 = arith.constant 2 : i32
      %add3A_605 = vector.broadcast %add3A_604 : i32 to vector<16xi32>
      %add3A_606 = arith.addi %iota3A, %add3A_605 : vector<16xi32>
      %and3A_607 = arith.constant 15 : i32
      %and3A_608 = vector.broadcast %and3A_607 : i32 to vector<16xi32>
      %and3A_609 = arith.andi %add3A_606, %and3A_608 : vector<16xi32>
      %lt3A_610 = arith.constant 0 : i32
      %lt3A_611 = vector.broadcast %lt3A_610 : i32 to vector<16xi32>
      %lt3A_612 = arith.cmpi slt, %and3A_609, %lt3A_611 : vector<16xi32>
      %add3A_613 = arith.constant 16 : i32
      %add3A_614 = vector.broadcast %add3A_613 : i32 to vector<16xi32>
      %add3A_615 = arith.addi %and3A_609, %add3A_614 : vector<16xi32>
      %select_n3A_616 = arith.select %lt3A_612, %add3A_615, %and3A_609 : vector<16xi1>, vector<16xi32>
      %broadcast_in_dim3A_617 = vector.shape_cast %select_n3A_616 : vector<16xi32> to vector<16x1xi32>
      %gather3A_618 = vector.shape_cast %broadcast_in_dim3A_617 : vector<16x1xi32> to vector<16xi32>
      %gather3A_619 = tpu.dynamic_gather %add3A_603[%gather3A_618] in [0] : vector<16xf32>, vector<16xi32> -> vector<16xf32>
      %add3A_620 = arith.addf %add3A_603, %gather3A_619 : vector<16xf32>
      %add3A_621 = arith.constant 4 : i32
      %add3A_622 = vector.broadcast %add3A_621 : i32 to vector<16xi32>
      %add3A_623 = arith.addi %iota3A, %add3A_622 : vector<16xi32>
      %and3A_624 = arith.constant 15 : i32
      %and3A_625 = vector.broadcast %and3A_624 : i32 to vector<16xi32>
      %and3A_626 = arith.andi %add3A_623, %and3A_625 : vector<16xi32>
      %lt3A_627 = arith.constant 0 : i32
      %lt3A_628 = vector.broadcast %lt3A_627 : i32 to vector<16xi32>
      %lt3A_629 = arith.cmpi slt, %and3A_626, %lt3A_628 : vector<16xi32>
      %add3A_630 = arith.constant 16 : i32
      %add3A_631 = vector.broadcast %add3A_630 : i32 to vector<16xi32>
      %add3A_632 = arith.addi %and3A_626, %add3A_631 : vector<16xi32>
      %select_n3A_633 = arith.select %lt3A_629, %add3A_632, %and3A_626 : vector<16xi1>, vector<16xi32>
      %broadcast_in_dim3A_634 = vector.shape_cast %select_n3A_633 : vector<16xi32> to vector<16x1xi32>
      %gather3A_635 = vector.shape_cast %broadcast_in_dim3A_634 : vector<16x1xi32> to vector<16xi32>
      %gather3A_636 = tpu.dynamic_gather %add3A_620[%gather3A_635] in [0] : vector<16xf32>, vector<16xi32> -> vector<16xf32>
      %add3A_637 = arith.addf %add3A_620, %gather3A_636 : vector<16xf32>
      %add3A_638 = arith.constant 8 : i32
      %add3A_639 = vector.broadcast %add3A_638 : i32 to vector<16xi32>
      %add3A_640 = arith.addi %iota3A, %add3A_639 : vector<16xi32>
      %and3A_641 = arith.constant 15 : i32
      %and3A_642 = vector.broadcast %and3A_641 : i32 to vector<16xi32>
      %and3A_643 = arith.andi %add3A_640, %and3A_642 : vector<16xi32>
      %lt3A_644 = arith.constant 0 : i32
      %lt3A_645 = vector.broadcast %lt3A_644 : i32 to vector<16xi32>
      %lt3A_646 = arith.cmpi slt, %and3A_643, %lt3A_645 : vector<16xi32>
      %add3A_647 = arith.constant 16 : i32
      %add3A_648 = vector.broadcast %add3A_647 : i32 to vector<16xi32>
      %add3A_649 = arith.addi %and3A_643, %add3A_648 : vector<16xi32>
      %select_n3A_650 = arith.select %lt3A_646, %add3A_649, %and3A_643 : vector<16xi1>, vector<16xi32>
      %broadcast_in_dim3A_651 = vector.shape_cast %select_n3A_650 : vector<16xi32> to vector<16x1xi32>
      %gather3A_652 = vector.shape_cast %broadcast_in_dim3A_651 : vector<16x1xi32> to vector<16xi32>
      %gather3A_653 = tpu.dynamic_gather %add3A_637[%gather3A_652] in [0] : vector<16xf32>, vector<16xi32> -> vector<16xf32>
      %add3A_654 = arith.addf %add3A_637, %gather3A_653 : vector<16xf32>
      %mul3A_655 = arith.constant 9.765625E-4 : f32
      %mul3A_656 = vector.broadcast %mul3A_655 : f32 to vector<16xf32>
      %mul3A_657 = arith.mulf %add3A_654, %mul3A_656 : vector<16xf32>
      %add3A_658 = arith.constant 1 : i32
      %add3A_659 = vector.broadcast %add3A_658 : i32 to vector<16xi32>
      %add3A_660 = arith.addi %iota3A, %add3A_659 : vector<16xi32>
      %and3A_661 = arith.constant 15 : i32
      %and3A_662 = vector.broadcast %and3A_661 : i32 to vector<16xi32>
      %and3A_663 = arith.andi %add3A_660, %and3A_662 : vector<16xi32>
      %lt3A_664 = arith.constant 0 : i32
      %lt3A_665 = vector.broadcast %lt3A_664 : i32 to vector<16xi32>
      %lt3A_666 = arith.cmpi slt, %and3A_663, %lt3A_665 : vector<16xi32>
      %add3A_667 = arith.constant 16 : i32
      %add3A_668 = vector.broadcast %add3A_667 : i32 to vector<16xi32>
      %add3A_669 = arith.addi %and3A_663, %add3A_668 : vector<16xi32>
      %select_n3A_670 = arith.select %lt3A_666, %add3A_669, %and3A_663 : vector<16xi1>, vector<16xi32>
      %broadcast_in_dim3A_671 = vector.shape_cast %select_n3A_670 : vector<16xi32> to vector<16x1xi32>
      %gather3A_672 = vector.shape_cast %broadcast_in_dim3A_671 : vector<16x1xi32> to vector<16xi32>
      %gather3A_673 = tpu.dynamic_gather %parallel_loop3A_223#5[%gather3A_672] in [0] : vector<16xf32>, vector<16xi32> -> vector<16xf32>
      %add3A_674 = arith.addf %parallel_loop3A_223#5, %gather3A_673 : vector<16xf32>
      %add3A_675 = arith.constant 2 : i32
      %add3A_676 = vector.broadcast %add3A_675 : i32 to vector<16xi32>
      %add3A_677 = arith.addi %iota3A, %add3A_676 : vector<16xi32>
      %and3A_678 = arith.constant 15 : i32
      %and3A_679 = vector.broadcast %and3A_678 : i32 to vector<16xi32>
      %and3A_680 = arith.andi %add3A_677, %and3A_679 : vector<16xi32>
      %lt3A_681 = arith.constant 0 : i32
      %lt3A_682 = vector.broadcast %lt3A_681 : i32 to vector<16xi32>
      %lt3A_683 = arith.cmpi slt, %and3A_680, %lt3A_682 : vector<16xi32>
      %add3A_684 = arith.constant 16 : i32
      %add3A_685 = vector.broadcast %add3A_684 : i32 to vector<16xi32>
      %add3A_686 = arith.addi %and3A_680, %add3A_685 : vector<16xi32>
      %select_n3A_687 = arith.select %lt3A_683, %add3A_686, %and3A_680 : vector<16xi1>, vector<16xi32>
      %broadcast_in_dim3A_688 = vector.shape_cast %select_n3A_687 : vector<16xi32> to vector<16x1xi32>
      %gather3A_689 = vector.shape_cast %broadcast_in_dim3A_688 : vector<16x1xi32> to vector<16xi32>
      %gather3A_690 = tpu.dynamic_gather %add3A_674[%gather3A_689] in [0] : vector<16xf32>, vector<16xi32> -> vector<16xf32>
      %add3A_691 = arith.addf %add3A_674, %gather3A_690 : vector<16xf32>
      %add3A_692 = arith.constant 4 : i32
      %add3A_693 = vector.broadcast %add3A_692 : i32 to vector<16xi32>
      %add3A_694 = arith.addi %iota3A, %add3A_693 : vector<16xi32>
      %and3A_695 = arith.constant 15 : i32
      %and3A_696 = vector.broadcast %and3A_695 : i32 to vector<16xi32>
      %and3A_697 = arith.andi %add3A_694, %and3A_696 : vector<16xi32>
      %lt3A_698 = arith.constant 0 : i32
      %lt3A_699 = vector.broadcast %lt3A_698 : i32 to vector<16xi32>
      %lt3A_700 = arith.cmpi slt, %and3A_697, %lt3A_699 : vector<16xi32>
      %add3A_701 = arith.constant 16 : i32
      %add3A_702 = vector.broadcast %add3A_701 : i32 to vector<16xi32>
      %add3A_703 = arith.addi %and3A_697, %add3A_702 : vector<16xi32>
      %select_n3A_704 = arith.select %lt3A_700, %add3A_703, %and3A_697 : vector<16xi1>, vector<16xi32>
      %broadcast_in_dim3A_705 = vector.shape_cast %select_n3A_704 : vector<16xi32> to vector<16x1xi32>
      %gather3A_706 = vector.shape_cast %broadcast_in_dim3A_705 : vector<16x1xi32> to vector<16xi32>
      %gather3A_707 = tpu.dynamic_gather %add3A_691[%gather3A_706] in [0] : vector<16xf32>, vector<16xi32> -> vector<16xf32>
      %add3A_708 = arith.addf %add3A_691, %gather3A_707 : vector<16xf32>
      %add3A_709 = arith.constant 8 : i32
      %add3A_710 = vector.broadcast %add3A_709 : i32 to vector<16xi32>
      %add3A_711 = arith.addi %iota3A, %add3A_710 : vector<16xi32>
      %and3A_712 = arith.constant 15 : i32
      %and3A_713 = vector.broadcast %and3A_712 : i32 to vector<16xi32>
      %and3A_714 = arith.andi %add3A_711, %and3A_713 : vector<16xi32>
      %lt3A_715 = arith.constant 0 : i32
      %lt3A_716 = vector.broadcast %lt3A_715 : i32 to vector<16xi32>
      %lt3A_717 = arith.cmpi slt, %and3A_714, %lt3A_716 : vector<16xi32>
      %add3A_718 = arith.constant 16 : i32
      %add3A_719 = vector.broadcast %add3A_718 : i32 to vector<16xi32>
      %add3A_720 = arith.addi %and3A_714, %add3A_719 : vector<16xi32>
      %select_n3A_721 = arith.select %lt3A_717, %add3A_720, %and3A_714 : vector<16xi1>, vector<16xi32>
      %broadcast_in_dim3A_722 = vector.shape_cast %select_n3A_721 : vector<16xi32> to vector<16x1xi32>
      %gather3A_723 = vector.shape_cast %broadcast_in_dim3A_722 : vector<16x1xi32> to vector<16xi32>
      %gather3A_724 = tpu.dynamic_gather %add3A_708[%gather3A_723] in [0] : vector<16xf32>, vector<16xi32> -> vector<16xf32>
      %add3A_725 = arith.addf %add3A_708, %gather3A_724 : vector<16xf32>
      %mul3A_726 = arith.constant 9.765625E-4 : f32
      %mul3A_727 = vector.broadcast %mul3A_726 : f32 to vector<16xf32>
      %mul3A_728 = arith.mulf %add3A_725, %mul3A_727 : vector<16xf32>
      %mul3A_729 = arith.mulf %mul3A_657, %mul3A_657 : vector<16xf32>
      %sub3A_730 = arith.subf %mul3A_728, %mul3A_729 : vector<16xf32>
      %add3A_731 = arith.constant 9.99999974E-6 : f32
      %add3A_732 = vector.broadcast %add3A_731 : f32 to vector<16xf32>
      %add3A_733 = arith.addf %sub3A_730, %add3A_732 : vector<16xf32>
      %bitcast3A_734 = vector.bitcast %add3A_733 : vector<16xf32> to vector<16xi32>
      %shift_right_arithmetic3A_735 = arith.constant 1 : i32
      %shift_right_arithmetic3A_736 = vector.broadcast %shift_right_arithmetic3A_735 : i32 to vector<16xi32>
      %shift_right_arithmetic3A_737 = arith.shrsi %bitcast3A_734, %shift_right_arithmetic3A_736 : vector<16xi32>
      %sub3A_738 = arith.constant 1597463007 : i32
      %sub3A_739 = vector.broadcast %sub3A_738 : i32 to vector<16xi32>
      %sub3A_740 = arith.subi %sub3A_739, %shift_right_arithmetic3A_737 : vector<16xi32>
      %bitcast3A_741 = vector.bitcast %sub3A_740 : vector<16xi32> to vector<16xf32>
      %mul3A_742 = arith.constant 5.000000e-01 : f32
      %mul3A_743 = vector.broadcast %mul3A_742 : f32 to vector<16xf32>
      %mul3A_744 = arith.mulf %mul3A_743, %add3A_733 : vector<16xf32>
      %mul3A_745 = arith.mulf %mul3A_744, %bitcast3A_741 : vector<16xf32>
      %mul3A_746 = arith.mulf %mul3A_745, %bitcast3A_741 : vector<16xf32>
      %sub3A_747 = arith.constant 1.500000e+00 : f32
      %sub3A_748 = vector.broadcast %sub3A_747 : f32 to vector<16xf32>
      %sub3A_749 = arith.subf %sub3A_748, %mul3A_746 : vector<16xf32>
      %mul3A_750 = arith.mulf %bitcast3A_741, %sub3A_749 : vector<16xf32>
      %mul3A_751 = arith.constant 5.000000e-01 : f32
      %mul3A_752 = vector.broadcast %mul3A_751 : f32 to vector<16xf32>
      %mul3A_753 = arith.mulf %mul3A_752, %add3A_733 : vector<16xf32>
      %mul3A_754 = arith.mulf %mul3A_753, %mul3A_750 : vector<16xf32>
      %mul3A_755 = arith.mulf %mul3A_754, %mul3A_750 : vector<16xf32>
      %sub3A_756 = arith.constant 1.500000e+00 : f32
      %sub3A_757 = vector.broadcast %sub3A_756 : f32 to vector<16xf32>
      %sub3A_758 = arith.subf %sub3A_757, %mul3A_755 : vector<16xf32>
      %mul3A_759 = arith.mulf %mul3A_750, %sub3A_758 : vector<16xf32>
      %mul3A_760 = arith.constant 5.000000e-01 : f32
      %mul3A_761 = vector.broadcast %mul3A_760 : f32 to vector<16xf32>
      %mul3A_762 = arith.mulf %mul3A_761, %add3A_733 : vector<16xf32>
      %mul3A_763 = arith.mulf %mul3A_762, %mul3A_759 : vector<16xf32>
      %mul3A_764 = arith.mulf %mul3A_763, %mul3A_759 : vector<16xf32>
      %sub3A_765 = arith.constant 1.500000e+00 : f32
      %sub3A_766 = vector.broadcast %sub3A_765 : f32 to vector<16xf32>
      %sub3A_767 = arith.subf %sub3A_766, %mul3A_764 : vector<16xf32>
      %mul3A_768 = arith.mulf %mul3A_759, %sub3A_767 : vector<16xf32>
      %mul3A_769 = arith.mulf %mul3A_657, %mul3A_768 : vector<16xf32>
      %add3A_770 = arith.constant 1 : i32
      %add3A_771 = vector.broadcast %add3A_770 : i32 to vector<16xi32>
      %add3A_772 = arith.addi %iota3A, %add3A_771 : vector<16xi32>
      %and3A_773 = arith.constant 15 : i32
      %and3A_774 = vector.broadcast %and3A_773 : i32 to vector<16xi32>
      %and3A_775 = arith.andi %add3A_772, %and3A_774 : vector<16xi32>
      %lt3A_776 = arith.constant 0 : i32
      %lt3A_777 = vector.broadcast %lt3A_776 : i32 to vector<16xi32>
      %lt3A_778 = arith.cmpi slt, %and3A_775, %lt3A_777 : vector<16xi32>
      %add3A_779 = arith.constant 16 : i32
      %add3A_780 = vector.broadcast %add3A_779 : i32 to vector<16xi32>
      %add3A_781 = arith.addi %and3A_775, %add3A_780 : vector<16xi32>
      %select_n3A_782 = arith.select %lt3A_778, %add3A_781, %and3A_775 : vector<16xi1>, vector<16xi32>
      %broadcast_in_dim3A_783 = vector.shape_cast %select_n3A_782 : vector<16xi32> to vector<16x1xi32>
      %gather3A_784 = vector.shape_cast %broadcast_in_dim3A_783 : vector<16x1xi32> to vector<16xi32>
      %gather3A_785 = tpu.dynamic_gather %parallel_loop3A_223#6[%gather3A_784] in [0] : vector<16xf32>, vector<16xi32> -> vector<16xf32>
      %add3A_786 = arith.addf %parallel_loop3A_223#6, %gather3A_785 : vector<16xf32>
      %add3A_787 = arith.constant 2 : i32
      %add3A_788 = vector.broadcast %add3A_787 : i32 to vector<16xi32>
      %add3A_789 = arith.addi %iota3A, %add3A_788 : vector<16xi32>
      %and3A_790 = arith.constant 15 : i32
      %and3A_791 = vector.broadcast %and3A_790 : i32 to vector<16xi32>
      %and3A_792 = arith.andi %add3A_789, %and3A_791 : vector<16xi32>
      %lt3A_793 = arith.constant 0 : i32
      %lt3A_794 = vector.broadcast %lt3A_793 : i32 to vector<16xi32>
      %lt3A_795 = arith.cmpi slt, %and3A_792, %lt3A_794 : vector<16xi32>
      %add3A_796 = arith.constant 16 : i32
      %add3A_797 = vector.broadcast %add3A_796 : i32 to vector<16xi32>
      %add3A_798 = arith.addi %and3A_792, %add3A_797 : vector<16xi32>
      %select_n3A_799 = arith.select %lt3A_795, %add3A_798, %and3A_792 : vector<16xi1>, vector<16xi32>
      %broadcast_in_dim3A_800 = vector.shape_cast %select_n3A_799 : vector<16xi32> to vector<16x1xi32>
      %gather3A_801 = vector.shape_cast %broadcast_in_dim3A_800 : vector<16x1xi32> to vector<16xi32>
      %gather3A_802 = tpu.dynamic_gather %add3A_786[%gather3A_801] in [0] : vector<16xf32>, vector<16xi32> -> vector<16xf32>
      %add3A_803 = arith.addf %add3A_786, %gather3A_802 : vector<16xf32>
      %add3A_804 = arith.constant 4 : i32
      %add3A_805 = vector.broadcast %add3A_804 : i32 to vector<16xi32>
      %add3A_806 = arith.addi %iota3A, %add3A_805 : vector<16xi32>
      %and3A_807 = arith.constant 15 : i32
      %and3A_808 = vector.broadcast %and3A_807 : i32 to vector<16xi32>
      %and3A_809 = arith.andi %add3A_806, %and3A_808 : vector<16xi32>
      %lt3A_810 = arith.constant 0 : i32
      %lt3A_811 = vector.broadcast %lt3A_810 : i32 to vector<16xi32>
      %lt3A_812 = arith.cmpi slt, %and3A_809, %lt3A_811 : vector<16xi32>
      %add3A_813 = arith.constant 16 : i32
      %add3A_814 = vector.broadcast %add3A_813 : i32 to vector<16xi32>
      %add3A_815 = arith.addi %and3A_809, %add3A_814 : vector<16xi32>
      %select_n3A_816 = arith.select %lt3A_812, %add3A_815, %and3A_809 : vector<16xi1>, vector<16xi32>
      %broadcast_in_dim3A_817 = vector.shape_cast %select_n3A_816 : vector<16xi32> to vector<16x1xi32>
      %gather3A_818 = vector.shape_cast %broadcast_in_dim3A_817 : vector<16x1xi32> to vector<16xi32>
      %gather3A_819 = tpu.dynamic_gather %add3A_803[%gather3A_818] in [0] : vector<16xf32>, vector<16xi32> -> vector<16xf32>
      %add3A_820 = arith.addf %add3A_803, %gather3A_819 : vector<16xf32>
      %add3A_821 = arith.constant 8 : i32
      %add3A_822 = vector.broadcast %add3A_821 : i32 to vector<16xi32>
      %add3A_823 = arith.addi %iota3A, %add3A_822 : vector<16xi32>
      %and3A_824 = arith.constant 15 : i32
      %and3A_825 = vector.broadcast %and3A_824 : i32 to vector<16xi32>
      %and3A_826 = arith.andi %add3A_823, %and3A_825 : vector<16xi32>
      %lt3A_827 = arith.constant 0 : i32
      %lt3A_828 = vector.broadcast %lt3A_827 : i32 to vector<16xi32>
      %lt3A_829 = arith.cmpi slt, %and3A_826, %lt3A_828 : vector<16xi32>
      %add3A_830 = arith.constant 16 : i32
      %add3A_831 = vector.broadcast %add3A_830 : i32 to vector<16xi32>
      %add3A_832 = arith.addi %and3A_826, %add3A_831 : vector<16xi32>
      %select_n3A_833 = arith.select %lt3A_829, %add3A_832, %and3A_826 : vector<16xi1>, vector<16xi32>
      %broadcast_in_dim3A_834 = vector.shape_cast %select_n3A_833 : vector<16xi32> to vector<16x1xi32>
      %gather3A_835 = vector.shape_cast %broadcast_in_dim3A_834 : vector<16x1xi32> to vector<16xi32>
      %gather3A_836 = tpu.dynamic_gather %add3A_820[%gather3A_835] in [0] : vector<16xf32>, vector<16xi32> -> vector<16xf32>
      %add3A_837 = arith.addf %add3A_820, %gather3A_836 : vector<16xf32>
      %mul3A_838 = arith.constant 9.765625E-4 : f32
      %mul3A_839 = vector.broadcast %mul3A_838 : f32 to vector<16xf32>
      %mul3A_840 = arith.mulf %add3A_837, %mul3A_839 : vector<16xf32>
      %add3A_841 = arith.constant 1 : i32
      %add3A_842 = vector.broadcast %add3A_841 : i32 to vector<16xi32>
      %add3A_843 = arith.addi %iota3A, %add3A_842 : vector<16xi32>
      %and3A_844 = arith.constant 15 : i32
      %and3A_845 = vector.broadcast %and3A_844 : i32 to vector<16xi32>
      %and3A_846 = arith.andi %add3A_843, %and3A_845 : vector<16xi32>
      %lt3A_847 = arith.constant 0 : i32
      %lt3A_848 = vector.broadcast %lt3A_847 : i32 to vector<16xi32>
      %lt3A_849 = arith.cmpi slt, %and3A_846, %lt3A_848 : vector<16xi32>
      %add3A_850 = arith.constant 16 : i32
      %add3A_851 = vector.broadcast %add3A_850 : i32 to vector<16xi32>
      %add3A_852 = arith.addi %and3A_846, %add3A_851 : vector<16xi32>
      %select_n3A_853 = arith.select %lt3A_849, %add3A_852, %and3A_846 : vector<16xi1>, vector<16xi32>
      %broadcast_in_dim3A_854 = vector.shape_cast %select_n3A_853 : vector<16xi32> to vector<16x1xi32>
      %gather3A_855 = vector.shape_cast %broadcast_in_dim3A_854 : vector<16x1xi32> to vector<16xi32>
      %gather3A_856 = tpu.dynamic_gather %parallel_loop3A_223#7[%gather3A_855] in [0] : vector<16xf32>, vector<16xi32> -> vector<16xf32>
      %add3A_857 = arith.addf %parallel_loop3A_223#7, %gather3A_856 : vector<16xf32>
      %add3A_858 = arith.constant 2 : i32
      %add3A_859 = vector.broadcast %add3A_858 : i32 to vector<16xi32>
      %add3A_860 = arith.addi %iota3A, %add3A_859 : vector<16xi32>
      %and3A_861 = arith.constant 15 : i32
      %and3A_862 = vector.broadcast %and3A_861 : i32 to vector<16xi32>
      %and3A_863 = arith.andi %add3A_860, %and3A_862 : vector<16xi32>
      %lt3A_864 = arith.constant 0 : i32
      %lt3A_865 = vector.broadcast %lt3A_864 : i32 to vector<16xi32>
      %lt3A_866 = arith.cmpi slt, %and3A_863, %lt3A_865 : vector<16xi32>
      %add3A_867 = arith.constant 16 : i32
      %add3A_868 = vector.broadcast %add3A_867 : i32 to vector<16xi32>
      %add3A_869 = arith.addi %and3A_863, %add3A_868 : vector<16xi32>
      %select_n3A_870 = arith.select %lt3A_866, %add3A_869, %and3A_863 : vector<16xi1>, vector<16xi32>
      %broadcast_in_dim3A_871 = vector.shape_cast %select_n3A_870 : vector<16xi32> to vector<16x1xi32>
      %gather3A_872 = vector.shape_cast %broadcast_in_dim3A_871 : vector<16x1xi32> to vector<16xi32>
      %gather3A_873 = tpu.dynamic_gather %add3A_857[%gather3A_872] in [0] : vector<16xf32>, vector<16xi32> -> vector<16xf32>
      %add3A_874 = arith.addf %add3A_857, %gather3A_873 : vector<16xf32>
      %add3A_875 = arith.constant 4 : i32
      %add3A_876 = vector.broadcast %add3A_875 : i32 to vector<16xi32>
      %add3A_877 = arith.addi %iota3A, %add3A_876 : vector<16xi32>
      %and3A_878 = arith.constant 15 : i32
      %and3A_879 = vector.broadcast %and3A_878 : i32 to vector<16xi32>
      %and3A_880 = arith.andi %add3A_877, %and3A_879 : vector<16xi32>
      %lt3A_881 = arith.constant 0 : i32
      %lt3A_882 = vector.broadcast %lt3A_881 : i32 to vector<16xi32>
      %lt3A_883 = arith.cmpi slt, %and3A_880, %lt3A_882 : vector<16xi32>
      %add3A_884 = arith.constant 16 : i32
      %add3A_885 = vector.broadcast %add3A_884 : i32 to vector<16xi32>
      %add3A_886 = arith.addi %and3A_880, %add3A_885 : vector<16xi32>
      %select_n3A_887 = arith.select %lt3A_883, %add3A_886, %and3A_880 : vector<16xi1>, vector<16xi32>
      %broadcast_in_dim3A_888 = vector.shape_cast %select_n3A_887 : vector<16xi32> to vector<16x1xi32>
      %gather3A_889 = vector.shape_cast %broadcast_in_dim3A_888 : vector<16x1xi32> to vector<16xi32>
      %gather3A_890 = tpu.dynamic_gather %add3A_874[%gather3A_889] in [0] : vector<16xf32>, vector<16xi32> -> vector<16xf32>
      %add3A_891 = arith.addf %add3A_874, %gather3A_890 : vector<16xf32>
      %add3A_892 = arith.constant 8 : i32
      %add3A_893 = vector.broadcast %add3A_892 : i32 to vector<16xi32>
      %add3A_894 = arith.addi %iota3A, %add3A_893 : vector<16xi32>
      %and3A_895 = arith.constant 15 : i32
      %and3A_896 = vector.broadcast %and3A_895 : i32 to vector<16xi32>
      %and3A_897 = arith.andi %add3A_894, %and3A_896 : vector<16xi32>
      %lt3A_898 = arith.constant 0 : i32
      %lt3A_899 = vector.broadcast %lt3A_898 : i32 to vector<16xi32>
      %lt3A_900 = arith.cmpi slt, %and3A_897, %lt3A_899 : vector<16xi32>
      %add3A_901 = arith.constant 16 : i32
      %add3A_902 = vector.broadcast %add3A_901 : i32 to vector<16xi32>
      %add3A_903 = arith.addi %and3A_897, %add3A_902 : vector<16xi32>
      %select_n3A_904 = arith.select %lt3A_900, %add3A_903, %and3A_897 : vector<16xi1>, vector<16xi32>
      %broadcast_in_dim3A_905 = vector.shape_cast %select_n3A_904 : vector<16xi32> to vector<16x1xi32>
      %gather3A_906 = vector.shape_cast %broadcast_in_dim3A_905 : vector<16x1xi32> to vector<16xi32>
      %gather3A_907 = tpu.dynamic_gather %add3A_891[%gather3A_906] in [0] : vector<16xf32>, vector<16xi32> -> vector<16xf32>
      %add3A_908 = arith.addf %add3A_891, %gather3A_907 : vector<16xf32>
      %mul3A_909 = arith.constant 9.765625E-4 : f32
      %mul3A_910 = vector.broadcast %mul3A_909 : f32 to vector<16xf32>
      %mul3A_911 = arith.mulf %add3A_908, %mul3A_910 : vector<16xf32>
      %mul3A_912 = arith.mulf %mul3A_840, %mul3A_840 : vector<16xf32>
      %sub3A_913 = arith.subf %mul3A_911, %mul3A_912 : vector<16xf32>
      %add3A_914 = arith.constant 9.99999974E-6 : f32
      %add3A_915 = vector.broadcast %add3A_914 : f32 to vector<16xf32>
      %add3A_916 = arith.addf %sub3A_913, %add3A_915 : vector<16xf32>
      %bitcast3A_917 = vector.bitcast %add3A_916 : vector<16xf32> to vector<16xi32>
      %shift_right_arithmetic3A_918 = arith.constant 1 : i32
      %shift_right_arithmetic3A_919 = vector.broadcast %shift_right_arithmetic3A_918 : i32 to vector<16xi32>
      %shift_right_arithmetic3A_920 = arith.shrsi %bitcast3A_917, %shift_right_arithmetic3A_919 : vector<16xi32>
      %sub3A_921 = arith.constant 1597463007 : i32
      %sub3A_922 = vector.broadcast %sub3A_921 : i32 to vector<16xi32>
      %sub3A_923 = arith.subi %sub3A_922, %shift_right_arithmetic3A_920 : vector<16xi32>
      %bitcast3A_924 = vector.bitcast %sub3A_923 : vector<16xi32> to vector<16xf32>
      %mul3A_925 = arith.constant 5.000000e-01 : f32
      %mul3A_926 = vector.broadcast %mul3A_925 : f32 to vector<16xf32>
      %mul3A_927 = arith.mulf %mul3A_926, %add3A_916 : vector<16xf32>
      %mul3A_928 = arith.mulf %mul3A_927, %bitcast3A_924 : vector<16xf32>
      %mul3A_929 = arith.mulf %mul3A_928, %bitcast3A_924 : vector<16xf32>
      %sub3A_930 = arith.constant 1.500000e+00 : f32
      %sub3A_931 = vector.broadcast %sub3A_930 : f32 to vector<16xf32>
      %sub3A_932 = arith.subf %sub3A_931, %mul3A_929 : vector<16xf32>
      %mul3A_933 = arith.mulf %bitcast3A_924, %sub3A_932 : vector<16xf32>
      %mul3A_934 = arith.constant 5.000000e-01 : f32
      %mul3A_935 = vector.broadcast %mul3A_934 : f32 to vector<16xf32>
      %mul3A_936 = arith.mulf %mul3A_935, %add3A_916 : vector<16xf32>
      %mul3A_937 = arith.mulf %mul3A_936, %mul3A_933 : vector<16xf32>
      %mul3A_938 = arith.mulf %mul3A_937, %mul3A_933 : vector<16xf32>
      %sub3A_939 = arith.constant 1.500000e+00 : f32
      %sub3A_940 = vector.broadcast %sub3A_939 : f32 to vector<16xf32>
      %sub3A_941 = arith.subf %sub3A_940, %mul3A_938 : vector<16xf32>
      %mul3A_942 = arith.mulf %mul3A_933, %sub3A_941 : vector<16xf32>
      %mul3A_943 = arith.constant 5.000000e-01 : f32
      %mul3A_944 = vector.broadcast %mul3A_943 : f32 to vector<16xf32>
      %mul3A_945 = arith.mulf %mul3A_944, %add3A_916 : vector<16xf32>
      %mul3A_946 = arith.mulf %mul3A_945, %mul3A_942 : vector<16xf32>
      %mul3A_947 = arith.mulf %mul3A_946, %mul3A_942 : vector<16xf32>
      %sub3A_948 = arith.constant 1.500000e+00 : f32
      %sub3A_949 = vector.broadcast %sub3A_948 : f32 to vector<16xf32>
      %sub3A_950 = arith.subf %sub3A_949, %mul3A_947 : vector<16xf32>
      %mul3A_951 = arith.mulf %mul3A_942, %sub3A_950 : vector<16xf32>
      %mul3A_952 = arith.mulf %mul3A_840, %mul3A_951 : vector<16xf32>
      %add3A_953 = arith.constant 1 : i32
      %add3A_954 = vector.broadcast %add3A_953 : i32 to vector<16xi32>
      %add3A_955 = arith.addi %iota3A, %add3A_954 : vector<16xi32>
      %and3A_956 = arith.constant 15 : i32
      %and3A_957 = vector.broadcast %and3A_956 : i32 to vector<16xi32>
      %and3A_958 = arith.andi %add3A_955, %and3A_957 : vector<16xi32>
      %lt3A_959 = arith.constant 0 : i32
      %lt3A_960 = vector.broadcast %lt3A_959 : i32 to vector<16xi32>
      %lt3A_961 = arith.cmpi slt, %and3A_958, %lt3A_960 : vector<16xi32>
      %add3A_962 = arith.constant 16 : i32
      %add3A_963 = vector.broadcast %add3A_962 : i32 to vector<16xi32>
      %add3A_964 = arith.addi %and3A_958, %add3A_963 : vector<16xi32>
      %select_n3A_965 = arith.select %lt3A_961, %add3A_964, %and3A_958 : vector<16xi1>, vector<16xi32>
      %broadcast_in_dim3A_966 = vector.shape_cast %select_n3A_965 : vector<16xi32> to vector<16x1xi32>
      %gather3A_967 = vector.shape_cast %broadcast_in_dim3A_966 : vector<16x1xi32> to vector<16xi32>
      %gather3A_968 = tpu.dynamic_gather %parallel_loop3A_223#8[%gather3A_967] in [0] : vector<16xf32>, vector<16xi32> -> vector<16xf32>
      %add3A_969 = arith.addf %parallel_loop3A_223#8, %gather3A_968 : vector<16xf32>
      %add3A_970 = arith.constant 2 : i32
      %add3A_971 = vector.broadcast %add3A_970 : i32 to vector<16xi32>
      %add3A_972 = arith.addi %iota3A, %add3A_971 : vector<16xi32>
      %and3A_973 = arith.constant 15 : i32
      %and3A_974 = vector.broadcast %and3A_973 : i32 to vector<16xi32>
      %and3A_975 = arith.andi %add3A_972, %and3A_974 : vector<16xi32>
      %lt3A_976 = arith.constant 0 : i32
      %lt3A_977 = vector.broadcast %lt3A_976 : i32 to vector<16xi32>
      %lt3A_978 = arith.cmpi slt, %and3A_975, %lt3A_977 : vector<16xi32>
      %add3A_979 = arith.constant 16 : i32
      %add3A_980 = vector.broadcast %add3A_979 : i32 to vector<16xi32>
      %add3A_981 = arith.addi %and3A_975, %add3A_980 : vector<16xi32>
      %select_n3A_982 = arith.select %lt3A_978, %add3A_981, %and3A_975 : vector<16xi1>, vector<16xi32>
      %broadcast_in_dim3A_983 = vector.shape_cast %select_n3A_982 : vector<16xi32> to vector<16x1xi32>
      %gather3A_984 = vector.shape_cast %broadcast_in_dim3A_983 : vector<16x1xi32> to vector<16xi32>
      %gather3A_985 = tpu.dynamic_gather %add3A_969[%gather3A_984] in [0] : vector<16xf32>, vector<16xi32> -> vector<16xf32>
      %add3A_986 = arith.addf %add3A_969, %gather3A_985 : vector<16xf32>
      %add3A_987 = arith.constant 4 : i32
      %add3A_988 = vector.broadcast %add3A_987 : i32 to vector<16xi32>
      %add3A_989 = arith.addi %iota3A, %add3A_988 : vector<16xi32>
      %and3A_990 = arith.constant 15 : i32
      %and3A_991 = vector.broadcast %and3A_990 : i32 to vector<16xi32>
      %and3A_992 = arith.andi %add3A_989, %and3A_991 : vector<16xi32>
      %lt3A_993 = arith.constant 0 : i32
      %lt3A_994 = vector.broadcast %lt3A_993 : i32 to vector<16xi32>
      %lt3A_995 = arith.cmpi slt, %and3A_992, %lt3A_994 : vector<16xi32>
      %add3A_996 = arith.constant 16 : i32
      %add3A_997 = vector.broadcast %add3A_996 : i32 to vector<16xi32>
      %add3A_998 = arith.addi %and3A_992, %add3A_997 : vector<16xi32>
      %select_n3A_999 = arith.select %lt3A_995, %add3A_998, %and3A_992 : vector<16xi1>, vector<16xi32>
      %broadcast_in_dim3A_1000 = vector.shape_cast %select_n3A_999 : vector<16xi32> to vector<16x1xi32>
      %gather3A_1001 = vector.shape_cast %broadcast_in_dim3A_1000 : vector<16x1xi32> to vector<16xi32>
      %gather3A_1002 = tpu.dynamic_gather %add3A_986[%gather3A_1001] in [0] : vector<16xf32>, vector<16xi32> -> vector<16xf32>
      %add3A_1003 = arith.addf %add3A_986, %gather3A_1002 : vector<16xf32>
      %add3A_1004 = arith.constant 8 : i32
      %add3A_1005 = vector.broadcast %add3A_1004 : i32 to vector<16xi32>
      %add3A_1006 = arith.addi %iota3A, %add3A_1005 : vector<16xi32>
      %and3A_1007 = arith.constant 15 : i32
      %and3A_1008 = vector.broadcast %and3A_1007 : i32 to vector<16xi32>
      %and3A_1009 = arith.andi %add3A_1006, %and3A_1008 : vector<16xi32>
      %lt3A_1010 = arith.constant 0 : i32
      %lt3A_1011 = vector.broadcast %lt3A_1010 : i32 to vector<16xi32>
      %lt3A_1012 = arith.cmpi slt, %and3A_1009, %lt3A_1011 : vector<16xi32>
      %add3A_1013 = arith.constant 16 : i32
      %add3A_1014 = vector.broadcast %add3A_1013 : i32 to vector<16xi32>
      %add3A_1015 = arith.addi %and3A_1009, %add3A_1014 : vector<16xi32>
      %select_n3A_1016 = arith.select %lt3A_1012, %add3A_1015, %and3A_1009 : vector<16xi1>, vector<16xi32>
      %broadcast_in_dim3A_1017 = vector.shape_cast %select_n3A_1016 : vector<16xi32> to vector<16x1xi32>
      %gather3A_1018 = vector.shape_cast %broadcast_in_dim3A_1017 : vector<16x1xi32> to vector<16xi32>
      %gather3A_1019 = tpu.dynamic_gather %add3A_1003[%gather3A_1018] in [0] : vector<16xf32>, vector<16xi32> -> vector<16xf32>
      %add3A_1020 = arith.addf %add3A_1003, %gather3A_1019 : vector<16xf32>
      %mul3A_1021 = arith.constant 9.765625E-4 : f32
      %mul3A_1022 = vector.broadcast %mul3A_1021 : f32 to vector<16xf32>
      %mul3A_1023 = arith.mulf %add3A_1020, %mul3A_1022 : vector<16xf32>
      %add3A_1024 = arith.constant 1 : i32
      %add3A_1025 = vector.broadcast %add3A_1024 : i32 to vector<16xi32>
      %add3A_1026 = arith.addi %iota3A, %add3A_1025 : vector<16xi32>
      %and3A_1027 = arith.constant 15 : i32
      %and3A_1028 = vector.broadcast %and3A_1027 : i32 to vector<16xi32>
      %and3A_1029 = arith.andi %add3A_1026, %and3A_1028 : vector<16xi32>
      %lt3A_1030 = arith.constant 0 : i32
      %lt3A_1031 = vector.broadcast %lt3A_1030 : i32 to vector<16xi32>
      %lt3A_1032 = arith.cmpi slt, %and3A_1029, %lt3A_1031 : vector<16xi32>
      %add3A_1033 = arith.constant 16 : i32
      %add3A_1034 = vector.broadcast %add3A_1033 : i32 to vector<16xi32>
      %add3A_1035 = arith.addi %and3A_1029, %add3A_1034 : vector<16xi32>
      %select_n3A_1036 = arith.select %lt3A_1032, %add3A_1035, %and3A_1029 : vector<16xi1>, vector<16xi32>
      %broadcast_in_dim3A_1037 = vector.shape_cast %select_n3A_1036 : vector<16xi32> to vector<16x1xi32>
      %gather3A_1038 = vector.shape_cast %broadcast_in_dim3A_1037 : vector<16x1xi32> to vector<16xi32>
      %gather3A_1039 = tpu.dynamic_gather %parallel_loop3A_223#9[%gather3A_1038] in [0] : vector<16xf32>, vector<16xi32> -> vector<16xf32>
      %add3A_1040 = arith.addf %parallel_loop3A_223#9, %gather3A_1039 : vector<16xf32>
      %add3A_1041 = arith.constant 2 : i32
      %add3A_1042 = vector.broadcast %add3A_1041 : i32 to vector<16xi32>
      %add3A_1043 = arith.addi %iota3A, %add3A_1042 : vector<16xi32>
      %and3A_1044 = arith.constant 15 : i32
      %and3A_1045 = vector.broadcast %and3A_1044 : i32 to vector<16xi32>
      %and3A_1046 = arith.andi %add3A_1043, %and3A_1045 : vector<16xi32>
      %lt3A_1047 = arith.constant 0 : i32
      %lt3A_1048 = vector.broadcast %lt3A_1047 : i32 to vector<16xi32>
      %lt3A_1049 = arith.cmpi slt, %and3A_1046, %lt3A_1048 : vector<16xi32>
      %add3A_1050 = arith.constant 16 : i32
      %add3A_1051 = vector.broadcast %add3A_1050 : i32 to vector<16xi32>
      %add3A_1052 = arith.addi %and3A_1046, %add3A_1051 : vector<16xi32>
      %select_n3A_1053 = arith.select %lt3A_1049, %add3A_1052, %and3A_1046 : vector<16xi1>, vector<16xi32>
      %broadcast_in_dim3A_1054 = vector.shape_cast %select_n3A_1053 : vector<16xi32> to vector<16x1xi32>
      %gather3A_1055 = vector.shape_cast %broadcast_in_dim3A_1054 : vector<16x1xi32> to vector<16xi32>
      %gather3A_1056 = tpu.dynamic_gather %add3A_1040[%gather3A_1055] in [0] : vector<16xf32>, vector<16xi32> -> vector<16xf32>
      %add3A_1057 = arith.addf %add3A_1040, %gather3A_1056 : vector<16xf32>
      %add3A_1058 = arith.constant 4 : i32
      %add3A_1059 = vector.broadcast %add3A_1058 : i32 to vector<16xi32>
      %add3A_1060 = arith.addi %iota3A, %add3A_1059 : vector<16xi32>
      %and3A_1061 = arith.constant 15 : i32
      %and3A_1062 = vector.broadcast %and3A_1061 : i32 to vector<16xi32>
      %and3A_1063 = arith.andi %add3A_1060, %and3A_1062 : vector<16xi32>
      %lt3A_1064 = arith.constant 0 : i32
      %lt3A_1065 = vector.broadcast %lt3A_1064 : i32 to vector<16xi32>
      %lt3A_1066 = arith.cmpi slt, %and3A_1063, %lt3A_1065 : vector<16xi32>
      %add3A_1067 = arith.constant 16 : i32
      %add3A_1068 = vector.broadcast %add3A_1067 : i32 to vector<16xi32>
      %add3A_1069 = arith.addi %and3A_1063, %add3A_1068 : vector<16xi32>
      %select_n3A_1070 = arith.select %lt3A_1066, %add3A_1069, %and3A_1063 : vector<16xi1>, vector<16xi32>
      %broadcast_in_dim3A_1071 = vector.shape_cast %select_n3A_1070 : vector<16xi32> to vector<16x1xi32>
      %gather3A_1072 = vector.shape_cast %broadcast_in_dim3A_1071 : vector<16x1xi32> to vector<16xi32>
      %gather3A_1073 = tpu.dynamic_gather %add3A_1057[%gather3A_1072] in [0] : vector<16xf32>, vector<16xi32> -> vector<16xf32>
      %add3A_1074 = arith.addf %add3A_1057, %gather3A_1073 : vector<16xf32>
      %add3A_1075 = arith.constant 8 : i32
      %add3A_1076 = vector.broadcast %add3A_1075 : i32 to vector<16xi32>
      %add3A_1077 = arith.addi %iota3A, %add3A_1076 : vector<16xi32>
      %and3A_1078 = arith.constant 15 : i32
      %and3A_1079 = vector.broadcast %and3A_1078 : i32 to vector<16xi32>
      %and3A_1080 = arith.andi %add3A_1077, %and3A_1079 : vector<16xi32>
      %lt3A_1081 = arith.constant 0 : i32
      %lt3A_1082 = vector.broadcast %lt3A_1081 : i32 to vector<16xi32>
      %lt3A_1083 = arith.cmpi slt, %and3A_1080, %lt3A_1082 : vector<16xi32>
      %add3A_1084 = arith.constant 16 : i32
      %add3A_1085 = vector.broadcast %add3A_1084 : i32 to vector<16xi32>
      %add3A_1086 = arith.addi %and3A_1080, %add3A_1085 : vector<16xi32>
      %select_n3A_1087 = arith.select %lt3A_1083, %add3A_1086, %and3A_1080 : vector<16xi1>, vector<16xi32>
      %broadcast_in_dim3A_1088 = vector.shape_cast %select_n3A_1087 : vector<16xi32> to vector<16x1xi32>
      %gather3A_1089 = vector.shape_cast %broadcast_in_dim3A_1088 : vector<16x1xi32> to vector<16xi32>
      %gather3A_1090 = tpu.dynamic_gather %add3A_1074[%gather3A_1089] in [0] : vector<16xf32>, vector<16xi32> -> vector<16xf32>
      %add3A_1091 = arith.addf %add3A_1074, %gather3A_1090 : vector<16xf32>
      %mul3A_1092 = arith.constant 9.765625E-4 : f32
      %mul3A_1093 = vector.broadcast %mul3A_1092 : f32 to vector<16xf32>
      %mul3A_1094 = arith.mulf %add3A_1091, %mul3A_1093 : vector<16xf32>
      %mul3A_1095 = arith.mulf %mul3A_1023, %mul3A_1023 : vector<16xf32>
      %sub3A_1096 = arith.subf %mul3A_1094, %mul3A_1095 : vector<16xf32>
      %add3A_1097 = arith.constant 9.99999974E-6 : f32
      %add3A_1098 = vector.broadcast %add3A_1097 : f32 to vector<16xf32>
      %add3A_1099 = arith.addf %sub3A_1096, %add3A_1098 : vector<16xf32>
      %bitcast3A_1100 = vector.bitcast %add3A_1099 : vector<16xf32> to vector<16xi32>
      %shift_right_arithmetic3A_1101 = arith.constant 1 : i32
      %shift_right_arithmetic3A_1102 = vector.broadcast %shift_right_arithmetic3A_1101 : i32 to vector<16xi32>
      %shift_right_arithmetic3A_1103 = arith.shrsi %bitcast3A_1100, %shift_right_arithmetic3A_1102 : vector<16xi32>
      %sub3A_1104 = arith.constant 1597463007 : i32
      %sub3A_1105 = vector.broadcast %sub3A_1104 : i32 to vector<16xi32>
      %sub3A_1106 = arith.subi %sub3A_1105, %shift_right_arithmetic3A_1103 : vector<16xi32>
      %bitcast3A_1107 = vector.bitcast %sub3A_1106 : vector<16xi32> to vector<16xf32>
      %mul3A_1108 = arith.constant 5.000000e-01 : f32
      %mul3A_1109 = vector.broadcast %mul3A_1108 : f32 to vector<16xf32>
      %mul3A_1110 = arith.mulf %mul3A_1109, %add3A_1099 : vector<16xf32>
      %mul3A_1111 = arith.mulf %mul3A_1110, %bitcast3A_1107 : vector<16xf32>
      %mul3A_1112 = arith.mulf %mul3A_1111, %bitcast3A_1107 : vector<16xf32>
      %sub3A_1113 = arith.constant 1.500000e+00 : f32
      %sub3A_1114 = vector.broadcast %sub3A_1113 : f32 to vector<16xf32>
      %sub3A_1115 = arith.subf %sub3A_1114, %mul3A_1112 : vector<16xf32>
      %mul3A_1116 = arith.mulf %bitcast3A_1107, %sub3A_1115 : vector<16xf32>
      %mul3A_1117 = arith.constant 5.000000e-01 : f32
      %mul3A_1118 = vector.broadcast %mul3A_1117 : f32 to vector<16xf32>
      %mul3A_1119 = arith.mulf %mul3A_1118, %add3A_1099 : vector<16xf32>
      %mul3A_1120 = arith.mulf %mul3A_1119, %mul3A_1116 : vector<16xf32>
      %mul3A_1121 = arith.mulf %mul3A_1120, %mul3A_1116 : vector<16xf32>
      %sub3A_1122 = arith.constant 1.500000e+00 : f32
      %sub3A_1123 = vector.broadcast %sub3A_1122 : f32 to vector<16xf32>
      %sub3A_1124 = arith.subf %sub3A_1123, %mul3A_1121 : vector<16xf32>
      %mul3A_1125 = arith.mulf %mul3A_1116, %sub3A_1124 : vector<16xf32>
      %mul3A_1126 = arith.constant 5.000000e-01 : f32
      %mul3A_1127 = vector.broadcast %mul3A_1126 : f32 to vector<16xf32>
      %mul3A_1128 = arith.mulf %mul3A_1127, %add3A_1099 : vector<16xf32>
      %mul3A_1129 = arith.mulf %mul3A_1128, %mul3A_1125 : vector<16xf32>
      %mul3A_1130 = arith.mulf %mul3A_1129, %mul3A_1125 : vector<16xf32>
      %sub3A_1131 = arith.constant 1.500000e+00 : f32
      %sub3A_1132 = vector.broadcast %sub3A_1131 : f32 to vector<16xf32>
      %sub3A_1133 = arith.subf %sub3A_1132, %mul3A_1130 : vector<16xf32>
      %mul3A_1134 = arith.mulf %mul3A_1125, %sub3A_1133 : vector<16xf32>
      %mul3A_1135 = arith.mulf %mul3A_1023, %mul3A_1134 : vector<16xf32>
      %add3A_1136 = arith.constant 1 : i32
      %add3A_1137 = vector.broadcast %add3A_1136 : i32 to vector<16xi32>
      %add3A_1138 = arith.addi %iota3A, %add3A_1137 : vector<16xi32>
      %and3A_1139 = arith.constant 15 : i32
      %and3A_1140 = vector.broadcast %and3A_1139 : i32 to vector<16xi32>
      %and3A_1141 = arith.andi %add3A_1138, %and3A_1140 : vector<16xi32>
      %lt3A_1142 = arith.constant 0 : i32
      %lt3A_1143 = vector.broadcast %lt3A_1142 : i32 to vector<16xi32>
      %lt3A_1144 = arith.cmpi slt, %and3A_1141, %lt3A_1143 : vector<16xi32>
      %add3A_1145 = arith.constant 16 : i32
      %add3A_1146 = vector.broadcast %add3A_1145 : i32 to vector<16xi32>
      %add3A_1147 = arith.addi %and3A_1141, %add3A_1146 : vector<16xi32>
      %select_n3A_1148 = arith.select %lt3A_1144, %add3A_1147, %and3A_1141 : vector<16xi1>, vector<16xi32>
      %broadcast_in_dim3A_1149 = vector.shape_cast %select_n3A_1148 : vector<16xi32> to vector<16x1xi32>
      %gather3A_1150 = vector.shape_cast %broadcast_in_dim3A_1149 : vector<16x1xi32> to vector<16xi32>
      %gather3A_1151 = tpu.dynamic_gather %parallel_loop3A_223#10[%gather3A_1150] in [0] : vector<16xf32>, vector<16xi32> -> vector<16xf32>
      %add3A_1152 = arith.addf %parallel_loop3A_223#10, %gather3A_1151 : vector<16xf32>
      %add3A_1153 = arith.constant 2 : i32
      %add3A_1154 = vector.broadcast %add3A_1153 : i32 to vector<16xi32>
      %add3A_1155 = arith.addi %iota3A, %add3A_1154 : vector<16xi32>
      %and3A_1156 = arith.constant 15 : i32
      %and3A_1157 = vector.broadcast %and3A_1156 : i32 to vector<16xi32>
      %and3A_1158 = arith.andi %add3A_1155, %and3A_1157 : vector<16xi32>
      %lt3A_1159 = arith.constant 0 : i32
      %lt3A_1160 = vector.broadcast %lt3A_1159 : i32 to vector<16xi32>
      %lt3A_1161 = arith.cmpi slt, %and3A_1158, %lt3A_1160 : vector<16xi32>
      %add3A_1162 = arith.constant 16 : i32
      %add3A_1163 = vector.broadcast %add3A_1162 : i32 to vector<16xi32>
      %add3A_1164 = arith.addi %and3A_1158, %add3A_1163 : vector<16xi32>
      %select_n3A_1165 = arith.select %lt3A_1161, %add3A_1164, %and3A_1158 : vector<16xi1>, vector<16xi32>
      %broadcast_in_dim3A_1166 = vector.shape_cast %select_n3A_1165 : vector<16xi32> to vector<16x1xi32>
      %gather3A_1167 = vector.shape_cast %broadcast_in_dim3A_1166 : vector<16x1xi32> to vector<16xi32>
      %gather3A_1168 = tpu.dynamic_gather %add3A_1152[%gather3A_1167] in [0] : vector<16xf32>, vector<16xi32> -> vector<16xf32>
      %add3A_1169 = arith.addf %add3A_1152, %gather3A_1168 : vector<16xf32>
      %add3A_1170 = arith.constant 4 : i32
      %add3A_1171 = vector.broadcast %add3A_1170 : i32 to vector<16xi32>
      %add3A_1172 = arith.addi %iota3A, %add3A_1171 : vector<16xi32>
      %and3A_1173 = arith.constant 15 : i32
      %and3A_1174 = vector.broadcast %and3A_1173 : i32 to vector<16xi32>
      %and3A_1175 = arith.andi %add3A_1172, %and3A_1174 : vector<16xi32>
      %lt3A_1176 = arith.constant 0 : i32
      %lt3A_1177 = vector.broadcast %lt3A_1176 : i32 to vector<16xi32>
      %lt3A_1178 = arith.cmpi slt, %and3A_1175, %lt3A_1177 : vector<16xi32>
      %add3A_1179 = arith.constant 16 : i32
      %add3A_1180 = vector.broadcast %add3A_1179 : i32 to vector<16xi32>
      %add3A_1181 = arith.addi %and3A_1175, %add3A_1180 : vector<16xi32>
      %select_n3A_1182 = arith.select %lt3A_1178, %add3A_1181, %and3A_1175 : vector<16xi1>, vector<16xi32>
      %broadcast_in_dim3A_1183 = vector.shape_cast %select_n3A_1182 : vector<16xi32> to vector<16x1xi32>
      %gather3A_1184 = vector.shape_cast %broadcast_in_dim3A_1183 : vector<16x1xi32> to vector<16xi32>
      %gather3A_1185 = tpu.dynamic_gather %add3A_1169[%gather3A_1184] in [0] : vector<16xf32>, vector<16xi32> -> vector<16xf32>
      %add3A_1186 = arith.addf %add3A_1169, %gather3A_1185 : vector<16xf32>
      %add3A_1187 = arith.constant 8 : i32
      %add3A_1188 = vector.broadcast %add3A_1187 : i32 to vector<16xi32>
      %add3A_1189 = arith.addi %iota3A, %add3A_1188 : vector<16xi32>
      %and3A_1190 = arith.constant 15 : i32
      %and3A_1191 = vector.broadcast %and3A_1190 : i32 to vector<16xi32>
      %and3A_1192 = arith.andi %add3A_1189, %and3A_1191 : vector<16xi32>
      %lt3A_1193 = arith.constant 0 : i32
      %lt3A_1194 = vector.broadcast %lt3A_1193 : i32 to vector<16xi32>
      %lt3A_1195 = arith.cmpi slt, %and3A_1192, %lt3A_1194 : vector<16xi32>
      %add3A_1196 = arith.constant 16 : i32
      %add3A_1197 = vector.broadcast %add3A_1196 : i32 to vector<16xi32>
      %add3A_1198 = arith.addi %and3A_1192, %add3A_1197 : vector<16xi32>
      %select_n3A_1199 = arith.select %lt3A_1195, %add3A_1198, %and3A_1192 : vector<16xi1>, vector<16xi32>
      %broadcast_in_dim3A_1200 = vector.shape_cast %select_n3A_1199 : vector<16xi32> to vector<16x1xi32>
      %gather3A_1201 = vector.shape_cast %broadcast_in_dim3A_1200 : vector<16x1xi32> to vector<16xi32>
      %gather3A_1202 = tpu.dynamic_gather %add3A_1186[%gather3A_1201] in [0] : vector<16xf32>, vector<16xi32> -> vector<16xf32>
      %add3A_1203 = arith.addf %add3A_1186, %gather3A_1202 : vector<16xf32>
      %mul3A_1204 = arith.constant 9.765625E-4 : f32
      %mul3A_1205 = vector.broadcast %mul3A_1204 : f32 to vector<16xf32>
      %mul3A_1206 = arith.mulf %add3A_1203, %mul3A_1205 : vector<16xf32>
      %add3A_1207 = arith.constant 1 : i32
      %add3A_1208 = vector.broadcast %add3A_1207 : i32 to vector<16xi32>
      %add3A_1209 = arith.addi %iota3A, %add3A_1208 : vector<16xi32>
      %and3A_1210 = arith.constant 15 : i32
      %and3A_1211 = vector.broadcast %and3A_1210 : i32 to vector<16xi32>
      %and3A_1212 = arith.andi %add3A_1209, %and3A_1211 : vector<16xi32>
      %lt3A_1213 = arith.constant 0 : i32
      %lt3A_1214 = vector.broadcast %lt3A_1213 : i32 to vector<16xi32>
      %lt3A_1215 = arith.cmpi slt, %and3A_1212, %lt3A_1214 : vector<16xi32>
      %add3A_1216 = arith.constant 16 : i32
      %add3A_1217 = vector.broadcast %add3A_1216 : i32 to vector<16xi32>
      %add3A_1218 = arith.addi %and3A_1212, %add3A_1217 : vector<16xi32>
      %select_n3A_1219 = arith.select %lt3A_1215, %add3A_1218, %and3A_1212 : vector<16xi1>, vector<16xi32>
      %broadcast_in_dim3A_1220 = vector.shape_cast %select_n3A_1219 : vector<16xi32> to vector<16x1xi32>
      %gather3A_1221 = vector.shape_cast %broadcast_in_dim3A_1220 : vector<16x1xi32> to vector<16xi32>
      %gather3A_1222 = tpu.dynamic_gather %parallel_loop3A_223#11[%gather3A_1221] in [0] : vector<16xf32>, vector<16xi32> -> vector<16xf32>
      %add3A_1223 = arith.addf %parallel_loop3A_223#11, %gather3A_1222 : vector<16xf32>
      %add3A_1224 = arith.constant 2 : i32
      %add3A_1225 = vector.broadcast %add3A_1224 : i32 to vector<16xi32>
      %add3A_1226 = arith.addi %iota3A, %add3A_1225 : vector<16xi32>
      %and3A_1227 = arith.constant 15 : i32
      %and3A_1228 = vector.broadcast %and3A_1227 : i32 to vector<16xi32>
      %and3A_1229 = arith.andi %add3A_1226, %and3A_1228 : vector<16xi32>
      %lt3A_1230 = arith.constant 0 : i32
      %lt3A_1231 = vector.broadcast %lt3A_1230 : i32 to vector<16xi32>
      %lt3A_1232 = arith.cmpi slt, %and3A_1229, %lt3A_1231 : vector<16xi32>
      %add3A_1233 = arith.constant 16 : i32
      %add3A_1234 = vector.broadcast %add3A_1233 : i32 to vector<16xi32>
      %add3A_1235 = arith.addi %and3A_1229, %add3A_1234 : vector<16xi32>
      %select_n3A_1236 = arith.select %lt3A_1232, %add3A_1235, %and3A_1229 : vector<16xi1>, vector<16xi32>
      %broadcast_in_dim3A_1237 = vector.shape_cast %select_n3A_1236 : vector<16xi32> to vector<16x1xi32>
      %gather3A_1238 = vector.shape_cast %broadcast_in_dim3A_1237 : vector<16x1xi32> to vector<16xi32>
      %gather3A_1239 = tpu.dynamic_gather %add3A_1223[%gather3A_1238] in [0] : vector<16xf32>, vector<16xi32> -> vector<16xf32>
      %add3A_1240 = arith.addf %add3A_1223, %gather3A_1239 : vector<16xf32>
      %add3A_1241 = arith.constant 4 : i32
      %add3A_1242 = vector.broadcast %add3A_1241 : i32 to vector<16xi32>
      %add3A_1243 = arith.addi %iota3A, %add3A_1242 : vector<16xi32>
      %and3A_1244 = arith.constant 15 : i32
      %and3A_1245 = vector.broadcast %and3A_1244 : i32 to vector<16xi32>
      %and3A_1246 = arith.andi %add3A_1243, %and3A_1245 : vector<16xi32>
      %lt3A_1247 = arith.constant 0 : i32
      %lt3A_1248 = vector.broadcast %lt3A_1247 : i32 to vector<16xi32>
      %lt3A_1249 = arith.cmpi slt, %and3A_1246, %lt3A_1248 : vector<16xi32>
      %add3A_1250 = arith.constant 16 : i32
      %add3A_1251 = vector.broadcast %add3A_1250 : i32 to vector<16xi32>
      %add3A_1252 = arith.addi %and3A_1246, %add3A_1251 : vector<16xi32>
      %select_n3A_1253 = arith.select %lt3A_1249, %add3A_1252, %and3A_1246 : vector<16xi1>, vector<16xi32>
      %broadcast_in_dim3A_1254 = vector.shape_cast %select_n3A_1253 : vector<16xi32> to vector<16x1xi32>
      %gather3A_1255 = vector.shape_cast %broadcast_in_dim3A_1254 : vector<16x1xi32> to vector<16xi32>
      %gather3A_1256 = tpu.dynamic_gather %add3A_1240[%gather3A_1255] in [0] : vector<16xf32>, vector<16xi32> -> vector<16xf32>
      %add3A_1257 = arith.addf %add3A_1240, %gather3A_1256 : vector<16xf32>
      %add3A_1258 = arith.constant 8 : i32
      %add3A_1259 = vector.broadcast %add3A_1258 : i32 to vector<16xi32>
      %add3A_1260 = arith.addi %iota3A, %add3A_1259 : vector<16xi32>
      %and3A_1261 = arith.constant 15 : i32
      %and3A_1262 = vector.broadcast %and3A_1261 : i32 to vector<16xi32>
      %and3A_1263 = arith.andi %add3A_1260, %and3A_1262 : vector<16xi32>
      %lt3A_1264 = arith.constant 0 : i32
      %lt3A_1265 = vector.broadcast %lt3A_1264 : i32 to vector<16xi32>
      %lt3A_1266 = arith.cmpi slt, %and3A_1263, %lt3A_1265 : vector<16xi32>
      %add3A_1267 = arith.constant 16 : i32
      %add3A_1268 = vector.broadcast %add3A_1267 : i32 to vector<16xi32>
      %add3A_1269 = arith.addi %and3A_1263, %add3A_1268 : vector<16xi32>
      %select_n3A_1270 = arith.select %lt3A_1266, %add3A_1269, %and3A_1263 : vector<16xi1>, vector<16xi32>
      %broadcast_in_dim3A_1271 = vector.shape_cast %select_n3A_1270 : vector<16xi32> to vector<16x1xi32>
      %gather3A_1272 = vector.shape_cast %broadcast_in_dim3A_1271 : vector<16x1xi32> to vector<16xi32>
      %gather3A_1273 = tpu.dynamic_gather %add3A_1257[%gather3A_1272] in [0] : vector<16xf32>, vector<16xi32> -> vector<16xf32>
      %add3A_1274 = arith.addf %add3A_1257, %gather3A_1273 : vector<16xf32>
      %mul3A_1275 = arith.constant 9.765625E-4 : f32
      %mul3A_1276 = vector.broadcast %mul3A_1275 : f32 to vector<16xf32>
      %mul3A_1277 = arith.mulf %add3A_1274, %mul3A_1276 : vector<16xf32>
      %mul3A_1278 = arith.mulf %mul3A_1206, %mul3A_1206 : vector<16xf32>
      %sub3A_1279 = arith.subf %mul3A_1277, %mul3A_1278 : vector<16xf32>
      %add3A_1280 = arith.constant 9.99999974E-6 : f32
      %add3A_1281 = vector.broadcast %add3A_1280 : f32 to vector<16xf32>
      %add3A_1282 = arith.addf %sub3A_1279, %add3A_1281 : vector<16xf32>
      %bitcast3A_1283 = vector.bitcast %add3A_1282 : vector<16xf32> to vector<16xi32>
      %shift_right_arithmetic3A_1284 = arith.constant 1 : i32
      %shift_right_arithmetic3A_1285 = vector.broadcast %shift_right_arithmetic3A_1284 : i32 to vector<16xi32>
      %shift_right_arithmetic3A_1286 = arith.shrsi %bitcast3A_1283, %shift_right_arithmetic3A_1285 : vector<16xi32>
      %sub3A_1287 = arith.constant 1597463007 : i32
      %sub3A_1288 = vector.broadcast %sub3A_1287 : i32 to vector<16xi32>
      %sub3A_1289 = arith.subi %sub3A_1288, %shift_right_arithmetic3A_1286 : vector<16xi32>
      %bitcast3A_1290 = vector.bitcast %sub3A_1289 : vector<16xi32> to vector<16xf32>
      %mul3A_1291 = arith.constant 5.000000e-01 : f32
      %mul3A_1292 = vector.broadcast %mul3A_1291 : f32 to vector<16xf32>
      %mul3A_1293 = arith.mulf %mul3A_1292, %add3A_1282 : vector<16xf32>
      %mul3A_1294 = arith.mulf %mul3A_1293, %bitcast3A_1290 : vector<16xf32>
      %mul3A_1295 = arith.mulf %mul3A_1294, %bitcast3A_1290 : vector<16xf32>
      %sub3A_1296 = arith.constant 1.500000e+00 : f32
      %sub3A_1297 = vector.broadcast %sub3A_1296 : f32 to vector<16xf32>
      %sub3A_1298 = arith.subf %sub3A_1297, %mul3A_1295 : vector<16xf32>
      %mul3A_1299 = arith.mulf %bitcast3A_1290, %sub3A_1298 : vector<16xf32>
      %mul3A_1300 = arith.constant 5.000000e-01 : f32
      %mul3A_1301 = vector.broadcast %mul3A_1300 : f32 to vector<16xf32>
      %mul3A_1302 = arith.mulf %mul3A_1301, %add3A_1282 : vector<16xf32>
      %mul3A_1303 = arith.mulf %mul3A_1302, %mul3A_1299 : vector<16xf32>
      %mul3A_1304 = arith.mulf %mul3A_1303, %mul3A_1299 : vector<16xf32>
      %sub3A_1305 = arith.constant 1.500000e+00 : f32
      %sub3A_1306 = vector.broadcast %sub3A_1305 : f32 to vector<16xf32>
      %sub3A_1307 = arith.subf %sub3A_1306, %mul3A_1304 : vector<16xf32>
      %mul3A_1308 = arith.mulf %mul3A_1299, %sub3A_1307 : vector<16xf32>
      %mul3A_1309 = arith.constant 5.000000e-01 : f32
      %mul3A_1310 = vector.broadcast %mul3A_1309 : f32 to vector<16xf32>
      %mul3A_1311 = arith.mulf %mul3A_1310, %add3A_1282 : vector<16xf32>
      %mul3A_1312 = arith.mulf %mul3A_1311, %mul3A_1308 : vector<16xf32>
      %mul3A_1313 = arith.mulf %mul3A_1312, %mul3A_1308 : vector<16xf32>
      %sub3A_1314 = arith.constant 1.500000e+00 : f32
      %sub3A_1315 = vector.broadcast %sub3A_1314 : f32 to vector<16xf32>
      %sub3A_1316 = arith.subf %sub3A_1315, %mul3A_1313 : vector<16xf32>
      %mul3A_1317 = arith.mulf %mul3A_1308, %sub3A_1316 : vector<16xf32>
      %mul3A_1318 = arith.mulf %mul3A_1206, %mul3A_1317 : vector<16xf32>
      %add3A_1319 = arith.constant 1 : i32
      %add3A_1320 = vector.broadcast %add3A_1319 : i32 to vector<16xi32>
      %add3A_1321 = arith.addi %iota3A, %add3A_1320 : vector<16xi32>
      %and3A_1322 = arith.constant 15 : i32
      %and3A_1323 = vector.broadcast %and3A_1322 : i32 to vector<16xi32>
      %and3A_1324 = arith.andi %add3A_1321, %and3A_1323 : vector<16xi32>
      %lt3A_1325 = arith.constant 0 : i32
      %lt3A_1326 = vector.broadcast %lt3A_1325 : i32 to vector<16xi32>
      %lt3A_1327 = arith.cmpi slt, %and3A_1324, %lt3A_1326 : vector<16xi32>
      %add3A_1328 = arith.constant 16 : i32
      %add3A_1329 = vector.broadcast %add3A_1328 : i32 to vector<16xi32>
      %add3A_1330 = arith.addi %and3A_1324, %add3A_1329 : vector<16xi32>
      %select_n3A_1331 = arith.select %lt3A_1327, %add3A_1330, %and3A_1324 : vector<16xi1>, vector<16xi32>
      %broadcast_in_dim3A_1332 = vector.shape_cast %select_n3A_1331 : vector<16xi32> to vector<16x1xi32>
      %gather3A_1333 = vector.shape_cast %broadcast_in_dim3A_1332 : vector<16x1xi32> to vector<16xi32>
      %gather3A_1334 = tpu.dynamic_gather %parallel_loop3A_223#12[%gather3A_1333] in [0] : vector<16xf32>, vector<16xi32> -> vector<16xf32>
      %add3A_1335 = arith.addf %parallel_loop3A_223#12, %gather3A_1334 : vector<16xf32>
      %add3A_1336 = arith.constant 2 : i32
      %add3A_1337 = vector.broadcast %add3A_1336 : i32 to vector<16xi32>
      %add3A_1338 = arith.addi %iota3A, %add3A_1337 : vector<16xi32>
      %and3A_1339 = arith.constant 15 : i32
      %and3A_1340 = vector.broadcast %and3A_1339 : i32 to vector<16xi32>
      %and3A_1341 = arith.andi %add3A_1338, %and3A_1340 : vector<16xi32>
      %lt3A_1342 = arith.constant 0 : i32
      %lt3A_1343 = vector.broadcast %lt3A_1342 : i32 to vector<16xi32>
      %lt3A_1344 = arith.cmpi slt, %and3A_1341, %lt3A_1343 : vector<16xi32>
      %add3A_1345 = arith.constant 16 : i32
      %add3A_1346 = vector.broadcast %add3A_1345 : i32 to vector<16xi32>
      %add3A_1347 = arith.addi %and3A_1341, %add3A_1346 : vector<16xi32>
      %select_n3A_1348 = arith.select %lt3A_1344, %add3A_1347, %and3A_1341 : vector<16xi1>, vector<16xi32>
      %broadcast_in_dim3A_1349 = vector.shape_cast %select_n3A_1348 : vector<16xi32> to vector<16x1xi32>
      %gather3A_1350 = vector.shape_cast %broadcast_in_dim3A_1349 : vector<16x1xi32> to vector<16xi32>
      %gather3A_1351 = tpu.dynamic_gather %add3A_1335[%gather3A_1350] in [0] : vector<16xf32>, vector<16xi32> -> vector<16xf32>
      %add3A_1352 = arith.addf %add3A_1335, %gather3A_1351 : vector<16xf32>
      %add3A_1353 = arith.constant 4 : i32
      %add3A_1354 = vector.broadcast %add3A_1353 : i32 to vector<16xi32>
      %add3A_1355 = arith.addi %iota3A, %add3A_1354 : vector<16xi32>
      %and3A_1356 = arith.constant 15 : i32
      %and3A_1357 = vector.broadcast %and3A_1356 : i32 to vector<16xi32>
      %and3A_1358 = arith.andi %add3A_1355, %and3A_1357 : vector<16xi32>
      %lt3A_1359 = arith.constant 0 : i32
      %lt3A_1360 = vector.broadcast %lt3A_1359 : i32 to vector<16xi32>
      %lt3A_1361 = arith.cmpi slt, %and3A_1358, %lt3A_1360 : vector<16xi32>
      %add3A_1362 = arith.constant 16 : i32
      %add3A_1363 = vector.broadcast %add3A_1362 : i32 to vector<16xi32>
      %add3A_1364 = arith.addi %and3A_1358, %add3A_1363 : vector<16xi32>
      %select_n3A_1365 = arith.select %lt3A_1361, %add3A_1364, %and3A_1358 : vector<16xi1>, vector<16xi32>
      %broadcast_in_dim3A_1366 = vector.shape_cast %select_n3A_1365 : vector<16xi32> to vector<16x1xi32>
      %gather3A_1367 = vector.shape_cast %broadcast_in_dim3A_1366 : vector<16x1xi32> to vector<16xi32>
      %gather3A_1368 = tpu.dynamic_gather %add3A_1352[%gather3A_1367] in [0] : vector<16xf32>, vector<16xi32> -> vector<16xf32>
      %add3A_1369 = arith.addf %add3A_1352, %gather3A_1368 : vector<16xf32>
      %add3A_1370 = arith.constant 8 : i32
      %add3A_1371 = vector.broadcast %add3A_1370 : i32 to vector<16xi32>
      %add3A_1372 = arith.addi %iota3A, %add3A_1371 : vector<16xi32>
      %and3A_1373 = arith.constant 15 : i32
      %and3A_1374 = vector.broadcast %and3A_1373 : i32 to vector<16xi32>
      %and3A_1375 = arith.andi %add3A_1372, %and3A_1374 : vector<16xi32>
      %lt3A_1376 = arith.constant 0 : i32
      %lt3A_1377 = vector.broadcast %lt3A_1376 : i32 to vector<16xi32>
      %lt3A_1378 = arith.cmpi slt, %and3A_1375, %lt3A_1377 : vector<16xi32>
      %add3A_1379 = arith.constant 16 : i32
      %add3A_1380 = vector.broadcast %add3A_1379 : i32 to vector<16xi32>
      %add3A_1381 = arith.addi %and3A_1375, %add3A_1380 : vector<16xi32>
      %select_n3A_1382 = arith.select %lt3A_1378, %add3A_1381, %and3A_1375 : vector<16xi1>, vector<16xi32>
      %broadcast_in_dim3A_1383 = vector.shape_cast %select_n3A_1382 : vector<16xi32> to vector<16x1xi32>
      %gather3A_1384 = vector.shape_cast %broadcast_in_dim3A_1383 : vector<16x1xi32> to vector<16xi32>
      %gather3A_1385 = tpu.dynamic_gather %add3A_1369[%gather3A_1384] in [0] : vector<16xf32>, vector<16xi32> -> vector<16xf32>
      %add3A_1386 = arith.addf %add3A_1369, %gather3A_1385 : vector<16xf32>
      %mul3A_1387 = arith.constant 9.765625E-4 : f32
      %mul3A_1388 = vector.broadcast %mul3A_1387 : f32 to vector<16xf32>
      %mul3A_1389 = arith.mulf %add3A_1386, %mul3A_1388 : vector<16xf32>
      %add3A_1390 = arith.constant 1 : i32
      %add3A_1391 = vector.broadcast %add3A_1390 : i32 to vector<16xi32>
      %add3A_1392 = arith.addi %iota3A, %add3A_1391 : vector<16xi32>
      %and3A_1393 = arith.constant 15 : i32
      %and3A_1394 = vector.broadcast %and3A_1393 : i32 to vector<16xi32>
      %and3A_1395 = arith.andi %add3A_1392, %and3A_1394 : vector<16xi32>
      %lt3A_1396 = arith.constant 0 : i32
      %lt3A_1397 = vector.broadcast %lt3A_1396 : i32 to vector<16xi32>
      %lt3A_1398 = arith.cmpi slt, %and3A_1395, %lt3A_1397 : vector<16xi32>
      %add3A_1399 = arith.constant 16 : i32
      %add3A_1400 = vector.broadcast %add3A_1399 : i32 to vector<16xi32>
      %add3A_1401 = arith.addi %and3A_1395, %add3A_1400 : vector<16xi32>
      %select_n3A_1402 = arith.select %lt3A_1398, %add3A_1401, %and3A_1395 : vector<16xi1>, vector<16xi32>
      %broadcast_in_dim3A_1403 = vector.shape_cast %select_n3A_1402 : vector<16xi32> to vector<16x1xi32>
      %gather3A_1404 = vector.shape_cast %broadcast_in_dim3A_1403 : vector<16x1xi32> to vector<16xi32>
      %gather3A_1405 = tpu.dynamic_gather %parallel_loop3A_223#13[%gather3A_1404] in [0] : vector<16xf32>, vector<16xi32> -> vector<16xf32>
      %add3A_1406 = arith.addf %parallel_loop3A_223#13, %gather3A_1405 : vector<16xf32>
      %add3A_1407 = arith.constant 2 : i32
      %add3A_1408 = vector.broadcast %add3A_1407 : i32 to vector<16xi32>
      %add3A_1409 = arith.addi %iota3A, %add3A_1408 : vector<16xi32>
      %and3A_1410 = arith.constant 15 : i32
      %and3A_1411 = vector.broadcast %and3A_1410 : i32 to vector<16xi32>
      %and3A_1412 = arith.andi %add3A_1409, %and3A_1411 : vector<16xi32>
      %lt3A_1413 = arith.constant 0 : i32
      %lt3A_1414 = vector.broadcast %lt3A_1413 : i32 to vector<16xi32>
      %lt3A_1415 = arith.cmpi slt, %and3A_1412, %lt3A_1414 : vector<16xi32>
      %add3A_1416 = arith.constant 16 : i32
      %add3A_1417 = vector.broadcast %add3A_1416 : i32 to vector<16xi32>
      %add3A_1418 = arith.addi %and3A_1412, %add3A_1417 : vector<16xi32>
      %select_n3A_1419 = arith.select %lt3A_1415, %add3A_1418, %and3A_1412 : vector<16xi1>, vector<16xi32>
      %broadcast_in_dim3A_1420 = vector.shape_cast %select_n3A_1419 : vector<16xi32> to vector<16x1xi32>
      %gather3A_1421 = vector.shape_cast %broadcast_in_dim3A_1420 : vector<16x1xi32> to vector<16xi32>
      %gather3A_1422 = tpu.dynamic_gather %add3A_1406[%gather3A_1421] in [0] : vector<16xf32>, vector<16xi32> -> vector<16xf32>
      %add3A_1423 = arith.addf %add3A_1406, %gather3A_1422 : vector<16xf32>
      %add3A_1424 = arith.constant 4 : i32
      %add3A_1425 = vector.broadcast %add3A_1424 : i32 to vector<16xi32>
      %add3A_1426 = arith.addi %iota3A, %add3A_1425 : vector<16xi32>
      %and3A_1427 = arith.constant 15 : i32
      %and3A_1428 = vector.broadcast %and3A_1427 : i32 to vector<16xi32>
      %and3A_1429 = arith.andi %add3A_1426, %and3A_1428 : vector<16xi32>
      %lt3A_1430 = arith.constant 0 : i32
      %lt3A_1431 = vector.broadcast %lt3A_1430 : i32 to vector<16xi32>
      %lt3A_1432 = arith.cmpi slt, %and3A_1429, %lt3A_1431 : vector<16xi32>
      %add3A_1433 = arith.constant 16 : i32
      %add3A_1434 = vector.broadcast %add3A_1433 : i32 to vector<16xi32>
      %add3A_1435 = arith.addi %and3A_1429, %add3A_1434 : vector<16xi32>
      %select_n3A_1436 = arith.select %lt3A_1432, %add3A_1435, %and3A_1429 : vector<16xi1>, vector<16xi32>
      %broadcast_in_dim3A_1437 = vector.shape_cast %select_n3A_1436 : vector<16xi32> to vector<16x1xi32>
      %gather3A_1438 = vector.shape_cast %broadcast_in_dim3A_1437 : vector<16x1xi32> to vector<16xi32>
      %gather3A_1439 = tpu.dynamic_gather %add3A_1423[%gather3A_1438] in [0] : vector<16xf32>, vector<16xi32> -> vector<16xf32>
      %add3A_1440 = arith.addf %add3A_1423, %gather3A_1439 : vector<16xf32>
      %add3A_1441 = arith.constant 8 : i32
      %add3A_1442 = vector.broadcast %add3A_1441 : i32 to vector<16xi32>
      %add3A_1443 = arith.addi %iota3A, %add3A_1442 : vector<16xi32>
      %and3A_1444 = arith.constant 15 : i32
      %and3A_1445 = vector.broadcast %and3A_1444 : i32 to vector<16xi32>
      %and3A_1446 = arith.andi %add3A_1443, %and3A_1445 : vector<16xi32>
      %lt3A_1447 = arith.constant 0 : i32
      %lt3A_1448 = vector.broadcast %lt3A_1447 : i32 to vector<16xi32>
      %lt3A_1449 = arith.cmpi slt, %and3A_1446, %lt3A_1448 : vector<16xi32>
      %add3A_1450 = arith.constant 16 : i32
      %add3A_1451 = vector.broadcast %add3A_1450 : i32 to vector<16xi32>
      %add3A_1452 = arith.addi %and3A_1446, %add3A_1451 : vector<16xi32>
      %select_n3A_1453 = arith.select %lt3A_1449, %add3A_1452, %and3A_1446 : vector<16xi1>, vector<16xi32>
      %broadcast_in_dim3A_1454 = vector.shape_cast %select_n3A_1453 : vector<16xi32> to vector<16x1xi32>
      %gather3A_1455 = vector.shape_cast %broadcast_in_dim3A_1454 : vector<16x1xi32> to vector<16xi32>
      %gather3A_1456 = tpu.dynamic_gather %add3A_1440[%gather3A_1455] in [0] : vector<16xf32>, vector<16xi32> -> vector<16xf32>
      %add3A_1457 = arith.addf %add3A_1440, %gather3A_1456 : vector<16xf32>
      %mul3A_1458 = arith.constant 9.765625E-4 : f32
      %mul3A_1459 = vector.broadcast %mul3A_1458 : f32 to vector<16xf32>
      %mul3A_1460 = arith.mulf %add3A_1457, %mul3A_1459 : vector<16xf32>
      %mul3A_1461 = arith.mulf %mul3A_1389, %mul3A_1389 : vector<16xf32>
      %sub3A_1462 = arith.subf %mul3A_1460, %mul3A_1461 : vector<16xf32>
      %add3A_1463 = arith.constant 9.99999974E-6 : f32
      %add3A_1464 = vector.broadcast %add3A_1463 : f32 to vector<16xf32>
      %add3A_1465 = arith.addf %sub3A_1462, %add3A_1464 : vector<16xf32>
      %bitcast3A_1466 = vector.bitcast %add3A_1465 : vector<16xf32> to vector<16xi32>
      %shift_right_arithmetic3A_1467 = arith.constant 1 : i32
      %shift_right_arithmetic3A_1468 = vector.broadcast %shift_right_arithmetic3A_1467 : i32 to vector<16xi32>
      %shift_right_arithmetic3A_1469 = arith.shrsi %bitcast3A_1466, %shift_right_arithmetic3A_1468 : vector<16xi32>
      %sub3A_1470 = arith.constant 1597463007 : i32
      %sub3A_1471 = vector.broadcast %sub3A_1470 : i32 to vector<16xi32>
      %sub3A_1472 = arith.subi %sub3A_1471, %shift_right_arithmetic3A_1469 : vector<16xi32>
      %bitcast3A_1473 = vector.bitcast %sub3A_1472 : vector<16xi32> to vector<16xf32>
      %mul3A_1474 = arith.constant 5.000000e-01 : f32
      %mul3A_1475 = vector.broadcast %mul3A_1474 : f32 to vector<16xf32>
      %mul3A_1476 = arith.mulf %mul3A_1475, %add3A_1465 : vector<16xf32>
      %mul3A_1477 = arith.mulf %mul3A_1476, %bitcast3A_1473 : vector<16xf32>
      %mul3A_1478 = arith.mulf %mul3A_1477, %bitcast3A_1473 : vector<16xf32>
      %sub3A_1479 = arith.constant 1.500000e+00 : f32
      %sub3A_1480 = vector.broadcast %sub3A_1479 : f32 to vector<16xf32>
      %sub3A_1481 = arith.subf %sub3A_1480, %mul3A_1478 : vector<16xf32>
      %mul3A_1482 = arith.mulf %bitcast3A_1473, %sub3A_1481 : vector<16xf32>
      %mul3A_1483 = arith.constant 5.000000e-01 : f32
      %mul3A_1484 = vector.broadcast %mul3A_1483 : f32 to vector<16xf32>
      %mul3A_1485 = arith.mulf %mul3A_1484, %add3A_1465 : vector<16xf32>
      %mul3A_1486 = arith.mulf %mul3A_1485, %mul3A_1482 : vector<16xf32>
      %mul3A_1487 = arith.mulf %mul3A_1486, %mul3A_1482 : vector<16xf32>
      %sub3A_1488 = arith.constant 1.500000e+00 : f32
      %sub3A_1489 = vector.broadcast %sub3A_1488 : f32 to vector<16xf32>
      %sub3A_1490 = arith.subf %sub3A_1489, %mul3A_1487 : vector<16xf32>
      %mul3A_1491 = arith.mulf %mul3A_1482, %sub3A_1490 : vector<16xf32>
      %mul3A_1492 = arith.constant 5.000000e-01 : f32
      %mul3A_1493 = vector.broadcast %mul3A_1492 : f32 to vector<16xf32>
      %mul3A_1494 = arith.mulf %mul3A_1493, %add3A_1465 : vector<16xf32>
      %mul3A_1495 = arith.mulf %mul3A_1494, %mul3A_1491 : vector<16xf32>
      %mul3A_1496 = arith.mulf %mul3A_1495, %mul3A_1491 : vector<16xf32>
      %sub3A_1497 = arith.constant 1.500000e+00 : f32
      %sub3A_1498 = vector.broadcast %sub3A_1497 : f32 to vector<16xf32>
      %sub3A_1499 = arith.subf %sub3A_1498, %mul3A_1496 : vector<16xf32>
      %mul3A_1500 = arith.mulf %mul3A_1491, %sub3A_1499 : vector<16xf32>
      %mul3A_1501 = arith.mulf %mul3A_1389, %mul3A_1500 : vector<16xf32>
      %add3A_1502 = arith.constant 1 : i32
      %add3A_1503 = vector.broadcast %add3A_1502 : i32 to vector<16xi32>
      %add3A_1504 = arith.addi %iota3A, %add3A_1503 : vector<16xi32>
      %and3A_1505 = arith.constant 15 : i32
      %and3A_1506 = vector.broadcast %and3A_1505 : i32 to vector<16xi32>
      %and3A_1507 = arith.andi %add3A_1504, %and3A_1506 : vector<16xi32>
      %lt3A_1508 = arith.constant 0 : i32
      %lt3A_1509 = vector.broadcast %lt3A_1508 : i32 to vector<16xi32>
      %lt3A_1510 = arith.cmpi slt, %and3A_1507, %lt3A_1509 : vector<16xi32>
      %add3A_1511 = arith.constant 16 : i32
      %add3A_1512 = vector.broadcast %add3A_1511 : i32 to vector<16xi32>
      %add3A_1513 = arith.addi %and3A_1507, %add3A_1512 : vector<16xi32>
      %select_n3A_1514 = arith.select %lt3A_1510, %add3A_1513, %and3A_1507 : vector<16xi1>, vector<16xi32>
      %broadcast_in_dim3A_1515 = vector.shape_cast %select_n3A_1514 : vector<16xi32> to vector<16x1xi32>
      %gather3A_1516 = vector.shape_cast %broadcast_in_dim3A_1515 : vector<16x1xi32> to vector<16xi32>
      %gather3A_1517 = tpu.dynamic_gather %parallel_loop3A_223#14[%gather3A_1516] in [0] : vector<16xf32>, vector<16xi32> -> vector<16xf32>
      %add3A_1518 = arith.addf %parallel_loop3A_223#14, %gather3A_1517 : vector<16xf32>
      %add3A_1519 = arith.constant 2 : i32
      %add3A_1520 = vector.broadcast %add3A_1519 : i32 to vector<16xi32>
      %add3A_1521 = arith.addi %iota3A, %add3A_1520 : vector<16xi32>
      %and3A_1522 = arith.constant 15 : i32
      %and3A_1523 = vector.broadcast %and3A_1522 : i32 to vector<16xi32>
      %and3A_1524 = arith.andi %add3A_1521, %and3A_1523 : vector<16xi32>
      %lt3A_1525 = arith.constant 0 : i32
      %lt3A_1526 = vector.broadcast %lt3A_1525 : i32 to vector<16xi32>
      %lt3A_1527 = arith.cmpi slt, %and3A_1524, %lt3A_1526 : vector<16xi32>
      %add3A_1528 = arith.constant 16 : i32
      %add3A_1529 = vector.broadcast %add3A_1528 : i32 to vector<16xi32>
      %add3A_1530 = arith.addi %and3A_1524, %add3A_1529 : vector<16xi32>
      %select_n3A_1531 = arith.select %lt3A_1527, %add3A_1530, %and3A_1524 : vector<16xi1>, vector<16xi32>
      %broadcast_in_dim3A_1532 = vector.shape_cast %select_n3A_1531 : vector<16xi32> to vector<16x1xi32>
      %gather3A_1533 = vector.shape_cast %broadcast_in_dim3A_1532 : vector<16x1xi32> to vector<16xi32>
      %gather3A_1534 = tpu.dynamic_gather %add3A_1518[%gather3A_1533] in [0] : vector<16xf32>, vector<16xi32> -> vector<16xf32>
      %add3A_1535 = arith.addf %add3A_1518, %gather3A_1534 : vector<16xf32>
      %add3A_1536 = arith.constant 4 : i32
      %add3A_1537 = vector.broadcast %add3A_1536 : i32 to vector<16xi32>
      %add3A_1538 = arith.addi %iota3A, %add3A_1537 : vector<16xi32>
      %and3A_1539 = arith.constant 15 : i32
      %and3A_1540 = vector.broadcast %and3A_1539 : i32 to vector<16xi32>
      %and3A_1541 = arith.andi %add3A_1538, %and3A_1540 : vector<16xi32>
      %lt3A_1542 = arith.constant 0 : i32
      %lt3A_1543 = vector.broadcast %lt3A_1542 : i32 to vector<16xi32>
      %lt3A_1544 = arith.cmpi slt, %and3A_1541, %lt3A_1543 : vector<16xi32>
      %add3A_1545 = arith.constant 16 : i32
      %add3A_1546 = vector.broadcast %add3A_1545 : i32 to vector<16xi32>
      %add3A_1547 = arith.addi %and3A_1541, %add3A_1546 : vector<16xi32>
      %select_n3A_1548 = arith.select %lt3A_1544, %add3A_1547, %and3A_1541 : vector<16xi1>, vector<16xi32>
      %broadcast_in_dim3A_1549 = vector.shape_cast %select_n3A_1548 : vector<16xi32> to vector<16x1xi32>
      %gather3A_1550 = vector.shape_cast %broadcast_in_dim3A_1549 : vector<16x1xi32> to vector<16xi32>
      %gather3A_1551 = tpu.dynamic_gather %add3A_1535[%gather3A_1550] in [0] : vector<16xf32>, vector<16xi32> -> vector<16xf32>
      %add3A_1552 = arith.addf %add3A_1535, %gather3A_1551 : vector<16xf32>
      %add3A_1553 = arith.constant 8 : i32
      %add3A_1554 = vector.broadcast %add3A_1553 : i32 to vector<16xi32>
      %add3A_1555 = arith.addi %iota3A, %add3A_1554 : vector<16xi32>
      %and3A_1556 = arith.constant 15 : i32
      %and3A_1557 = vector.broadcast %and3A_1556 : i32 to vector<16xi32>
      %and3A_1558 = arith.andi %add3A_1555, %and3A_1557 : vector<16xi32>
      %lt3A_1559 = arith.constant 0 : i32
      %lt3A_1560 = vector.broadcast %lt3A_1559 : i32 to vector<16xi32>
      %lt3A_1561 = arith.cmpi slt, %and3A_1558, %lt3A_1560 : vector<16xi32>
      %add3A_1562 = arith.constant 16 : i32
      %add3A_1563 = vector.broadcast %add3A_1562 : i32 to vector<16xi32>
      %add3A_1564 = arith.addi %and3A_1558, %add3A_1563 : vector<16xi32>
      %select_n3A_1565 = arith.select %lt3A_1561, %add3A_1564, %and3A_1558 : vector<16xi1>, vector<16xi32>
      %broadcast_in_dim3A_1566 = vector.shape_cast %select_n3A_1565 : vector<16xi32> to vector<16x1xi32>
      %gather3A_1567 = vector.shape_cast %broadcast_in_dim3A_1566 : vector<16x1xi32> to vector<16xi32>
      %gather3A_1568 = tpu.dynamic_gather %add3A_1552[%gather3A_1567] in [0] : vector<16xf32>, vector<16xi32> -> vector<16xf32>
      %add3A_1569 = arith.addf %add3A_1552, %gather3A_1568 : vector<16xf32>
      %mul3A_1570 = arith.constant 9.765625E-4 : f32
      %mul3A_1571 = vector.broadcast %mul3A_1570 : f32 to vector<16xf32>
      %mul3A_1572 = arith.mulf %add3A_1569, %mul3A_1571 : vector<16xf32>
      %add3A_1573 = arith.constant 1 : i32
      %add3A_1574 = vector.broadcast %add3A_1573 : i32 to vector<16xi32>
      %add3A_1575 = arith.addi %iota3A, %add3A_1574 : vector<16xi32>
      %and3A_1576 = arith.constant 15 : i32
      %and3A_1577 = vector.broadcast %and3A_1576 : i32 to vector<16xi32>
      %and3A_1578 = arith.andi %add3A_1575, %and3A_1577 : vector<16xi32>
      %lt3A_1579 = arith.constant 0 : i32
      %lt3A_1580 = vector.broadcast %lt3A_1579 : i32 to vector<16xi32>
      %lt3A_1581 = arith.cmpi slt, %and3A_1578, %lt3A_1580 : vector<16xi32>
      %add3A_1582 = arith.constant 16 : i32
      %add3A_1583 = vector.broadcast %add3A_1582 : i32 to vector<16xi32>
      %add3A_1584 = arith.addi %and3A_1578, %add3A_1583 : vector<16xi32>
      %select_n3A_1585 = arith.select %lt3A_1581, %add3A_1584, %and3A_1578 : vector<16xi1>, vector<16xi32>
      %broadcast_in_dim3A_1586 = vector.shape_cast %select_n3A_1585 : vector<16xi32> to vector<16x1xi32>
      %gather3A_1587 = vector.shape_cast %broadcast_in_dim3A_1586 : vector<16x1xi32> to vector<16xi32>
      %gather3A_1588 = tpu.dynamic_gather %parallel_loop3A_223#15[%gather3A_1587] in [0] : vector<16xf32>, vector<16xi32> -> vector<16xf32>
      %add3A_1589 = arith.addf %parallel_loop3A_223#15, %gather3A_1588 : vector<16xf32>
      %add3A_1590 = arith.constant 2 : i32
      %add3A_1591 = vector.broadcast %add3A_1590 : i32 to vector<16xi32>
      %add3A_1592 = arith.addi %iota3A, %add3A_1591 : vector<16xi32>
      %and3A_1593 = arith.constant 15 : i32
      %and3A_1594 = vector.broadcast %and3A_1593 : i32 to vector<16xi32>
      %and3A_1595 = arith.andi %add3A_1592, %and3A_1594 : vector<16xi32>
      %lt3A_1596 = arith.constant 0 : i32
      %lt3A_1597 = vector.broadcast %lt3A_1596 : i32 to vector<16xi32>
      %lt3A_1598 = arith.cmpi slt, %and3A_1595, %lt3A_1597 : vector<16xi32>
      %add3A_1599 = arith.constant 16 : i32
      %add3A_1600 = vector.broadcast %add3A_1599 : i32 to vector<16xi32>
      %add3A_1601 = arith.addi %and3A_1595, %add3A_1600 : vector<16xi32>
      %select_n3A_1602 = arith.select %lt3A_1598, %add3A_1601, %and3A_1595 : vector<16xi1>, vector<16xi32>
      %broadcast_in_dim3A_1603 = vector.shape_cast %select_n3A_1602 : vector<16xi32> to vector<16x1xi32>
      %gather3A_1604 = vector.shape_cast %broadcast_in_dim3A_1603 : vector<16x1xi32> to vector<16xi32>
      %gather3A_1605 = tpu.dynamic_gather %add3A_1589[%gather3A_1604] in [0] : vector<16xf32>, vector<16xi32> -> vector<16xf32>
      %add3A_1606 = arith.addf %add3A_1589, %gather3A_1605 : vector<16xf32>
      %add3A_1607 = arith.constant 4 : i32
      %add3A_1608 = vector.broadcast %add3A_1607 : i32 to vector<16xi32>
      %add3A_1609 = arith.addi %iota3A, %add3A_1608 : vector<16xi32>
      %and3A_1610 = arith.constant 15 : i32
      %and3A_1611 = vector.broadcast %and3A_1610 : i32 to vector<16xi32>
      %and3A_1612 = arith.andi %add3A_1609, %and3A_1611 : vector<16xi32>
      %lt3A_1613 = arith.constant 0 : i32
      %lt3A_1614 = vector.broadcast %lt3A_1613 : i32 to vector<16xi32>
      %lt3A_1615 = arith.cmpi slt, %and3A_1612, %lt3A_1614 : vector<16xi32>
      %add3A_1616 = arith.constant 16 : i32
      %add3A_1617 = vector.broadcast %add3A_1616 : i32 to vector<16xi32>
      %add3A_1618 = arith.addi %and3A_1612, %add3A_1617 : vector<16xi32>
      %select_n3A_1619 = arith.select %lt3A_1615, %add3A_1618, %and3A_1612 : vector<16xi1>, vector<16xi32>
      %broadcast_in_dim3A_1620 = vector.shape_cast %select_n3A_1619 : vector<16xi32> to vector<16x1xi32>
      %gather3A_1621 = vector.shape_cast %broadcast_in_dim3A_1620 : vector<16x1xi32> to vector<16xi32>
      %gather3A_1622 = tpu.dynamic_gather %add3A_1606[%gather3A_1621] in [0] : vector<16xf32>, vector<16xi32> -> vector<16xf32>
      %add3A_1623 = arith.addf %add3A_1606, %gather3A_1622 : vector<16xf32>
      %add3A_1624 = arith.constant 8 : i32
      %add3A_1625 = vector.broadcast %add3A_1624 : i32 to vector<16xi32>
      %add3A_1626 = arith.addi %iota3A, %add3A_1625 : vector<16xi32>
      %and3A_1627 = arith.constant 15 : i32
      %and3A_1628 = vector.broadcast %and3A_1627 : i32 to vector<16xi32>
      %and3A_1629 = arith.andi %add3A_1626, %and3A_1628 : vector<16xi32>
      %lt3A_1630 = arith.constant 0 : i32
      %lt3A_1631 = vector.broadcast %lt3A_1630 : i32 to vector<16xi32>
      %lt3A_1632 = arith.cmpi slt, %and3A_1629, %lt3A_1631 : vector<16xi32>
      %add3A_1633 = arith.constant 16 : i32
      %add3A_1634 = vector.broadcast %add3A_1633 : i32 to vector<16xi32>
      %add3A_1635 = arith.addi %and3A_1629, %add3A_1634 : vector<16xi32>
      %select_n3A_1636 = arith.select %lt3A_1632, %add3A_1635, %and3A_1629 : vector<16xi1>, vector<16xi32>
      %broadcast_in_dim3A_1637 = vector.shape_cast %select_n3A_1636 : vector<16xi32> to vector<16x1xi32>
      %gather3A_1638 = vector.shape_cast %broadcast_in_dim3A_1637 : vector<16x1xi32> to vector<16xi32>
      %gather3A_1639 = tpu.dynamic_gather %add3A_1623[%gather3A_1638] in [0] : vector<16xf32>, vector<16xi32> -> vector<16xf32>
      %add3A_1640 = arith.addf %add3A_1623, %gather3A_1639 : vector<16xf32>
      %mul3A_1641 = arith.constant 9.765625E-4 : f32
      %mul3A_1642 = vector.broadcast %mul3A_1641 : f32 to vector<16xf32>
      %mul3A_1643 = arith.mulf %add3A_1640, %mul3A_1642 : vector<16xf32>
      %mul3A_1644 = arith.mulf %mul3A_1572, %mul3A_1572 : vector<16xf32>
      %sub3A_1645 = arith.subf %mul3A_1643, %mul3A_1644 : vector<16xf32>
      %add3A_1646 = arith.constant 9.99999974E-6 : f32
      %add3A_1647 = vector.broadcast %add3A_1646 : f32 to vector<16xf32>
      %add3A_1648 = arith.addf %sub3A_1645, %add3A_1647 : vector<16xf32>
      %bitcast3A_1649 = vector.bitcast %add3A_1648 : vector<16xf32> to vector<16xi32>
      %shift_right_arithmetic3A_1650 = arith.constant 1 : i32
      %shift_right_arithmetic3A_1651 = vector.broadcast %shift_right_arithmetic3A_1650 : i32 to vector<16xi32>
      %shift_right_arithmetic3A_1652 = arith.shrsi %bitcast3A_1649, %shift_right_arithmetic3A_1651 : vector<16xi32>
      %sub3A_1653 = arith.constant 1597463007 : i32
      %sub3A_1654 = vector.broadcast %sub3A_1653 : i32 to vector<16xi32>
      %sub3A_1655 = arith.subi %sub3A_1654, %shift_right_arithmetic3A_1652 : vector<16xi32>
      %bitcast3A_1656 = vector.bitcast %sub3A_1655 : vector<16xi32> to vector<16xf32>
      %mul3A_1657 = arith.constant 5.000000e-01 : f32
      %mul3A_1658 = vector.broadcast %mul3A_1657 : f32 to vector<16xf32>
      %mul3A_1659 = arith.mulf %mul3A_1658, %add3A_1648 : vector<16xf32>
      %mul3A_1660 = arith.mulf %mul3A_1659, %bitcast3A_1656 : vector<16xf32>
      %mul3A_1661 = arith.mulf %mul3A_1660, %bitcast3A_1656 : vector<16xf32>
      %sub3A_1662 = arith.constant 1.500000e+00 : f32
      %sub3A_1663 = vector.broadcast %sub3A_1662 : f32 to vector<16xf32>
      %sub3A_1664 = arith.subf %sub3A_1663, %mul3A_1661 : vector<16xf32>
      %mul3A_1665 = arith.mulf %bitcast3A_1656, %sub3A_1664 : vector<16xf32>
      %mul3A_1666 = arith.constant 5.000000e-01 : f32
      %mul3A_1667 = vector.broadcast %mul3A_1666 : f32 to vector<16xf32>
      %mul3A_1668 = arith.mulf %mul3A_1667, %add3A_1648 : vector<16xf32>
      %mul3A_1669 = arith.mulf %mul3A_1668, %mul3A_1665 : vector<16xf32>
      %mul3A_1670 = arith.mulf %mul3A_1669, %mul3A_1665 : vector<16xf32>
      %sub3A_1671 = arith.constant 1.500000e+00 : f32
      %sub3A_1672 = vector.broadcast %sub3A_1671 : f32 to vector<16xf32>
      %sub3A_1673 = arith.subf %sub3A_1672, %mul3A_1670 : vector<16xf32>
      %mul3A_1674 = arith.mulf %mul3A_1665, %sub3A_1673 : vector<16xf32>
      %mul3A_1675 = arith.constant 5.000000e-01 : f32
      %mul3A_1676 = vector.broadcast %mul3A_1675 : f32 to vector<16xf32>
      %mul3A_1677 = arith.mulf %mul3A_1676, %add3A_1648 : vector<16xf32>
      %mul3A_1678 = arith.mulf %mul3A_1677, %mul3A_1674 : vector<16xf32>
      %mul3A_1679 = arith.mulf %mul3A_1678, %mul3A_1674 : vector<16xf32>
      %sub3A_1680 = arith.constant 1.500000e+00 : f32
      %sub3A_1681 = vector.broadcast %sub3A_1680 : f32 to vector<16xf32>
      %sub3A_1682 = arith.subf %sub3A_1681, %mul3A_1679 : vector<16xf32>
      %mul3A_1683 = arith.mulf %mul3A_1674, %sub3A_1682 : vector<16xf32>
      %mul3A_1684 = arith.mulf %mul3A_1572, %mul3A_1683 : vector<16xf32>
      %parallel_loop3A_1685 = arith.constant 0 : i32
      %parallel_loop3A_1686 = arith.constant 64 : i32
      %parallel_loop3A_1687 = arith.constant 1 : i32
      scf.for %parallel_loop3A_3242 = %parallel_loop3A_1685 to %parallel_loop3A_1686 step %parallel_loop3A_1687  : i32 {
        %parallel_loop3A_3243 = arith.constant 16 : i32
        %parallel_loop3A_3244 = arith.muli %parallel_loop3A_3242, %parallel_loop3A_3243 : i32
        %parallel_loop3A_3245 = arith.index_cast %parallel_loop3A_3244 : i32 to index
        %parallel_loop3A_3246 = tpu.vector_load %arg11[%parallel_loop3A_3245] {strides = array<i32>} : memref<1024xf32, #tpu.memory_space<vmem>>, vector<16xf32>,
        %parallel_loop3A_3247 = arith.index_cast %parallel_loop3A_3244 : i32 to index
        %parallel_loop3A_3248 = tpu.vector_load %arg12[%parallel_loop3A_3247] {strides = array<i32>} : memref<1024xf32, #tpu.memory_space<vmem>>, vector<16xf32>,
        %parallel_loop3A_3249 = arith.constant 0 : i32
        %parallel_loop3A_3250 = arith.index_cast %parallel_loop3A_3249 : i32 to index
        %parallel_loop3A_3251 = arith.index_cast %parallel_loop3A_3244 : i32 to index
        %parallel_loop3A_3252 = tpu.vector_load %arg17[%parallel_loop3A_3250, %parallel_loop3A_3251] {strides = array<i32>} : memref<8x1024xf32, #tpu.memory_space<vmem>>, vector<16xf32>,
        %parallel_loop3A_3253 = arith.mulf %parallel_loop3A_3252, %mul3A_402 : vector<16xf32>
        %parallel_loop3A_3254 = arith.subf %parallel_loop3A_3253, %mul3A_403 : vector<16xf32>
        %parallel_loop3A_3255 = arith.mulf %parallel_loop3A_3254, %parallel_loop3A_3246 : vector<16xf32>
        %parallel_loop3A_3256 = arith.addf %parallel_loop3A_3255, %parallel_loop3A_3248 : vector<16xf32>
        %parallel_loop3A_3257 = arith.constant 0 : i32
        %parallel_loop3A_3258 = arith.index_cast %parallel_loop3A_3257 : i32 to index
        %parallel_loop3A_3259 = arith.index_cast %parallel_loop3A_3244 : i32 to index
        %parallel_loop3A_3260 = tpu.vector_load %arg17[%parallel_loop3A_3258, %parallel_loop3A_3259] {strides = array<i32>} : memref<8x1024xf32, #tpu.memory_space<vmem>>, vector<16xf32>,
        tpu.vector_store %arg17[%parallel_loop3A_3258, %parallel_loop3A_3259], %parallel_loop3A_3256 {strides = array<i32>} : memref<8x1024xf32, #tpu.memory_space<vmem>>, vector<16xf32>,
        %parallel_loop3A_3261 = arith.constant 1 : i32
        %parallel_loop3A_3262 = arith.index_cast %parallel_loop3A_3261 : i32 to index
        %parallel_loop3A_3263 = arith.index_cast %parallel_loop3A_3244 : i32 to index
        %parallel_loop3A_3264 = tpu.vector_load %arg17[%parallel_loop3A_3262, %parallel_loop3A_3263] {strides = array<i32>} : memref<8x1024xf32, #tpu.memory_space<vmem>>, vector<16xf32>,
        %parallel_loop3A_3265 = arith.mulf %parallel_loop3A_3264, %mul3A_585 : vector<16xf32>
        %parallel_loop3A_3266 = arith.subf %parallel_loop3A_3265, %mul3A_586 : vector<16xf32>
        %parallel_loop3A_3267 = arith.mulf %parallel_loop3A_3266, %parallel_loop3A_3246 : vector<16xf32>
        %parallel_loop3A_3268 = arith.addf %parallel_loop3A_3267, %parallel_loop3A_3248 : vector<16xf32>
        %parallel_loop3A_3269 = arith.constant 1 : i32
        %parallel_loop3A_3270 = arith.index_cast %parallel_loop3A_3269 : i32 to index
        %parallel_loop3A_3271 = arith.index_cast %parallel_loop3A_3244 : i32 to index
        %parallel_loop3A_3272 = tpu.vector_load %arg17[%parallel_loop3A_3270, %parallel_loop3A_3271] {strides = array<i32>} : memref<8x1024xf32, #tpu.memory_space<vmem>>, vector<16xf32>,
        tpu.vector_store %arg17[%parallel_loop3A_3270, %parallel_loop3A_3271], %parallel_loop3A_3268 {strides = array<i32>} : memref<8x1024xf32, #tpu.memory_space<vmem>>, vector<16xf32>,
        %parallel_loop3A_3273 = arith.constant 2 : i32
        %parallel_loop3A_3274 = arith.index_cast %parallel_loop3A_3273 : i32 to index
        %parallel_loop3A_3275 = arith.index_cast %parallel_loop3A_3244 : i32 to index
        %parallel_loop3A_3276 = tpu.vector_load %arg17[%parallel_loop3A_3274, %parallel_loop3A_3275] {strides = array<i32>} : memref<8x1024xf32, #tpu.memory_space<vmem>>, vector<16xf32>,
        %parallel_loop3A_3277 = arith.mulf %parallel_loop3A_3276, %mul3A_768 : vector<16xf32>
        %parallel_loop3A_3278 = arith.subf %parallel_loop3A_3277, %mul3A_769 : vector<16xf32>
        %parallel_loop3A_3279 = arith.mulf %parallel_loop3A_3278, %parallel_loop3A_3246 : vector<16xf32>
        %parallel_loop3A_3280 = arith.addf %parallel_loop3A_3279, %parallel_loop3A_3248 : vector<16xf32>
        %parallel_loop3A_3281 = arith.constant 2 : i32
        %parallel_loop3A_3282 = arith.index_cast %parallel_loop3A_3281 : i32 to index
        %parallel_loop3A_3283 = arith.index_cast %parallel_loop3A_3244 : i32 to index
        %parallel_loop3A_3284 = tpu.vector_load %arg17[%parallel_loop3A_3282, %parallel_loop3A_3283] {strides = array<i32>} : memref<8x1024xf32, #tpu.memory_space<vmem>>, vector<16xf32>,
        tpu.vector_store %arg17[%parallel_loop3A_3282, %parallel_loop3A_3283], %parallel_loop3A_3280 {strides = array<i32>} : memref<8x1024xf32, #tpu.memory_space<vmem>>, vector<16xf32>,
        %parallel_loop3A_3285 = arith.constant 3 : i32
        %parallel_loop3A_3286 = arith.index_cast %parallel_loop3A_3285 : i32 to index
        %parallel_loop3A_3287 = arith.index_cast %parallel_loop3A_3244 : i32 to index
        %parallel_loop3A_3288 = tpu.vector_load %arg17[%parallel_loop3A_3286, %parallel_loop3A_3287] {strides = array<i32>} : memref<8x1024xf32, #tpu.memory_space<vmem>>, vector<16xf32>,
        %parallel_loop3A_3289 = arith.mulf %parallel_loop3A_3288, %mul3A_951 : vector<16xf32>
        %parallel_loop3A_3290 = arith.subf %parallel_loop3A_3289, %mul3A_952 : vector<16xf32>
        %parallel_loop3A_3291 = arith.mulf %parallel_loop3A_3290, %parallel_loop3A_3246 : vector<16xf32>
        %parallel_loop3A_3292 = arith.addf %parallel_loop3A_3291, %parallel_loop3A_3248 : vector<16xf32>
        %parallel_loop3A_3293 = arith.constant 3 : i32
        %parallel_loop3A_3294 = arith.index_cast %parallel_loop3A_3293 : i32 to index
        %parallel_loop3A_3295 = arith.index_cast %parallel_loop3A_3244 : i32 to index
        %parallel_loop3A_3296 = tpu.vector_load %arg17[%parallel_loop3A_3294, %parallel_loop3A_3295] {strides = array<i32>} : memref<8x1024xf32, #tpu.memory_space<vmem>>, vector<16xf32>,
        tpu.vector_store %arg17[%parallel_loop3A_3294, %parallel_loop3A_3295], %parallel_loop3A_3292 {strides = array<i32>} : memref<8x1024xf32, #tpu.memory_space<vmem>>, vector<16xf32>,
        %parallel_loop3A_3297 = arith.constant 4 : i32
        %parallel_loop3A_3298 = arith.index_cast %parallel_loop3A_3297 : i32 to index
        %parallel_loop3A_3299 = arith.index_cast %parallel_loop3A_3244 : i32 to index
        %parallel_loop3A_3300 = tpu.vector_load %arg17[%parallel_loop3A_3298, %parallel_loop3A_3299] {strides = array<i32>} : memref<8x1024xf32, #tpu.memory_space<vmem>>, vector<16xf32>,
        %parallel_loop3A_3301 = arith.mulf %parallel_loop3A_3300, %mul3A_1134 : vector<16xf32>
        %parallel_loop3A_3302 = arith.subf %parallel_loop3A_3301, %mul3A_1135 : vector<16xf32>
        %parallel_loop3A_3303 = arith.mulf %parallel_loop3A_3302, %parallel_loop3A_3246 : vector<16xf32>
        %parallel_loop3A_3304 = arith.addf %parallel_loop3A_3303, %parallel_loop3A_3248 : vector<16xf32>
        %parallel_loop3A_3305 = arith.constant 4 : i32
        %parallel_loop3A_3306 = arith.index_cast %parallel_loop3A_3305 : i32 to index
        %parallel_loop3A_3307 = arith.index_cast %parallel_loop3A_3244 : i32 to index
        %parallel_loop3A_3308 = tpu.vector_load %arg17[%parallel_loop3A_3306, %parallel_loop3A_3307] {strides = array<i32>} : memref<8x1024xf32, #tpu.memory_space<vmem>>, vector<16xf32>,
        tpu.vector_store %arg17[%parallel_loop3A_3306, %parallel_loop3A_3307], %parallel_loop3A_3304 {strides = array<i32>} : memref<8x1024xf32, #tpu.memory_space<vmem>>, vector<16xf32>,
        %parallel_loop3A_3309 = arith.constant 5 : i32
        %parallel_loop3A_3310 = arith.index_cast %parallel_loop3A_3309 : i32 to index
        %parallel_loop3A_3311 = arith.index_cast %parallel_loop3A_3244 : i32 to index
        %parallel_loop3A_3312 = tpu.vector_load %arg17[%parallel_loop3A_3310, %parallel_loop3A_3311] {strides = array<i32>} : memref<8x1024xf32, #tpu.memory_space<vmem>>, vector<16xf32>,
        %parallel_loop3A_3313 = arith.mulf %parallel_loop3A_3312, %mul3A_1317 : vector<16xf32>
        %parallel_loop3A_3314 = arith.subf %parallel_loop3A_3313, %mul3A_1318 : vector<16xf32>
        %parallel_loop3A_3315 = arith.mulf %parallel_loop3A_3314, %parallel_loop3A_3246 : vector<16xf32>
        %parallel_loop3A_3316 = arith.addf %parallel_loop3A_3315, %parallel_loop3A_3248 : vector<16xf32>
        %parallel_loop3A_3317 = arith.constant 5 : i32
        %parallel_loop3A_3318 = arith.index_cast %parallel_loop3A_3317 : i32 to index
        %parallel_loop3A_3319 = arith.index_cast %parallel_loop3A_3244 : i32 to index
        %parallel_loop3A_3320 = tpu.vector_load %arg17[%parallel_loop3A_3318, %parallel_loop3A_3319] {strides = array<i32>} : memref<8x1024xf32, #tpu.memory_space<vmem>>, vector<16xf32>,
        tpu.vector_store %arg17[%parallel_loop3A_3318, %parallel_loop3A_3319], %parallel_loop3A_3316 {strides = array<i32>} : memref<8x1024xf32, #tpu.memory_space<vmem>>, vector<16xf32>,
        %parallel_loop3A_3321 = arith.constant 6 : i32
        %parallel_loop3A_3322 = arith.index_cast %parallel_loop3A_3321 : i32 to index
        %parallel_loop3A_3323 = arith.index_cast %parallel_loop3A_3244 : i32 to index
        %parallel_loop3A_3324 = tpu.vector_load %arg17[%parallel_loop3A_3322, %parallel_loop3A_3323] {strides = array<i32>} : memref<8x1024xf32, #tpu.memory_space<vmem>>, vector<16xf32>,
        %parallel_loop3A_3325 = arith.mulf %parallel_loop3A_3324, %mul3A_1500 : vector<16xf32>
        %parallel_loop3A_3326 = arith.subf %parallel_loop3A_3325, %mul3A_1501 : vector<16xf32>
        %parallel_loop3A_3327 = arith.mulf %parallel_loop3A_3326, %parallel_loop3A_3246 : vector<16xf32>
        %parallel_loop3A_3328 = arith.addf %parallel_loop3A_3327, %parallel_loop3A_3248 : vector<16xf32>
        %parallel_loop3A_3329 = arith.constant 6 : i32
        %parallel_loop3A_3330 = arith.index_cast %parallel_loop3A_3329 : i32 to index
        %parallel_loop3A_3331 = arith.index_cast %parallel_loop3A_3244 : i32 to index
        %parallel_loop3A_3332 = tpu.vector_load %arg17[%parallel_loop3A_3330, %parallel_loop3A_3331] {strides = array<i32>} : memref<8x1024xf32, #tpu.memory_space<vmem>>, vector<16xf32>,
        tpu.vector_store %arg17[%parallel_loop3A_3330, %parallel_loop3A_3331], %parallel_loop3A_3328 {strides = array<i32>} : memref<8x1024xf32, #tpu.memory_space<vmem>>, vector<16xf32>,
        %parallel_loop3A_3333 = arith.constant 7 : i32
        %parallel_loop3A_3334 = arith.index_cast %parallel_loop3A_3333 : i32 to index
        %parallel_loop3A_3335 = arith.index_cast %parallel_loop3A_3244 : i32 to index
        %parallel_loop3A_3336 = tpu.vector_load %arg17[%parallel_loop3A_3334, %parallel_loop3A_3335] {strides = array<i32>} : memref<8x1024xf32, #tpu.memory_space<vmem>>, vector<16xf32>,
        %parallel_loop3A_3337 = arith.mulf %parallel_loop3A_3336, %mul3A_1683 : vector<16xf32>
        %parallel_loop3A_3338 = arith.subf %parallel_loop3A_3337, %mul3A_1684 : vector<16xf32>
        %parallel_loop3A_3339 = arith.mulf %parallel_loop3A_3338, %parallel_loop3A_3246 : vector<16xf32>
        %parallel_loop3A_3340 = arith.addf %parallel_loop3A_3339, %parallel_loop3A_3248 : vector<16xf32>
        %parallel_loop3A_3341 = arith.constant 7 : i32
        %parallel_loop3A_3342 = arith.index_cast %parallel_loop3A_3341 : i32 to index
        %parallel_loop3A_3343 = arith.index_cast %parallel_loop3A_3244 : i32 to index
        %parallel_loop3A_3344 = tpu.vector_load %arg17[%parallel_loop3A_3342, %parallel_loop3A_3343] {strides = array<i32>} : memref<8x1024xf32, #tpu.memory_space<vmem>>, vector<16xf32>,
        tpu.vector_store %arg17[%parallel_loop3A_3342, %parallel_loop3A_3343], %parallel_loop3A_3340 {strides = array<i32>} : memref<8x1024xf32, #tpu.memory_space<vmem>>, vector<16xf32>,
      } {sc.loop_unroll_factor = 1 : i64, sc.parallel_access}
      %mul3A_1688 = arith.constant 512 : i32
      %mul3A_1689 = arith.muli %select_n3A, %mul3A_1688 : i32
      %add3A_1690 = arith.addi %mul3A_1689, %mul3A_50 : i32
      %mul3A_1691 = arith.constant 8 : i32
      %mul3A_1692 = arith.muli %add3A_177, %mul3A_1691 : i32
      %add3A_1693 = arith.addi %add3A_1690, %mul3A_1692 : i32
      %dma_start3A_1694 = arith.constant 0 : i32
      %dma_start3A_1695 = tpu.memref_slice %arg7[%add3A_1693, %dma_start3A_1694] : memref<8192x1024xf32, #tpu.memory_space<hbm>> -> memref<8x1024xf32, #tpu.memory_space<hbm>>
      %dma_start3A_1696 = arith.constant 0 : i32
      %dma_start3A_1697 = tpu.memref_slice %arg7[%add3A_1693, %dma_start3A_1696] : memref<8192x1024xf32, #tpu.memory_space<hbm>> -> memref<8x1024xf32, #tpu.memory_space<hbm>>
      tpu.enqueue_dma source(%arg17 : memref<8x1024xf32, #tpu.memory_space<vmem>>) target(%dma_start3A_1697 : memref<8x1024xf32, #tpu.memory_space<hbm>>) target_semaphore(%arg26 : memref<!tpu.dma_semaphore, #tpu.memory_space<semaphore_mem>>)
      %add3A_1698 = arith.constant 2 : i32
      %add3A_1699 = arith.addi %add3A_177, %add3A_1698 : i32
      %lt3A_1700 = arith.constant 32 : i32
      %lt3A_1701 = arith.cmpi slt, %add3A_1699, %lt3A_1700 : i32
      %convert_element_type3A_1702 = arith.extui %lt3A_1701 : i1 to i32
      %cond3A_1703 = arith.constant 0 : i32
      %cond3A_1704 = arith.cmpi ne, %convert_element_type3A_1702, %cond3A_1703 : i32
      scf.if %cond3A_1704 {
        %add3A_3242 = arith.constant 2 : i32
        %add3A_3243 = arith.addi %add3A_177, %add3A_3242 : i32
        %mul3A_3244 = arith.constant 8 : i32
        %mul3A_3245 = arith.muli %add3A_3243, %mul3A_3244 : i32
        %add3A_3246 = arith.addi %mul3A_50, %mul3A_3245 : i32
        %dma_start3A_3247 = tpu.memref_slice %arg8[%add3A_3246] : memref<528xi32, #tpu.memory_space<vmem>> -> memref<8xi32, #tpu.memory_space<vmem>>
        %dma_start3A_3248 = arith.constant 0 : i32
        %dma_start3A_3249 = arith.constant 0 : i32
        %dma_start3A_3250 = tpu.memref_slice %arg3[%dma_start3A_3248, %dma_start3A_3249] : memref<50265x1024xf32, #tpu.memory_space<hbm>> -> memref<50265x1024xf32, #tpu.memory_space<hbm>>
        tpu.enqueue_indirect_dma source(%dma_start3A_3250 : memref<50265x1024xf32, #tpu.memory_space<hbm>>) target(%arg13 : memref<8x1024xf32, #tpu.memory_space<vmem>>) offsets(%dma_start3A_3247 : memref<8xi32, #tpu.memory_space<vmem>>) semaphore(%arg22 : memref<!tpu.dma_semaphore, #tpu.memory_space<semaphore_mem>>)
        %sub3A_3251 = arith.constant 1 : i32
        %sub3A_3252 = arith.subi %add3A_3246, %sub3A_3251 : i32
        %max3A_3253 = arith.constant 0 : i32
        %max3A_3254 = arith.maxsi %sub3A_3252, %max3A_3253 : i32
        %gt3A_3255 = arith.constant 0 : i32
        %gt3A_3256 = arith.cmpi sgt, %add3A_3246, %gt3A_3255 : i32
        %get3A_3257 = arith.index_cast %max3A_3254 : i32 to index
        %get3A_3258 = tpu.vector_load %arg10[%get3A_3257] {strides = array<i32>} : memref<528xi32, #tpu.memory_space<vmem>>, vector<16xi32>,
        %slice3A_3259 = vector.extract_strided_slice %get3A_3258 {offsets = [0], sizes = [1], strides = [1]} : vector<16xi32> to vector<1xi32>
        %squeeze3A_3260 = vector.extract %slice3A_3259[0] : i32 from vector<1xi32>
        %jit3A_3261 = arith.constant 0 : i32
        %select_n3A_3262 = arith.select %gt3A_3256, %squeeze3A_3260, %jit3A_3261 : i32
        %add3A_3263 = arith.constant 1 : i32
        %add3A_3264 = arith.addi %select_n3A_3262, %add3A_3263 : i32
        %rem3A_3265 = arith.constant 8 : i32
        %rem3A_3266 = arith.remsi %add3A_3264, %rem3A_3265 : i32
        %sub3A_3267 = arith.subi %add3A_3264, %rem3A_3266 : i32
        %multiple_of3A_3268 = tpu.assume_multiple %sub3A_3267, 8 : i32
        %dma_start3A_3269 = arith.constant 0 : i32
        %dma_start3A_3270 = arith.constant 0 : i32
        %dma_start3A_3271 = tpu.memref_slice %arg15[%dma_start3A_3269, %dma_start3A_3270] : memref<17x1024xf32, #tpu.memory_space<vmem>> -> memref<16x1024xf32, #tpu.memory_space<vmem>>
        %dma_start3A_3272 = arith.constant 0 : i32
        %dma_start3A_3273 = tpu.memref_slice %arg21[%multiple_of3A_3268, %dma_start3A_3272] : memref<528x1024xf32, #tpu.memory_space<vmem_shared>> -> memref<16x1024xf32, #tpu.memory_space<vmem_shared>>
        %dma_start3A_3274 = arith.constant 0 : i32
        %dma_start3A_3275 = arith.constant 0 : i32
        %dma_start3A_3276 = tpu.memref_slice %arg15[%dma_start3A_3274, %dma_start3A_3275] : memref<17x1024xf32, #tpu.memory_space<vmem>> -> memref<16x1024xf32, #tpu.memory_space<vmem>>
        %dma_start3A_3277 = arith.constant 0 : i32
        %dma_start3A_3278 = tpu.memref_slice %arg21[%multiple_of3A_3268, %dma_start3A_3277] : memref<528x1024xf32, #tpu.memory_space<vmem_shared>> -> memref<16x1024xf32, #tpu.memory_space<vmem_shared>>
        tpu.enqueue_dma source(%dma_start3A_3278 : memref<16x1024xf32, #tpu.memory_space<vmem_shared>>) target(%dma_start3A_3276 : memref<16x1024xf32, #tpu.memory_space<vmem>>) target_semaphore(%arg24 : memref<!tpu.dma_semaphore, #tpu.memory_space<semaphore_mem>>)
        %get3A_3279 = arith.index_cast %add3A_3246 : i32 to index
        %get3A_3280 = tpu.vector_load %arg9[%get3A_3279] {strides = array<i32>} : memref<528xi32, #tpu.memory_space<vmem>>, vector<16xi32>,
        %get3A_3281 = arith.index_cast %add3A_3246 : i32 to index
        %get3A_3282 = tpu.vector_load %arg8[%get3A_3281] {strides = array<i32>} : memref<528xi32, #tpu.memory_space<vmem>>, vector<16xi32>,
        %broadcast_in_dim3A_3283 = vector.broadcast %multiple_of3A_3268 : i32 to vector<16xi32>
        %sub3A_3284 = arith.subi %get3A_3280, %broadcast_in_dim3A_3283 : vector<16xi32>
        %eq3A_3285 = arith.constant 1 : i32
        %eq3A_3286 = vector.broadcast %eq3A_3285 : i32 to vector<16xi32>
        %eq3A_3287 = arith.cmpi eq, %get3A_3282, %eq3A_3286 : vector<16xi32>
        %jit3A_3288 = arith.constant 16 : i32
        %broadcast_in_dim3A_3289 = vector.broadcast %jit3A_3288 : i32 to vector<16xi32>
        %select_n3A_3290 = arith.select %eq3A_3287, %broadcast_in_dim3A_3289, %sub3A_3284 : vector<16xi1>, vector<16xi32>
        %swap3A_3291 = arith.constant 0 : index
        %swap3A_3292 = tpu.vector_load %arg19[%swap3A_3291] {strides = array<i32>} : memref<16xi32, #tpu.memory_space<vmem>>, vector<16xi32>,
        tpu.vector_store %arg19[%swap3A_3291], %select_n3A_3290 {strides = array<i32>} : memref<16xi32, #tpu.memory_space<vmem>>, vector<16xi32>,
      } else {
      }
      %mul3A_1705 = arith.constant 2 : i32
      %mul3A_1706 = arith.muli %mul3A_1705, %scan3A_172 : i32
      %add3A_1707 = arith.constant 1 : i32
      %add3A_1708 = arith.addi %mul3A_1706, %add3A_1707 : i32
      %gt3A_1709 = arith.constant 0 : i32
      %gt3A_1710 = arith.cmpi sgt, %scan3A_172, %gt3A_1709 : i32
      %convert_element_type3A_1711 = arith.extui %gt3A_1710 : i1 to i32
      %cond3A_1712 = arith.constant 0 : i32
      %cond3A_1713 = arith.cmpi ne, %convert_element_type3A_1711, %cond3A_1712 : i32
      scf.if %cond3A_1713 {
        %dma_wait3A_3242 = arith.constant 0 : i32
        %dma_wait3A_3243 = arith.constant 0 : i32
        %dma_wait3A_3244 = tpu.memref_slice %arg7[%dma_wait3A_3242, %dma_wait3A_3243] : memref<8192x1024xf32, #tpu.memory_space<hbm>> -> memref<8x1024xf32, #tpu.memory_space<hbm>>
        %dma_wait3A_3245 = arith.constant 0 : i32
        %dma_wait3A_3246 = arith.constant 0 : i32
        %dma_wait3A_3247 = tpu.memref_slice %arg7[%dma_wait3A_3245, %dma_wait3A_3246] : memref<8192x1024xf32, #tpu.memory_space<hbm>> -> memref<8x1024xf32, #tpu.memory_space<hbm>>
        tpu.wait_dma2 semaphore(%arg27 : memref<!tpu.dma_semaphore, #tpu.memory_space<semaphore_mem>>) src(%arg18 : memref<8x1024xf32, #tpu.memory_space<vmem>>) dst(%dma_wait3A_3247 : memref<8x1024xf32, #tpu.memory_space<hbm>>)
      } else {
      }
      %dma_wait3A_1714 = arith.constant 0 : i32
      %dma_wait3A_1715 = arith.constant 0 : i32
      %dma_wait3A_1716 = tpu.memref_slice %arg3[%dma_wait3A_1714, %dma_wait3A_1715] : memref<50265x1024xf32, #tpu.memory_space<hbm>> -> memref<8x1024xf32, #tpu.memory_space<hbm>>
      %dma_wait3A_1717 = arith.constant 0 : i32
      %dma_wait3A_1718 = arith.constant 0 : i32
      %dma_wait3A_1719 = tpu.memref_slice %arg3[%dma_wait3A_1717, %dma_wait3A_1718] : memref<50265x1024xf32, #tpu.memory_space<hbm>> -> memref<8x1024xf32, #tpu.memory_space<hbm>>
      tpu.wait_dma2 semaphore(%arg23 : memref<!tpu.dma_semaphore, #tpu.memory_space<semaphore_mem>>) src(%dma_wait3A_1719 : memref<8x1024xf32, #tpu.memory_space<hbm>>) dst(%arg14 : memref<8x1024xf32, #tpu.memory_space<vmem>>)
      %dma_wait3A_1720 = arith.constant 0 : i32
      %dma_wait3A_1721 = arith.constant 0 : i32
      %dma_wait3A_1722 = tpu.memref_slice %arg16[%dma_wait3A_1720, %dma_wait3A_1721] : memref<17x1024xf32, #tpu.memory_space<vmem>> -> memref<16x1024xf32, #tpu.memory_space<vmem>>
      %dma_wait3A_1723 = arith.constant 0 : i32
      %dma_wait3A_1724 = arith.constant 0 : i32
      %dma_wait3A_1725 = tpu.memref_slice %arg21[%dma_wait3A_1723, %dma_wait3A_1724] : memref<528x1024xf32, #tpu.memory_space<vmem_shared>> -> memref<16x1024xf32, #tpu.memory_space<vmem_shared>>
      %dma_wait3A_1726 = arith.constant 0 : i32
      %dma_wait3A_1727 = arith.constant 0 : i32
      %dma_wait3A_1728 = tpu.memref_slice %arg16[%dma_wait3A_1726, %dma_wait3A_1727] : memref<17x1024xf32, #tpu.memory_space<vmem>> -> memref<16x1024xf32, #tpu.memory_space<vmem>>
      %dma_wait3A_1729 = arith.constant 0 : i32
      %dma_wait3A_1730 = arith.constant 0 : i32
      %dma_wait3A_1731 = tpu.memref_slice %arg21[%dma_wait3A_1729, %dma_wait3A_1730] : memref<528x1024xf32, #tpu.memory_space<vmem_shared>> -> memref<16x1024xf32, #tpu.memory_space<vmem_shared>>
      tpu.wait_dma2 semaphore(%arg25 : memref<!tpu.dma_semaphore, #tpu.memory_space<semaphore_mem>>) src(%dma_wait3A_1731 : memref<16x1024xf32, #tpu.memory_space<vmem_shared>>) dst(%dma_wait3A_1728 : memref<16x1024xf32, #tpu.memory_space<vmem>>)
      %get3A_1732 = arith.constant 0 : index
      %get3A_1733 = tpu.vector_load %arg20[%get3A_1732] {strides = array<i32>} : memref<16xi32, #tpu.memory_space<vmem>>, vector<16xi32>,
      %slice3A_1734 = vector.extract_strided_slice %get3A_1733 {offsets = [0], sizes = [1], strides = [1]} : vector<16xi32> to vector<1xi32>
      %squeeze3A_1735 = vector.extract %slice3A_1734[0] : i32 from vector<1xi32>
      %slice3A_1736 = vector.extract_strided_slice %get3A_1733 {offsets = [1], sizes = [1], strides = [1]} : vector<16xi32> to vector<1xi32>
      %squeeze3A_1737 = vector.extract %slice3A_1736[0] : i32 from vector<1xi32>
      %slice3A_1738 = vector.extract_strided_slice %get3A_1733 {offsets = [2], sizes = [1], strides = [1]} : vector<16xi32> to vector<1xi32>
      %squeeze3A_1739 = vector.extract %slice3A_1738[0] : i32 from vector<1xi32>
      %slice3A_1740 = vector.extract_strided_slice %get3A_1733 {offsets = [3], sizes = [1], strides = [1]} : vector<16xi32> to vector<1xi32>
      %squeeze3A_1741 = vector.extract %slice3A_1740[0] : i32 from vector<1xi32>
      %slice3A_1742 = vector.extract_strided_slice %get3A_1733 {offsets = [4], sizes = [1], strides = [1]} : vector<16xi32> to vector<1xi32>
      %squeeze3A_1743 = vector.extract %slice3A_1742[0] : i32 from vector<1xi32>
      %slice3A_1744 = vector.extract_strided_slice %get3A_1733 {offsets = [5], sizes = [1], strides = [1]} : vector<16xi32> to vector<1xi32>
      %squeeze3A_1745 = vector.extract %slice3A_1744[0] : i32 from vector<1xi32>
      %slice3A_1746 = vector.extract_strided_slice %get3A_1733 {offsets = [6], sizes = [1], strides = [1]} : vector<16xi32> to vector<1xi32>
      %squeeze3A_1747 = vector.extract %slice3A_1746[0] : i32 from vector<1xi32>
      %slice3A_1748 = vector.extract_strided_slice %get3A_1733 {offsets = [7], sizes = [1], strides = [1]} : vector<16xi32> to vector<1xi32>
      %squeeze3A_1749 = vector.extract %slice3A_1748[0] : i32 from vector<1xi32>
      %iota3A_1750 = tpu.iota {dimensions = array<i32: 0>} : vector<16xi32>
      %broadcast_in_dim3A_1751 = arith.constant 0.000000e+00 : f32
      %broadcast_in_dim3A_1752 = vector.broadcast %broadcast_in_dim3A_1751 : f32 to vector<16xf32>
      %parallel_loop3A_1753 = arith.constant 0 : i32
      %parallel_loop3A_1754 = arith.constant 64 : i32
      %parallel_loop3A_1755 = arith.constant 1 : i32
      %parallel_loop3A_1756:16 = scf.for %parallel_loop3A_3242 = %parallel_loop3A_1753 to %parallel_loop3A_1754 step %parallel_loop3A_1755 iter_args(%parallel_loop3A_3243 = %broadcast_in_dim3A_1752, %parallel_loop3A_3244 = %broadcast_in_dim3A_1752, %parallel_loop3A_3245 = %broadcast_in_dim3A_1752, %parallel_loop3A_3246 = %broadcast_in_dim3A_1752, %parallel_loop3A_3247 = %broadcast_in_dim3A_1752, %parallel_loop3A_3248 = %broadcast_in_dim3A_1752, %parallel_loop3A_3249 = %broadcast_in_dim3A_1752, %parallel_loop3A_3250 = %broadcast_in_dim3A_1752, %parallel_loop3A_3251 = %broadcast_in_dim3A_1752, %parallel_loop3A_3252 = %broadcast_in_dim3A_1752, %parallel_loop3A_3253 = %broadcast_in_dim3A_1752, %parallel_loop3A_3254 = %broadcast_in_dim3A_1752, %parallel_loop3A_3255 = %broadcast_in_dim3A_1752, %parallel_loop3A_3256 = %broadcast_in_dim3A_1752, %parallel_loop3A_3257 = %broadcast_in_dim3A_1752, %parallel_loop3A_3258 = %broadcast_in_dim3A_1752) -> (vector<16xf32>, vector<16xf32>, vector<16xf32>, vector<16xf32>, vector<16xf32>, vector<16xf32>, vector<16xf32>, vector<16xf32>, vector<16xf32>, vector<16xf32>, vector<16xf32>, vector<16xf32>, vector<16xf32>, vector<16xf32>, vector<16xf32>, vector<16xf32>)  : i32 {
        %parallel_loop3A_3259 = arith.constant 16 : i32
        %parallel_loop3A_3260 = arith.muli %parallel_loop3A_3242, %parallel_loop3A_3259 : i32
        %parallel_loop3A_3261 = arith.constant 0 : i32
        %parallel_loop3A_3262 = arith.index_cast %parallel_loop3A_3261 : i32 to index
        %parallel_loop3A_3263 = arith.index_cast %parallel_loop3A_3260 : i32 to index
        %parallel_loop3A_3264 = tpu.vector_load %arg14[%parallel_loop3A_3262, %parallel_loop3A_3263] {strides = array<i32>} : memref<8x1024xf32, #tpu.memory_space<vmem>>, vector<16xf32>,
        %parallel_loop3A_3265 = arith.index_cast %squeeze3A_1735 : i32 to index
        %parallel_loop3A_3266 = arith.index_cast %parallel_loop3A_3260 : i32 to index
        %parallel_loop3A_3267 = tpu.vector_load %arg16[%parallel_loop3A_3265, %parallel_loop3A_3266] {strides = array<i32>} : memref<17x1024xf32, #tpu.memory_space<vmem>>, vector<16xf32>,
        %parallel_loop3A_3268 = arith.addf %parallel_loop3A_3264, %parallel_loop3A_3267 : vector<16xf32>
        %parallel_loop3A_3269 = arith.constant 0 : i32
        %parallel_loop3A_3270 = arith.index_cast %parallel_loop3A_3269 : i32 to index
        %parallel_loop3A_3271 = arith.index_cast %parallel_loop3A_3260 : i32 to index
        %parallel_loop3A_3272 = tpu.vector_load %arg18[%parallel_loop3A_3270, %parallel_loop3A_3271] {strides = array<i32>} : memref<8x1024xf32, #tpu.memory_space<vmem>>, vector<16xf32>,
        tpu.vector_store %arg18[%parallel_loop3A_3270, %parallel_loop3A_3271], %parallel_loop3A_3268 {strides = array<i32>} : memref<8x1024xf32, #tpu.memory_space<vmem>>, vector<16xf32>,
        %parallel_loop3A_3273 = arith.addf %parallel_loop3A_3243, %parallel_loop3A_3268 : vector<16xf32>
        %parallel_loop3A_3274 = arith.mulf %parallel_loop3A_3268, %parallel_loop3A_3268 : vector<16xf32>
        %parallel_loop3A_3275 = arith.addf %parallel_loop3A_3244, %parallel_loop3A_3274 : vector<16xf32>
        %parallel_loop3A_3276 = arith.constant 1 : i32
        %parallel_loop3A_3277 = arith.index_cast %parallel_loop3A_3276 : i32 to index
        %parallel_loop3A_3278 = arith.index_cast %parallel_loop3A_3260 : i32 to index
        %parallel_loop3A_3279 = tpu.vector_load %arg14[%parallel_loop3A_3277, %parallel_loop3A_3278] {strides = array<i32>} : memref<8x1024xf32, #tpu.memory_space<vmem>>, vector<16xf32>,
        %parallel_loop3A_3280 = arith.index_cast %squeeze3A_1737 : i32 to index
        %parallel_loop3A_3281 = arith.index_cast %parallel_loop3A_3260 : i32 to index
        %parallel_loop3A_3282 = tpu.vector_load %arg16[%parallel_loop3A_3280, %parallel_loop3A_3281] {strides = array<i32>} : memref<17x1024xf32, #tpu.memory_space<vmem>>, vector<16xf32>,
        %parallel_loop3A_3283 = arith.addf %parallel_loop3A_3279, %parallel_loop3A_3282 : vector<16xf32>
        %parallel_loop3A_3284 = arith.constant 1 : i32
        %parallel_loop3A_3285 = arith.index_cast %parallel_loop3A_3284 : i32 to index
        %parallel_loop3A_3286 = arith.index_cast %parallel_loop3A_3260 : i32 to index
        %parallel_loop3A_3287 = tpu.vector_load %arg18[%parallel_loop3A_3285, %parallel_loop3A_3286] {strides = array<i32>} : memref<8x1024xf32, #tpu.memory_space<vmem>>, vector<16xf32>,
        tpu.vector_store %arg18[%parallel_loop3A_3285, %parallel_loop3A_3286], %parallel_loop3A_3283 {strides = array<i32>} : memref<8x1024xf32, #tpu.memory_space<vmem>>, vector<16xf32>,
        %parallel_loop3A_3288 = arith.addf %parallel_loop3A_3245, %parallel_loop3A_3283 : vector<16xf32>
        %parallel_loop3A_3289 = arith.mulf %parallel_loop3A_3283, %parallel_loop3A_3283 : vector<16xf32>
        %parallel_loop3A_3290 = arith.addf %parallel_loop3A_3246, %parallel_loop3A_3289 : vector<16xf32>
        %parallel_loop3A_3291 = arith.constant 2 : i32
        %parallel_loop3A_3292 = arith.index_cast %parallel_loop3A_3291 : i32 to index
        %parallel_loop3A_3293 = arith.index_cast %parallel_loop3A_3260 : i32 to index
        %parallel_loop3A_3294 = tpu.vector_load %arg14[%parallel_loop3A_3292, %parallel_loop3A_3293] {strides = array<i32>} : memref<8x1024xf32, #tpu.memory_space<vmem>>, vector<16xf32>,
        %parallel_loop3A_3295 = arith.index_cast %squeeze3A_1739 : i32 to index
        %parallel_loop3A_3296 = arith.index_cast %parallel_loop3A_3260 : i32 to index
        %parallel_loop3A_3297 = tpu.vector_load %arg16[%parallel_loop3A_3295, %parallel_loop3A_3296] {strides = array<i32>} : memref<17x1024xf32, #tpu.memory_space<vmem>>, vector<16xf32>,
        %parallel_loop3A_3298 = arith.addf %parallel_loop3A_3294, %parallel_loop3A_3297 : vector<16xf32>
        %parallel_loop3A_3299 = arith.constant 2 : i32
        %parallel_loop3A_3300 = arith.index_cast %parallel_loop3A_3299 : i32 to index
        %parallel_loop3A_3301 = arith.index_cast %parallel_loop3A_3260 : i32 to index
        %parallel_loop3A_3302 = tpu.vector_load %arg18[%parallel_loop3A_3300, %parallel_loop3A_3301] {strides = array<i32>} : memref<8x1024xf32, #tpu.memory_space<vmem>>, vector<16xf32>,
        tpu.vector_store %arg18[%parallel_loop3A_3300, %parallel_loop3A_3301], %parallel_loop3A_3298 {strides = array<i32>} : memref<8x1024xf32, #tpu.memory_space<vmem>>, vector<16xf32>,
        %parallel_loop3A_3303 = arith.addf %parallel_loop3A_3247, %parallel_loop3A_3298 : vector<16xf32>
        %parallel_loop3A_3304 = arith.mulf %parallel_loop3A_3298, %parallel_loop3A_3298 : vector<16xf32>
        %parallel_loop3A_3305 = arith.addf %parallel_loop3A_3248, %parallel_loop3A_3304 : vector<16xf32>
        %parallel_loop3A_3306 = arith.constant 3 : i32
        %parallel_loop3A_3307 = arith.index_cast %parallel_loop3A_3306 : i32 to index
        %parallel_loop3A_3308 = arith.index_cast %parallel_loop3A_3260 : i32 to index
        %parallel_loop3A_3309 = tpu.vector_load %arg14[%parallel_loop3A_3307, %parallel_loop3A_3308] {strides = array<i32>} : memref<8x1024xf32, #tpu.memory_space<vmem>>, vector<16xf32>,
        %parallel_loop3A_3310 = arith.index_cast %squeeze3A_1741 : i32 to index
        %parallel_loop3A_3311 = arith.index_cast %parallel_loop3A_3260 : i32 to index
        %parallel_loop3A_3312 = tpu.vector_load %arg16[%parallel_loop3A_3310, %parallel_loop3A_3311] {strides = array<i32>} : memref<17x1024xf32, #tpu.memory_space<vmem>>, vector<16xf32>,
        %parallel_loop3A_3313 = arith.addf %parallel_loop3A_3309, %parallel_loop3A_3312 : vector<16xf32>
        %parallel_loop3A_3314 = arith.constant 3 : i32
        %parallel_loop3A_3315 = arith.index_cast %parallel_loop3A_3314 : i32 to index
        %parallel_loop3A_3316 = arith.index_cast %parallel_loop3A_3260 : i32 to index
        %parallel_loop3A_3317 = tpu.vector_load %arg18[%parallel_loop3A_3315, %parallel_loop3A_3316] {strides = array<i32>} : memref<8x1024xf32, #tpu.memory_space<vmem>>, vector<16xf32>,
        tpu.vector_store %arg18[%parallel_loop3A_3315, %parallel_loop3A_3316], %parallel_loop3A_3313 {strides = array<i32>} : memref<8x1024xf32, #tpu.memory_space<vmem>>, vector<16xf32>,
        %parallel_loop3A_3318 = arith.addf %parallel_loop3A_3249, %parallel_loop3A_3313 : vector<16xf32>
        %parallel_loop3A_3319 = arith.mulf %parallel_loop3A_3313, %parallel_loop3A_3313 : vector<16xf32>
        %parallel_loop3A_3320 = arith.addf %parallel_loop3A_3250, %parallel_loop3A_3319 : vector<16xf32>
        %parallel_loop3A_3321 = arith.constant 4 : i32
        %parallel_loop3A_3322 = arith.index_cast %parallel_loop3A_3321 : i32 to index
        %parallel_loop3A_3323 = arith.index_cast %parallel_loop3A_3260 : i32 to index
        %parallel_loop3A_3324 = tpu.vector_load %arg14[%parallel_loop3A_3322, %parallel_loop3A_3323] {strides = array<i32>} : memref<8x1024xf32, #tpu.memory_space<vmem>>, vector<16xf32>,
        %parallel_loop3A_3325 = arith.index_cast %squeeze3A_1743 : i32 to index
        %parallel_loop3A_3326 = arith.index_cast %parallel_loop3A_3260 : i32 to index
        %parallel_loop3A_3327 = tpu.vector_load %arg16[%parallel_loop3A_3325, %parallel_loop3A_3326] {strides = array<i32>} : memref<17x1024xf32, #tpu.memory_space<vmem>>, vector<16xf32>,
        %parallel_loop3A_3328 = arith.addf %parallel_loop3A_3324, %parallel_loop3A_3327 : vector<16xf32>
        %parallel_loop3A_3329 = arith.constant 4 : i32
        %parallel_loop3A_3330 = arith.index_cast %parallel_loop3A_3329 : i32 to index
        %parallel_loop3A_3331 = arith.index_cast %parallel_loop3A_3260 : i32 to index
        %parallel_loop3A_3332 = tpu.vector_load %arg18[%parallel_loop3A_3330, %parallel_loop3A_3331] {strides = array<i32>} : memref<8x1024xf32, #tpu.memory_space<vmem>>, vector<16xf32>,
        tpu.vector_store %arg18[%parallel_loop3A_3330, %parallel_loop3A_3331], %parallel_loop3A_3328 {strides = array<i32>} : memref<8x1024xf32, #tpu.memory_space<vmem>>, vector<16xf32>,
        %parallel_loop3A_3333 = arith.addf %parallel_loop3A_3251, %parallel_loop3A_3328 : vector<16xf32>
        %parallel_loop3A_3334 = arith.mulf %parallel_loop3A_3328, %parallel_loop3A_3328 : vector<16xf32>
        %parallel_loop3A_3335 = arith.addf %parallel_loop3A_3252, %parallel_loop3A_3334 : vector<16xf32>
        %parallel_loop3A_3336 = arith.constant 5 : i32
        %parallel_loop3A_3337 = arith.index_cast %parallel_loop3A_3336 : i32 to index
        %parallel_loop3A_3338 = arith.index_cast %parallel_loop3A_3260 : i32 to index
        %parallel_loop3A_3339 = tpu.vector_load %arg14[%parallel_loop3A_3337, %parallel_loop3A_3338] {strides = array<i32>} : memref<8x1024xf32, #tpu.memory_space<vmem>>, vector<16xf32>,
        %parallel_loop3A_3340 = arith.index_cast %squeeze3A_1745 : i32 to index
        %parallel_loop3A_3341 = arith.index_cast %parallel_loop3A_3260 : i32 to index
        %parallel_loop3A_3342 = tpu.vector_load %arg16[%parallel_loop3A_3340, %parallel_loop3A_3341] {strides = array<i32>} : memref<17x1024xf32, #tpu.memory_space<vmem>>, vector<16xf32>,
        %parallel_loop3A_3343 = arith.addf %parallel_loop3A_3339, %parallel_loop3A_3342 : vector<16xf32>
        %parallel_loop3A_3344 = arith.constant 5 : i32
        %parallel_loop3A_3345 = arith.index_cast %parallel_loop3A_3344 : i32 to index
        %parallel_loop3A_3346 = arith.index_cast %parallel_loop3A_3260 : i32 to index
        %parallel_loop3A_3347 = tpu.vector_load %arg18[%parallel_loop3A_3345, %parallel_loop3A_3346] {strides = array<i32>} : memref<8x1024xf32, #tpu.memory_space<vmem>>, vector<16xf32>,
        tpu.vector_store %arg18[%parallel_loop3A_3345, %parallel_loop3A_3346], %parallel_loop3A_3343 {strides = array<i32>} : memref<8x1024xf32, #tpu.memory_space<vmem>>, vector<16xf32>,
        %parallel_loop3A_3348 = arith.addf %parallel_loop3A_3253, %parallel_loop3A_3343 : vector<16xf32>
        %parallel_loop3A_3349 = arith.mulf %parallel_loop3A_3343, %parallel_loop3A_3343 : vector<16xf32>
        %parallel_loop3A_3350 = arith.addf %parallel_loop3A_3254, %parallel_loop3A_3349 : vector<16xf32>
        %parallel_loop3A_3351 = arith.constant 6 : i32
        %parallel_loop3A_3352 = arith.index_cast %parallel_loop3A_3351 : i32 to index
        %parallel_loop3A_3353 = arith.index_cast %parallel_loop3A_3260 : i32 to index
        %parallel_loop3A_3354 = tpu.vector_load %arg14[%parallel_loop3A_3352, %parallel_loop3A_3353] {strides = array<i32>} : memref<8x1024xf32, #tpu.memory_space<vmem>>, vector<16xf32>,
        %parallel_loop3A_3355 = arith.index_cast %squeeze3A_1747 : i32 to index
        %parallel_loop3A_3356 = arith.index_cast %parallel_loop3A_3260 : i32 to index
        %parallel_loop3A_3357 = tpu.vector_load %arg16[%parallel_loop3A_3355, %parallel_loop3A_3356] {strides = array<i32>} : memref<17x1024xf32, #tpu.memory_space<vmem>>, vector<16xf32>,
        %parallel_loop3A_3358 = arith.addf %parallel_loop3A_3354, %parallel_loop3A_3357 : vector<16xf32>
        %parallel_loop3A_3359 = arith.constant 6 : i32
        %parallel_loop3A_3360 = arith.index_cast %parallel_loop3A_3359 : i32 to index
        %parallel_loop3A_3361 = arith.index_cast %parallel_loop3A_3260 : i32 to index
        %parallel_loop3A_3362 = tpu.vector_load %arg18[%parallel_loop3A_3360, %parallel_loop3A_3361] {strides = array<i32>} : memref<8x1024xf32, #tpu.memory_space<vmem>>, vector<16xf32>,
        tpu.vector_store %arg18[%parallel_loop3A_3360, %parallel_loop3A_3361], %parallel_loop3A_3358 {strides = array<i32>} : memref<8x1024xf32, #tpu.memory_space<vmem>>, vector<16xf32>,
        %parallel_loop3A_3363 = arith.addf %parallel_loop3A_3255, %parallel_loop3A_3358 : vector<16xf32>
        %parallel_loop3A_3364 = arith.mulf %parallel_loop3A_3358, %parallel_loop3A_3358 : vector<16xf32>
        %parallel_loop3A_3365 = arith.addf %parallel_loop3A_3256, %parallel_loop3A_3364 : vector<16xf32>
        %parallel_loop3A_3366 = arith.constant 7 : i32
        %parallel_loop3A_3367 = arith.index_cast %parallel_loop3A_3366 : i32 to index
        %parallel_loop3A_3368 = arith.index_cast %parallel_loop3A_3260 : i32 to index
        %parallel_loop3A_3369 = tpu.vector_load %arg14[%parallel_loop3A_3367, %parallel_loop3A_3368] {strides = array<i32>} : memref<8x1024xf32, #tpu.memory_space<vmem>>, vector<16xf32>,
        %parallel_loop3A_3370 = arith.index_cast %squeeze3A_1749 : i32 to index
        %parallel_loop3A_3371 = arith.index_cast %parallel_loop3A_3260 : i32 to index
        %parallel_loop3A_3372 = tpu.vector_load %arg16[%parallel_loop3A_3370, %parallel_loop3A_3371] {strides = array<i32>} : memref<17x1024xf32, #tpu.memory_space<vmem>>, vector<16xf32>,
        %parallel_loop3A_3373 = arith.addf %parallel_loop3A_3369, %parallel_loop3A_3372 : vector<16xf32>
        %parallel_loop3A_3374 = arith.constant 7 : i32
        %parallel_loop3A_3375 = arith.index_cast %parallel_loop3A_3374 : i32 to index
        %parallel_loop3A_3376 = arith.index_cast %parallel_loop3A_3260 : i32 to index
        %parallel_loop3A_3377 = tpu.vector_load %arg18[%parallel_loop3A_3375, %parallel_loop3A_3376] {strides = array<i32>} : memref<8x1024xf32, #tpu.memory_space<vmem>>, vector<16xf32>,
        tpu.vector_store %arg18[%parallel_loop3A_3375, %parallel_loop3A_3376], %parallel_loop3A_3373 {strides = array<i32>} : memref<8x1024xf32, #tpu.memory_space<vmem>>, vector<16xf32>,
        %parallel_loop3A_3378 = arith.addf %parallel_loop3A_3257, %parallel_loop3A_3373 : vector<16xf32>
        %parallel_loop3A_3379 = arith.mulf %parallel_loop3A_3373, %parallel_loop3A_3373 : vector<16xf32>
        %parallel_loop3A_3380 = arith.addf %parallel_loop3A_3258, %parallel_loop3A_3379 : vector<16xf32>
        scf.yield %parallel_loop3A_3273, %parallel_loop3A_3275, %parallel_loop3A_3288, %parallel_loop3A_3290, %parallel_loop3A_3303, %parallel_loop3A_3305, %parallel_loop3A_3318, %parallel_loop3A_3320, %parallel_loop3A_3333, %parallel_loop3A_3335, %parallel_loop3A_3348, %parallel_loop3A_3350, %parallel_loop3A_3363, %parallel_loop3A_3365, %parallel_loop3A_3378, %parallel_loop3A_3380 : vector<16xf32>, vector<16xf32>, vector<16xf32>, vector<16xf32>, vector<16xf32>, vector<16xf32>, vector<16xf32>, vector<16xf32>, vector<16xf32>, vector<16xf32>, vector<16xf32>, vector<16xf32>, vector<16xf32>, vector<16xf32>, vector<16xf32>, vector<16xf32>
      } {sc.loop_unroll_factor = 1 : i64, sc.parallel_access}
      %add3A_1757 = arith.constant 1 : i32
      %add3A_1758 = vector.broadcast %add3A_1757 : i32 to vector<16xi32>
      %add3A_1759 = arith.addi %iota3A_1750, %add3A_1758 : vector<16xi32>
      %and3A_1760 = arith.constant 15 : i32
      %and3A_1761 = vector.broadcast %and3A_1760 : i32 to vector<16xi32>
      %and3A_1762 = arith.andi %add3A_1759, %and3A_1761 : vector<16xi32>
      %lt3A_1763 = arith.constant 0 : i32
      %lt3A_1764 = vector.broadcast %lt3A_1763 : i32 to vector<16xi32>
      %lt3A_1765 = arith.cmpi slt, %and3A_1762, %lt3A_1764 : vector<16xi32>
      %add3A_1766 = arith.constant 16 : i32
      %add3A_1767 = vector.broadcast %add3A_1766 : i32 to vector<16xi32>
      %add3A_1768 = arith.addi %and3A_1762, %add3A_1767 : vector<16xi32>
      %select_n3A_1769 = arith.select %lt3A_1765, %add3A_1768, %and3A_1762 : vector<16xi1>, vector<16xi32>
      %broadcast_in_dim3A_1770 = vector.shape_cast %select_n3A_1769 : vector<16xi32> to vector<16x1xi32>
      %gather3A_1771 = vector.shape_cast %broadcast_in_dim3A_1770 : vector<16x1xi32> to vector<16xi32>
      %gather3A_1772 = tpu.dynamic_gather %parallel_loop3A_1756#0[%gather3A_1771] in [0] : vector<16xf32>, vector<16xi32> -> vector<16xf32>
      %add3A_1773 = arith.addf %parallel_loop3A_1756#0, %gather3A_1772 : vector<16xf32>
      %add3A_1774 = arith.constant 2 : i32
      %add3A_1775 = vector.broadcast %add3A_1774 : i32 to vector<16xi32>
      %add3A_1776 = arith.addi %iota3A_1750, %add3A_1775 : vector<16xi32>
      %and3A_1777 = arith.constant 15 : i32
      %and3A_1778 = vector.broadcast %and3A_1777 : i32 to vector<16xi32>
      %and3A_1779 = arith.andi %add3A_1776, %and3A_1778 : vector<16xi32>
      %lt3A_1780 = arith.constant 0 : i32
      %lt3A_1781 = vector.broadcast %lt3A_1780 : i32 to vector<16xi32>
      %lt3A_1782 = arith.cmpi slt, %and3A_1779, %lt3A_1781 : vector<16xi32>
      %add3A_1783 = arith.constant 16 : i32
      %add3A_1784 = vector.broadcast %add3A_1783 : i32 to vector<16xi32>
      %add3A_1785 = arith.addi %and3A_1779, %add3A_1784 : vector<16xi32>
      %select_n3A_1786 = arith.select %lt3A_1782, %add3A_1785, %and3A_1779 : vector<16xi1>, vector<16xi32>
      %broadcast_in_dim3A_1787 = vector.shape_cast %select_n3A_1786 : vector<16xi32> to vector<16x1xi32>
      %gather3A_1788 = vector.shape_cast %broadcast_in_dim3A_1787 : vector<16x1xi32> to vector<16xi32>
      %gather3A_1789 = tpu.dynamic_gather %add3A_1773[%gather3A_1788] in [0] : vector<16xf32>, vector<16xi32> -> vector<16xf32>
      %add3A_1790 = arith.addf %add3A_1773, %gather3A_1789 : vector<16xf32>
      %add3A_1791 = arith.constant 4 : i32
      %add3A_1792 = vector.broadcast %add3A_1791 : i32 to vector<16xi32>
      %add3A_1793 = arith.addi %iota3A_1750, %add3A_1792 : vector<16xi32>
      %and3A_1794 = arith.constant 15 : i32
      %and3A_1795 = vector.broadcast %and3A_1794 : i32 to vector<16xi32>
      %and3A_1796 = arith.andi %add3A_1793, %and3A_1795 : vector<16xi32>
      %lt3A_1797 = arith.constant 0 : i32
      %lt3A_1798 = vector.broadcast %lt3A_1797 : i32 to vector<16xi32>
      %lt3A_1799 = arith.cmpi slt, %and3A_1796, %lt3A_1798 : vector<16xi32>
      %add3A_1800 = arith.constant 16 : i32
      %add3A_1801 = vector.broadcast %add3A_1800 : i32 to vector<16xi32>
      %add3A_1802 = arith.addi %and3A_1796, %add3A_1801 : vector<16xi32>
      %select_n3A_1803 = arith.select %lt3A_1799, %add3A_1802, %and3A_1796 : vector<16xi1>, vector<16xi32>
      %broadcast_in_dim3A_1804 = vector.shape_cast %select_n3A_1803 : vector<16xi32> to vector<16x1xi32>
      %gather3A_1805 = vector.shape_cast %broadcast_in_dim3A_1804 : vector<16x1xi32> to vector<16xi32>
      %gather3A_1806 = tpu.dynamic_gather %add3A_1790[%gather3A_1805] in [0] : vector<16xf32>, vector<16xi32> -> vector<16xf32>
      %add3A_1807 = arith.addf %add3A_1790, %gather3A_1806 : vector<16xf32>
      %add3A_1808 = arith.constant 8 : i32
      %add3A_1809 = vector.broadcast %add3A_1808 : i32 to vector<16xi32>
      %add3A_1810 = arith.addi %iota3A_1750, %add3A_1809 : vector<16xi32>
      %and3A_1811 = arith.constant 15 : i32
      %and3A_1812 = vector.broadcast %and3A_1811 : i32 to vector<16xi32>
      %and3A_1813 = arith.andi %add3A_1810, %and3A_1812 : vector<16xi32>
      %lt3A_1814 = arith.constant 0 : i32
      %lt3A_1815 = vector.broadcast %lt3A_1814 : i32 to vector<16xi32>
      %lt3A_1816 = arith.cmpi slt, %and3A_1813, %lt3A_1815 : vector<16xi32>
      %add3A_1817 = arith.constant 16 : i32
      %add3A_1818 = vector.broadcast %add3A_1817 : i32 to vector<16xi32>
      %add3A_1819 = arith.addi %and3A_1813, %add3A_1818 : vector<16xi32>
      %select_n3A_1820 = arith.select %lt3A_1816, %add3A_1819, %and3A_1813 : vector<16xi1>, vector<16xi32>
      %broadcast_in_dim3A_1821 = vector.shape_cast %select_n3A_1820 : vector<16xi32> to vector<16x1xi32>
      %gather3A_1822 = vector.shape_cast %broadcast_in_dim3A_1821 : vector<16x1xi32> to vector<16xi32>
      %gather3A_1823 = tpu.dynamic_gather %add3A_1807[%gather3A_1822] in [0] : vector<16xf32>, vector<16xi32> -> vector<16xf32>
      %add3A_1824 = arith.addf %add3A_1807, %gather3A_1823 : vector<16xf32>
      %mul3A_1825 = arith.constant 9.765625E-4 : f32
      %mul3A_1826 = vector.broadcast %mul3A_1825 : f32 to vector<16xf32>
      %mul3A_1827 = arith.mulf %add3A_1824, %mul3A_1826 : vector<16xf32>
      %add3A_1828 = arith.constant 1 : i32
      %add3A_1829 = vector.broadcast %add3A_1828 : i32 to vector<16xi32>
      %add3A_1830 = arith.addi %iota3A_1750, %add3A_1829 : vector<16xi32>
      %and3A_1831 = arith.constant 15 : i32
      %and3A_1832 = vector.broadcast %and3A_1831 : i32 to vector<16xi32>
      %and3A_1833 = arith.andi %add3A_1830, %and3A_1832 : vector<16xi32>
      %lt3A_1834 = arith.constant 0 : i32
      %lt3A_1835 = vector.broadcast %lt3A_1834 : i32 to vector<16xi32>
      %lt3A_1836 = arith.cmpi slt, %and3A_1833, %lt3A_1835 : vector<16xi32>
      %add3A_1837 = arith.constant 16 : i32
      %add3A_1838 = vector.broadcast %add3A_1837 : i32 to vector<16xi32>
      %add3A_1839 = arith.addi %and3A_1833, %add3A_1838 : vector<16xi32>
      %select_n3A_1840 = arith.select %lt3A_1836, %add3A_1839, %and3A_1833 : vector<16xi1>, vector<16xi32>
      %broadcast_in_dim3A_1841 = vector.shape_cast %select_n3A_1840 : vector<16xi32> to vector<16x1xi32>
      %gather3A_1842 = vector.shape_cast %broadcast_in_dim3A_1841 : vector<16x1xi32> to vector<16xi32>
      %gather3A_1843 = tpu.dynamic_gather %parallel_loop3A_1756#1[%gather3A_1842] in [0] : vector<16xf32>, vector<16xi32> -> vector<16xf32>
      %add3A_1844 = arith.addf %parallel_loop3A_1756#1, %gather3A_1843 : vector<16xf32>
      %add3A_1845 = arith.constant 2 : i32
      %add3A_1846 = vector.broadcast %add3A_1845 : i32 to vector<16xi32>
      %add3A_1847 = arith.addi %iota3A_1750, %add3A_1846 : vector<16xi32>
      %and3A_1848 = arith.constant 15 : i32
      %and3A_1849 = vector.broadcast %and3A_1848 : i32 to vector<16xi32>
      %and3A_1850 = arith.andi %add3A_1847, %and3A_1849 : vector<16xi32>
      %lt3A_1851 = arith.constant 0 : i32
      %lt3A_1852 = vector.broadcast %lt3A_1851 : i32 to vector<16xi32>
      %lt3A_1853 = arith.cmpi slt, %and3A_1850, %lt3A_1852 : vector<16xi32>
      %add3A_1854 = arith.constant 16 : i32
      %add3A_1855 = vector.broadcast %add3A_1854 : i32 to vector<16xi32>
      %add3A_1856 = arith.addi %and3A_1850, %add3A_1855 : vector<16xi32>
      %select_n3A_1857 = arith.select %lt3A_1853, %add3A_1856, %and3A_1850 : vector<16xi1>, vector<16xi32>
      %broadcast_in_dim3A_1858 = vector.shape_cast %select_n3A_1857 : vector<16xi32> to vector<16x1xi32>
      %gather3A_1859 = vector.shape_cast %broadcast_in_dim3A_1858 : vector<16x1xi32> to vector<16xi32>
      %gather3A_1860 = tpu.dynamic_gather %add3A_1844[%gather3A_1859] in [0] : vector<16xf32>, vector<16xi32> -> vector<16xf32>
      %add3A_1861 = arith.addf %add3A_1844, %gather3A_1860 : vector<16xf32>
      %add3A_1862 = arith.constant 4 : i32
      %add3A_1863 = vector.broadcast %add3A_1862 : i32 to vector<16xi32>
      %add3A_1864 = arith.addi %iota3A_1750, %add3A_1863 : vector<16xi32>
      %and3A_1865 = arith.constant 15 : i32
      %and3A_1866 = vector.broadcast %and3A_1865 : i32 to vector<16xi32>
      %and3A_1867 = arith.andi %add3A_1864, %and3A_1866 : vector<16xi32>
      %lt3A_1868 = arith.constant 0 : i32
      %lt3A_1869 = vector.broadcast %lt3A_1868 : i32 to vector<16xi32>
      %lt3A_1870 = arith.cmpi slt, %and3A_1867, %lt3A_1869 : vector<16xi32>
      %add3A_1871 = arith.constant 16 : i32
      %add3A_1872 = vector.broadcast %add3A_1871 : i32 to vector<16xi32>
      %add3A_1873 = arith.addi %and3A_1867, %add3A_1872 : vector<16xi32>
      %select_n3A_1874 = arith.select %lt3A_1870, %add3A_1873, %and3A_1867 : vector<16xi1>, vector<16xi32>
      %broadcast_in_dim3A_1875 = vector.shape_cast %select_n3A_1874 : vector<16xi32> to vector<16x1xi32>
      %gather3A_1876 = vector.shape_cast %broadcast_in_dim3A_1875 : vector<16x1xi32> to vector<16xi32>
      %gather3A_1877 = tpu.dynamic_gather %add3A_1861[%gather3A_1876] in [0] : vector<16xf32>, vector<16xi32> -> vector<16xf32>
      %add3A_1878 = arith.addf %add3A_1861, %gather3A_1877 : vector<16xf32>
      %add3A_1879 = arith.constant 8 : i32
      %add3A_1880 = vector.broadcast %add3A_1879 : i32 to vector<16xi32>
      %add3A_1881 = arith.addi %iota3A_1750, %add3A_1880 : vector<16xi32>
      %and3A_1882 = arith.constant 15 : i32
      %and3A_1883 = vector.broadcast %and3A_1882 : i32 to vector<16xi32>
      %and3A_1884 = arith.andi %add3A_1881, %and3A_1883 : vector<16xi32>
      %lt3A_1885 = arith.constant 0 : i32
      %lt3A_1886 = vector.broadcast %lt3A_1885 : i32 to vector<16xi32>
      %lt3A_1887 = arith.cmpi slt, %and3A_1884, %lt3A_1886 : vector<16xi32>
      %add3A_1888 = arith.constant 16 : i32
      %add3A_1889 = vector.broadcast %add3A_1888 : i32 to vector<16xi32>
      %add3A_1890 = arith.addi %and3A_1884, %add3A_1889 : vector<16xi32>
      %select_n3A_1891 = arith.select %lt3A_1887, %add3A_1890, %and3A_1884 : vector<16xi1>, vector<16xi32>
      %broadcast_in_dim3A_1892 = vector.shape_cast %select_n3A_1891 : vector<16xi32> to vector<16x1xi32>
      %gather3A_1893 = vector.shape_cast %broadcast_in_dim3A_1892 : vector<16x1xi32> to vector<16xi32>
      %gather3A_1894 = tpu.dynamic_gather %add3A_1878[%gather3A_1893] in [0] : vector<16xf32>, vector<16xi32> -> vector<16xf32>
      %add3A_1895 = arith.addf %add3A_1878, %gather3A_1894 : vector<16xf32>
      %mul3A_1896 = arith.constant 9.765625E-4 : f32
      %mul3A_1897 = vector.broadcast %mul3A_1896 : f32 to vector<16xf32>
      %mul3A_1898 = arith.mulf %add3A_1895, %mul3A_1897 : vector<16xf32>
      %mul3A_1899 = arith.mulf %mul3A_1827, %mul3A_1827 : vector<16xf32>
      %sub3A_1900 = arith.subf %mul3A_1898, %mul3A_1899 : vector<16xf32>
      %add3A_1901 = arith.constant 9.99999974E-6 : f32
      %add3A_1902 = vector.broadcast %add3A_1901 : f32 to vector<16xf32>
      %add3A_1903 = arith.addf %sub3A_1900, %add3A_1902 : vector<16xf32>
      %bitcast3A_1904 = vector.bitcast %add3A_1903 : vector<16xf32> to vector<16xi32>
      %shift_right_arithmetic3A_1905 = arith.constant 1 : i32
      %shift_right_arithmetic3A_1906 = vector.broadcast %shift_right_arithmetic3A_1905 : i32 to vector<16xi32>
      %shift_right_arithmetic3A_1907 = arith.shrsi %bitcast3A_1904, %shift_right_arithmetic3A_1906 : vector<16xi32>
      %sub3A_1908 = arith.constant 1597463007 : i32
      %sub3A_1909 = vector.broadcast %sub3A_1908 : i32 to vector<16xi32>
      %sub3A_1910 = arith.subi %sub3A_1909, %shift_right_arithmetic3A_1907 : vector<16xi32>
      %bitcast3A_1911 = vector.bitcast %sub3A_1910 : vector<16xi32> to vector<16xf32>
      %mul3A_1912 = arith.constant 5.000000e-01 : f32
      %mul3A_1913 = vector.broadcast %mul3A_1912 : f32 to vector<16xf32>
      %mul3A_1914 = arith.mulf %mul3A_1913, %add3A_1903 : vector<16xf32>
      %mul3A_1915 = arith.mulf %mul3A_1914, %bitcast3A_1911 : vector<16xf32>
      %mul3A_1916 = arith.mulf %mul3A_1915, %bitcast3A_1911 : vector<16xf32>
      %sub3A_1917 = arith.constant 1.500000e+00 : f32
      %sub3A_1918 = vector.broadcast %sub3A_1917 : f32 to vector<16xf32>
      %sub3A_1919 = arith.subf %sub3A_1918, %mul3A_1916 : vector<16xf32>
      %mul3A_1920 = arith.mulf %bitcast3A_1911, %sub3A_1919 : vector<16xf32>
      %mul3A_1921 = arith.constant 5.000000e-01 : f32
      %mul3A_1922 = vector.broadcast %mul3A_1921 : f32 to vector<16xf32>
      %mul3A_1923 = arith.mulf %mul3A_1922, %add3A_1903 : vector<16xf32>
      %mul3A_1924 = arith.mulf %mul3A_1923, %mul3A_1920 : vector<16xf32>
      %mul3A_1925 = arith.mulf %mul3A_1924, %mul3A_1920 : vector<16xf32>
      %sub3A_1926 = arith.constant 1.500000e+00 : f32
      %sub3A_1927 = vector.broadcast %sub3A_1926 : f32 to vector<16xf32>
      %sub3A_1928 = arith.subf %sub3A_1927, %mul3A_1925 : vector<16xf32>
      %mul3A_1929 = arith.mulf %mul3A_1920, %sub3A_1928 : vector<16xf32>
      %mul3A_1930 = arith.constant 5.000000e-01 : f32
      %mul3A_1931 = vector.broadcast %mul3A_1930 : f32 to vector<16xf32>
      %mul3A_1932 = arith.mulf %mul3A_1931, %add3A_1903 : vector<16xf32>
      %mul3A_1933 = arith.mulf %mul3A_1932, %mul3A_1929 : vector<16xf32>
      %mul3A_1934 = arith.mulf %mul3A_1933, %mul3A_1929 : vector<16xf32>
      %sub3A_1935 = arith.constant 1.500000e+00 : f32
      %sub3A_1936 = vector.broadcast %sub3A_1935 : f32 to vector<16xf32>
      %sub3A_1937 = arith.subf %sub3A_1936, %mul3A_1934 : vector<16xf32>
      %mul3A_1938 = arith.mulf %mul3A_1929, %sub3A_1937 : vector<16xf32>
      %mul3A_1939 = arith.mulf %mul3A_1827, %mul3A_1938 : vector<16xf32>
      %add3A_1940 = arith.constant 1 : i32
      %add3A_1941 = vector.broadcast %add3A_1940 : i32 to vector<16xi32>
      %add3A_1942 = arith.addi %iota3A_1750, %add3A_1941 : vector<16xi32>
      %and3A_1943 = arith.constant 15 : i32
      %and3A_1944 = vector.broadcast %and3A_1943 : i32 to vector<16xi32>
      %and3A_1945 = arith.andi %add3A_1942, %and3A_1944 : vector<16xi32>
      %lt3A_1946 = arith.constant 0 : i32
      %lt3A_1947 = vector.broadcast %lt3A_1946 : i32 to vector<16xi32>
      %lt3A_1948 = arith.cmpi slt, %and3A_1945, %lt3A_1947 : vector<16xi32>
      %add3A_1949 = arith.constant 16 : i32
      %add3A_1950 = vector.broadcast %add3A_1949 : i32 to vector<16xi32>
      %add3A_1951 = arith.addi %and3A_1945, %add3A_1950 : vector<16xi32>
      %select_n3A_1952 = arith.select %lt3A_1948, %add3A_1951, %and3A_1945 : vector<16xi1>, vector<16xi32>
      %broadcast_in_dim3A_1953 = vector.shape_cast %select_n3A_1952 : vector<16xi32> to vector<16x1xi32>
      %gather3A_1954 = vector.shape_cast %broadcast_in_dim3A_1953 : vector<16x1xi32> to vector<16xi32>
      %gather3A_1955 = tpu.dynamic_gather %parallel_loop3A_1756#2[%gather3A_1954] in [0] : vector<16xf32>, vector<16xi32> -> vector<16xf32>
      %add3A_1956 = arith.addf %parallel_loop3A_1756#2, %gather3A_1955 : vector<16xf32>
      %add3A_1957 = arith.constant 2 : i32
      %add3A_1958 = vector.broadcast %add3A_1957 : i32 to vector<16xi32>
      %add3A_1959 = arith.addi %iota3A_1750, %add3A_1958 : vector<16xi32>
      %and3A_1960 = arith.constant 15 : i32
      %and3A_1961 = vector.broadcast %and3A_1960 : i32 to vector<16xi32>
      %and3A_1962 = arith.andi %add3A_1959, %and3A_1961 : vector<16xi32>
      %lt3A_1963 = arith.constant 0 : i32
      %lt3A_1964 = vector.broadcast %lt3A_1963 : i32 to vector<16xi32>
      %lt3A_1965 = arith.cmpi slt, %and3A_1962, %lt3A_1964 : vector<16xi32>
      %add3A_1966 = arith.constant 16 : i32
      %add3A_1967 = vector.broadcast %add3A_1966 : i32 to vector<16xi32>
      %add3A_1968 = arith.addi %and3A_1962, %add3A_1967 : vector<16xi32>
      %select_n3A_1969 = arith.select %lt3A_1965, %add3A_1968, %and3A_1962 : vector<16xi1>, vector<16xi32>
      %broadcast_in_dim3A_1970 = vector.shape_cast %select_n3A_1969 : vector<16xi32> to vector<16x1xi32>
      %gather3A_1971 = vector.shape_cast %broadcast_in_dim3A_1970 : vector<16x1xi32> to vector<16xi32>
      %gather3A_1972 = tpu.dynamic_gather %add3A_1956[%gather3A_1971] in [0] : vector<16xf32>, vector<16xi32> -> vector<16xf32>
      %add3A_1973 = arith.addf %add3A_1956, %gather3A_1972 : vector<16xf32>
      %add3A_1974 = arith.constant 4 : i32
      %add3A_1975 = vector.broadcast %add3A_1974 : i32 to vector<16xi32>
      %add3A_1976 = arith.addi %iota3A_1750, %add3A_1975 : vector<16xi32>
      %and3A_1977 = arith.constant 15 : i32
      %and3A_1978 = vector.broadcast %and3A_1977 : i32 to vector<16xi32>
      %and3A_1979 = arith.andi %add3A_1976, %and3A_1978 : vector<16xi32>
      %lt3A_1980 = arith.constant 0 : i32
      %lt3A_1981 = vector.broadcast %lt3A_1980 : i32 to vector<16xi32>
      %lt3A_1982 = arith.cmpi slt, %and3A_1979, %lt3A_1981 : vector<16xi32>
      %add3A_1983 = arith.constant 16 : i32
      %add3A_1984 = vector.broadcast %add3A_1983 : i32 to vector<16xi32>
      %add3A_1985 = arith.addi %and3A_1979, %add3A_1984 : vector<16xi32>
      %select_n3A_1986 = arith.select %lt3A_1982, %add3A_1985, %and3A_1979 : vector<16xi1>, vector<16xi32>
      %broadcast_in_dim3A_1987 = vector.shape_cast %select_n3A_1986 : vector<16xi32> to vector<16x1xi32>
      %gather3A_1988 = vector.shape_cast %broadcast_in_dim3A_1987 : vector<16x1xi32> to vector<16xi32>
      %gather3A_1989 = tpu.dynamic_gather %add3A_1973[%gather3A_1988] in [0] : vector<16xf32>, vector<16xi32> -> vector<16xf32>
      %add3A_1990 = arith.addf %add3A_1973, %gather3A_1989 : vector<16xf32>
      %add3A_1991 = arith.constant 8 : i32
      %add3A_1992 = vector.broadcast %add3A_1991 : i32 to vector<16xi32>
      %add3A_1993 = arith.addi %iota3A_1750, %add3A_1992 : vector<16xi32>
      %and3A_1994 = arith.constant 15 : i32
      %and3A_1995 = vector.broadcast %and3A_1994 : i32 to vector<16xi32>
      %and3A_1996 = arith.andi %add3A_1993, %and3A_1995 : vector<16xi32>
      %lt3A_1997 = arith.constant 0 : i32
      %lt3A_1998 = vector.broadcast %lt3A_1997 : i32 to vector<16xi32>
      %lt3A_1999 = arith.cmpi slt, %and3A_1996, %lt3A_1998 : vector<16xi32>
      %add3A_2000 = arith.constant 16 : i32
      %add3A_2001 = vector.broadcast %add3A_2000 : i32 to vector<16xi32>
      %add3A_2002 = arith.addi %and3A_1996, %add3A_2001 : vector<16xi32>
      %select_n3A_2003 = arith.select %lt3A_1999, %add3A_2002, %and3A_1996 : vector<16xi1>, vector<16xi32>
      %broadcast_in_dim3A_2004 = vector.shape_cast %select_n3A_2003 : vector<16xi32> to vector<16x1xi32>
      %gather3A_2005 = vector.shape_cast %broadcast_in_dim3A_2004 : vector<16x1xi32> to vector<16xi32>
      %gather3A_2006 = tpu.dynamic_gather %add3A_1990[%gather3A_2005] in [0] : vector<16xf32>, vector<16xi32> -> vector<16xf32>
      %add3A_2007 = arith.addf %add3A_1990, %gather3A_2006 : vector<16xf32>
      %mul3A_2008 = arith.constant 9.765625E-4 : f32
      %mul3A_2009 = vector.broadcast %mul3A_2008 : f32 to vector<16xf32>
      %mul3A_2010 = arith.mulf %add3A_2007, %mul3A_2009 : vector<16xf32>
      %add3A_2011 = arith.constant 1 : i32
      %add3A_2012 = vector.broadcast %add3A_2011 : i32 to vector<16xi32>
      %add3A_2013 = arith.addi %iota3A_1750, %add3A_2012 : vector<16xi32>
      %and3A_2014 = arith.constant 15 : i32
      %and3A_2015 = vector.broadcast %and3A_2014 : i32 to vector<16xi32>
      %and3A_2016 = arith.andi %add3A_2013, %and3A_2015 : vector<16xi32>
      %lt3A_2017 = arith.constant 0 : i32
      %lt3A_2018 = vector.broadcast %lt3A_2017 : i32 to vector<16xi32>
      %lt3A_2019 = arith.cmpi slt, %and3A_2016, %lt3A_2018 : vector<16xi32>
      %add3A_2020 = arith.constant 16 : i32
      %add3A_2021 = vector.broadcast %add3A_2020 : i32 to vector<16xi32>
      %add3A_2022 = arith.addi %and3A_2016, %add3A_2021 : vector<16xi32>
      %select_n3A_2023 = arith.select %lt3A_2019, %add3A_2022, %and3A_2016 : vector<16xi1>, vector<16xi32>
      %broadcast_in_dim3A_2024 = vector.shape_cast %select_n3A_2023 : vector<16xi32> to vector<16x1xi32>
      %gather3A_2025 = vector.shape_cast %broadcast_in_dim3A_2024 : vector<16x1xi32> to vector<16xi32>
      %gather3A_2026 = tpu.dynamic_gather %parallel_loop3A_1756#3[%gather3A_2025] in [0] : vector<16xf32>, vector<16xi32> -> vector<16xf32>
      %add3A_2027 = arith.addf %parallel_loop3A_1756#3, %gather3A_2026 : vector<16xf32>
      %add3A_2028 = arith.constant 2 : i32
      %add3A_2029 = vector.broadcast %add3A_2028 : i32 to vector<16xi32>
      %add3A_2030 = arith.addi %iota3A_1750, %add3A_2029 : vector<16xi32>
      %and3A_2031 = arith.constant 15 : i32
      %and3A_2032 = vector.broadcast %and3A_2031 : i32 to vector<16xi32>
      %and3A_2033 = arith.andi %add3A_2030, %and3A_2032 : vector<16xi32>
      %lt3A_2034 = arith.constant 0 : i32
      %lt3A_2035 = vector.broadcast %lt3A_2034 : i32 to vector<16xi32>
      %lt3A_2036 = arith.cmpi slt, %and3A_2033, %lt3A_2035 : vector<16xi32>
      %add3A_2037 = arith.constant 16 : i32
      %add3A_2038 = vector.broadcast %add3A_2037 : i32 to vector<16xi32>
      %add3A_2039 = arith.addi %and3A_2033, %add3A_2038 : vector<16xi32>
      %select_n3A_2040 = arith.select %lt3A_2036, %add3A_2039, %and3A_2033 : vector<16xi1>, vector<16xi32>
      %broadcast_in_dim3A_2041 = vector.shape_cast %select_n3A_2040 : vector<16xi32> to vector<16x1xi32>
      %gather3A_2042 = vector.shape_cast %broadcast_in_dim3A_2041 : vector<16x1xi32> to vector<16xi32>
      %gather3A_2043 = tpu.dynamic_gather %add3A_2027[%gather3A_2042] in [0] : vector<16xf32>, vector<16xi32> -> vector<16xf32>
      %add3A_2044 = arith.addf %add3A_2027, %gather3A_2043 : vector<16xf32>
      %add3A_2045 = arith.constant 4 : i32
      %add3A_2046 = vector.broadcast %add3A_2045 : i32 to vector<16xi32>
      %add3A_2047 = arith.addi %iota3A_1750, %add3A_2046 : vector<16xi32>
      %and3A_2048 = arith.constant 15 : i32
      %and3A_2049 = vector.broadcast %and3A_2048 : i32 to vector<16xi32>
      %and3A_2050 = arith.andi %add3A_2047, %and3A_2049 : vector<16xi32>
      %lt3A_2051 = arith.constant 0 : i32
      %lt3A_2052 = vector.broadcast %lt3A_2051 : i32 to vector<16xi32>
      %lt3A_2053 = arith.cmpi slt, %and3A_2050, %lt3A_2052 : vector<16xi32>
      %add3A_2054 = arith.constant 16 : i32
      %add3A_2055 = vector.broadcast %add3A_2054 : i32 to vector<16xi32>
      %add3A_2056 = arith.addi %and3A_2050, %add3A_2055 : vector<16xi32>
      %select_n3A_2057 = arith.select %lt3A_2053, %add3A_2056, %and3A_2050 : vector<16xi1>, vector<16xi32>
      %broadcast_in_dim3A_2058 = vector.shape_cast %select_n3A_2057 : vector<16xi32> to vector<16x1xi32>
      %gather3A_2059 = vector.shape_cast %broadcast_in_dim3A_2058 : vector<16x1xi32> to vector<16xi32>
      %gather3A_2060 = tpu.dynamic_gather %add3A_2044[%gather3A_2059] in [0] : vector<16xf32>, vector<16xi32> -> vector<16xf32>
      %add3A_2061 = arith.addf %add3A_2044, %gather3A_2060 : vector<16xf32>
      %add3A_2062 = arith.constant 8 : i32
      %add3A_2063 = vector.broadcast %add3A_2062 : i32 to vector<16xi32>
      %add3A_2064 = arith.addi %iota3A_1750, %add3A_2063 : vector<16xi32>
      %and3A_2065 = arith.constant 15 : i32
      %and3A_2066 = vector.broadcast %and3A_2065 : i32 to vector<16xi32>
      %and3A_2067 = arith.andi %add3A_2064, %and3A_2066 : vector<16xi32>
      %lt3A_2068 = arith.constant 0 : i32
      %lt3A_2069 = vector.broadcast %lt3A_2068 : i32 to vector<16xi32>
      %lt3A_2070 = arith.cmpi slt, %and3A_2067, %lt3A_2069 : vector<16xi32>
      %add3A_2071 = arith.constant 16 : i32
      %add3A_2072 = vector.broadcast %add3A_2071 : i32 to vector<16xi32>
      %add3A_2073 = arith.addi %and3A_2067, %add3A_2072 : vector<16xi32>
      %select_n3A_2074 = arith.select %lt3A_2070, %add3A_2073, %and3A_2067 : vector<16xi1>, vector<16xi32>
      %broadcast_in_dim3A_2075 = vector.shape_cast %select_n3A_2074 : vector<16xi32> to vector<16x1xi32>
      %gather3A_2076 = vector.shape_cast %broadcast_in_dim3A_2075 : vector<16x1xi32> to vector<16xi32>
      %gather3A_2077 = tpu.dynamic_gather %add3A_2061[%gather3A_2076] in [0] : vector<16xf32>, vector<16xi32> -> vector<16xf32>
      %add3A_2078 = arith.addf %add3A_2061, %gather3A_2077 : vector<16xf32>
      %mul3A_2079 = arith.constant 9.765625E-4 : f32
      %mul3A_2080 = vector.broadcast %mul3A_2079 : f32 to vector<16xf32>
      %mul3A_2081 = arith.mulf %add3A_2078, %mul3A_2080 : vector<16xf32>
      %mul3A_2082 = arith.mulf %mul3A_2010, %mul3A_2010 : vector<16xf32>
      %sub3A_2083 = arith.subf %mul3A_2081, %mul3A_2082 : vector<16xf32>
      %add3A_2084 = arith.constant 9.99999974E-6 : f32
      %add3A_2085 = vector.broadcast %add3A_2084 : f32 to vector<16xf32>
      %add3A_2086 = arith.addf %sub3A_2083, %add3A_2085 : vector<16xf32>
      %bitcast3A_2087 = vector.bitcast %add3A_2086 : vector<16xf32> to vector<16xi32>
      %shift_right_arithmetic3A_2088 = arith.constant 1 : i32
      %shift_right_arithmetic3A_2089 = vector.broadcast %shift_right_arithmetic3A_2088 : i32 to vector<16xi32>
      %shift_right_arithmetic3A_2090 = arith.shrsi %bitcast3A_2087, %shift_right_arithmetic3A_2089 : vector<16xi32>
      %sub3A_2091 = arith.constant 1597463007 : i32
      %sub3A_2092 = vector.broadcast %sub3A_2091 : i32 to vector<16xi32>
      %sub3A_2093 = arith.subi %sub3A_2092, %shift_right_arithmetic3A_2090 : vector<16xi32>
      %bitcast3A_2094 = vector.bitcast %sub3A_2093 : vector<16xi32> to vector<16xf32>
      %mul3A_2095 = arith.constant 5.000000e-01 : f32
      %mul3A_2096 = vector.broadcast %mul3A_2095 : f32 to vector<16xf32>
      %mul3A_2097 = arith.mulf %mul3A_2096, %add3A_2086 : vector<16xf32>
      %mul3A_2098 = arith.mulf %mul3A_2097, %bitcast3A_2094 : vector<16xf32>
      %mul3A_2099 = arith.mulf %mul3A_2098, %bitcast3A_2094 : vector<16xf32>
      %sub3A_2100 = arith.constant 1.500000e+00 : f32
      %sub3A_2101 = vector.broadcast %sub3A_2100 : f32 to vector<16xf32>
      %sub3A_2102 = arith.subf %sub3A_2101, %mul3A_2099 : vector<16xf32>
      %mul3A_2103 = arith.mulf %bitcast3A_2094, %sub3A_2102 : vector<16xf32>
      %mul3A_2104 = arith.constant 5.000000e-01 : f32
      %mul3A_2105 = vector.broadcast %mul3A_2104 : f32 to vector<16xf32>
      %mul3A_2106 = arith.mulf %mul3A_2105, %add3A_2086 : vector<16xf32>
      %mul3A_2107 = arith.mulf %mul3A_2106, %mul3A_2103 : vector<16xf32>
      %mul3A_2108 = arith.mulf %mul3A_2107, %mul3A_2103 : vector<16xf32>
      %sub3A_2109 = arith.constant 1.500000e+00 : f32
      %sub3A_2110 = vector.broadcast %sub3A_2109 : f32 to vector<16xf32>
      %sub3A_2111 = arith.subf %sub3A_2110, %mul3A_2108 : vector<16xf32>
      %mul3A_2112 = arith.mulf %mul3A_2103, %sub3A_2111 : vector<16xf32>
      %mul3A_2113 = arith.constant 5.000000e-01 : f32
      %mul3A_2114 = vector.broadcast %mul3A_2113 : f32 to vector<16xf32>
      %mul3A_2115 = arith.mulf %mul3A_2114, %add3A_2086 : vector<16xf32>
      %mul3A_2116 = arith.mulf %mul3A_2115, %mul3A_2112 : vector<16xf32>
      %mul3A_2117 = arith.mulf %mul3A_2116, %mul3A_2112 : vector<16xf32>
      %sub3A_2118 = arith.constant 1.500000e+00 : f32
      %sub3A_2119 = vector.broadcast %sub3A_2118 : f32 to vector<16xf32>
      %sub3A_2120 = arith.subf %sub3A_2119, %mul3A_2117 : vector<16xf32>
      %mul3A_2121 = arith.mulf %mul3A_2112, %sub3A_2120 : vector<16xf32>
      %mul3A_2122 = arith.mulf %mul3A_2010, %mul3A_2121 : vector<16xf32>
      %add3A_2123 = arith.constant 1 : i32
      %add3A_2124 = vector.broadcast %add3A_2123 : i32 to vector<16xi32>
      %add3A_2125 = arith.addi %iota3A_1750, %add3A_2124 : vector<16xi32>
      %and3A_2126 = arith.constant 15 : i32
      %and3A_2127 = vector.broadcast %and3A_2126 : i32 to vector<16xi32>
      %and3A_2128 = arith.andi %add3A_2125, %and3A_2127 : vector<16xi32>
      %lt3A_2129 = arith.constant 0 : i32
      %lt3A_2130 = vector.broadcast %lt3A_2129 : i32 to vector<16xi32>
      %lt3A_2131 = arith.cmpi slt, %and3A_2128, %lt3A_2130 : vector<16xi32>
      %add3A_2132 = arith.constant 16 : i32
      %add3A_2133 = vector.broadcast %add3A_2132 : i32 to vector<16xi32>
      %add3A_2134 = arith.addi %and3A_2128, %add3A_2133 : vector<16xi32>
      %select_n3A_2135 = arith.select %lt3A_2131, %add3A_2134, %and3A_2128 : vector<16xi1>, vector<16xi32>
      %broadcast_in_dim3A_2136 = vector.shape_cast %select_n3A_2135 : vector<16xi32> to vector<16x1xi32>
      %gather3A_2137 = vector.shape_cast %broadcast_in_dim3A_2136 : vector<16x1xi32> to vector<16xi32>
      %gather3A_2138 = tpu.dynamic_gather %parallel_loop3A_1756#4[%gather3A_2137] in [0] : vector<16xf32>, vector<16xi32> -> vector<16xf32>
      %add3A_2139 = arith.addf %parallel_loop3A_1756#4, %gather3A_2138 : vector<16xf32>
      %add3A_2140 = arith.constant 2 : i32
      %add3A_2141 = vector.broadcast %add3A_2140 : i32 to vector<16xi32>
      %add3A_2142 = arith.addi %iota3A_1750, %add3A_2141 : vector<16xi32>
      %and3A_2143 = arith.constant 15 : i32
      %and3A_2144 = vector.broadcast %and3A_2143 : i32 to vector<16xi32>
      %and3A_2145 = arith.andi %add3A_2142, %and3A_2144 : vector<16xi32>
      %lt3A_2146 = arith.constant 0 : i32
      %lt3A_2147 = vector.broadcast %lt3A_2146 : i32 to vector<16xi32>
      %lt3A_2148 = arith.cmpi slt, %and3A_2145, %lt3A_2147 : vector<16xi32>
      %add3A_2149 = arith.constant 16 : i32
      %add3A_2150 = vector.broadcast %add3A_2149 : i32 to vector<16xi32>
      %add3A_2151 = arith.addi %and3A_2145, %add3A_2150 : vector<16xi32>
      %select_n3A_2152 = arith.select %lt3A_2148, %add3A_2151, %and3A_2145 : vector<16xi1>, vector<16xi32>
      %broadcast_in_dim3A_2153 = vector.shape_cast %select_n3A_2152 : vector<16xi32> to vector<16x1xi32>
      %gather3A_2154 = vector.shape_cast %broadcast_in_dim3A_2153 : vector<16x1xi32> to vector<16xi32>
      %gather3A_2155 = tpu.dynamic_gather %add3A_2139[%gather3A_2154] in [0] : vector<16xf32>, vector<16xi32> -> vector<16xf32>
      %add3A_2156 = arith.addf %add3A_2139, %gather3A_2155 : vector<16xf32>
      %add3A_2157 = arith.constant 4 : i32
      %add3A_2158 = vector.broadcast %add3A_2157 : i32 to vector<16xi32>
      %add3A_2159 = arith.addi %iota3A_1750, %add3A_2158 : vector<16xi32>
      %and3A_2160 = arith.constant 15 : i32
      %and3A_2161 = vector.broadcast %and3A_2160 : i32 to vector<16xi32>
      %and3A_2162 = arith.andi %add3A_2159, %and3A_2161 : vector<16xi32>
      %lt3A_2163 = arith.constant 0 : i32
      %lt3A_2164 = vector.broadcast %lt3A_2163 : i32 to vector<16xi32>
      %lt3A_2165 = arith.cmpi slt, %and3A_2162, %lt3A_2164 : vector<16xi32>
      %add3A_2166 = arith.constant 16 : i32
      %add3A_2167 = vector.broadcast %add3A_2166 : i32 to vector<16xi32>
      %add3A_2168 = arith.addi %and3A_2162, %add3A_2167 : vector<16xi32>
      %select_n3A_2169 = arith.select %lt3A_2165, %add3A_2168, %and3A_2162 : vector<16xi1>, vector<16xi32>
      %broadcast_in_dim3A_2170 = vector.shape_cast %select_n3A_2169 : vector<16xi32> to vector<16x1xi32>
      %gather3A_2171 = vector.shape_cast %broadcast_in_dim3A_2170 : vector<16x1xi32> to vector<16xi32>
      %gather3A_2172 = tpu.dynamic_gather %add3A_2156[%gather3A_2171] in [0] : vector<16xf32>, vector<16xi32> -> vector<16xf32>
      %add3A_2173 = arith.addf %add3A_2156, %gather3A_2172 : vector<16xf32>
      %add3A_2174 = arith.constant 8 : i32
      %add3A_2175 = vector.broadcast %add3A_2174 : i32 to vector<16xi32>
      %add3A_2176 = arith.addi %iota3A_1750, %add3A_2175 : vector<16xi32>
      %and3A_2177 = arith.constant 15 : i32
      %and3A_2178 = vector.broadcast %and3A_2177 : i32 to vector<16xi32>
      %and3A_2179 = arith.andi %add3A_2176, %and3A_2178 : vector<16xi32>
      %lt3A_2180 = arith.constant 0 : i32
      %lt3A_2181 = vector.broadcast %lt3A_2180 : i32 to vector<16xi32>
      %lt3A_2182 = arith.cmpi slt, %and3A_2179, %lt3A_2181 : vector<16xi32>
      %add3A_2183 = arith.constant 16 : i32
      %add3A_2184 = vector.broadcast %add3A_2183 : i32 to vector<16xi32>
      %add3A_2185 = arith.addi %and3A_2179, %add3A_2184 : vector<16xi32>
      %select_n3A_2186 = arith.select %lt3A_2182, %add3A_2185, %and3A_2179 : vector<16xi1>, vector<16xi32>
      %broadcast_in_dim3A_2187 = vector.shape_cast %select_n3A_2186 : vector<16xi32> to vector<16x1xi32>
      %gather3A_2188 = vector.shape_cast %broadcast_in_dim3A_2187 : vector<16x1xi32> to vector<16xi32>
      %gather3A_2189 = tpu.dynamic_gather %add3A_2173[%gather3A_2188] in [0] : vector<16xf32>, vector<16xi32> -> vector<16xf32>
      %add3A_2190 = arith.addf %add3A_2173, %gather3A_2189 : vector<16xf32>
      %mul3A_2191 = arith.constant 9.765625E-4 : f32
      %mul3A_2192 = vector.broadcast %mul3A_2191 : f32 to vector<16xf32>
      %mul3A_2193 = arith.mulf %add3A_2190, %mul3A_2192 : vector<16xf32>
      %add3A_2194 = arith.constant 1 : i32
      %add3A_2195 = vector.broadcast %add3A_2194 : i32 to vector<16xi32>
      %add3A_2196 = arith.addi %iota3A_1750, %add3A_2195 : vector<16xi32>
      %and3A_2197 = arith.constant 15 : i32
      %and3A_2198 = vector.broadcast %and3A_2197 : i32 to vector<16xi32>
      %and3A_2199 = arith.andi %add3A_2196, %and3A_2198 : vector<16xi32>
      %lt3A_2200 = arith.constant 0 : i32
      %lt3A_2201 = vector.broadcast %lt3A_2200 : i32 to vector<16xi32>
      %lt3A_2202 = arith.cmpi slt, %and3A_2199, %lt3A_2201 : vector<16xi32>
      %add3A_2203 = arith.constant 16 : i32
      %add3A_2204 = vector.broadcast %add3A_2203 : i32 to vector<16xi32>
      %add3A_2205 = arith.addi %and3A_2199, %add3A_2204 : vector<16xi32>
      %select_n3A_2206 = arith.select %lt3A_2202, %add3A_2205, %and3A_2199 : vector<16xi1>, vector<16xi32>
      %broadcast_in_dim3A_2207 = vector.shape_cast %select_n3A_2206 : vector<16xi32> to vector<16x1xi32>
      %gather3A_2208 = vector.shape_cast %broadcast_in_dim3A_2207 : vector<16x1xi32> to vector<16xi32>
      %gather3A_2209 = tpu.dynamic_gather %parallel_loop3A_1756#5[%gather3A_2208] in [0] : vector<16xf32>, vector<16xi32> -> vector<16xf32>
      %add3A_2210 = arith.addf %parallel_loop3A_1756#5, %gather3A_2209 : vector<16xf32>
      %add3A_2211 = arith.constant 2 : i32
      %add3A_2212 = vector.broadcast %add3A_2211 : i32 to vector<16xi32>
      %add3A_2213 = arith.addi %iota3A_1750, %add3A_2212 : vector<16xi32>
      %and3A_2214 = arith.constant 15 : i32
      %and3A_2215 = vector.broadcast %and3A_2214 : i32 to vector<16xi32>
      %and3A_2216 = arith.andi %add3A_2213, %and3A_2215 : vector<16xi32>
      %lt3A_2217 = arith.constant 0 : i32
      %lt3A_2218 = vector.broadcast %lt3A_2217 : i32 to vector<16xi32>
      %lt3A_2219 = arith.cmpi slt, %and3A_2216, %lt3A_2218 : vector<16xi32>
      %add3A_2220 = arith.constant 16 : i32
      %add3A_2221 = vector.broadcast %add3A_2220 : i32 to vector<16xi32>
      %add3A_2222 = arith.addi %and3A_2216, %add3A_2221 : vector<16xi32>
      %select_n3A_2223 = arith.select %lt3A_2219, %add3A_2222, %and3A_2216 : vector<16xi1>, vector<16xi32>
      %broadcast_in_dim3A_2224 = vector.shape_cast %select_n3A_2223 : vector<16xi32> to vector<16x1xi32>
      %gather3A_2225 = vector.shape_cast %broadcast_in_dim3A_2224 : vector<16x1xi32> to vector<16xi32>
      %gather3A_2226 = tpu.dynamic_gather %add3A_2210[%gather3A_2225] in [0] : vector<16xf32>, vector<16xi32> -> vector<16xf32>
      %add3A_2227 = arith.addf %add3A_2210, %gather3A_2226 : vector<16xf32>
      %add3A_2228 = arith.constant 4 : i32
      %add3A_2229 = vector.broadcast %add3A_2228 : i32 to vector<16xi32>
      %add3A_2230 = arith.addi %iota3A_1750, %add3A_2229 : vector<16xi32>
      %and3A_2231 = arith.constant 15 : i32
      %and3A_2232 = vector.broadcast %and3A_2231 : i32 to vector<16xi32>
      %and3A_2233 = arith.andi %add3A_2230, %and3A_2232 : vector<16xi32>
      %lt3A_2234 = arith.constant 0 : i32
      %lt3A_2235 = vector.broadcast %lt3A_2234 : i32 to vector<16xi32>
      %lt3A_2236 = arith.cmpi slt, %and3A_2233, %lt3A_2235 : vector<16xi32>
      %add3A_2237 = arith.constant 16 : i32
      %add3A_2238 = vector.broadcast %add3A_2237 : i32 to vector<16xi32>
      %add3A_2239 = arith.addi %and3A_2233, %add3A_2238 : vector<16xi32>
      %select_n3A_2240 = arith.select %lt3A_2236, %add3A_2239, %and3A_2233 : vector<16xi1>, vector<16xi32>
      %broadcast_in_dim3A_2241 = vector.shape_cast %select_n3A_2240 : vector<16xi32> to vector<16x1xi32>
      %gather3A_2242 = vector.shape_cast %broadcast_in_dim3A_2241 : vector<16x1xi32> to vector<16xi32>
      %gather3A_2243 = tpu.dynamic_gather %add3A_2227[%gather3A_2242] in [0] : vector<16xf32>, vector<16xi32> -> vector<16xf32>
      %add3A_2244 = arith.addf %add3A_2227, %gather3A_2243 : vector<16xf32>
      %add3A_2245 = arith.constant 8 : i32
      %add3A_2246 = vector.broadcast %add3A_2245 : i32 to vector<16xi32>
      %add3A_2247 = arith.addi %iota3A_1750, %add3A_2246 : vector<16xi32>
      %and3A_2248 = arith.constant 15 : i32
      %and3A_2249 = vector.broadcast %and3A_2248 : i32 to vector<16xi32>
      %and3A_2250 = arith.andi %add3A_2247, %and3A_2249 : vector<16xi32>
      %lt3A_2251 = arith.constant 0 : i32
      %lt3A_2252 = vector.broadcast %lt3A_2251 : i32 to vector<16xi32>
      %lt3A_2253 = arith.cmpi slt, %and3A_2250, %lt3A_2252 : vector<16xi32>
      %add3A_2254 = arith.constant 16 : i32
      %add3A_2255 = vector.broadcast %add3A_2254 : i32 to vector<16xi32>
      %add3A_2256 = arith.addi %and3A_2250, %add3A_2255 : vector<16xi32>
      %select_n3A_2257 = arith.select %lt3A_2253, %add3A_2256, %and3A_2250 : vector<16xi1>, vector<16xi32>
      %broadcast_in_dim3A_2258 = vector.shape_cast %select_n3A_2257 : vector<16xi32> to vector<16x1xi32>
      %gather3A_2259 = vector.shape_cast %broadcast_in_dim3A_2258 : vector<16x1xi32> to vector<16xi32>
      %gather3A_2260 = tpu.dynamic_gather %add3A_2244[%gather3A_2259] in [0] : vector<16xf32>, vector<16xi32> -> vector<16xf32>
      %add3A_2261 = arith.addf %add3A_2244, %gather3A_2260 : vector<16xf32>
      %mul3A_2262 = arith.constant 9.765625E-4 : f32
      %mul3A_2263 = vector.broadcast %mul3A_2262 : f32 to vector<16xf32>
      %mul3A_2264 = arith.mulf %add3A_2261, %mul3A_2263 : vector<16xf32>
      %mul3A_2265 = arith.mulf %mul3A_2193, %mul3A_2193 : vector<16xf32>
      %sub3A_2266 = arith.subf %mul3A_2264, %mul3A_2265 : vector<16xf32>
      %add3A_2267 = arith.constant 9.99999974E-6 : f32
      %add3A_2268 = vector.broadcast %add3A_2267 : f32 to vector<16xf32>
      %add3A_2269 = arith.addf %sub3A_2266, %add3A_2268 : vector<16xf32>
      %bitcast3A_2270 = vector.bitcast %add3A_2269 : vector<16xf32> to vector<16xi32>
      %shift_right_arithmetic3A_2271 = arith.constant 1 : i32
      %shift_right_arithmetic3A_2272 = vector.broadcast %shift_right_arithmetic3A_2271 : i32 to vector<16xi32>
      %shift_right_arithmetic3A_2273 = arith.shrsi %bitcast3A_2270, %shift_right_arithmetic3A_2272 : vector<16xi32>
      %sub3A_2274 = arith.constant 1597463007 : i32
      %sub3A_2275 = vector.broadcast %sub3A_2274 : i32 to vector<16xi32>
      %sub3A_2276 = arith.subi %sub3A_2275, %shift_right_arithmetic3A_2273 : vector<16xi32>
      %bitcast3A_2277 = vector.bitcast %sub3A_2276 : vector<16xi32> to vector<16xf32>
      %mul3A_2278 = arith.constant 5.000000e-01 : f32
      %mul3A_2279 = vector.broadcast %mul3A_2278 : f32 to vector<16xf32>
      %mul3A_2280 = arith.mulf %mul3A_2279, %add3A_2269 : vector<16xf32>
      %mul3A_2281 = arith.mulf %mul3A_2280, %bitcast3A_2277 : vector<16xf32>
      %mul3A_2282 = arith.mulf %mul3A_2281, %bitcast3A_2277 : vector<16xf32>
      %sub3A_2283 = arith.constant 1.500000e+00 : f32
      %sub3A_2284 = vector.broadcast %sub3A_2283 : f32 to vector<16xf32>
      %sub3A_2285 = arith.subf %sub3A_2284, %mul3A_2282 : vector<16xf32>
      %mul3A_2286 = arith.mulf %bitcast3A_2277, %sub3A_2285 : vector<16xf32>
      %mul3A_2287 = arith.constant 5.000000e-01 : f32
      %mul3A_2288 = vector.broadcast %mul3A_2287 : f32 to vector<16xf32>
      %mul3A_2289 = arith.mulf %mul3A_2288, %add3A_2269 : vector<16xf32>
      %mul3A_2290 = arith.mulf %mul3A_2289, %mul3A_2286 : vector<16xf32>
      %mul3A_2291 = arith.mulf %mul3A_2290, %mul3A_2286 : vector<16xf32>
      %sub3A_2292 = arith.constant 1.500000e+00 : f32
      %sub3A_2293 = vector.broadcast %sub3A_2292 : f32 to vector<16xf32>
      %sub3A_2294 = arith.subf %sub3A_2293, %mul3A_2291 : vector<16xf32>
      %mul3A_2295 = arith.mulf %mul3A_2286, %sub3A_2294 : vector<16xf32>
      %mul3A_2296 = arith.constant 5.000000e-01 : f32
      %mul3A_2297 = vector.broadcast %mul3A_2296 : f32 to vector<16xf32>
      %mul3A_2298 = arith.mulf %mul3A_2297, %add3A_2269 : vector<16xf32>
      %mul3A_2299 = arith.mulf %mul3A_2298, %mul3A_2295 : vector<16xf32>
      %mul3A_2300 = arith.mulf %mul3A_2299, %mul3A_2295 : vector<16xf32>
      %sub3A_2301 = arith.constant 1.500000e+00 : f32
      %sub3A_2302 = vector.broadcast %sub3A_2301 : f32 to vector<16xf32>
      %sub3A_2303 = arith.subf %sub3A_2302, %mul3A_2300 : vector<16xf32>
      %mul3A_2304 = arith.mulf %mul3A_2295, %sub3A_2303 : vector<16xf32>
      %mul3A_2305 = arith.mulf %mul3A_2193, %mul3A_2304 : vector<16xf32>
      %add3A_2306 = arith.constant 1 : i32
      %add3A_2307 = vector.broadcast %add3A_2306 : i32 to vector<16xi32>
      %add3A_2308 = arith.addi %iota3A_1750, %add3A_2307 : vector<16xi32>
      %and3A_2309 = arith.constant 15 : i32
      %and3A_2310 = vector.broadcast %and3A_2309 : i32 to vector<16xi32>
      %and3A_2311 = arith.andi %add3A_2308, %and3A_2310 : vector<16xi32>
      %lt3A_2312 = arith.constant 0 : i32
      %lt3A_2313 = vector.broadcast %lt3A_2312 : i32 to vector<16xi32>
      %lt3A_2314 = arith.cmpi slt, %and3A_2311, %lt3A_2313 : vector<16xi32>
      %add3A_2315 = arith.constant 16 : i32
      %add3A_2316 = vector.broadcast %add3A_2315 : i32 to vector<16xi32>
      %add3A_2317 = arith.addi %and3A_2311, %add3A_2316 : vector<16xi32>
      %select_n3A_2318 = arith.select %lt3A_2314, %add3A_2317, %and3A_2311 : vector<16xi1>, vector<16xi32>
      %broadcast_in_dim3A_2319 = vector.shape_cast %select_n3A_2318 : vector<16xi32> to vector<16x1xi32>
      %gather3A_2320 = vector.shape_cast %broadcast_in_dim3A_2319 : vector<16x1xi32> to vector<16xi32>
      %gather3A_2321 = tpu.dynamic_gather %parallel_loop3A_1756#6[%gather3A_2320] in [0] : vector<16xf32>, vector<16xi32> -> vector<16xf32>
      %add3A_2322 = arith.addf %parallel_loop3A_1756#6, %gather3A_2321 : vector<16xf32>
      %add3A_2323 = arith.constant 2 : i32
      %add3A_2324 = vector.broadcast %add3A_2323 : i32 to vector<16xi32>
      %add3A_2325 = arith.addi %iota3A_1750, %add3A_2324 : vector<16xi32>
      %and3A_2326 = arith.constant 15 : i32
      %and3A_2327 = vector.broadcast %and3A_2326 : i32 to vector<16xi32>
      %and3A_2328 = arith.andi %add3A_2325, %and3A_2327 : vector<16xi32>
      %lt3A_2329 = arith.constant 0 : i32
      %lt3A_2330 = vector.broadcast %lt3A_2329 : i32 to vector<16xi32>
      %lt3A_2331 = arith.cmpi slt, %and3A_2328, %lt3A_2330 : vector<16xi32>
      %add3A_2332 = arith.constant 16 : i32
      %add3A_2333 = vector.broadcast %add3A_2332 : i32 to vector<16xi32>
      %add3A_2334 = arith.addi %and3A_2328, %add3A_2333 : vector<16xi32>
      %select_n3A_2335 = arith.select %lt3A_2331, %add3A_2334, %and3A_2328 : vector<16xi1>, vector<16xi32>
      %broadcast_in_dim3A_2336 = vector.shape_cast %select_n3A_2335 : vector<16xi32> to vector<16x1xi32>
      %gather3A_2337 = vector.shape_cast %broadcast_in_dim3A_2336 : vector<16x1xi32> to vector<16xi32>
      %gather3A_2338 = tpu.dynamic_gather %add3A_2322[%gather3A_2337] in [0] : vector<16xf32>, vector<16xi32> -> vector<16xf32>
      %add3A_2339 = arith.addf %add3A_2322, %gather3A_2338 : vector<16xf32>
      %add3A_2340 = arith.constant 4 : i32
      %add3A_2341 = vector.broadcast %add3A_2340 : i32 to vector<16xi32>
      %add3A_2342 = arith.addi %iota3A_1750, %add3A_2341 : vector<16xi32>
      %and3A_2343 = arith.constant 15 : i32
      %and3A_2344 = vector.broadcast %and3A_2343 : i32 to vector<16xi32>
      %and3A_2345 = arith.andi %add3A_2342, %and3A_2344 : vector<16xi32>
      %lt3A_2346 = arith.constant 0 : i32
      %lt3A_2347 = vector.broadcast %lt3A_2346 : i32 to vector<16xi32>
      %lt3A_2348 = arith.cmpi slt, %and3A_2345, %lt3A_2347 : vector<16xi32>
      %add3A_2349 = arith.constant 16 : i32
      %add3A_2350 = vector.broadcast %add3A_2349 : i32 to vector<16xi32>
      %add3A_2351 = arith.addi %and3A_2345, %add3A_2350 : vector<16xi32>
      %select_n3A_2352 = arith.select %lt3A_2348, %add3A_2351, %and3A_2345 : vector<16xi1>, vector<16xi32>
      %broadcast_in_dim3A_2353 = vector.shape_cast %select_n3A_2352 : vector<16xi32> to vector<16x1xi32>
      %gather3A_2354 = vector.shape_cast %broadcast_in_dim3A_2353 : vector<16x1xi32> to vector<16xi32>
      %gather3A_2355 = tpu.dynamic_gather %add3A_2339[%gather3A_2354] in [0] : vector<16xf32>, vector<16xi32> -> vector<16xf32>
      %add3A_2356 = arith.addf %add3A_2339, %gather3A_2355 : vector<16xf32>
      %add3A_2357 = arith.constant 8 : i32
      %add3A_2358 = vector.broadcast %add3A_2357 : i32 to vector<16xi32>
      %add3A_2359 = arith.addi %iota3A_1750, %add3A_2358 : vector<16xi32>
      %and3A_2360 = arith.constant 15 : i32
      %and3A_2361 = vector.broadcast %and3A_2360 : i32 to vector<16xi32>
      %and3A_2362 = arith.andi %add3A_2359, %and3A_2361 : vector<16xi32>
      %lt3A_2363 = arith.constant 0 : i32
      %lt3A_2364 = vector.broadcast %lt3A_2363 : i32 to vector<16xi32>
      %lt3A_2365 = arith.cmpi slt, %and3A_2362, %lt3A_2364 : vector<16xi32>
      %add3A_2366 = arith.constant 16 : i32
      %add3A_2367 = vector.broadcast %add3A_2366 : i32 to vector<16xi32>
      %add3A_2368 = arith.addi %and3A_2362, %add3A_2367 : vector<16xi32>
      %select_n3A_2369 = arith.select %lt3A_2365, %add3A_2368, %and3A_2362 : vector<16xi1>, vector<16xi32>
      %broadcast_in_dim3A_2370 = vector.shape_cast %select_n3A_2369 : vector<16xi32> to vector<16x1xi32>
      %gather3A_2371 = vector.shape_cast %broadcast_in_dim3A_2370 : vector<16x1xi32> to vector<16xi32>
      %gather3A_2372 = tpu.dynamic_gather %add3A_2356[%gather3A_2371] in [0] : vector<16xf32>, vector<16xi32> -> vector<16xf32>
      %add3A_2373 = arith.addf %add3A_2356, %gather3A_2372 : vector<16xf32>
      %mul3A_2374 = arith.constant 9.765625E-4 : f32
      %mul3A_2375 = vector.broadcast %mul3A_2374 : f32 to vector<16xf32>
      %mul3A_2376 = arith.mulf %add3A_2373, %mul3A_2375 : vector<16xf32>
      %add3A_2377 = arith.constant 1 : i32
      %add3A_2378 = vector.broadcast %add3A_2377 : i32 to vector<16xi32>
      %add3A_2379 = arith.addi %iota3A_1750, %add3A_2378 : vector<16xi32>
      %and3A_2380 = arith.constant 15 : i32
      %and3A_2381 = vector.broadcast %and3A_2380 : i32 to vector<16xi32>
      %and3A_2382 = arith.andi %add3A_2379, %and3A_2381 : vector<16xi32>
      %lt3A_2383 = arith.constant 0 : i32
      %lt3A_2384 = vector.broadcast %lt3A_2383 : i32 to vector<16xi32>
      %lt3A_2385 = arith.cmpi slt, %and3A_2382, %lt3A_2384 : vector<16xi32>
      %add3A_2386 = arith.constant 16 : i32
      %add3A_2387 = vector.broadcast %add3A_2386 : i32 to vector<16xi32>
      %add3A_2388 = arith.addi %and3A_2382, %add3A_2387 : vector<16xi32>
      %select_n3A_2389 = arith.select %lt3A_2385, %add3A_2388, %and3A_2382 : vector<16xi1>, vector<16xi32>
      %broadcast_in_dim3A_2390 = vector.shape_cast %select_n3A_2389 : vector<16xi32> to vector<16x1xi32>
      %gather3A_2391 = vector.shape_cast %broadcast_in_dim3A_2390 : vector<16x1xi32> to vector<16xi32>
      %gather3A_2392 = tpu.dynamic_gather %parallel_loop3A_1756#7[%gather3A_2391] in [0] : vector<16xf32>, vector<16xi32> -> vector<16xf32>
      %add3A_2393 = arith.addf %parallel_loop3A_1756#7, %gather3A_2392 : vector<16xf32>
      %add3A_2394 = arith.constant 2 : i32
      %add3A_2395 = vector.broadcast %add3A_2394 : i32 to vector<16xi32>
      %add3A_2396 = arith.addi %iota3A_1750, %add3A_2395 : vector<16xi32>
      %and3A_2397 = arith.constant 15 : i32
      %and3A_2398 = vector.broadcast %and3A_2397 : i32 to vector<16xi32>
      %and3A_2399 = arith.andi %add3A_2396, %and3A_2398 : vector<16xi32>
      %lt3A_2400 = arith.constant 0 : i32
      %lt3A_2401 = vector.broadcast %lt3A_2400 : i32 to vector<16xi32>
      %lt3A_2402 = arith.cmpi slt, %and3A_2399, %lt3A_2401 : vector<16xi32>
      %add3A_2403 = arith.constant 16 : i32
      %add3A_2404 = vector.broadcast %add3A_2403 : i32 to vector<16xi32>
      %add3A_2405 = arith.addi %and3A_2399, %add3A_2404 : vector<16xi32>
      %select_n3A_2406 = arith.select %lt3A_2402, %add3A_2405, %and3A_2399 : vector<16xi1>, vector<16xi32>
      %broadcast_in_dim3A_2407 = vector.shape_cast %select_n3A_2406 : vector<16xi32> to vector<16x1xi32>
      %gather3A_2408 = vector.shape_cast %broadcast_in_dim3A_2407 : vector<16x1xi32> to vector<16xi32>
      %gather3A_2409 = tpu.dynamic_gather %add3A_2393[%gather3A_2408] in [0] : vector<16xf32>, vector<16xi32> -> vector<16xf32>
      %add3A_2410 = arith.addf %add3A_2393, %gather3A_2409 : vector<16xf32>
      %add3A_2411 = arith.constant 4 : i32
      %add3A_2412 = vector.broadcast %add3A_2411 : i32 to vector<16xi32>
      %add3A_2413 = arith.addi %iota3A_1750, %add3A_2412 : vector<16xi32>
      %and3A_2414 = arith.constant 15 : i32
      %and3A_2415 = vector.broadcast %and3A_2414 : i32 to vector<16xi32>
      %and3A_2416 = arith.andi %add3A_2413, %and3A_2415 : vector<16xi32>
      %lt3A_2417 = arith.constant 0 : i32
      %lt3A_2418 = vector.broadcast %lt3A_2417 : i32 to vector<16xi32>
      %lt3A_2419 = arith.cmpi slt, %and3A_2416, %lt3A_2418 : vector<16xi32>
      %add3A_2420 = arith.constant 16 : i32
      %add3A_2421 = vector.broadcast %add3A_2420 : i32 to vector<16xi32>
      %add3A_2422 = arith.addi %and3A_2416, %add3A_2421 : vector<16xi32>
      %select_n3A_2423 = arith.select %lt3A_2419, %add3A_2422, %and3A_2416 : vector<16xi1>, vector<16xi32>
      %broadcast_in_dim3A_2424 = vector.shape_cast %select_n3A_2423 : vector<16xi32> to vector<16x1xi32>
      %gather3A_2425 = vector.shape_cast %broadcast_in_dim3A_2424 : vector<16x1xi32> to vector<16xi32>
      %gather3A_2426 = tpu.dynamic_gather %add3A_2410[%gather3A_2425] in [0] : vector<16xf32>, vector<16xi32> -> vector<16xf32>
      %add3A_2427 = arith.addf %add3A_2410, %gather3A_2426 : vector<16xf32>
      %add3A_2428 = arith.constant 8 : i32
      %add3A_2429 = vector.broadcast %add3A_2428 : i32 to vector<16xi32>
      %add3A_2430 = arith.addi %iota3A_1750, %add3A_2429 : vector<16xi32>
      %and3A_2431 = arith.constant 15 : i32
      %and3A_2432 = vector.broadcast %and3A_2431 : i32 to vector<16xi32>
      %and3A_2433 = arith.andi %add3A_2430, %and3A_2432 : vector<16xi32>
      %lt3A_2434 = arith.constant 0 : i32
      %lt3A_2435 = vector.broadcast %lt3A_2434 : i32 to vector<16xi32>
      %lt3A_2436 = arith.cmpi slt, %and3A_2433, %lt3A_2435 : vector<16xi32>
      %add3A_2437 = arith.constant 16 : i32
      %add3A_2438 = vector.broadcast %add3A_2437 : i32 to vector<16xi32>
      %add3A_2439 = arith.addi %and3A_2433, %add3A_2438 : vector<16xi32>
      %select_n3A_2440 = arith.select %lt3A_2436, %add3A_2439, %and3A_2433 : vector<16xi1>, vector<16xi32>
      %broadcast_in_dim3A_2441 = vector.shape_cast %select_n3A_2440 : vector<16xi32> to vector<16x1xi32>
      %gather3A_2442 = vector.shape_cast %broadcast_in_dim3A_2441 : vector<16x1xi32> to vector<16xi32>
      %gather3A_2443 = tpu.dynamic_gather %add3A_2427[%gather3A_2442] in [0] : vector<16xf32>, vector<16xi32> -> vector<16xf32>
      %add3A_2444 = arith.addf %add3A_2427, %gather3A_2443 : vector<16xf32>
      %mul3A_2445 = arith.constant 9.765625E-4 : f32
      %mul3A_2446 = vector.broadcast %mul3A_2445 : f32 to vector<16xf32>
      %mul3A_2447 = arith.mulf %add3A_2444, %mul3A_2446 : vector<16xf32>
      %mul3A_2448 = arith.mulf %mul3A_2376, %mul3A_2376 : vector<16xf32>
      %sub3A_2449 = arith.subf %mul3A_2447, %mul3A_2448 : vector<16xf32>
      %add3A_2450 = arith.constant 9.99999974E-6 : f32
      %add3A_2451 = vector.broadcast %add3A_2450 : f32 to vector<16xf32>
      %add3A_2452 = arith.addf %sub3A_2449, %add3A_2451 : vector<16xf32>
      %bitcast3A_2453 = vector.bitcast %add3A_2452 : vector<16xf32> to vector<16xi32>
      %shift_right_arithmetic3A_2454 = arith.constant 1 : i32
      %shift_right_arithmetic3A_2455 = vector.broadcast %shift_right_arithmetic3A_2454 : i32 to vector<16xi32>
      %shift_right_arithmetic3A_2456 = arith.shrsi %bitcast3A_2453, %shift_right_arithmetic3A_2455 : vector<16xi32>
      %sub3A_2457 = arith.constant 1597463007 : i32
      %sub3A_2458 = vector.broadcast %sub3A_2457 : i32 to vector<16xi32>
      %sub3A_2459 = arith.subi %sub3A_2458, %shift_right_arithmetic3A_2456 : vector<16xi32>
      %bitcast3A_2460 = vector.bitcast %sub3A_2459 : vector<16xi32> to vector<16xf32>
      %mul3A_2461 = arith.constant 5.000000e-01 : f32
      %mul3A_2462 = vector.broadcast %mul3A_2461 : f32 to vector<16xf32>
      %mul3A_2463 = arith.mulf %mul3A_2462, %add3A_2452 : vector<16xf32>
      %mul3A_2464 = arith.mulf %mul3A_2463, %bitcast3A_2460 : vector<16xf32>
      %mul3A_2465 = arith.mulf %mul3A_2464, %bitcast3A_2460 : vector<16xf32>
      %sub3A_2466 = arith.constant 1.500000e+00 : f32
      %sub3A_2467 = vector.broadcast %sub3A_2466 : f32 to vector<16xf32>
      %sub3A_2468 = arith.subf %sub3A_2467, %mul3A_2465 : vector<16xf32>
      %mul3A_2469 = arith.mulf %bitcast3A_2460, %sub3A_2468 : vector<16xf32>
      %mul3A_2470 = arith.constant 5.000000e-01 : f32
      %mul3A_2471 = vector.broadcast %mul3A_2470 : f32 to vector<16xf32>
      %mul3A_2472 = arith.mulf %mul3A_2471, %add3A_2452 : vector<16xf32>
      %mul3A_2473 = arith.mulf %mul3A_2472, %mul3A_2469 : vector<16xf32>
      %mul3A_2474 = arith.mulf %mul3A_2473, %mul3A_2469 : vector<16xf32>
      %sub3A_2475 = arith.constant 1.500000e+00 : f32
      %sub3A_2476 = vector.broadcast %sub3A_2475 : f32 to vector<16xf32>
      %sub3A_2477 = arith.subf %sub3A_2476, %mul3A_2474 : vector<16xf32>
      %mul3A_2478 = arith.mulf %mul3A_2469, %sub3A_2477 : vector<16xf32>
      %mul3A_2479 = arith.constant 5.000000e-01 : f32
      %mul3A_2480 = vector.broadcast %mul3A_2479 : f32 to vector<16xf32>
      %mul3A_2481 = arith.mulf %mul3A_2480, %add3A_2452 : vector<16xf32>
      %mul3A_2482 = arith.mulf %mul3A_2481, %mul3A_2478 : vector<16xf32>
      %mul3A_2483 = arith.mulf %mul3A_2482, %mul3A_2478 : vector<16xf32>
      %sub3A_2484 = arith.constant 1.500000e+00 : f32
      %sub3A_2485 = vector.broadcast %sub3A_2484 : f32 to vector<16xf32>
      %sub3A_2486 = arith.subf %sub3A_2485, %mul3A_2483 : vector<16xf32>
      %mul3A_2487 = arith.mulf %mul3A_2478, %sub3A_2486 : vector<16xf32>
      %mul3A_2488 = arith.mulf %mul3A_2376, %mul3A_2487 : vector<16xf32>
      %add3A_2489 = arith.constant 1 : i32
      %add3A_2490 = vector.broadcast %add3A_2489 : i32 to vector<16xi32>
      %add3A_2491 = arith.addi %iota3A_1750, %add3A_2490 : vector<16xi32>
      %and3A_2492 = arith.constant 15 : i32
      %and3A_2493 = vector.broadcast %and3A_2492 : i32 to vector<16xi32>
      %and3A_2494 = arith.andi %add3A_2491, %and3A_2493 : vector<16xi32>
      %lt3A_2495 = arith.constant 0 : i32
      %lt3A_2496 = vector.broadcast %lt3A_2495 : i32 to vector<16xi32>
      %lt3A_2497 = arith.cmpi slt, %and3A_2494, %lt3A_2496 : vector<16xi32>
      %add3A_2498 = arith.constant 16 : i32
      %add3A_2499 = vector.broadcast %add3A_2498 : i32 to vector<16xi32>
      %add3A_2500 = arith.addi %and3A_2494, %add3A_2499 : vector<16xi32>
      %select_n3A_2501 = arith.select %lt3A_2497, %add3A_2500, %and3A_2494 : vector<16xi1>, vector<16xi32>
      %broadcast_in_dim3A_2502 = vector.shape_cast %select_n3A_2501 : vector<16xi32> to vector<16x1xi32>
      %gather3A_2503 = vector.shape_cast %broadcast_in_dim3A_2502 : vector<16x1xi32> to vector<16xi32>
      %gather3A_2504 = tpu.dynamic_gather %parallel_loop3A_1756#8[%gather3A_2503] in [0] : vector<16xf32>, vector<16xi32> -> vector<16xf32>
      %add3A_2505 = arith.addf %parallel_loop3A_1756#8, %gather3A_2504 : vector<16xf32>
      %add3A_2506 = arith.constant 2 : i32
      %add3A_2507 = vector.broadcast %add3A_2506 : i32 to vector<16xi32>
      %add3A_2508 = arith.addi %iota3A_1750, %add3A_2507 : vector<16xi32>
      %and3A_2509 = arith.constant 15 : i32
      %and3A_2510 = vector.broadcast %and3A_2509 : i32 to vector<16xi32>
      %and3A_2511 = arith.andi %add3A_2508, %and3A_2510 : vector<16xi32>
      %lt3A_2512 = arith.constant 0 : i32
      %lt3A_2513 = vector.broadcast %lt3A_2512 : i32 to vector<16xi32>
      %lt3A_2514 = arith.cmpi slt, %and3A_2511, %lt3A_2513 : vector<16xi32>
      %add3A_2515 = arith.constant 16 : i32
      %add3A_2516 = vector.broadcast %add3A_2515 : i32 to vector<16xi32>
      %add3A_2517 = arith.addi %and3A_2511, %add3A_2516 : vector<16xi32>
      %select_n3A_2518 = arith.select %lt3A_2514, %add3A_2517, %and3A_2511 : vector<16xi1>, vector<16xi32>
      %broadcast_in_dim3A_2519 = vector.shape_cast %select_n3A_2518 : vector<16xi32> to vector<16x1xi32>
      %gather3A_2520 = vector.shape_cast %broadcast_in_dim3A_2519 : vector<16x1xi32> to vector<16xi32>
      %gather3A_2521 = tpu.dynamic_gather %add3A_2505[%gather3A_2520] in [0] : vector<16xf32>, vector<16xi32> -> vector<16xf32>
      %add3A_2522 = arith.addf %add3A_2505, %gather3A_2521 : vector<16xf32>
      %add3A_2523 = arith.constant 4 : i32
      %add3A_2524 = vector.broadcast %add3A_2523 : i32 to vector<16xi32>
      %add3A_2525 = arith.addi %iota3A_1750, %add3A_2524 : vector<16xi32>
      %and3A_2526 = arith.constant 15 : i32
      %and3A_2527 = vector.broadcast %and3A_2526 : i32 to vector<16xi32>
      %and3A_2528 = arith.andi %add3A_2525, %and3A_2527 : vector<16xi32>
      %lt3A_2529 = arith.constant 0 : i32
      %lt3A_2530 = vector.broadcast %lt3A_2529 : i32 to vector<16xi32>
      %lt3A_2531 = arith.cmpi slt, %and3A_2528, %lt3A_2530 : vector<16xi32>
      %add3A_2532 = arith.constant 16 : i32
      %add3A_2533 = vector.broadcast %add3A_2532 : i32 to vector<16xi32>
      %add3A_2534 = arith.addi %and3A_2528, %add3A_2533 : vector<16xi32>
      %select_n3A_2535 = arith.select %lt3A_2531, %add3A_2534, %and3A_2528 : vector<16xi1>, vector<16xi32>
      %broadcast_in_dim3A_2536 = vector.shape_cast %select_n3A_2535 : vector<16xi32> to vector<16x1xi32>
      %gather3A_2537 = vector.shape_cast %broadcast_in_dim3A_2536 : vector<16x1xi32> to vector<16xi32>
      %gather3A_2538 = tpu.dynamic_gather %add3A_2522[%gather3A_2537] in [0] : vector<16xf32>, vector<16xi32> -> vector<16xf32>
      %add3A_2539 = arith.addf %add3A_2522, %gather3A_2538 : vector<16xf32>
      %add3A_2540 = arith.constant 8 : i32
      %add3A_2541 = vector.broadcast %add3A_2540 : i32 to vector<16xi32>
      %add3A_2542 = arith.addi %iota3A_1750, %add3A_2541 : vector<16xi32>
      %and3A_2543 = arith.constant 15 : i32
      %and3A_2544 = vector.broadcast %and3A_2543 : i32 to vector<16xi32>
      %and3A_2545 = arith.andi %add3A_2542, %and3A_2544 : vector<16xi32>
      %lt3A_2546 = arith.constant 0 : i32
      %lt3A_2547 = vector.broadcast %lt3A_2546 : i32 to vector<16xi32>
      %lt3A_2548 = arith.cmpi slt, %and3A_2545, %lt3A_2547 : vector<16xi32>
      %add3A_2549 = arith.constant 16 : i32
      %add3A_2550 = vector.broadcast %add3A_2549 : i32 to vector<16xi32>
      %add3A_2551 = arith.addi %and3A_2545, %add3A_2550 : vector<16xi32>
      %select_n3A_2552 = arith.select %lt3A_2548, %add3A_2551, %and3A_2545 : vector<16xi1>, vector<16xi32>
      %broadcast_in_dim3A_2553 = vector.shape_cast %select_n3A_2552 : vector<16xi32> to vector<16x1xi32>
      %gather3A_2554 = vector.shape_cast %broadcast_in_dim3A_2553 : vector<16x1xi32> to vector<16xi32>
      %gather3A_2555 = tpu.dynamic_gather %add3A_2539[%gather3A_2554] in [0] : vector<16xf32>, vector<16xi32> -> vector<16xf32>
      %add3A_2556 = arith.addf %add3A_2539, %gather3A_2555 : vector<16xf32>
      %mul3A_2557 = arith.constant 9.765625E-4 : f32
      %mul3A_2558 = vector.broadcast %mul3A_2557 : f32 to vector<16xf32>
      %mul3A_2559 = arith.mulf %add3A_2556, %mul3A_2558 : vector<16xf32>
      %add3A_2560 = arith.constant 1 : i32
      %add3A_2561 = vector.broadcast %add3A_2560 : i32 to vector<16xi32>
      %add3A_2562 = arith.addi %iota3A_1750, %add3A_2561 : vector<16xi32>
      %and3A_2563 = arith.constant 15 : i32
      %and3A_2564 = vector.broadcast %and3A_2563 : i32 to vector<16xi32>
      %and3A_2565 = arith.andi %add3A_2562, %and3A_2564 : vector<16xi32>
      %lt3A_2566 = arith.constant 0 : i32
      %lt3A_2567 = vector.broadcast %lt3A_2566 : i32 to vector<16xi32>
      %lt3A_2568 = arith.cmpi slt, %and3A_2565, %lt3A_2567 : vector<16xi32>
      %add3A_2569 = arith.constant 16 : i32
      %add3A_2570 = vector.broadcast %add3A_2569 : i32 to vector<16xi32>
      %add3A_2571 = arith.addi %and3A_2565, %add3A_2570 : vector<16xi32>
      %select_n3A_2572 = arith.select %lt3A_2568, %add3A_2571, %and3A_2565 : vector<16xi1>, vector<16xi32>
      %broadcast_in_dim3A_2573 = vector.shape_cast %select_n3A_2572 : vector<16xi32> to vector<16x1xi32>
      %gather3A_2574 = vector.shape_cast %broadcast_in_dim3A_2573 : vector<16x1xi32> to vector<16xi32>
      %gather3A_2575 = tpu.dynamic_gather %parallel_loop3A_1756#9[%gather3A_2574] in [0] : vector<16xf32>, vector<16xi32> -> vector<16xf32>
      %add3A_2576 = arith.addf %parallel_loop3A_1756#9, %gather3A_2575 : vector<16xf32>
      %add3A_2577 = arith.constant 2 : i32
      %add3A_2578 = vector.broadcast %add3A_2577 : i32 to vector<16xi32>
      %add3A_2579 = arith.addi %iota3A_1750, %add3A_2578 : vector<16xi32>
      %and3A_2580 = arith.constant 15 : i32
      %and3A_2581 = vector.broadcast %and3A_2580 : i32 to vector<16xi32>
      %and3A_2582 = arith.andi %add3A_2579, %and3A_2581 : vector<16xi32>
      %lt3A_2583 = arith.constant 0 : i32
      %lt3A_2584 = vector.broadcast %lt3A_2583 : i32 to vector<16xi32>
      %lt3A_2585 = arith.cmpi slt, %and3A_2582, %lt3A_2584 : vector<16xi32>
      %add3A_2586 = arith.constant 16 : i32
      %add3A_2587 = vector.broadcast %add3A_2586 : i32 to vector<16xi32>
      %add3A_2588 = arith.addi %and3A_2582, %add3A_2587 : vector<16xi32>
      %select_n3A_2589 = arith.select %lt3A_2585, %add3A_2588, %and3A_2582 : vector<16xi1>, vector<16xi32>
      %broadcast_in_dim3A_2590 = vector.shape_cast %select_n3A_2589 : vector<16xi32> to vector<16x1xi32>
      %gather3A_2591 = vector.shape_cast %broadcast_in_dim3A_2590 : vector<16x1xi32> to vector<16xi32>
      %gather3A_2592 = tpu.dynamic_gather %add3A_2576[%gather3A_2591] in [0] : vector<16xf32>, vector<16xi32> -> vector<16xf32>
      %add3A_2593 = arith.addf %add3A_2576, %gather3A_2592 : vector<16xf32>
      %add3A_2594 = arith.constant 4 : i32
      %add3A_2595 = vector.broadcast %add3A_2594 : i32 to vector<16xi32>
      %add3A_2596 = arith.addi %iota3A_1750, %add3A_2595 : vector<16xi32>
      %and3A_2597 = arith.constant 15 : i32
      %and3A_2598 = vector.broadcast %and3A_2597 : i32 to vector<16xi32>
      %and3A_2599 = arith.andi %add3A_2596, %and3A_2598 : vector<16xi32>
      %lt3A_2600 = arith.constant 0 : i32
      %lt3A_2601 = vector.broadcast %lt3A_2600 : i32 to vector<16xi32>
      %lt3A_2602 = arith.cmpi slt, %and3A_2599, %lt3A_2601 : vector<16xi32>
      %add3A_2603 = arith.constant 16 : i32
      %add3A_2604 = vector.broadcast %add3A_2603 : i32 to vector<16xi32>
      %add3A_2605 = arith.addi %and3A_2599, %add3A_2604 : vector<16xi32>
      %select_n3A_2606 = arith.select %lt3A_2602, %add3A_2605, %and3A_2599 : vector<16xi1>, vector<16xi32>
      %broadcast_in_dim3A_2607 = vector.shape_cast %select_n3A_2606 : vector<16xi32> to vector<16x1xi32>
      %gather3A_2608 = vector.shape_cast %broadcast_in_dim3A_2607 : vector<16x1xi32> to vector<16xi32>
      %gather3A_2609 = tpu.dynamic_gather %add3A_2593[%gather3A_2608] in [0] : vector<16xf32>, vector<16xi32> -> vector<16xf32>
      %add3A_2610 = arith.addf %add3A_2593, %gather3A_2609 : vector<16xf32>
      %add3A_2611 = arith.constant 8 : i32
      %add3A_2612 = vector.broadcast %add3A_2611 : i32 to vector<16xi32>
      %add3A_2613 = arith.addi %iota3A_1750, %add3A_2612 : vector<16xi32>
      %and3A_2614 = arith.constant 15 : i32
      %and3A_2615 = vector.broadcast %and3A_2614 : i32 to vector<16xi32>
      %and3A_2616 = arith.andi %add3A_2613, %and3A_2615 : vector<16xi32>
      %lt3A_2617 = arith.constant 0 : i32
      %lt3A_2618 = vector.broadcast %lt3A_2617 : i32 to vector<16xi32>
      %lt3A_2619 = arith.cmpi slt, %and3A_2616, %lt3A_2618 : vector<16xi32>
      %add3A_2620 = arith.constant 16 : i32
      %add3A_2621 = vector.broadcast %add3A_2620 : i32 to vector<16xi32>
      %add3A_2622 = arith.addi %and3A_2616, %add3A_2621 : vector<16xi32>
      %select_n3A_2623 = arith.select %lt3A_2619, %add3A_2622, %and3A_2616 : vector<16xi1>, vector<16xi32>
      %broadcast_in_dim3A_2624 = vector.shape_cast %select_n3A_2623 : vector<16xi32> to vector<16x1xi32>
      %gather3A_2625 = vector.shape_cast %broadcast_in_dim3A_2624 : vector<16x1xi32> to vector<16xi32>
      %gather3A_2626 = tpu.dynamic_gather %add3A_2610[%gather3A_2625] in [0] : vector<16xf32>, vector<16xi32> -> vector<16xf32>
      %add3A_2627 = arith.addf %add3A_2610, %gather3A_2626 : vector<16xf32>
      %mul3A_2628 = arith.constant 9.765625E-4 : f32
      %mul3A_2629 = vector.broadcast %mul3A_2628 : f32 to vector<16xf32>
      %mul3A_2630 = arith.mulf %add3A_2627, %mul3A_2629 : vector<16xf32>
      %mul3A_2631 = arith.mulf %mul3A_2559, %mul3A_2559 : vector<16xf32>
      %sub3A_2632 = arith.subf %mul3A_2630, %mul3A_2631 : vector<16xf32>
      %add3A_2633 = arith.constant 9.99999974E-6 : f32
      %add3A_2634 = vector.broadcast %add3A_2633 : f32 to vector<16xf32>
      %add3A_2635 = arith.addf %sub3A_2632, %add3A_2634 : vector<16xf32>
      %bitcast3A_2636 = vector.bitcast %add3A_2635 : vector<16xf32> to vector<16xi32>
      %shift_right_arithmetic3A_2637 = arith.constant 1 : i32
      %shift_right_arithmetic3A_2638 = vector.broadcast %shift_right_arithmetic3A_2637 : i32 to vector<16xi32>
      %shift_right_arithmetic3A_2639 = arith.shrsi %bitcast3A_2636, %shift_right_arithmetic3A_2638 : vector<16xi32>
      %sub3A_2640 = arith.constant 1597463007 : i32
      %sub3A_2641 = vector.broadcast %sub3A_2640 : i32 to vector<16xi32>
      %sub3A_2642 = arith.subi %sub3A_2641, %shift_right_arithmetic3A_2639 : vector<16xi32>
      %bitcast3A_2643 = vector.bitcast %sub3A_2642 : vector<16xi32> to vector<16xf32>
      %mul3A_2644 = arith.constant 5.000000e-01 : f32
      %mul3A_2645 = vector.broadcast %mul3A_2644 : f32 to vector<16xf32>
      %mul3A_2646 = arith.mulf %mul3A_2645, %add3A_2635 : vector<16xf32>
      %mul3A_2647 = arith.mulf %mul3A_2646, %bitcast3A_2643 : vector<16xf32>
      %mul3A_2648 = arith.mulf %mul3A_2647, %bitcast3A_2643 : vector<16xf32>
      %sub3A_2649 = arith.constant 1.500000e+00 : f32
      %sub3A_2650 = vector.broadcast %sub3A_2649 : f32 to vector<16xf32>
      %sub3A_2651 = arith.subf %sub3A_2650, %mul3A_2648 : vector<16xf32>
      %mul3A_2652 = arith.mulf %bitcast3A_2643, %sub3A_2651 : vector<16xf32>
      %mul3A_2653 = arith.constant 5.000000e-01 : f32
      %mul3A_2654 = vector.broadcast %mul3A_2653 : f32 to vector<16xf32>
      %mul3A_2655 = arith.mulf %mul3A_2654, %add3A_2635 : vector<16xf32>
      %mul3A_2656 = arith.mulf %mul3A_2655, %mul3A_2652 : vector<16xf32>
      %mul3A_2657 = arith.mulf %mul3A_2656, %mul3A_2652 : vector<16xf32>
      %sub3A_2658 = arith.constant 1.500000e+00 : f32
      %sub3A_2659 = vector.broadcast %sub3A_2658 : f32 to vector<16xf32>
      %sub3A_2660 = arith.subf %sub3A_2659, %mul3A_2657 : vector<16xf32>
      %mul3A_2661 = arith.mulf %mul3A_2652, %sub3A_2660 : vector<16xf32>
      %mul3A_2662 = arith.constant 5.000000e-01 : f32
      %mul3A_2663 = vector.broadcast %mul3A_2662 : f32 to vector<16xf32>
      %mul3A_2664 = arith.mulf %mul3A_2663, %add3A_2635 : vector<16xf32>
      %mul3A_2665 = arith.mulf %mul3A_2664, %mul3A_2661 : vector<16xf32>
      %mul3A_2666 = arith.mulf %mul3A_2665, %mul3A_2661 : vector<16xf32>
      %sub3A_2667 = arith.constant 1.500000e+00 : f32
      %sub3A_2668 = vector.broadcast %sub3A_2667 : f32 to vector<16xf32>
      %sub3A_2669 = arith.subf %sub3A_2668, %mul3A_2666 : vector<16xf32>
      %mul3A_2670 = arith.mulf %mul3A_2661, %sub3A_2669 : vector<16xf32>
      %mul3A_2671 = arith.mulf %mul3A_2559, %mul3A_2670 : vector<16xf32>
      %add3A_2672 = arith.constant 1 : i32
      %add3A_2673 = vector.broadcast %add3A_2672 : i32 to vector<16xi32>
      %add3A_2674 = arith.addi %iota3A_1750, %add3A_2673 : vector<16xi32>
      %and3A_2675 = arith.constant 15 : i32
      %and3A_2676 = vector.broadcast %and3A_2675 : i32 to vector<16xi32>
      %and3A_2677 = arith.andi %add3A_2674, %and3A_2676 : vector<16xi32>
      %lt3A_2678 = arith.constant 0 : i32
      %lt3A_2679 = vector.broadcast %lt3A_2678 : i32 to vector<16xi32>
      %lt3A_2680 = arith.cmpi slt, %and3A_2677, %lt3A_2679 : vector<16xi32>
      %add3A_2681 = arith.constant 16 : i32
      %add3A_2682 = vector.broadcast %add3A_2681 : i32 to vector<16xi32>
      %add3A_2683 = arith.addi %and3A_2677, %add3A_2682 : vector<16xi32>
      %select_n3A_2684 = arith.select %lt3A_2680, %add3A_2683, %and3A_2677 : vector<16xi1>, vector<16xi32>
      %broadcast_in_dim3A_2685 = vector.shape_cast %select_n3A_2684 : vector<16xi32> to vector<16x1xi32>
      %gather3A_2686 = vector.shape_cast %broadcast_in_dim3A_2685 : vector<16x1xi32> to vector<16xi32>
      %gather3A_2687 = tpu.dynamic_gather %parallel_loop3A_1756#10[%gather3A_2686] in [0] : vector<16xf32>, vector<16xi32> -> vector<16xf32>
      %add3A_2688 = arith.addf %parallel_loop3A_1756#10, %gather3A_2687 : vector<16xf32>
      %add3A_2689 = arith.constant 2 : i32
      %add3A_2690 = vector.broadcast %add3A_2689 : i32 to vector<16xi32>
      %add3A_2691 = arith.addi %iota3A_1750, %add3A_2690 : vector<16xi32>
      %and3A_2692 = arith.constant 15 : i32
      %and3A_2693 = vector.broadcast %and3A_2692 : i32 to vector<16xi32>
      %and3A_2694 = arith.andi %add3A_2691, %and3A_2693 : vector<16xi32>
      %lt3A_2695 = arith.constant 0 : i32
      %lt3A_2696 = vector.broadcast %lt3A_2695 : i32 to vector<16xi32>
      %lt3A_2697 = arith.cmpi slt, %and3A_2694, %lt3A_2696 : vector<16xi32>
      %add3A_2698 = arith.constant 16 : i32
      %add3A_2699 = vector.broadcast %add3A_2698 : i32 to vector<16xi32>
      %add3A_2700 = arith.addi %and3A_2694, %add3A_2699 : vector<16xi32>
      %select_n3A_2701 = arith.select %lt3A_2697, %add3A_2700, %and3A_2694 : vector<16xi1>, vector<16xi32>
      %broadcast_in_dim3A_2702 = vector.shape_cast %select_n3A_2701 : vector<16xi32> to vector<16x1xi32>
      %gather3A_2703 = vector.shape_cast %broadcast_in_dim3A_2702 : vector<16x1xi32> to vector<16xi32>
      %gather3A_2704 = tpu.dynamic_gather %add3A_2688[%gather3A_2703] in [0] : vector<16xf32>, vector<16xi32> -> vector<16xf32>
      %add3A_2705 = arith.addf %add3A_2688, %gather3A_2704 : vector<16xf32>
      %add3A_2706 = arith.constant 4 : i32
      %add3A_2707 = vector.broadcast %add3A_2706 : i32 to vector<16xi32>
      %add3A_2708 = arith.addi %iota3A_1750, %add3A_2707 : vector<16xi32>
      %and3A_2709 = arith.constant 15 : i32
      %and3A_2710 = vector.broadcast %and3A_2709 : i32 to vector<16xi32>
      %and3A_2711 = arith.andi %add3A_2708, %and3A_2710 : vector<16xi32>
      %lt3A_2712 = arith.constant 0 : i32
      %lt3A_2713 = vector.broadcast %lt3A_2712 : i32 to vector<16xi32>
      %lt3A_2714 = arith.cmpi slt, %and3A_2711, %lt3A_2713 : vector<16xi32>
      %add3A_2715 = arith.constant 16 : i32
      %add3A_2716 = vector.broadcast %add3A_2715 : i32 to vector<16xi32>
      %add3A_2717 = arith.addi %and3A_2711, %add3A_2716 : vector<16xi32>
      %select_n3A_2718 = arith.select %lt3A_2714, %add3A_2717, %and3A_2711 : vector<16xi1>, vector<16xi32>
      %broadcast_in_dim3A_2719 = vector.shape_cast %select_n3A_2718 : vector<16xi32> to vector<16x1xi32>
      %gather3A_2720 = vector.shape_cast %broadcast_in_dim3A_2719 : vector<16x1xi32> to vector<16xi32>
      %gather3A_2721 = tpu.dynamic_gather %add3A_2705[%gather3A_2720] in [0] : vector<16xf32>, vector<16xi32> -> vector<16xf32>
      %add3A_2722 = arith.addf %add3A_2705, %gather3A_2721 : vector<16xf32>
      %add3A_2723 = arith.constant 8 : i32
      %add3A_2724 = vector.broadcast %add3A_2723 : i32 to vector<16xi32>
      %add3A_2725 = arith.addi %iota3A_1750, %add3A_2724 : vector<16xi32>
      %and3A_2726 = arith.constant 15 : i32
      %and3A_2727 = vector.broadcast %and3A_2726 : i32 to vector<16xi32>
      %and3A_2728 = arith.andi %add3A_2725, %and3A_2727 : vector<16xi32>
      %lt3A_2729 = arith.constant 0 : i32
      %lt3A_2730 = vector.broadcast %lt3A_2729 : i32 to vector<16xi32>
      %lt3A_2731 = arith.cmpi slt, %and3A_2728, %lt3A_2730 : vector<16xi32>
      %add3A_2732 = arith.constant 16 : i32
      %add3A_2733 = vector.broadcast %add3A_2732 : i32 to vector<16xi32>
      %add3A_2734 = arith.addi %and3A_2728, %add3A_2733 : vector<16xi32>
      %select_n3A_2735 = arith.select %lt3A_2731, %add3A_2734, %and3A_2728 : vector<16xi1>, vector<16xi32>
      %broadcast_in_dim3A_2736 = vector.shape_cast %select_n3A_2735 : vector<16xi32> to vector<16x1xi32>
      %gather3A_2737 = vector.shape_cast %broadcast_in_dim3A_2736 : vector<16x1xi32> to vector<16xi32>
      %gather3A_2738 = tpu.dynamic_gather %add3A_2722[%gather3A_2737] in [0] : vector<16xf32>, vector<16xi32> -> vector<16xf32>
      %add3A_2739 = arith.addf %add3A_2722, %gather3A_2738 : vector<16xf32>
      %mul3A_2740 = arith.constant 9.765625E-4 : f32
      %mul3A_2741 = vector.broadcast %mul3A_2740 : f32 to vector<16xf32>
      %mul3A_2742 = arith.mulf %add3A_2739, %mul3A_2741 : vector<16xf32>
      %add3A_2743 = arith.constant 1 : i32
      %add3A_2744 = vector.broadcast %add3A_2743 : i32 to vector<16xi32>
      %add3A_2745 = arith.addi %iota3A_1750, %add3A_2744 : vector<16xi32>
      %and3A_2746 = arith.constant 15 : i32
      %and3A_2747 = vector.broadcast %and3A_2746 : i32 to vector<16xi32>
      %and3A_2748 = arith.andi %add3A_2745, %and3A_2747 : vector<16xi32>
      %lt3A_2749 = arith.constant 0 : i32
      %lt3A_2750 = vector.broadcast %lt3A_2749 : i32 to vector<16xi32>
      %lt3A_2751 = arith.cmpi slt, %and3A_2748, %lt3A_2750 : vector<16xi32>
      %add3A_2752 = arith.constant 16 : i32
      %add3A_2753 = vector.broadcast %add3A_2752 : i32 to vector<16xi32>
      %add3A_2754 = arith.addi %and3A_2748, %add3A_2753 : vector<16xi32>
      %select_n3A_2755 = arith.select %lt3A_2751, %add3A_2754, %and3A_2748 : vector<16xi1>, vector<16xi32>
      %broadcast_in_dim3A_2756 = vector.shape_cast %select_n3A_2755 : vector<16xi32> to vector<16x1xi32>
      %gather3A_2757 = vector.shape_cast %broadcast_in_dim3A_2756 : vector<16x1xi32> to vector<16xi32>
      %gather3A_2758 = tpu.dynamic_gather %parallel_loop3A_1756#11[%gather3A_2757] in [0] : vector<16xf32>, vector<16xi32> -> vector<16xf32>
      %add3A_2759 = arith.addf %parallel_loop3A_1756#11, %gather3A_2758 : vector<16xf32>
      %add3A_2760 = arith.constant 2 : i32
      %add3A_2761 = vector.broadcast %add3A_2760 : i32 to vector<16xi32>
      %add3A_2762 = arith.addi %iota3A_1750, %add3A_2761 : vector<16xi32>
      %and3A_2763 = arith.constant 15 : i32
      %and3A_2764 = vector.broadcast %and3A_2763 : i32 to vector<16xi32>
      %and3A_2765 = arith.andi %add3A_2762, %and3A_2764 : vector<16xi32>
      %lt3A_2766 = arith.constant 0 : i32
      %lt3A_2767 = vector.broadcast %lt3A_2766 : i32 to vector<16xi32>
      %lt3A_2768 = arith.cmpi slt, %and3A_2765, %lt3A_2767 : vector<16xi32>
      %add3A_2769 = arith.constant 16 : i32
      %add3A_2770 = vector.broadcast %add3A_2769 : i32 to vector<16xi32>
      %add3A_2771 = arith.addi %and3A_2765, %add3A_2770 : vector<16xi32>
      %select_n3A_2772 = arith.select %lt3A_2768, %add3A_2771, %and3A_2765 : vector<16xi1>, vector<16xi32>
      %broadcast_in_dim3A_2773 = vector.shape_cast %select_n3A_2772 : vector<16xi32> to vector<16x1xi32>
      %gather3A_2774 = vector.shape_cast %broadcast_in_dim3A_2773 : vector<16x1xi32> to vector<16xi32>
      %gather3A_2775 = tpu.dynamic_gather %add3A_2759[%gather3A_2774] in [0] : vector<16xf32>, vector<16xi32> -> vector<16xf32>
      %add3A_2776 = arith.addf %add3A_2759, %gather3A_2775 : vector<16xf32>
      %add3A_2777 = arith.constant 4 : i32
      %add3A_2778 = vector.broadcast %add3A_2777 : i32 to vector<16xi32>
      %add3A_2779 = arith.addi %iota3A_1750, %add3A_2778 : vector<16xi32>
      %and3A_2780 = arith.constant 15 : i32
      %and3A_2781 = vector.broadcast %and3A_2780 : i32 to vector<16xi32>
      %and3A_2782 = arith.andi %add3A_2779, %and3A_2781 : vector<16xi32>
      %lt3A_2783 = arith.constant 0 : i32
      %lt3A_2784 = vector.broadcast %lt3A_2783 : i32 to vector<16xi32>
      %lt3A_2785 = arith.cmpi slt, %and3A_2782, %lt3A_2784 : vector<16xi32>
      %add3A_2786 = arith.constant 16 : i32
      %add3A_2787 = vector.broadcast %add3A_2786 : i32 to vector<16xi32>
      %add3A_2788 = arith.addi %and3A_2782, %add3A_2787 : vector<16xi32>
      %select_n3A_2789 = arith.select %lt3A_2785, %add3A_2788, %and3A_2782 : vector<16xi1>, vector<16xi32>
      %broadcast_in_dim3A_2790 = vector.shape_cast %select_n3A_2789 : vector<16xi32> to vector<16x1xi32>
      %gather3A_2791 = vector.shape_cast %broadcast_in_dim3A_2790 : vector<16x1xi32> to vector<16xi32>
      %gather3A_2792 = tpu.dynamic_gather %add3A_2776[%gather3A_2791] in [0] : vector<16xf32>, vector<16xi32> -> vector<16xf32>
      %add3A_2793 = arith.addf %add3A_2776, %gather3A_2792 : vector<16xf32>
      %add3A_2794 = arith.constant 8 : i32
      %add3A_2795 = vector.broadcast %add3A_2794 : i32 to vector<16xi32>
      %add3A_2796 = arith.addi %iota3A_1750, %add3A_2795 : vector<16xi32>
      %and3A_2797 = arith.constant 15 : i32
      %and3A_2798 = vector.broadcast %and3A_2797 : i32 to vector<16xi32>
      %and3A_2799 = arith.andi %add3A_2796, %and3A_2798 : vector<16xi32>
      %lt3A_2800 = arith.constant 0 : i32
      %lt3A_2801 = vector.broadcast %lt3A_2800 : i32 to vector<16xi32>
      %lt3A_2802 = arith.cmpi slt, %and3A_2799, %lt3A_2801 : vector<16xi32>
      %add3A_2803 = arith.constant 16 : i32
      %add3A_2804 = vector.broadcast %add3A_2803 : i32 to vector<16xi32>
      %add3A_2805 = arith.addi %and3A_2799, %add3A_2804 : vector<16xi32>
      %select_n3A_2806 = arith.select %lt3A_2802, %add3A_2805, %and3A_2799 : vector<16xi1>, vector<16xi32>
      %broadcast_in_dim3A_2807 = vector.shape_cast %select_n3A_2806 : vector<16xi32> to vector<16x1xi32>
      %gather3A_2808 = vector.shape_cast %broadcast_in_dim3A_2807 : vector<16x1xi32> to vector<16xi32>
      %gather3A_2809 = tpu.dynamic_gather %add3A_2793[%gather3A_2808] in [0] : vector<16xf32>, vector<16xi32> -> vector<16xf32>
      %add3A_2810 = arith.addf %add3A_2793, %gather3A_2809 : vector<16xf32>
      %mul3A_2811 = arith.constant 9.765625E-4 : f32
      %mul3A_2812 = vector.broadcast %mul3A_2811 : f32 to vector<16xf32>
      %mul3A_2813 = arith.mulf %add3A_2810, %mul3A_2812 : vector<16xf32>
      %mul3A_2814 = arith.mulf %mul3A_2742, %mul3A_2742 : vector<16xf32>
      %sub3A_2815 = arith.subf %mul3A_2813, %mul3A_2814 : vector<16xf32>
      %add3A_2816 = arith.constant 9.99999974E-6 : f32
      %add3A_2817 = vector.broadcast %add3A_2816 : f32 to vector<16xf32>
      %add3A_2818 = arith.addf %sub3A_2815, %add3A_2817 : vector<16xf32>
      %bitcast3A_2819 = vector.bitcast %add3A_2818 : vector<16xf32> to vector<16xi32>
      %shift_right_arithmetic3A_2820 = arith.constant 1 : i32
      %shift_right_arithmetic3A_2821 = vector.broadcast %shift_right_arithmetic3A_2820 : i32 to vector<16xi32>
      %shift_right_arithmetic3A_2822 = arith.shrsi %bitcast3A_2819, %shift_right_arithmetic3A_2821 : vector<16xi32>
      %sub3A_2823 = arith.constant 1597463007 : i32
      %sub3A_2824 = vector.broadcast %sub3A_2823 : i32 to vector<16xi32>
      %sub3A_2825 = arith.subi %sub3A_2824, %shift_right_arithmetic3A_2822 : vector<16xi32>
      %bitcast3A_2826 = vector.bitcast %sub3A_2825 : vector<16xi32> to vector<16xf32>
      %mul3A_2827 = arith.constant 5.000000e-01 : f32
      %mul3A_2828 = vector.broadcast %mul3A_2827 : f32 to vector<16xf32>
      %mul3A_2829 = arith.mulf %mul3A_2828, %add3A_2818 : vector<16xf32>
      %mul3A_2830 = arith.mulf %mul3A_2829, %bitcast3A_2826 : vector<16xf32>
      %mul3A_2831 = arith.mulf %mul3A_2830, %bitcast3A_2826 : vector<16xf32>
      %sub3A_2832 = arith.constant 1.500000e+00 : f32
      %sub3A_2833 = vector.broadcast %sub3A_2832 : f32 to vector<16xf32>
      %sub3A_2834 = arith.subf %sub3A_2833, %mul3A_2831 : vector<16xf32>
      %mul3A_2835 = arith.mulf %bitcast3A_2826, %sub3A_2834 : vector<16xf32>
      %mul3A_2836 = arith.constant 5.000000e-01 : f32
      %mul3A_2837 = vector.broadcast %mul3A_2836 : f32 to vector<16xf32>
      %mul3A_2838 = arith.mulf %mul3A_2837, %add3A_2818 : vector<16xf32>
      %mul3A_2839 = arith.mulf %mul3A_2838, %mul3A_2835 : vector<16xf32>
      %mul3A_2840 = arith.mulf %mul3A_2839, %mul3A_2835 : vector<16xf32>
      %sub3A_2841 = arith.constant 1.500000e+00 : f32
      %sub3A_2842 = vector.broadcast %sub3A_2841 : f32 to vector<16xf32>
      %sub3A_2843 = arith.subf %sub3A_2842, %mul3A_2840 : vector<16xf32>
      %mul3A_2844 = arith.mulf %mul3A_2835, %sub3A_2843 : vector<16xf32>
      %mul3A_2845 = arith.constant 5.000000e-01 : f32
      %mul3A_2846 = vector.broadcast %mul3A_2845 : f32 to vector<16xf32>
      %mul3A_2847 = arith.mulf %mul3A_2846, %add3A_2818 : vector<16xf32>
      %mul3A_2848 = arith.mulf %mul3A_2847, %mul3A_2844 : vector<16xf32>
      %mul3A_2849 = arith.mulf %mul3A_2848, %mul3A_2844 : vector<16xf32>
      %sub3A_2850 = arith.constant 1.500000e+00 : f32
      %sub3A_2851 = vector.broadcast %sub3A_2850 : f32 to vector<16xf32>
      %sub3A_2852 = arith.subf %sub3A_2851, %mul3A_2849 : vector<16xf32>
      %mul3A_2853 = arith.mulf %mul3A_2844, %sub3A_2852 : vector<16xf32>
      %mul3A_2854 = arith.mulf %mul3A_2742, %mul3A_2853 : vector<16xf32>
      %add3A_2855 = arith.constant 1 : i32
      %add3A_2856 = vector.broadcast %add3A_2855 : i32 to vector<16xi32>
      %add3A_2857 = arith.addi %iota3A_1750, %add3A_2856 : vector<16xi32>
      %and3A_2858 = arith.constant 15 : i32
      %and3A_2859 = vector.broadcast %and3A_2858 : i32 to vector<16xi32>
      %and3A_2860 = arith.andi %add3A_2857, %and3A_2859 : vector<16xi32>
      %lt3A_2861 = arith.constant 0 : i32
      %lt3A_2862 = vector.broadcast %lt3A_2861 : i32 to vector<16xi32>
      %lt3A_2863 = arith.cmpi slt, %and3A_2860, %lt3A_2862 : vector<16xi32>
      %add3A_2864 = arith.constant 16 : i32
      %add3A_2865 = vector.broadcast %add3A_2864 : i32 to vector<16xi32>
      %add3A_2866 = arith.addi %and3A_2860, %add3A_2865 : vector<16xi32>
      %select_n3A_2867 = arith.select %lt3A_2863, %add3A_2866, %and3A_2860 : vector<16xi1>, vector<16xi32>
      %broadcast_in_dim3A_2868 = vector.shape_cast %select_n3A_2867 : vector<16xi32> to vector<16x1xi32>
      %gather3A_2869 = vector.shape_cast %broadcast_in_dim3A_2868 : vector<16x1xi32> to vector<16xi32>
      %gather3A_2870 = tpu.dynamic_gather %parallel_loop3A_1756#12[%gather3A_2869] in [0] : vector<16xf32>, vector<16xi32> -> vector<16xf32>
      %add3A_2871 = arith.addf %parallel_loop3A_1756#12, %gather3A_2870 : vector<16xf32>
      %add3A_2872 = arith.constant 2 : i32
      %add3A_2873 = vector.broadcast %add3A_2872 : i32 to vector<16xi32>
      %add3A_2874 = arith.addi %iota3A_1750, %add3A_2873 : vector<16xi32>
      %and3A_2875 = arith.constant 15 : i32
      %and3A_2876 = vector.broadcast %and3A_2875 : i32 to vector<16xi32>
      %and3A_2877 = arith.andi %add3A_2874, %and3A_2876 : vector<16xi32>
      %lt3A_2878 = arith.constant 0 : i32
      %lt3A_2879 = vector.broadcast %lt3A_2878 : i32 to vector<16xi32>
      %lt3A_2880 = arith.cmpi slt, %and3A_2877, %lt3A_2879 : vector<16xi32>
      %add3A_2881 = arith.constant 16 : i32
      %add3A_2882 = vector.broadcast %add3A_2881 : i32 to vector<16xi32>
      %add3A_2883 = arith.addi %and3A_2877, %add3A_2882 : vector<16xi32>
      %select_n3A_2884 = arith.select %lt3A_2880, %add3A_2883, %and3A_2877 : vector<16xi1>, vector<16xi32>
      %broadcast_in_dim3A_2885 = vector.shape_cast %select_n3A_2884 : vector<16xi32> to vector<16x1xi32>
      %gather3A_2886 = vector.shape_cast %broadcast_in_dim3A_2885 : vector<16x1xi32> to vector<16xi32>
      %gather3A_2887 = tpu.dynamic_gather %add3A_2871[%gather3A_2886] in [0] : vector<16xf32>, vector<16xi32> -> vector<16xf32>
      %add3A_2888 = arith.addf %add3A_2871, %gather3A_2887 : vector<16xf32>
      %add3A_2889 = arith.constant 4 : i32
      %add3A_2890 = vector.broadcast %add3A_2889 : i32 to vector<16xi32>
      %add3A_2891 = arith.addi %iota3A_1750, %add3A_2890 : vector<16xi32>
      %and3A_2892 = arith.constant 15 : i32
      %and3A_2893 = vector.broadcast %and3A_2892 : i32 to vector<16xi32>
      %and3A_2894 = arith.andi %add3A_2891, %and3A_2893 : vector<16xi32>
      %lt3A_2895 = arith.constant 0 : i32
      %lt3A_2896 = vector.broadcast %lt3A_2895 : i32 to vector<16xi32>
      %lt3A_2897 = arith.cmpi slt, %and3A_2894, %lt3A_2896 : vector<16xi32>
      %add3A_2898 = arith.constant 16 : i32
      %add3A_2899 = vector.broadcast %add3A_2898 : i32 to vector<16xi32>
      %add3A_2900 = arith.addi %and3A_2894, %add3A_2899 : vector<16xi32>
      %select_n3A_2901 = arith.select %lt3A_2897, %add3A_2900, %and3A_2894 : vector<16xi1>, vector<16xi32>
      %broadcast_in_dim3A_2902 = vector.shape_cast %select_n3A_2901 : vector<16xi32> to vector<16x1xi32>
      %gather3A_2903 = vector.shape_cast %broadcast_in_dim3A_2902 : vector<16x1xi32> to vector<16xi32>
      %gather3A_2904 = tpu.dynamic_gather %add3A_2888[%gather3A_2903] in [0] : vector<16xf32>, vector<16xi32> -> vector<16xf32>
      %add3A_2905 = arith.addf %add3A_2888, %gather3A_2904 : vector<16xf32>
      %add3A_2906 = arith.constant 8 : i32
      %add3A_2907 = vector.broadcast %add3A_2906 : i32 to vector<16xi32>
      %add3A_2908 = arith.addi %iota3A_1750, %add3A_2907 : vector<16xi32>
      %and3A_2909 = arith.constant 15 : i32
      %and3A_2910 = vector.broadcast %and3A_2909 : i32 to vector<16xi32>
      %and3A_2911 = arith.andi %add3A_2908, %and3A_2910 : vector<16xi32>
      %lt3A_2912 = arith.constant 0 : i32
      %lt3A_2913 = vector.broadcast %lt3A_2912 : i32 to vector<16xi32>
      %lt3A_2914 = arith.cmpi slt, %and3A_2911, %lt3A_2913 : vector<16xi32>
      %add3A_2915 = arith.constant 16 : i32
      %add3A_2916 = vector.broadcast %add3A_2915 : i32 to vector<16xi32>
      %add3A_2917 = arith.addi %and3A_2911, %add3A_2916 : vector<16xi32>
      %select_n3A_2918 = arith.select %lt3A_2914, %add3A_2917, %and3A_2911 : vector<16xi1>, vector<16xi32>
      %broadcast_in_dim3A_2919 = vector.shape_cast %select_n3A_2918 : vector<16xi32> to vector<16x1xi32>
      %gather3A_2920 = vector.shape_cast %broadcast_in_dim3A_2919 : vector<16x1xi32> to vector<16xi32>
      %gather3A_2921 = tpu.dynamic_gather %add3A_2905[%gather3A_2920] in [0] : vector<16xf32>, vector<16xi32> -> vector<16xf32>
      %add3A_2922 = arith.addf %add3A_2905, %gather3A_2921 : vector<16xf32>
      %mul3A_2923 = arith.constant 9.765625E-4 : f32
      %mul3A_2924 = vector.broadcast %mul3A_2923 : f32 to vector<16xf32>
      %mul3A_2925 = arith.mulf %add3A_2922, %mul3A_2924 : vector<16xf32>
      %add3A_2926 = arith.constant 1 : i32
      %add3A_2927 = vector.broadcast %add3A_2926 : i32 to vector<16xi32>
      %add3A_2928 = arith.addi %iota3A_1750, %add3A_2927 : vector<16xi32>
      %and3A_2929 = arith.constant 15 : i32
      %and3A_2930 = vector.broadcast %and3A_2929 : i32 to vector<16xi32>
      %and3A_2931 = arith.andi %add3A_2928, %and3A_2930 : vector<16xi32>
      %lt3A_2932 = arith.constant 0 : i32
      %lt3A_2933 = vector.broadcast %lt3A_2932 : i32 to vector<16xi32>
      %lt3A_2934 = arith.cmpi slt, %and3A_2931, %lt3A_2933 : vector<16xi32>
      %add3A_2935 = arith.constant 16 : i32
      %add3A_2936 = vector.broadcast %add3A_2935 : i32 to vector<16xi32>
      %add3A_2937 = arith.addi %and3A_2931, %add3A_2936 : vector<16xi32>
      %select_n3A_2938 = arith.select %lt3A_2934, %add3A_2937, %and3A_2931 : vector<16xi1>, vector<16xi32>
      %broadcast_in_dim3A_2939 = vector.shape_cast %select_n3A_2938 : vector<16xi32> to vector<16x1xi32>
      %gather3A_2940 = vector.shape_cast %broadcast_in_dim3A_2939 : vector<16x1xi32> to vector<16xi32>
      %gather3A_2941 = tpu.dynamic_gather %parallel_loop3A_1756#13[%gather3A_2940] in [0] : vector<16xf32>, vector<16xi32> -> vector<16xf32>
      %add3A_2942 = arith.addf %parallel_loop3A_1756#13, %gather3A_2941 : vector<16xf32>
      %add3A_2943 = arith.constant 2 : i32
      %add3A_2944 = vector.broadcast %add3A_2943 : i32 to vector<16xi32>
      %add3A_2945 = arith.addi %iota3A_1750, %add3A_2944 : vector<16xi32>
      %and3A_2946 = arith.constant 15 : i32
      %and3A_2947 = vector.broadcast %and3A_2946 : i32 to vector<16xi32>
      %and3A_2948 = arith.andi %add3A_2945, %and3A_2947 : vector<16xi32>
      %lt3A_2949 = arith.constant 0 : i32
      %lt3A_2950 = vector.broadcast %lt3A_2949 : i32 to vector<16xi32>
      %lt3A_2951 = arith.cmpi slt, %and3A_2948, %lt3A_2950 : vector<16xi32>
      %add3A_2952 = arith.constant 16 : i32
      %add3A_2953 = vector.broadcast %add3A_2952 : i32 to vector<16xi32>
      %add3A_2954 = arith.addi %and3A_2948, %add3A_2953 : vector<16xi32>
      %select_n3A_2955 = arith.select %lt3A_2951, %add3A_2954, %and3A_2948 : vector<16xi1>, vector<16xi32>
      %broadcast_in_dim3A_2956 = vector.shape_cast %select_n3A_2955 : vector<16xi32> to vector<16x1xi32>
      %gather3A_2957 = vector.shape_cast %broadcast_in_dim3A_2956 : vector<16x1xi32> to vector<16xi32>
      %gather3A_2958 = tpu.dynamic_gather %add3A_2942[%gather3A_2957] in [0] : vector<16xf32>, vector<16xi32> -> vector<16xf32>
      %add3A_2959 = arith.addf %add3A_2942, %gather3A_2958 : vector<16xf32>
      %add3A_2960 = arith.constant 4 : i32
      %add3A_2961 = vector.broadcast %add3A_2960 : i32 to vector<16xi32>
      %add3A_2962 = arith.addi %iota3A_1750, %add3A_2961 : vector<16xi32>
      %and3A_2963 = arith.constant 15 : i32
      %and3A_2964 = vector.broadcast %and3A_2963 : i32 to vector<16xi32>
      %and3A_2965 = arith.andi %add3A_2962, %and3A_2964 : vector<16xi32>
      %lt3A_2966 = arith.constant 0 : i32
      %lt3A_2967 = vector.broadcast %lt3A_2966 : i32 to vector<16xi32>
      %lt3A_2968 = arith.cmpi slt, %and3A_2965, %lt3A_2967 : vector<16xi32>
      %add3A_2969 = arith.constant 16 : i32
      %add3A_2970 = vector.broadcast %add3A_2969 : i32 to vector<16xi32>
      %add3A_2971 = arith.addi %and3A_2965, %add3A_2970 : vector<16xi32>
      %select_n3A_2972 = arith.select %lt3A_2968, %add3A_2971, %and3A_2965 : vector<16xi1>, vector<16xi32>
      %broadcast_in_dim3A_2973 = vector.shape_cast %select_n3A_2972 : vector<16xi32> to vector<16x1xi32>
      %gather3A_2974 = vector.shape_cast %broadcast_in_dim3A_2973 : vector<16x1xi32> to vector<16xi32>
      %gather3A_2975 = tpu.dynamic_gather %add3A_2959[%gather3A_2974] in [0] : vector<16xf32>, vector<16xi32> -> vector<16xf32>
      %add3A_2976 = arith.addf %add3A_2959, %gather3A_2975 : vector<16xf32>
      %add3A_2977 = arith.constant 8 : i32
      %add3A_2978 = vector.broadcast %add3A_2977 : i32 to vector<16xi32>
      %add3A_2979 = arith.addi %iota3A_1750, %add3A_2978 : vector<16xi32>
      %and3A_2980 = arith.constant 15 : i32
      %and3A_2981 = vector.broadcast %and3A_2980 : i32 to vector<16xi32>
      %and3A_2982 = arith.andi %add3A_2979, %and3A_2981 : vector<16xi32>
      %lt3A_2983 = arith.constant 0 : i32
      %lt3A_2984 = vector.broadcast %lt3A_2983 : i32 to vector<16xi32>
      %lt3A_2985 = arith.cmpi slt, %and3A_2982, %lt3A_2984 : vector<16xi32>
      %add3A_2986 = arith.constant 16 : i32
      %add3A_2987 = vector.broadcast %add3A_2986 : i32 to vector<16xi32>
      %add3A_2988 = arith.addi %and3A_2982, %add3A_2987 : vector<16xi32>
      %select_n3A_2989 = arith.select %lt3A_2985, %add3A_2988, %and3A_2982 : vector<16xi1>, vector<16xi32>
      %broadcast_in_dim3A_2990 = vector.shape_cast %select_n3A_2989 : vector<16xi32> to vector<16x1xi32>
      %gather3A_2991 = vector.shape_cast %broadcast_in_dim3A_2990 : vector<16x1xi32> to vector<16xi32>
      %gather3A_2992 = tpu.dynamic_gather %add3A_2976[%gather3A_2991] in [0] : vector<16xf32>, vector<16xi32> -> vector<16xf32>
      %add3A_2993 = arith.addf %add3A_2976, %gather3A_2992 : vector<16xf32>
      %mul3A_2994 = arith.constant 9.765625E-4 : f32
      %mul3A_2995 = vector.broadcast %mul3A_2994 : f32 to vector<16xf32>
      %mul3A_2996 = arith.mulf %add3A_2993, %mul3A_2995 : vector<16xf32>
      %mul3A_2997 = arith.mulf %mul3A_2925, %mul3A_2925 : vector<16xf32>
      %sub3A_2998 = arith.subf %mul3A_2996, %mul3A_2997 : vector<16xf32>
      %add3A_2999 = arith.constant 9.99999974E-6 : f32
      %add3A_3000 = vector.broadcast %add3A_2999 : f32 to vector<16xf32>
      %add3A_3001 = arith.addf %sub3A_2998, %add3A_3000 : vector<16xf32>
      %bitcast3A_3002 = vector.bitcast %add3A_3001 : vector<16xf32> to vector<16xi32>
      %shift_right_arithmetic3A_3003 = arith.constant 1 : i32
      %shift_right_arithmetic3A_3004 = vector.broadcast %shift_right_arithmetic3A_3003 : i32 to vector<16xi32>
      %shift_right_arithmetic3A_3005 = arith.shrsi %bitcast3A_3002, %shift_right_arithmetic3A_3004 : vector<16xi32>
      %sub3A_3006 = arith.constant 1597463007 : i32
      %sub3A_3007 = vector.broadcast %sub3A_3006 : i32 to vector<16xi32>
      %sub3A_3008 = arith.subi %sub3A_3007, %shift_right_arithmetic3A_3005 : vector<16xi32>
      %bitcast3A_3009 = vector.bitcast %sub3A_3008 : vector<16xi32> to vector<16xf32>
      %mul3A_3010 = arith.constant 5.000000e-01 : f32
      %mul3A_3011 = vector.broadcast %mul3A_3010 : f32 to vector<16xf32>
      %mul3A_3012 = arith.mulf %mul3A_3011, %add3A_3001 : vector<16xf32>
      %mul3A_3013 = arith.mulf %mul3A_3012, %bitcast3A_3009 : vector<16xf32>
      %mul3A_3014 = arith.mulf %mul3A_3013, %bitcast3A_3009 : vector<16xf32>
      %sub3A_3015 = arith.constant 1.500000e+00 : f32
      %sub3A_3016 = vector.broadcast %sub3A_3015 : f32 to vector<16xf32>
      %sub3A_3017 = arith.subf %sub3A_3016, %mul3A_3014 : vector<16xf32>
      %mul3A_3018 = arith.mulf %bitcast3A_3009, %sub3A_3017 : vector<16xf32>
      %mul3A_3019 = arith.constant 5.000000e-01 : f32
      %mul3A_3020 = vector.broadcast %mul3A_3019 : f32 to vector<16xf32>
      %mul3A_3021 = arith.mulf %mul3A_3020, %add3A_3001 : vector<16xf32>
      %mul3A_3022 = arith.mulf %mul3A_3021, %mul3A_3018 : vector<16xf32>
      %mul3A_3023 = arith.mulf %mul3A_3022, %mul3A_3018 : vector<16xf32>
      %sub3A_3024 = arith.constant 1.500000e+00 : f32
      %sub3A_3025 = vector.broadcast %sub3A_3024 : f32 to vector<16xf32>
      %sub3A_3026 = arith.subf %sub3A_3025, %mul3A_3023 : vector<16xf32>
      %mul3A_3027 = arith.mulf %mul3A_3018, %sub3A_3026 : vector<16xf32>
      %mul3A_3028 = arith.constant 5.000000e-01 : f32
      %mul3A_3029 = vector.broadcast %mul3A_3028 : f32 to vector<16xf32>
      %mul3A_3030 = arith.mulf %mul3A_3029, %add3A_3001 : vector<16xf32>
      %mul3A_3031 = arith.mulf %mul3A_3030, %mul3A_3027 : vector<16xf32>
      %mul3A_3032 = arith.mulf %mul3A_3031, %mul3A_3027 : vector<16xf32>
      %sub3A_3033 = arith.constant 1.500000e+00 : f32
      %sub3A_3034 = vector.broadcast %sub3A_3033 : f32 to vector<16xf32>
      %sub3A_3035 = arith.subf %sub3A_3034, %mul3A_3032 : vector<16xf32>
      %mul3A_3036 = arith.mulf %mul3A_3027, %sub3A_3035 : vector<16xf32>
      %mul3A_3037 = arith.mulf %mul3A_2925, %mul3A_3036 : vector<16xf32>
      %add3A_3038 = arith.constant 1 : i32
      %add3A_3039 = vector.broadcast %add3A_3038 : i32 to vector<16xi32>
      %add3A_3040 = arith.addi %iota3A_1750, %add3A_3039 : vector<16xi32>
      %and3A_3041 = arith.constant 15 : i32
      %and3A_3042 = vector.broadcast %and3A_3041 : i32 to vector<16xi32>
      %and3A_3043 = arith.andi %add3A_3040, %and3A_3042 : vector<16xi32>
      %lt3A_3044 = arith.constant 0 : i32
      %lt3A_3045 = vector.broadcast %lt3A_3044 : i32 to vector<16xi32>
      %lt3A_3046 = arith.cmpi slt, %and3A_3043, %lt3A_3045 : vector<16xi32>
      %add3A_3047 = arith.constant 16 : i32
      %add3A_3048 = vector.broadcast %add3A_3047 : i32 to vector<16xi32>
      %add3A_3049 = arith.addi %and3A_3043, %add3A_3048 : vector<16xi32>
      %select_n3A_3050 = arith.select %lt3A_3046, %add3A_3049, %and3A_3043 : vector<16xi1>, vector<16xi32>
      %broadcast_in_dim3A_3051 = vector.shape_cast %select_n3A_3050 : vector<16xi32> to vector<16x1xi32>
      %gather3A_3052 = vector.shape_cast %broadcast_in_dim3A_3051 : vector<16x1xi32> to vector<16xi32>
      %gather3A_3053 = tpu.dynamic_gather %parallel_loop3A_1756#14[%gather3A_3052] in [0] : vector<16xf32>, vector<16xi32> -> vector<16xf32>
      %add3A_3054 = arith.addf %parallel_loop3A_1756#14, %gather3A_3053 : vector<16xf32>
      %add3A_3055 = arith.constant 2 : i32
      %add3A_3056 = vector.broadcast %add3A_3055 : i32 to vector<16xi32>
      %add3A_3057 = arith.addi %iota3A_1750, %add3A_3056 : vector<16xi32>
      %and3A_3058 = arith.constant 15 : i32
      %and3A_3059 = vector.broadcast %and3A_3058 : i32 to vector<16xi32>
      %and3A_3060 = arith.andi %add3A_3057, %and3A_3059 : vector<16xi32>
      %lt3A_3061 = arith.constant 0 : i32
      %lt3A_3062 = vector.broadcast %lt3A_3061 : i32 to vector<16xi32>
      %lt3A_3063 = arith.cmpi slt, %and3A_3060, %lt3A_3062 : vector<16xi32>
      %add3A_3064 = arith.constant 16 : i32
      %add3A_3065 = vector.broadcast %add3A_3064 : i32 to vector<16xi32>
      %add3A_3066 = arith.addi %and3A_3060, %add3A_3065 : vector<16xi32>
      %select_n3A_3067 = arith.select %lt3A_3063, %add3A_3066, %and3A_3060 : vector<16xi1>, vector<16xi32>
      %broadcast_in_dim3A_3068 = vector.shape_cast %select_n3A_3067 : vector<16xi32> to vector<16x1xi32>
      %gather3A_3069 = vector.shape_cast %broadcast_in_dim3A_3068 : vector<16x1xi32> to vector<16xi32>
      %gather3A_3070 = tpu.dynamic_gather %add3A_3054[%gather3A_3069] in [0] : vector<16xf32>, vector<16xi32> -> vector<16xf32>
      %add3A_3071 = arith.addf %add3A_3054, %gather3A_3070 : vector<16xf32>
      %add3A_3072 = arith.constant 4 : i32
      %add3A_3073 = vector.broadcast %add3A_3072 : i32 to vector<16xi32>
      %add3A_3074 = arith.addi %iota3A_1750, %add3A_3073 : vector<16xi32>
      %and3A_3075 = arith.constant 15 : i32
      %and3A_3076 = vector.broadcast %and3A_3075 : i32 to vector<16xi32>
      %and3A_3077 = arith.andi %add3A_3074, %and3A_3076 : vector<16xi32>
      %lt3A_3078 = arith.constant 0 : i32
      %lt3A_3079 = vector.broadcast %lt3A_3078 : i32 to vector<16xi32>
      %lt3A_3080 = arith.cmpi slt, %and3A_3077, %lt3A_3079 : vector<16xi32>
      %add3A_3081 = arith.constant 16 : i32
      %add3A_3082 = vector.broadcast %add3A_3081 : i32 to vector<16xi32>
      %add3A_3083 = arith.addi %and3A_3077, %add3A_3082 : vector<16xi32>
      %select_n3A_3084 = arith.select %lt3A_3080, %add3A_3083, %and3A_3077 : vector<16xi1>, vector<16xi32>
      %broadcast_in_dim3A_3085 = vector.shape_cast %select_n3A_3084 : vector<16xi32> to vector<16x1xi32>
      %gather3A_3086 = vector.shape_cast %broadcast_in_dim3A_3085 : vector<16x1xi32> to vector<16xi32>
      %gather3A_3087 = tpu.dynamic_gather %add3A_3071[%gather3A_3086] in [0] : vector<16xf32>, vector<16xi32> -> vector<16xf32>
      %add3A_3088 = arith.addf %add3A_3071, %gather3A_3087 : vector<16xf32>
      %add3A_3089 = arith.constant 8 : i32
      %add3A_3090 = vector.broadcast %add3A_3089 : i32 to vector<16xi32>
      %add3A_3091 = arith.addi %iota3A_1750, %add3A_3090 : vector<16xi32>
      %and3A_3092 = arith.constant 15 : i32
      %and3A_3093 = vector.broadcast %and3A_3092 : i32 to vector<16xi32>
      %and3A_3094 = arith.andi %add3A_3091, %and3A_3093 : vector<16xi32>
      %lt3A_3095 = arith.constant 0 : i32
      %lt3A_3096 = vector.broadcast %lt3A_3095 : i32 to vector<16xi32>
      %lt3A_3097 = arith.cmpi slt, %and3A_3094, %lt3A_3096 : vector<16xi32>
      %add3A_3098 = arith.constant 16 : i32
      %add3A_3099 = vector.broadcast %add3A_3098 : i32 to vector<16xi32>
      %add3A_3100 = arith.addi %and3A_3094, %add3A_3099 : vector<16xi32>
      %select_n3A_3101 = arith.select %lt3A_3097, %add3A_3100, %and3A_3094 : vector<16xi1>, vector<16xi32>
      %broadcast_in_dim3A_3102 = vector.shape_cast %select_n3A_3101 : vector<16xi32> to vector<16x1xi32>
      %gather3A_3103 = vector.shape_cast %broadcast_in_dim3A_3102 : vector<16x1xi32> to vector<16xi32>
      %gather3A_3104 = tpu.dynamic_gather %add3A_3088[%gather3A_3103] in [0] : vector<16xf32>, vector<16xi32> -> vector<16xf32>
      %add3A_3105 = arith.addf %add3A_3088, %gather3A_3104 : vector<16xf32>
      %mul3A_3106 = arith.constant 9.765625E-4 : f32
      %mul3A_3107 = vector.broadcast %mul3A_3106 : f32 to vector<16xf32>
      %mul3A_3108 = arith.mulf %add3A_3105, %mul3A_3107 : vector<16xf32>
      %add3A_3109 = arith.constant 1 : i32
      %add3A_3110 = vector.broadcast %add3A_3109 : i32 to vector<16xi32>
      %add3A_3111 = arith.addi %iota3A_1750, %add3A_3110 : vector<16xi32>
      %and3A_3112 = arith.constant 15 : i32
      %and3A_3113 = vector.broadcast %and3A_3112 : i32 to vector<16xi32>
      %and3A_3114 = arith.andi %add3A_3111, %and3A_3113 : vector<16xi32>
      %lt3A_3115 = arith.constant 0 : i32
      %lt3A_3116 = vector.broadcast %lt3A_3115 : i32 to vector<16xi32>
      %lt3A_3117 = arith.cmpi slt, %and3A_3114, %lt3A_3116 : vector<16xi32>
      %add3A_3118 = arith.constant 16 : i32
      %add3A_3119 = vector.broadcast %add3A_3118 : i32 to vector<16xi32>
      %add3A_3120 = arith.addi %and3A_3114, %add3A_3119 : vector<16xi32>
      %select_n3A_3121 = arith.select %lt3A_3117, %add3A_3120, %and3A_3114 : vector<16xi1>, vector<16xi32>
      %broadcast_in_dim3A_3122 = vector.shape_cast %select_n3A_3121 : vector<16xi32> to vector<16x1xi32>
      %gather3A_3123 = vector.shape_cast %broadcast_in_dim3A_3122 : vector<16x1xi32> to vector<16xi32>
      %gather3A_3124 = tpu.dynamic_gather %parallel_loop3A_1756#15[%gather3A_3123] in [0] : vector<16xf32>, vector<16xi32> -> vector<16xf32>
      %add3A_3125 = arith.addf %parallel_loop3A_1756#15, %gather3A_3124 : vector<16xf32>
      %add3A_3126 = arith.constant 2 : i32
      %add3A_3127 = vector.broadcast %add3A_3126 : i32 to vector<16xi32>
      %add3A_3128 = arith.addi %iota3A_1750, %add3A_3127 : vector<16xi32>
      %and3A_3129 = arith.constant 15 : i32
      %and3A_3130 = vector.broadcast %and3A_3129 : i32 to vector<16xi32>
      %and3A_3131 = arith.andi %add3A_3128, %and3A_3130 : vector<16xi32>
      %lt3A_3132 = arith.constant 0 : i32
      %lt3A_3133 = vector.broadcast %lt3A_3132 : i32 to vector<16xi32>
      %lt3A_3134 = arith.cmpi slt, %and3A_3131, %lt3A_3133 : vector<16xi32>
      %add3A_3135 = arith.constant 16 : i32
      %add3A_3136 = vector.broadcast %add3A_3135 : i32 to vector<16xi32>
      %add3A_3137 = arith.addi %and3A_3131, %add3A_3136 : vector<16xi32>
      %select_n3A_3138 = arith.select %lt3A_3134, %add3A_3137, %and3A_3131 : vector<16xi1>, vector<16xi32>
      %broadcast_in_dim3A_3139 = vector.shape_cast %select_n3A_3138 : vector<16xi32> to vector<16x1xi32>
      %gather3A_3140 = vector.shape_cast %broadcast_in_dim3A_3139 : vector<16x1xi32> to vector<16xi32>
      %gather3A_3141 = tpu.dynamic_gather %add3A_3125[%gather3A_3140] in [0] : vector<16xf32>, vector<16xi32> -> vector<16xf32>
      %add3A_3142 = arith.addf %add3A_3125, %gather3A_3141 : vector<16xf32>
      %add3A_3143 = arith.constant 4 : i32
      %add3A_3144 = vector.broadcast %add3A_3143 : i32 to vector<16xi32>
      %add3A_3145 = arith.addi %iota3A_1750, %add3A_3144 : vector<16xi32>
      %and3A_3146 = arith.constant 15 : i32
      %and3A_3147 = vector.broadcast %and3A_3146 : i32 to vector<16xi32>
      %and3A_3148 = arith.andi %add3A_3145, %and3A_3147 : vector<16xi32>
      %lt3A_3149 = arith.constant 0 : i32
      %lt3A_3150 = vector.broadcast %lt3A_3149 : i32 to vector<16xi32>
      %lt3A_3151 = arith.cmpi slt, %and3A_3148, %lt3A_3150 : vector<16xi32>
      %add3A_3152 = arith.constant 16 : i32
      %add3A_3153 = vector.broadcast %add3A_3152 : i32 to vector<16xi32>
      %add3A_3154 = arith.addi %and3A_3148, %add3A_3153 : vector<16xi32>
      %select_n3A_3155 = arith.select %lt3A_3151, %add3A_3154, %and3A_3148 : vector<16xi1>, vector<16xi32>
      %broadcast_in_dim3A_3156 = vector.shape_cast %select_n3A_3155 : vector<16xi32> to vector<16x1xi32>
      %gather3A_3157 = vector.shape_cast %broadcast_in_dim3A_3156 : vector<16x1xi32> to vector<16xi32>
      %gather3A_3158 = tpu.dynamic_gather %add3A_3142[%gather3A_3157] in [0] : vector<16xf32>, vector<16xi32> -> vector<16xf32>
      %add3A_3159 = arith.addf %add3A_3142, %gather3A_3158 : vector<16xf32>
      %add3A_3160 = arith.constant 8 : i32
      %add3A_3161 = vector.broadcast %add3A_3160 : i32 to vector<16xi32>
      %add3A_3162 = arith.addi %iota3A_1750, %add3A_3161 : vector<16xi32>
      %and3A_3163 = arith.constant 15 : i32
      %and3A_3164 = vector.broadcast %and3A_3163 : i32 to vector<16xi32>
      %and3A_3165 = arith.andi %add3A_3162, %and3A_3164 : vector<16xi32>
      %lt3A_3166 = arith.constant 0 : i32
      %lt3A_3167 = vector.broadcast %lt3A_3166 : i32 to vector<16xi32>
      %lt3A_3168 = arith.cmpi slt, %and3A_3165, %lt3A_3167 : vector<16xi32>
      %add3A_3169 = arith.constant 16 : i32
      %add3A_3170 = vector.broadcast %add3A_3169 : i32 to vector<16xi32>
      %add3A_3171 = arith.addi %and3A_3165, %add3A_3170 : vector<16xi32>
      %select_n3A_3172 = arith.select %lt3A_3168, %add3A_3171, %and3A_3165 : vector<16xi1>, vector<16xi32>
      %broadcast_in_dim3A_3173 = vector.shape_cast %select_n3A_3172 : vector<16xi32> to vector<16x1xi32>
      %gather3A_3174 = vector.shape_cast %broadcast_in_dim3A_3173 : vector<16x1xi32> to vector<16xi32>
      %gather3A_3175 = tpu.dynamic_gather %add3A_3159[%gather3A_3174] in [0] : vector<16xf32>, vector<16xi32> -> vector<16xf32>
      %add3A_3176 = arith.addf %add3A_3159, %gather3A_3175 : vector<16xf32>
      %mul3A_3177 = arith.constant 9.765625E-4 : f32
      %mul3A_3178 = vector.broadcast %mul3A_3177 : f32 to vector<16xf32>
      %mul3A_3179 = arith.mulf %add3A_3176, %mul3A_3178 : vector<16xf32>
      %mul3A_3180 = arith.mulf %mul3A_3108, %mul3A_3108 : vector<16xf32>
      %sub3A_3181 = arith.subf %mul3A_3179, %mul3A_3180 : vector<16xf32>
      %add3A_3182 = arith.constant 9.99999974E-6 : f32
      %add3A_3183 = vector.broadcast %add3A_3182 : f32 to vector<16xf32>
      %add3A_3184 = arith.addf %sub3A_3181, %add3A_3183 : vector<16xf32>
      %bitcast3A_3185 = vector.bitcast %add3A_3184 : vector<16xf32> to vector<16xi32>
      %shift_right_arithmetic3A_3186 = arith.constant 1 : i32
      %shift_right_arithmetic3A_3187 = vector.broadcast %shift_right_arithmetic3A_3186 : i32 to vector<16xi32>
      %shift_right_arithmetic3A_3188 = arith.shrsi %bitcast3A_3185, %shift_right_arithmetic3A_3187 : vector<16xi32>
      %sub3A_3189 = arith.constant 1597463007 : i32
      %sub3A_3190 = vector.broadcast %sub3A_3189 : i32 to vector<16xi32>
      %sub3A_3191 = arith.subi %sub3A_3190, %shift_right_arithmetic3A_3188 : vector<16xi32>
      %bitcast3A_3192 = vector.bitcast %sub3A_3191 : vector<16xi32> to vector<16xf32>
      %mul3A_3193 = arith.constant 5.000000e-01 : f32
      %mul3A_3194 = vector.broadcast %mul3A_3193 : f32 to vector<16xf32>
      %mul3A_3195 = arith.mulf %mul3A_3194, %add3A_3184 : vector<16xf32>
      %mul3A_3196 = arith.mulf %mul3A_3195, %bitcast3A_3192 : vector<16xf32>
      %mul3A_3197 = arith.mulf %mul3A_3196, %bitcast3A_3192 : vector<16xf32>
      %sub3A_3198 = arith.constant 1.500000e+00 : f32
      %sub3A_3199 = vector.broadcast %sub3A_3198 : f32 to vector<16xf32>
      %sub3A_3200 = arith.subf %sub3A_3199, %mul3A_3197 : vector<16xf32>
      %mul3A_3201 = arith.mulf %bitcast3A_3192, %sub3A_3200 : vector<16xf32>
      %mul3A_3202 = arith.constant 5.000000e-01 : f32
      %mul3A_3203 = vector.broadcast %mul3A_3202 : f32 to vector<16xf32>
      %mul3A_3204 = arith.mulf %mul3A_3203, %add3A_3184 : vector<16xf32>
      %mul3A_3205 = arith.mulf %mul3A_3204, %mul3A_3201 : vector<16xf32>
      %mul3A_3206 = arith.mulf %mul3A_3205, %mul3A_3201 : vector<16xf32>
      %sub3A_3207 = arith.constant 1.500000e+00 : f32
      %sub3A_3208 = vector.broadcast %sub3A_3207 : f32 to vector<16xf32>
      %sub3A_3209 = arith.subf %sub3A_3208, %mul3A_3206 : vector<16xf32>
      %mul3A_3210 = arith.mulf %mul3A_3201, %sub3A_3209 : vector<16xf32>
      %mul3A_3211 = arith.constant 5.000000e-01 : f32
      %mul3A_3212 = vector.broadcast %mul3A_3211 : f32 to vector<16xf32>
      %mul3A_3213 = arith.mulf %mul3A_3212, %add3A_3184 : vector<16xf32>
      %mul3A_3214 = arith.mulf %mul3A_3213, %mul3A_3210 : vector<16xf32>
      %mul3A_3215 = arith.mulf %mul3A_3214, %mul3A_3210 : vector<16xf32>
      %sub3A_3216 = arith.constant 1.500000e+00 : f32
      %sub3A_3217 = vector.broadcast %sub3A_3216 : f32 to vector<16xf32>
      %sub3A_3218 = arith.subf %sub3A_3217, %mul3A_3215 : vector<16xf32>
      %mul3A_3219 = arith.mulf %mul3A_3210, %sub3A_3218 : vector<16xf32>
      %mul3A_3220 = arith.mulf %mul3A_3108, %mul3A_3219 : vector<16xf32>
      %parallel_loop3A_3221 = arith.constant 0 : i32
      %parallel_loop3A_3222 = arith.constant 64 : i32
      %parallel_loop3A_3223 = arith.constant 1 : i32
      scf.for %parallel_loop3A_3242 = %parallel_loop3A_3221 to %parallel_loop3A_3222 step %parallel_loop3A_3223  : i32 {
        %parallel_loop3A_3243 = arith.constant 16 : i32
        %parallel_loop3A_3244 = arith.muli %parallel_loop3A_3242, %parallel_loop3A_3243 : i32
        %parallel_loop3A_3245 = arith.index_cast %parallel_loop3A_3244 : i32 to index
        %parallel_loop3A_3246 = tpu.vector_load %arg11[%parallel_loop3A_3245] {strides = array<i32>} : memref<1024xf32, #tpu.memory_space<vmem>>, vector<16xf32>,
        %parallel_loop3A_3247 = arith.index_cast %parallel_loop3A_3244 : i32 to index
        %parallel_loop3A_3248 = tpu.vector_load %arg12[%parallel_loop3A_3247] {strides = array<i32>} : memref<1024xf32, #tpu.memory_space<vmem>>, vector<16xf32>,
        %parallel_loop3A_3249 = arith.constant 0 : i32
        %parallel_loop3A_3250 = arith.index_cast %parallel_loop3A_3249 : i32 to index
        %parallel_loop3A_3251 = arith.index_cast %parallel_loop3A_3244 : i32 to index
        %parallel_loop3A_3252 = tpu.vector_load %arg18[%parallel_loop3A_3250, %parallel_loop3A_3251] {strides = array<i32>} : memref<8x1024xf32, #tpu.memory_space<vmem>>, vector<16xf32>,
        %parallel_loop3A_3253 = arith.mulf %parallel_loop3A_3252, %mul3A_1938 : vector<16xf32>
        %parallel_loop3A_3254 = arith.subf %parallel_loop3A_3253, %mul3A_1939 : vector<16xf32>
        %parallel_loop3A_3255 = arith.mulf %parallel_loop3A_3254, %parallel_loop3A_3246 : vector<16xf32>
        %parallel_loop3A_3256 = arith.addf %parallel_loop3A_3255, %parallel_loop3A_3248 : vector<16xf32>
        %parallel_loop3A_3257 = arith.constant 0 : i32
        %parallel_loop3A_3258 = arith.index_cast %parallel_loop3A_3257 : i32 to index
        %parallel_loop3A_3259 = arith.index_cast %parallel_loop3A_3244 : i32 to index
        %parallel_loop3A_3260 = tpu.vector_load %arg18[%parallel_loop3A_3258, %parallel_loop3A_3259] {strides = array<i32>} : memref<8x1024xf32, #tpu.memory_space<vmem>>, vector<16xf32>,
        tpu.vector_store %arg18[%parallel_loop3A_3258, %parallel_loop3A_3259], %parallel_loop3A_3256 {strides = array<i32>} : memref<8x1024xf32, #tpu.memory_space<vmem>>, vector<16xf32>,
        %parallel_loop3A_3261 = arith.constant 1 : i32
        %parallel_loop3A_3262 = arith.index_cast %parallel_loop3A_3261 : i32 to index
        %parallel_loop3A_3263 = arith.index_cast %parallel_loop3A_3244 : i32 to index
        %parallel_loop3A_3264 = tpu.vector_load %arg18[%parallel_loop3A_3262, %parallel_loop3A_3263] {strides = array<i32>} : memref<8x1024xf32, #tpu.memory_space<vmem>>, vector<16xf32>,
        %parallel_loop3A_3265 = arith.mulf %parallel_loop3A_3264, %mul3A_2121 : vector<16xf32>
        %parallel_loop3A_3266 = arith.subf %parallel_loop3A_3265, %mul3A_2122 : vector<16xf32>
        %parallel_loop3A_3267 = arith.mulf %parallel_loop3A_3266, %parallel_loop3A_3246 : vector<16xf32>
        %parallel_loop3A_3268 = arith.addf %parallel_loop3A_3267, %parallel_loop3A_3248 : vector<16xf32>
        %parallel_loop3A_3269 = arith.constant 1 : i32
        %parallel_loop3A_3270 = arith.index_cast %parallel_loop3A_3269 : i32 to index
        %parallel_loop3A_3271 = arith.index_cast %parallel_loop3A_3244 : i32 to index
        %parallel_loop3A_3272 = tpu.vector_load %arg18[%parallel_loop3A_3270, %parallel_loop3A_3271] {strides = array<i32>} : memref<8x1024xf32, #tpu.memory_space<vmem>>, vector<16xf32>,
        tpu.vector_store %arg18[%parallel_loop3A_3270, %parallel_loop3A_3271], %parallel_loop3A_3268 {strides = array<i32>} : memref<8x1024xf32, #tpu.memory_space<vmem>>, vector<16xf32>,
        %parallel_loop3A_3273 = arith.constant 2 : i32
        %parallel_loop3A_3274 = arith.index_cast %parallel_loop3A_3273 : i32 to index
        %parallel_loop3A_3275 = arith.index_cast %parallel_loop3A_3244 : i32 to index
        %parallel_loop3A_3276 = tpu.vector_load %arg18[%parallel_loop3A_3274, %parallel_loop3A_3275] {strides = array<i32>} : memref<8x1024xf32, #tpu.memory_space<vmem>>, vector<16xf32>,
        %parallel_loop3A_3277 = arith.mulf %parallel_loop3A_3276, %mul3A_2304 : vector<16xf32>
        %parallel_loop3A_3278 = arith.subf %parallel_loop3A_3277, %mul3A_2305 : vector<16xf32>
        %parallel_loop3A_3279 = arith.mulf %parallel_loop3A_3278, %parallel_loop3A_3246 : vector<16xf32>
        %parallel_loop3A_3280 = arith.addf %parallel_loop3A_3279, %parallel_loop3A_3248 : vector<16xf32>
        %parallel_loop3A_3281 = arith.constant 2 : i32
        %parallel_loop3A_3282 = arith.index_cast %parallel_loop3A_3281 : i32 to index
        %parallel_loop3A_3283 = arith.index_cast %parallel_loop3A_3244 : i32 to index
        %parallel_loop3A_3284 = tpu.vector_load %arg18[%parallel_loop3A_3282, %parallel_loop3A_3283] {strides = array<i32>} : memref<8x1024xf32, #tpu.memory_space<vmem>>, vector<16xf32>,
        tpu.vector_store %arg18[%parallel_loop3A_3282, %parallel_loop3A_3283], %parallel_loop3A_3280 {strides = array<i32>} : memref<8x1024xf32, #tpu.memory_space<vmem>>, vector<16xf32>,
        %parallel_loop3A_3285 = arith.constant 3 : i32
        %parallel_loop3A_3286 = arith.index_cast %parallel_loop3A_3285 : i32 to index
        %parallel_loop3A_3287 = arith.index_cast %parallel_loop3A_3244 : i32 to index
        %parallel_loop3A_3288 = tpu.vector_load %arg18[%parallel_loop3A_3286, %parallel_loop3A_3287] {strides = array<i32>} : memref<8x1024xf32, #tpu.memory_space<vmem>>, vector<16xf32>,
        %parallel_loop3A_3289 = arith.mulf %parallel_loop3A_3288, %mul3A_2487 : vector<16xf32>
        %parallel_loop3A_3290 = arith.subf %parallel_loop3A_3289, %mul3A_2488 : vector<16xf32>
        %parallel_loop3A_3291 = arith.mulf %parallel_loop3A_3290, %parallel_loop3A_3246 : vector<16xf32>
        %parallel_loop3A_3292 = arith.addf %parallel_loop3A_3291, %parallel_loop3A_3248 : vector<16xf32>
        %parallel_loop3A_3293 = arith.constant 3 : i32
        %parallel_loop3A_3294 = arith.index_cast %parallel_loop3A_3293 : i32 to index
        %parallel_loop3A_3295 = arith.index_cast %parallel_loop3A_3244 : i32 to index
        %parallel_loop3A_3296 = tpu.vector_load %arg18[%parallel_loop3A_3294, %parallel_loop3A_3295] {strides = array<i32>} : memref<8x1024xf32, #tpu.memory_space<vmem>>, vector<16xf32>,
        tpu.vector_store %arg18[%parallel_loop3A_3294, %parallel_loop3A_3295], %parallel_loop3A_3292 {strides = array<i32>} : memref<8x1024xf32, #tpu.memory_space<vmem>>, vector<16xf32>,
        %parallel_loop3A_3297 = arith.constant 4 : i32
        %parallel_loop3A_3298 = arith.index_cast %parallel_loop3A_3297 : i32 to index
        %parallel_loop3A_3299 = arith.index_cast %parallel_loop3A_3244 : i32 to index
        %parallel_loop3A_3300 = tpu.vector_load %arg18[%parallel_loop3A_3298, %parallel_loop3A_3299] {strides = array<i32>} : memref<8x1024xf32, #tpu.memory_space<vmem>>, vector<16xf32>,
        %parallel_loop3A_3301 = arith.mulf %parallel_loop3A_3300, %mul3A_2670 : vector<16xf32>
        %parallel_loop3A_3302 = arith.subf %parallel_loop3A_3301, %mul3A_2671 : vector<16xf32>
        %parallel_loop3A_3303 = arith.mulf %parallel_loop3A_3302, %parallel_loop3A_3246 : vector<16xf32>
        %parallel_loop3A_3304 = arith.addf %parallel_loop3A_3303, %parallel_loop3A_3248 : vector<16xf32>
        %parallel_loop3A_3305 = arith.constant 4 : i32
        %parallel_loop3A_3306 = arith.index_cast %parallel_loop3A_3305 : i32 to index
        %parallel_loop3A_3307 = arith.index_cast %parallel_loop3A_3244 : i32 to index
        %parallel_loop3A_3308 = tpu.vector_load %arg18[%parallel_loop3A_3306, %parallel_loop3A_3307] {strides = array<i32>} : memref<8x1024xf32, #tpu.memory_space<vmem>>, vector<16xf32>,
        tpu.vector_store %arg18[%parallel_loop3A_3306, %parallel_loop3A_3307], %parallel_loop3A_3304 {strides = array<i32>} : memref<8x1024xf32, #tpu.memory_space<vmem>>, vector<16xf32>,
        %parallel_loop3A_3309 = arith.constant 5 : i32
        %parallel_loop3A_3310 = arith.index_cast %parallel_loop3A_3309 : i32 to index
        %parallel_loop3A_3311 = arith.index_cast %parallel_loop3A_3244 : i32 to index
        %parallel_loop3A_3312 = tpu.vector_load %arg18[%parallel_loop3A_3310, %parallel_loop3A_3311] {strides = array<i32>} : memref<8x1024xf32, #tpu.memory_space<vmem>>, vector<16xf32>,
        %parallel_loop3A_3313 = arith.mulf %parallel_loop3A_3312, %mul3A_2853 : vector<16xf32>
        %parallel_loop3A_3314 = arith.subf %parallel_loop3A_3313, %mul3A_2854 : vector<16xf32>
        %parallel_loop3A_3315 = arith.mulf %parallel_loop3A_3314, %parallel_loop3A_3246 : vector<16xf32>
        %parallel_loop3A_3316 = arith.addf %parallel_loop3A_3315, %parallel_loop3A_3248 : vector<16xf32>
        %parallel_loop3A_3317 = arith.constant 5 : i32
        %parallel_loop3A_3318 = arith.index_cast %parallel_loop3A_3317 : i32 to index
        %parallel_loop3A_3319 = arith.index_cast %parallel_loop3A_3244 : i32 to index
        %parallel_loop3A_3320 = tpu.vector_load %arg18[%parallel_loop3A_3318, %parallel_loop3A_3319] {strides = array<i32>} : memref<8x1024xf32, #tpu.memory_space<vmem>>, vector<16xf32>,
        tpu.vector_store %arg18[%parallel_loop3A_3318, %parallel_loop3A_3319], %parallel_loop3A_3316 {strides = array<i32>} : memref<8x1024xf32, #tpu.memory_space<vmem>>, vector<16xf32>,
        %parallel_loop3A_3321 = arith.constant 6 : i32
        %parallel_loop3A_3322 = arith.index_cast %parallel_loop3A_3321 : i32 to index
        %parallel_loop3A_3323 = arith.index_cast %parallel_loop3A_3244 : i32 to index
        %parallel_loop3A_3324 = tpu.vector_load %arg18[%parallel_loop3A_3322, %parallel_loop3A_3323] {strides = array<i32>} : memref<8x1024xf32, #tpu.memory_space<vmem>>, vector<16xf32>,
        %parallel_loop3A_3325 = arith.mulf %parallel_loop3A_3324, %mul3A_3036 : vector<16xf32>
        %parallel_loop3A_3326 = arith.subf %parallel_loop3A_3325, %mul3A_3037 : vector<16xf32>
        %parallel_loop3A_3327 = arith.mulf %parallel_loop3A_3326, %parallel_loop3A_3246 : vector<16xf32>
        %parallel_loop3A_3328 = arith.addf %parallel_loop3A_3327, %parallel_loop3A_3248 : vector<16xf32>
        %parallel_loop3A_3329 = arith.constant 6 : i32
        %parallel_loop3A_3330 = arith.index_cast %parallel_loop3A_3329 : i32 to index
        %parallel_loop3A_3331 = arith.index_cast %parallel_loop3A_3244 : i32 to index
        %parallel_loop3A_3332 = tpu.vector_load %arg18[%parallel_loop3A_3330, %parallel_loop3A_3331] {strides = array<i32>} : memref<8x1024xf32, #tpu.memory_space<vmem>>, vector<16xf32>,
        tpu.vector_store %arg18[%parallel_loop3A_3330, %parallel_loop3A_3331], %parallel_loop3A_3328 {strides = array<i32>} : memref<8x1024xf32, #tpu.memory_space<vmem>>, vector<16xf32>,
        %parallel_loop3A_3333 = arith.constant 7 : i32
        %parallel_loop3A_3334 = arith.index_cast %parallel_loop3A_3333 : i32 to index
        %parallel_loop3A_3335 = arith.index_cast %parallel_loop3A_3244 : i32 to index
        %parallel_loop3A_3336 = tpu.vector_load %arg18[%parallel_loop3A_3334, %parallel_loop3A_3335] {strides = array<i32>} : memref<8x1024xf32, #tpu.memory_space<vmem>>, vector<16xf32>,
        %parallel_loop3A_3337 = arith.mulf %parallel_loop3A_3336, %mul3A_3219 : vector<16xf32>
        %parallel_loop3A_3338 = arith.subf %parallel_loop3A_3337, %mul3A_3220 : vector<16xf32>
        %parallel_loop3A_3339 = arith.mulf %parallel_loop3A_3338, %parallel_loop3A_3246 : vector<16xf32>
        %parallel_loop3A_3340 = arith.addf %parallel_loop3A_3339, %parallel_loop3A_3248 : vector<16xf32>
        %parallel_loop3A_3341 = arith.constant 7 : i32
        %parallel_loop3A_3342 = arith.index_cast %parallel_loop3A_3341 : i32 to index
        %parallel_loop3A_3343 = arith.index_cast %parallel_loop3A_3244 : i32 to index
        %parallel_loop3A_3344 = tpu.vector_load %arg18[%parallel_loop3A_3342, %parallel_loop3A_3343] {strides = array<i32>} : memref<8x1024xf32, #tpu.memory_space<vmem>>, vector<16xf32>,
        tpu.vector_store %arg18[%parallel_loop3A_3342, %parallel_loop3A_3343], %parallel_loop3A_3340 {strides = array<i32>} : memref<8x1024xf32, #tpu.memory_space<vmem>>, vector<16xf32>,
      } {sc.loop_unroll_factor = 1 : i64, sc.parallel_access}
      %mul3A_3224 = arith.constant 512 : i32
      %mul3A_3225 = arith.muli %select_n3A, %mul3A_3224 : i32
      %add3A_3226 = arith.addi %mul3A_3225, %mul3A_50 : i32
      %mul3A_3227 = arith.constant 8 : i32
      %mul3A_3228 = arith.muli %add3A_1708, %mul3A_3227 : i32
      %add3A_3229 = arith.addi %add3A_3226, %mul3A_3228 : i32
      %dma_start3A_3230 = arith.constant 0 : i32
      %dma_start3A_3231 = tpu.memref_slice %arg7[%add3A_3229, %dma_start3A_3230] : memref<8192x1024xf32, #tpu.memory_space<hbm>> -> memref<8x1024xf32, #tpu.memory_space<hbm>>
      %dma_start3A_3232 = arith.constant 0 : i32
      %dma_start3A_3233 = tpu.memref_slice %arg7[%add3A_3229, %dma_start3A_3232] : memref<8192x1024xf32, #tpu.memory_space<hbm>> -> memref<8x1024xf32, #tpu.memory_space<hbm>>
      tpu.enqueue_dma source(%arg18 : memref<8x1024xf32, #tpu.memory_space<vmem>>) target(%dma_start3A_3233 : memref<8x1024xf32, #tpu.memory_space<hbm>>) target_semaphore(%arg27 : memref<!tpu.dma_semaphore, #tpu.memory_space<semaphore_mem>>)
      %add3A_3234 = arith.constant 2 : i32
      %add3A_3235 = arith.addi %add3A_1708, %add3A_3234 : i32
      %lt3A_3236 = arith.constant 32 : i32
      %lt3A_3237 = arith.cmpi slt, %add3A_3235, %lt3A_3236 : i32
      %convert_element_type3A_3238 = arith.extui %lt3A_3237 : i1 to i32
      %cond3A_3239 = arith.constant 0 : i32
      %cond3A_3240 = arith.cmpi ne, %convert_element_type3A_3238, %cond3A_3239 : i32
      scf.if %cond3A_3240 {
        %add3A_3242 = arith.constant 2 : i32
        %add3A_3243 = arith.addi %add3A_1708, %add3A_3242 : i32
        %mul3A_3244 = arith.constant 8 : i32
        %mul3A_3245 = arith.muli %add3A_3243, %mul3A_3244 : i32
        %add3A_3246 = arith.addi %mul3A_50, %mul3A_3245 : i32
        %dma_start3A_3247 = tpu.memref_slice %arg8[%add3A_3246] : memref<528xi32, #tpu.memory_space<vmem>> -> memref<8xi32, #tpu.memory_space<vmem>>
        %dma_start3A_3248 = arith.constant 0 : i32
        %dma_start3A_3249 = arith.constant 0 : i32
        %dma_start3A_3250 = tpu.memref_slice %arg3[%dma_start3A_3248, %dma_start3A_3249] : memref<50265x1024xf32, #tpu.memory_space<hbm>> -> memref<50265x1024xf32, #tpu.memory_space<hbm>>
        tpu.enqueue_indirect_dma source(%dma_start3A_3250 : memref<50265x1024xf32, #tpu.memory_space<hbm>>) target(%arg14 : memref<8x1024xf32, #tpu.memory_space<vmem>>) offsets(%dma_start3A_3247 : memref<8xi32, #tpu.memory_space<vmem>>) semaphore(%arg23 : memref<!tpu.dma_semaphore, #tpu.memory_space<semaphore_mem>>)
        %sub3A_3251 = arith.constant 1 : i32
        %sub3A_3252 = arith.subi %add3A_3246, %sub3A_3251 : i32
        %max3A_3253 = arith.constant 0 : i32
        %max3A_3254 = arith.maxsi %sub3A_3252, %max3A_3253 : i32
        %gt3A_3255 = arith.constant 0 : i32
        %gt3A_3256 = arith.cmpi sgt, %add3A_3246, %gt3A_3255 : i32
        %get3A_3257 = arith.index_cast %max3A_3254 : i32 to index
        %get3A_3258 = tpu.vector_load %arg10[%get3A_3257] {strides = array<i32>} : memref<528xi32, #tpu.memory_space<vmem>>, vector<16xi32>,
        %slice3A_3259 = vector.extract_strided_slice %get3A_3258 {offsets = [0], sizes = [1], strides = [1]} : vector<16xi32> to vector<1xi32>
        %squeeze3A_3260 = vector.extract %slice3A_3259[0] : i32 from vector<1xi32>
        %jit3A_3261 = arith.constant 0 : i32
        %select_n3A_3262 = arith.select %gt3A_3256, %squeeze3A_3260, %jit3A_3261 : i32
        %add3A_3263 = arith.constant 1 : i32
        %add3A_3264 = arith.addi %select_n3A_3262, %add3A_3263 : i32
        %rem3A_3265 = arith.constant 8 : i32
        %rem3A_3266 = arith.remsi %add3A_3264, %rem3A_3265 : i32
        %sub3A_3267 = arith.subi %add3A_3264, %rem3A_3266 : i32
        %multiple_of3A_3268 = tpu.assume_multiple %sub3A_3267, 8 : i32
        %dma_start3A_3269 = arith.constant 0 : i32
        %dma_start3A_3270 = arith.constant 0 : i32
        %dma_start3A_3271 = tpu.memref_slice %arg16[%dma_start3A_3269, %dma_start3A_3270] : memref<17x1024xf32, #tpu.memory_space<vmem>> -> memref<16x1024xf32, #tpu.memory_space<vmem>>
        %dma_start3A_3272 = arith.constant 0 : i32
        %dma_start3A_3273 = tpu.memref_slice %arg21[%multiple_of3A_3268, %dma_start3A_3272] : memref<528x1024xf32, #tpu.memory_space<vmem_shared>> -> memref<16x1024xf32, #tpu.memory_space<vmem_shared>>
        %dma_start3A_3274 = arith.constant 0 : i32
        %dma_start3A_3275 = arith.constant 0 : i32
        %dma_start3A_3276 = tpu.memref_slice %arg16[%dma_start3A_3274, %dma_start3A_3275] : memref<17x1024xf32, #tpu.memory_space<vmem>> -> memref<16x1024xf32, #tpu.memory_space<vmem>>
        %dma_start3A_3277 = arith.constant 0 : i32
        %dma_start3A_3278 = tpu.memref_slice %arg21[%multiple_of3A_3268, %dma_start3A_3277] : memref<528x1024xf32, #tpu.memory_space<vmem_shared>> -> memref<16x1024xf32, #tpu.memory_space<vmem_shared>>
        tpu.enqueue_dma source(%dma_start3A_3278 : memref<16x1024xf32, #tpu.memory_space<vmem_shared>>) target(%dma_start3A_3276 : memref<16x1024xf32, #tpu.memory_space<vmem>>) target_semaphore(%arg25 : memref<!tpu.dma_semaphore, #tpu.memory_space<semaphore_mem>>)
        %get3A_3279 = arith.index_cast %add3A_3246 : i32 to index
        %get3A_3280 = tpu.vector_load %arg9[%get3A_3279] {strides = array<i32>} : memref<528xi32, #tpu.memory_space<vmem>>, vector<16xi32>,
        %get3A_3281 = arith.index_cast %add3A_3246 : i32 to index
        %get3A_3282 = tpu.vector_load %arg8[%get3A_3281] {strides = array<i32>} : memref<528xi32, #tpu.memory_space<vmem>>, vector<16xi32>,
        %broadcast_in_dim3A_3283 = vector.broadcast %multiple_of3A_3268 : i32 to vector<16xi32>
        %sub3A_3284 = arith.subi %get3A_3280, %broadcast_in_dim3A_3283 : vector<16xi32>
        %eq3A_3285 = arith.constant 1 : i32
        %eq3A_3286 = vector.broadcast %eq3A_3285 : i32 to vector<16xi32>
        %eq3A_3287 = arith.cmpi eq, %get3A_3282, %eq3A_3286 : vector<16xi32>
        %jit3A_3288 = arith.constant 16 : i32
        %broadcast_in_dim3A_3289 = vector.broadcast %jit3A_3288 : i32 to vector<16xi32>
        %select_n3A_3290 = arith.select %eq3A_3287, %broadcast_in_dim3A_3289, %sub3A_3284 : vector<16xi1>, vector<16xi32>
        %swap3A_3291 = arith.constant 0 : index
        %swap3A_3292 = tpu.vector_load %arg20[%swap3A_3291] {strides = array<i32>} : memref<16xi32, #tpu.memory_space<vmem>>, vector<16xi32>,
        tpu.vector_store %arg20[%swap3A_3291], %select_n3A_3290 {strides = array<i32>} : memref<16xi32, #tpu.memory_space<vmem>>, vector<16xi32>,
      } else {
      }
      %scan3A_3241 = arith.constant 0 : i32
      scf.yield %scan3A_3241 : i32
    }
    %scan3A_159 = arith.constant 16 : i32
    %dma_wait3A_160 = arith.constant 0 : i32
    %dma_wait3A_161 = arith.constant 0 : i32
    %dma_wait3A_162 = tpu.memref_slice %arg7[%dma_wait3A_160, %dma_wait3A_161] : memref<8192x1024xf32, #tpu.memory_space<hbm>> -> memref<8x1024xf32, #tpu.memory_space<hbm>>
    %dma_wait3A_163 = arith.constant 0 : i32
    %dma_wait3A_164 = arith.constant 0 : i32
    %dma_wait3A_165 = tpu.memref_slice %arg7[%dma_wait3A_163, %dma_wait3A_164] : memref<8192x1024xf32, #tpu.memory_space<hbm>> -> memref<8x1024xf32, #tpu.memory_space<hbm>>
    tpu.wait_dma2 semaphore(%arg26 : memref<!tpu.dma_semaphore, #tpu.memory_space<semaphore_mem>>) src(%arg17 : memref<8x1024xf32, #tpu.memory_space<vmem>>) dst(%dma_wait3A_165 : memref<8x1024xf32, #tpu.memory_space<hbm>>)
    %dma_wait3A_166 = arith.constant 0 : i32
    %dma_wait3A_167 = arith.constant 0 : i32
    %dma_wait3A_168 = tpu.memref_slice %arg7[%dma_wait3A_166, %dma_wait3A_167] : memref<8192x1024xf32, #tpu.memory_space<hbm>> -> memref<8x1024xf32, #tpu.memory_space<hbm>>
    %dma_wait3A_169 = arith.constant 0 : i32
    %dma_wait3A_170 = arith.constant 0 : i32
    %dma_wait3A_171 = tpu.memref_slice %arg7[%dma_wait3A_169, %dma_wait3A_170] : memref<8192x1024xf32, #tpu.memory_space<hbm>> -> memref<8x1024xf32, #tpu.memory_space<hbm>>
    tpu.wait_dma2 semaphore(%arg27 : memref<!tpu.dma_semaphore, #tpu.memory_space<semaphore_mem>>) src(%arg18 : memref<8x1024xf32, #tpu.memory_space<vmem>>) dst(%dma_wait3A_171 : memref<8x1024xf32, #tpu.memory_space<hbm>>)
    return
  }
}

module attributes {stable_mosaic.version = 14 : i64} {
  func.func @body(%arg0: memref<514x1024xf32, #tpu.memory_space<vmem>>, %arg1: memref<1x1024xf32, #tpu.memory_space<vmem>>, %arg2: memref<514x1024xf32, #tpu.memory_space<vmem>>) attributes {dimension_semantics = [], scalar_prefetch = 0 : i64, scratch_operands = 0 : i64, tpu.core_type = #tpu.core_type<tc>} {
    %get3A = arith.constant 0 : index
    %get3A_0 = arith.constant 0 : index
    %get3A_1 = vector.load %arg0[%get3A, %get3A_0] : memref<514x1024xf32, #tpu.memory_space<vmem>>, vector<514x1024xf32>
    %get3A_2 = arith.constant 0 : index
    %get3A_3 = arith.constant 0 : index
    %get3A_4 = vector.load %arg1[%get3A_2, %get3A_3] : memref<1x1024xf32, #tpu.memory_space<vmem>>, vector<1x1024xf32>
    %get3A_5 = vector.shape_cast %get3A_4 : vector<1x1024xf32> to vector<1024xf32>
    %broadcast_in_dim3A = vector.shape_cast %get3A_5 : vector<1024xf32> to vector<1x1024xf32>
    %add3A = vector.broadcast %broadcast_in_dim3A : vector<1x1024xf32> to vector<514x1024xf32>
    %add3A_6 = arith.addf %get3A_1, %add3A : vector<514x1024xf32>
    %swap3A = arith.constant 0 : index
    %swap3A_7 = arith.constant 0 : index
    %swap3A_8 = vector.load %arg2[%swap3A, %swap3A_7] : memref<514x1024xf32, #tpu.memory_space<vmem>>, vector<514x1024xf32>
    tpu.vector_store %arg2[%swap3A, %swap3A_7], %add3A_6 {strides = array<i32>} : memref<514x1024xf32, #tpu.memory_space<vmem>>, vector<514x1024xf32>,
    return
  }
}

</mosaic_0001>

<sc_bundles>
// kernel: kernel.4.cloned.1.call-start
scs
__scs_entry_jumppad:
0x0: {  	(pc) =	sbr.rel $0x88, $3  }
0x1: {  	(tag) =	ssettag $0x0;
	lr =	simm.s32 $0x1  }
0x2: {  	[smem:$0x3F9B] =	sst lr;
	_ =	strace $0xD0000000  }
0x3: {  	_ = 	snop  }
0x4: {  	_ = 	snop  }
0x5: {  	_ = 	snop  }
0x6: {  	_ = 	snop  }
0x7: {  	_ = 	snop  }
__scs_overlays_trampoline_lowered:
0x8: {  	[smem:$0x3FAA] =	sst s0  }
0x9: {  	[smem:$0x3FAB] =	sst s1  }
0xa: {  	[smem:$0x3FAC] =	sst s2  }
0xb: {  	[smem:$0x3FAD] =	sst s3  }
0xc: {  	[smem:$0x3FAE] =	sst s4  }
0xd: {  	[smem:$0x3FAF] =	sst s5  }
0xe: {  	[smem:$0x3FB0] =	sst s6  }
0xf: {  	[smem:$0x3FB1] =	sst s7  }
0x10: {  	[smem:$0x3FB2] =	sst s8  }
0x11: {  	[smem:$0x3FB3] =	sst s9;
	s0 =	simm.s32 @!p0 $0x0  }
0x12: {  	s1 =	sld [smem:$0x3F99];
	s0 =	simm.s32 @p0 $0x1  }
0x13: {  	[smem:$0x3FB4] =	sst s0;
	s0 =	simm.s32 @!p1 $0x0  }
0x14: {  	s2 =	sld [smem:$0x3F98];
	s0 =	simm.s32 @p1 $0x1  }
0x15: {  	[smem:$0x3FB5] =	sst s0;
	s0 =	simm.s32 @!p2 $0x0  }
0x16: {  	s3 =	sld [smem:$0x3FDB];
	s0 =	simm.s32 @p2 $0x1  }
0x17: {  	s4 =	simm.s32 $0x1BF5;
	[smem:$0x3FB7] =	sst s0  }
0x18: {  	s0 =	sld [smem:$0x3F9A];
	_ =	swait.ge [sflag:s4], $0x0  }
0x19: {  	s7 =	sld [smem:$0x3F9B]  }
0x1a: {  	s8 =	sadd.s32 $0xFFFFE003, lr  }
0x1b: {  	s9 =	sadd.s32 $0xFFFFFEF7, lr;
	s5 =	simm.s32 $0xFFFFFFFF;
	p2 =	slt.u32 s8, $0xFFFFF086  }
0x1c: {  	p1 =	slt.u32 s9, $0xF7A;
	s5 =	simm.s32 @!p2 $0x0  }
0x1d: {  	s5 =	simm.s32 @p1 $0x1;
	p0 =	seq.s32 s7, s2  }
0x1e: {  	s7 =	smul.u32 @!p0 $0xF7A, s2;
	p2 =	seq.s32 @!p0 s5, $0x0  }
0x1f: {  	s9 =	smul.u32 $0xF7A, s1;
	s8 =	simm.s32 @!p0 $0x1BF5;
	p2 =	por !p2, p0  }
0x20: {  	[sflag:s8] =	ssyncset.s32 @!p0 $0xFFFFF086;
	s6 =	sadd.s32 @!p0 s3, s7;
	s7 =	simm.s32 @!p0 $0x108  }
0x21: {  	s3 =	sadd.s32 s3, s9;
	s6 =	sadd.s32 @!p0 $0x88, s6;
	s7 =	simm.s32 @p2 $0x1082  }
0x22: {  	[simem:s7], [sflag:s8] =	dma.local @!p0 [hbm:s6], $0xF7A  }
0x23: {  	s9 =	sor.u32 $0xD0000000, s2;
	s6 =	simm.s32 $0x108;
	_ =	swait.ge @!p0 [sflag:s8], $0x0  }
0x24: {  	s3 =	sadd.s32 $0x88, s3;
	s6 =	simm.s32 @!p1 $0x1082;
	[sflag:s4] =	ssyncset.s32 $0xFFFFF086  }
0x25: {  	[simem:s6], [sflag:s4] =	dma.local [hbm:s3], $0xF7A  }
0x26: {  	[smem:$0x3F9B] =	sst s1;
	(tag) =	ssettag s2;
	_ =	strace s9  }
0x27: {  	s1 =	sld [smem:$0x3FAB]  }
0x28: {  	s2 =	sld [smem:$0x3FAC]  }
0x29: {  	s4 =	sld [smem:$0x3FAE]  }
0x2a: {  	p0 =	seq.s32 s5, $0x0;
	s5 =	sld [smem:$0x3FAF]  }
0x2b: {  	s6 =	sld [smem:$0x3FB0]  }
0x2c: {  	s7 =	sld [smem:$0x3FB1]  }
0x2d: {  	s3 =	simm.s32 $0x108;
	s8 =	sld [smem:$0x3FB2]  }
0x2e: {  	s3 =	simm.s32 @!p0 $0x1082;
	s9 =	sld [smem:$0x3FB3]  }
0x2f: {  	lr =	sadd.s32 s0, s3;
	s0 =	sld [smem:$0x3FAA]  }
0x30: {  	s3 =	sld [smem:$0x3FAD]  }
0x31: {  	[smem:$0x3FB6] =	sst s10  }
0x32: {  	s10 =	sld [smem:$0x3FB4];
	_ =	sdelay $0x3  }
0x33: {  	p0 =	seq.s32 s10, $0x1;
	s10 =	sld [smem:$0x3FB6];
	_ =	sdelay $0x3  }
0x34: {  	[smem:$0x3FB6] =	sst s10  }
0x35: {  	s10 =	sld [smem:$0x3FB5];
	_ =	sdelay $0x3  }
0x36: {  	p1 =	seq.s32 s10, $0x1;
	s10 =	sld [smem:$0x3FB6];
	_ =	sdelay $0x3  }
0x37: {  	[smem:$0x3FB6] =	sst s10  }
0x38: {  	s10 =	sld [smem:$0x3FB7]  }
0x39: {  	_ = 	snop;
	(pc) =	sbr.ind lr, $3  }
0x3a: {  	_ = 	snop  }
0x3b: {  	_ = 	snop  }
0x3c: {  	p2 =	seq.s32 s10, $0x1;
	s10 =	sld [smem:$0x3FB6]  }
0x3d: {  	_ =	shalt  }
0x3e: {  	_ =	shalt  }
0x3f: {  	_ =	shalt  }
0x40: {  	_ =	shalt  }
0x41: {  	_ =	shalt  }
0x42: {  	_ =	shalt  }
0x43: {  	_ =	shalt  }
0x44: {  	_ =	shalt  }
0x45: {  	_ =	shalt  }
0x46: {  	_ =	shalt  }
0x47: {  	_ =	shalt  }
0x48: {  	_ =	shalt  }
0x49: {  	_ =	shalt  }
0x4a: {  	_ =	shalt  }
0x4b: {  	_ =	shalt  }
0x4c: {  	_ =	shalt  }
0x4d: {  	_ =	shalt  }
0x4e: {  	_ =	shalt  }
0x4f: {  	_ =	shalt  }
0x50: {  	_ =	shalt  }
0x51: {  	_ =	shalt  }
0x52: {  	_ =	shalt  }
0x53: {  	_ =	shalt  }
0x54: {  	_ =	shalt  }
0x55: {  	_ =	shalt  }
0x56: {  	_ =	shalt  }
0x57: {  	_ =	shalt  }
0x58: {  	_ =	shalt  }
0x59: {  	_ =	shalt  }
0x5a: {  	_ =	shalt  }
0x5b: {  	_ =	shalt  }
0x5c: {  	_ =	shalt  }
0x5d: {  	_ =	shalt  }
0x5e: {  	_ =	shalt  }
0x5f: {  	_ =	shalt  }
0x60: {  	_ =	shalt  }
0x61: {  	_ =	shalt  }
0x62: {  	_ =	shalt  }
0x63: {  	_ =	shalt  }
0x64: {  	_ =	shalt  }
0x65: {  	_ =	shalt  }
0x66: {  	_ =	shalt  }
0x67: {  	_ =	shalt  }
0x68: {  	_ =	shalt  }
0x69: {  	_ =	shalt  }
0x6a: {  	_ =	shalt  }
0x6b: {  	_ =	shalt  }
0x6c: {  	_ =	shalt  }
0x6d: {  	_ =	shalt  }
0x6e: {  	_ =	shalt  }
0x6f: {  	_ =	shalt  }
0x70: {  	_ =	shalt  }
0x71: {  	_ =	shalt  }
0x72: {  	_ =	shalt  }
0x73: {  	_ =	shalt  }
0x74: {  	_ =	shalt  }
0x75: {  	_ =	shalt  }
0x76: {  	_ =	shalt  }
0x77: {  	_ =	shalt  }
0x78: {  	_ =	shalt  }
0x79: {  	_ =	shalt  }
0x7a: {  	_ =	shalt  }
0x7b: {  	_ =	shalt  }
0x7c: {  	_ =	shalt  }
0x7d: {  	_ =	shalt  }
0x7e: {  	_ =	shalt  }
0x7f: {  	_ =	shalt  }
0x80: {  	_ =	shalt  }
0x81: {  	_ =	shalt  }
0x82: {  	_ =	shalt  }
0x83: {  	_ =	shalt  }
0x84: {  	_ =	shalt  }
0x85: {  	_ =	shalt  }
0x86: {  	_ =	shalt  }
0x87: {  	_ =	shalt  }
.Lfunc_end0:
.L_simem_size_0:
called_computation_lowered:
.L_overlay_start_0:
0x88: {  	s2 =	sld [smem:$0x3FD9]  }
0x89: {  	s3 =	sld [smem:$0x3FFE];
	_ =	sdelay $0x1  }
0x8a: {  	s1 =	srdreg.scid  }
0x8b: {  	s0 =	sand.u32 $0x1, s1  }
0x8c: {  	s17 =	sshll.u32 s0, $0xA;
	s2 =	sadd.s32 s3, s2  }
0x8d: {  	s2 =	sadd.s32 s2, s17  }
0x8e: {  	[smem:$0x3FC2] =	sst s2  }
0x8f: {  	_ = 	snop  }
0x90: {  	s2 =	sld [smem:$0x3FC9]  }
0x91: {  	s18 =	sld [smem:$0x3FC8]  }
0x92: {  	s4 =	sld [smem:$0x3FC5]  }
0x93: {  	s5 =	sld [smem:$0x3FC4]  }
0x94: {  	s6 =	sld [smem:$0x3FD0];
	(tm) =	ssettm $0x1  }
0x95: {  	s7 =	sld [smem:$0x3FFB];
	_ =	sdelay $0x3  }
0x96: {  	_ =	strace s7  }
0x97: {  	s7 =	sld [smem:$0x3FFC];
	_ =	sdelay $0x3  }
0x98: {  	_ =	strace s7  }
0x99: {  	s7 =	sld [smem:$0x3FFD];
	_ =	sdelay $0x3  }
0x9a: {  	_ =	strace s7  }
0x9b: {  	_ =	strace $0x8FFFFFFF  }
0x9c: {  	s19 =	sld [smem:$0x3FDB];
	_ =	sdelay $0x1  }
0x9d: {  	s8 =	simm.s32 $_scs_section_size  }
0x9e: {  	s9 =	simm.s32 $_size__tile_overlayer_lowered;
	s10 =	simm.s32 $_tile_overlayer_lowered  }
0x9f: {  	s22 =	simm.s32 $0x1BFF;
	s21 =	sshll.u32 s10, $0x1;
	s7 =	sadd.s32 s8, s19  }
0xa0: {  	s11 =	simm.s32 $0x0;
	s20 =	sshll.u32 s9, $0x1;
	s9 =	sadd.s32 s21, s7  }
0xa1: {  	[timem:s11], [sflag:s22] =	dma.local [hbm:s9], s20  }
0xa2: {  	_ =	swait.ge [sflag:s22], s20  }
0xa3: {  	s8 =	ssub.s32 $0x0, s20;
	[sflag:s22] =	ssyncset.done $0x0  }
0xa4: {  	[sflag:s22] =	ssyncadd.s32 s8;
	_ =	sdelay $0x1  }
0xa5: {  	s23 =	simm.s32 $0x1B8B  }
0xa6: {  	_ =	swait.ge [sflag:s23], $0x1  }
0xa7: {  	[sflag:s23] =	ssyncset.done $0x0  }
0xa8: {  	s25 =	simm.s32 $0x1B8E;
	s24 =	sld [smem:$0x3FFE];
	[sflag:s23] =	ssyncadd.s32 $0xFFFFFFFF  }
0xa9: {  	s26 =	simm.s32 $execute0_lowered;
	[smem:$0x3FD2] =	sst s25  }
0xaa: {  	s9 =	sshll.u32 s26, $0x1;
	_ =	strace $0x80000046;
	[dreg:$0x1] =	wrdreg $0xFFFFFFFF  }
0xab: {  	s28 =	simm.s32 $_size_execute0_lowered;
	s7 =	sadd.s32 s7, s9;
	[dreg:$0x0] =	wrdreg $0x0  }
0xac: {  	s9 =	sshll.u32 s28, $0x1;
	[dreg:$0x2] =	wrdreg s7  }
0xad: {  	[dreg:$0x3] =	wrdreg s9  }
0xae: {  	[dreg:$0x4] =	wrdreg $0xC0  }
0xaf: {  	_ =	task [dreg:s11], $0x5FFFF  }
0xb0: {  	[dreg:$0x1] =	wrdreg $0xFFFFFFFF  }
0xb1: {  	[dreg:$0x0] =	wrdreg $0x60  }
0xb2: {  	[dreg:$0x2] =	wrdreg s2  }
0xb3: {  	[dreg:$0x3] =	wrdreg s18  }
0xb4: {  	[dreg:$0x4] =	wrdreg s24  }
0xb5: {  	[dreg:$0x5] =	wrdreg s4  }
0xb6: {  	[dreg:$0x6] =	wrdreg s5  }
0xb7: {  	[dreg:$0x7] =	wrdreg s6  }
0xb8: {  	[dreg:$0x8] =	wrdreg $0x150800  }
0xb9: {  	[dreg:$0x9] =	wrdreg $0x9  }
0xba: {  	_ =	task.clear_ibuf [dreg:s11], $0xAFFFF;
	_ =	strace $0x90000046  }
0xbb: {  	s29 =	simm.s32 $0x9;
	_ =	strace $0x80000048  }
0xbc: {  	_ =	swait.ge [sflag:s29], $0x1  }
0xbd: {  	[sflag:s29] =	ssyncadd.s32 $0xFFFFFFFF  }
0xbe: {  	_ =	strace $0x90000048  }
0xbf: {  	_ =	sfence  }
0xc0: {  	s30 =	sld [smem:$0x0];
	_ =	sdelay $0x2  }
0xc1: {  	s31 =	sshll.u32 s1, $0xD;
	s1 =	sshrl.u32 s1, $0x2  }
0xc2: {  	s3 =	sand.u32 $0x4000, s31;
	s1 =	sadd.s32 s1, s30  }
0xc3: {  	s0 =	sor.u32 s3, s0;
	s1 =	sshll.u32 s1, $0x11  }
0xc4: {  	s0 =	sor.u32 s1, s0  }
0xc5: {  	s0 =	sadd.s32 $0x8F2B, s0  }
0xc6: {  	[sflag:s0] =	ssyncadd.remote.s32 $0x1  }
0xc7: {  	_ =	sfence.sel $0xFFFF  }
0xc8: {  	[dreg:$0x0] =	wrdreg $0xFFFFFFFF;
	(pc) =	sbr.abs _section_cstart, $3  }
0xc9: {  	[dreg:$0x1] =	wrdreg $0xFFFFFFFF  }
0xca: {  	_ =	task.clear_ibuf [dreg:s11], $0x2FFFF;
	_ =	strace $0x9FFFFFFF  }
0xcb: {  	(tm) =	ssettm $0x7FFFFFFF  }
tec
execute0_lowered:
.L_overlay_start_1:
0x0: {  	(tag) =	ssettag $0x1  }
0x1: {  	s0 =	rddreg [dreg:$0x0]  }
0x2: {  	s9 =	rddreg [dreg:$0x1]  }
0x3: {  	s1 =	rddreg [dreg:$0x2]  }
0x4: {  	s8 =	rddreg [dreg:$0x6];
	s2 =	srdreg.scid;
	s7 =	simm.s32 $0x0  }
0x5: {  	s10 =	stileid.u32;
	s6 =	simm.s32 $0x1;
	s2 =	sand.u32 $0x1, s2  }
0x6: {  	[smem:$0x7FF] =	sst s7;
	s17 =	sshll.u32 s10, $0xC;
	s19 =	sshll.u32 s10, $0xF  }
0x7: {  	s20 =	sshll.u32 s10, $0x6;
	s11 =	sadd.s32 $0x10A00, s1;
	s22 =	sadd.s32 $0xA10, s1  }
0x8: {  	s23 =	sadd.s32 $0x100, s9;
	_ =	strace $0x80000047;
	[dreg:$0x1a] =	wrdreg s11  }
0x9: {  	s24 =	sadd.s32 $0x200, s9;
	s25 =	sadd.s32 $0x300, s9;
	[dreg:$0x1c] =	wrdreg s22  }
0xa: {  	s3 =	sor.u32 s2, s10;
	p1 =	seq.s32 s2, $0x1;
	[dreg:$0x1d] =	wrdreg s23  }
0xb: {  	s4 =	ssub.s32 $0x2, s2;
	s13 =	sshll.u32 s2, $0x8;
	[dreg:$0x1e] =	wrdreg s24  }
0xc: {  	v0 =	vimm.s32 $0xFEDCBA9;
	v1 =	vimm.s32 $0x87654321;
	v2 =	vimm.s32 $0x10FEDCBA;
	[dreg:$0x1f] =	wrdreg s25;
	p0 =	seq.s32 s3, $0x0;
	s5 =	sshrl.u32 s4, $0x1  }
0xd: {  	v3 =	vimm.s32 $0x98765432;
	v0 =	vunpack.c.l.s4.s8 v0;
	v1 =	vunpack.c.l.s4.s8 v1;
	s3 =	sadd.s32 s17, s1;
	s28 =	smax.u32 s13, $0x1;
	s29 =	sor.u32 $0x8, s13  }
0xe: {  	v5 =	vimm.s32 $0x3210FEDC;
	v6 =	vimm.s32 $0xBA987654;
	v2 =	vunpack.c.l.s4.s8 v2;
	p0 =	por !p0, !p1;
	s4 =	ssub.s32 s4, s5;
	[smem:$0x7F7] =	sst s28  }
0xf: {  	v3 =	vunpack.c.l.s4.s8 v3;
	v4 =	vunpack.c.0.s8.s32 v0;
	v1 =	vunpack.c.0.s8.s32 v1;
	s3 =	sadd.s32 $0xA00, s3;
	[smem:$0x7F8] =	sst s29;
	p0 =	por !p0, !p0  }
0x10: {  	vm0 =	vmmov $0xffff;
	v5 =	vunpack.c.l.s4.s8 v5;
	v6 =	vunpack.c.l.s4.s8 v6;
	[dreg:$0x18] =	wrdreg s3;
	s3 =	sadd.s32 s19, s8;
	s30 =	smax.u32 s4, $0x1  }
0x11: {  	v4 =	vcombine.low v1, v4;
	v1 =	vunpack.c.0.s8.s32 v2;
	v2 =	vunpack.c.0.s8.s32 v3;
	s6 =	simm.s32 @!p0 $0x0;
	[smem:$0x7FB] =	sst s30;
	s31 =	sshrl.u32 s3, $0x3  }
0x12: {  	v3 =	vunpack.c.0.s8.s32 v5;
	v5 =	vunpack.c.0.s8.s32 v6;
	v6 =	vimm.s32 $0xFEDCBA98;
	s18 =	ssub.s32 s10, s6;
	s6 =	sor.u32 $0x1C07, s20;
	[smem:$0x7FC] =	sst s31  }
0x13: {  	v7 =	vcombine.low v2, v1;
	v1 =	vimm.s32 $0x76543210;
	v2 =	vunpack.c.l.s4.s8 v6;
	s5 =	sshll.u32 s18, $0x9;
	[dreg:$0x19] =	wrdreg s6  }
.Ltmp0:
0x14: {  	v6 =	vlaneseq.u32;
	v5 =	vcombine.low v5, v3;
	v3 =	vunpack.c.l.s4.s8 v1;
	s21 =	sshrl.u32 s5, $0x3;
	s26 =	sor.u32 s13, s5;
	(pc) =	sbr.rel .LBB2_1-.Ltmp0, $4  }
0x15: {  	s8 =	sadd.s32 $0x80000, s8;
	v1 =	vand.u32 $0x7, v6;
	v6 =	vshrl.u32 v6, $0x3;
	v8 =	vunpack.c.0.s8.s32 v2;
	s0 =	sadd.s32 s0, s21;
	[smem:$0x7F9] =	sst s26  }
0x16: {  	v0 =	vimm.s32 $0x0;
	p0 =	sne.s32 s10, $0xF;
	v2 =	vmul.u32 $0x8, v6;
	v6 =	vunpack.c.0.s8.s32 v3;
	[dreg:$0x1b] =	wrdreg s0;
	s0 =	sshll.u32 s26, $0xA  }
0x17: {  	p1 =	seq.s32 s2, $0x0;
	v3 =	vand.u32 $0xF, v4;
	v4 =	vand.u32 $0xF, v7;
	v7 =	vand.u32 $0xF, v8;
	[smem:$0x7FA] =	sst s0;
	s0 =	sshrl.u32 @!p0 s8, $0x3  }
0x18: {  	s2 =	simm.s32 $0x0;
	s10 =	simm.s32 $0x8;
	v5 =	vand.u32 $0xF, v5;
	v6 =	vcombine.low v7, v6;
	v7 =	vmov s13;
	[smem:$0x7FD] =	sst s0  }
.LBB2_14:
0x19: {  	s0 =	simm.s32 $0x5  }
0x1a: {  	_ =	swait.ge [sflag:s0], $0x2000  }
0x1b: {  	[sflag:s0] =	ssyncset.done $0x0  }
0x1c: {  	s1 =	simm.s32 $0x6;
	[sflag:s0] =	ssyncadd.s32 $0xFFFFE000  }
0x1d: {  	_ =	swait.ge [sflag:s1], $0x2000  }
0x1e: {  	s2 =	sld [smem:$0x7F6]  }
0x1f: {  	s31 =	sld [smem:$0x7FB];
	_ =	sdelay $0x1  }
0x20: {  	s2 =	sadd.s32 $0x1, s2  }
0x21: {  	p2 =	sne.s32 s2, s31  }
.Ltmp1:
0x22: {  	_ = 	snop;
	(pc) =	sbr.rel @!p2 .LBB2_15-.Ltmp1, $3  }
0x23: {  	_ =	sdelay $0x1  }
0x24: {  	[sflag:s1] =	ssyncset.done $0x0  }
0x25: {  	s10 =	simm.s32 $0x8;
	[sflag:s1] =	ssyncadd.s32 $0xFFFFE000  }
.LBB2_1:
0x26: {  	[smem:$0x7F6] =	sst s2  }
0x27: {  	s1 =	sld [smem:$0x7FC]  }
0x28: {  	s0 =	rddreg [dreg:$0x18]  }
0x29: {  	s3 =	rddreg [dreg:$0x19]  }
0x2a: {  	[spmem:s1], [sflag:s3] =	dma.local [hbm:s0], $0x1000  }
0x2b: {  	s5 =	sld [smem:$0x7FD]  }
0x2c: {  	s2 =	simm.s32 @!p0 $0x400  }
0x2d: {  	s0 =	simm.s32 @!p0 $0x40;
	s1 =	simm.s32 @!p0 $0x80;
	s4 =	rddreg [dreg:$0x1a]  }
0x2e: {  	[spmem:s5@s1], [sflag:s3] =	dma.strided @!p0 [hbm:s4@s2], $0x0, s0, $0x10   }
0x2f: {  	s0 =	simm.s32 @!p0 $0x2  }
0x30: {  	[spmem:s5@s1], [sflag:s3] =	dma.strided @!p0 [hbm:s4@s1], $0x100, s0, $0x10   }
0x31: {  	s0 =	rddreg [dreg:$0x1b]  }
0x32: {  	[tilespmem:s7], [sflag:$0x8] =	stream.linear.gather [hbm4b:s0+s7], $0x200, $0x38;
	[tilespmem:$0x1D480] =	vst v63  }
0x33: {  	_ =	swait.ge [sflag:s10], $0x200  }
0x34: {  	[sflag:s10] =	ssyncset.done $0x0  }
0x35: {  	[sflag:s10] =	ssyncadd.s32 $0xFFFFFE00  }
0x36: {  	s29 =	simm.s32 $0x780;
	s28 =	rddreg [dreg:$0x3]  }
0x37: {  	[tilespmem:s29], [sflag:$0x8] =	stream.linear.gather [hbm4b:s28+s7], $0x400, $0x38;
	[tilespmem:$0x1D480] =	vst v63  }
0x38: {  	_ =	swait.ge [sflag:s10], $0x400  }
0x39: {  	[sflag:s10] =	ssyncset.done $0x0  }
0x3a: {  	[sflag:s10] =	ssyncadd.s32 $0xFFFFFC00  }
0x3b: {  	s31 =	simm.s32 $0xB80;
	s30 =	rddreg [dreg:$0x4]  }
0x3c: {  	[tilespmem:s31], [sflag:$0x8] =	stream.linear.gather [hbm4b:s30+s7], $0x400, $0x38;
	[tilespmem:$0x1D480] =	vst v63  }
0x3d: {  	_ =	swait.ge [sflag:s10], $0x400  }
0x3e: {  	[sflag:s10] =	ssyncset.done $0x0  }
0x3f: {  	s4 =	simm.s32 $0x0;
	[sflag:s10] =	ssyncadd.s32 $0xFFFFFC00  }
0x40: {  	v8 =	vld [tilespmem:s4+$0x0];
	_ =	sdelay $0x1  }
0x41: {  	s1 =	simm.s32 $0x10  }
0x42: {  	s2 =	simm.s32 $0x20;
	v9 =	vld [tilespmem:s1+$0x0]  }
0x43: {  	v10 =	vld [tilespmem:s2+$0x0]  }
0x44: {  	vm1 =	vne.s32 v8, $0x1  }
0x45: {  	v8 =	vsel vm1, $0x1, v0  }
0x46: {  	(xrf0) =	vadd.scan.msk.s32 $0xffff, v8  }
0x47: {  	vm2 =	vne.s32 v9, $0x1  }
0x48: {  	vm3 =	vne.s32 v10, $0x1;
	v8 =	vsel vm2, $0x1, v0  }
0x49: {  	(xrf0) =	vadd.scan.msk.s32 $0xffff, v8;
	v8 =	vsel vm3, $0x1, v0  }
0x4a: {  	s0 =	simm.s32 $0x30;
	(xrf0) =	vadd.scan.msk.s32 $0xffff, v8  }
0x4b: {  	v9 =	vld [tilespmem:s0+$0x0]  }
0x4c: {  	v10, _, _ =	vpop (xrf0)  }
0x4d: {  	(v2sf) =	vpush v10, $0xF  }
0x4e: {  	vm1 =	vmmov vm1  }
0x4f: {  	vm1 =	vmmov vm1;
	v8, _, _ =	vpop (xrf0)  }
0x50: {  	vm4 =	vmmov vm1;
	vm1 =	vne.s32 v9, $0x1;
	(v2sf) =	vpush v8, $0xF;
	v9, _, _ =	vpop (xrf0)  }
0x51: {  	(v2sf) =	vpush v9, $0xF;
	_ =	sdelay $0x4  }
0x52: {  	s5 =	simm.s32 $0x40  }
0x53: {  	vm2 =	vmmov vm2;
	v11 =	vsel vm1, $0x1, v0;
	v12 =	vadd.s32 s7, v10;
	v10 =	vld [tilespmem:s5+$0x0]  }
0x54: {  	vm5 =	vmmov vm3;
	vm2 =	vmmov vm2;
	(xrf0) =	vadd.scan.msk.s32 $0xffff, v11;
	v11 =	vadd.s32 $0x1, v12  }
0x55: {  	s8 =	simm.s32 $0x140;
	s6 =	simm.s32 $0x0;
	vm3 =	vmmov vm2;
	vm2 =	vmmov vm5;
	[tilespmem:s4+$0x500] =	vst v12;
	v11 =	vnsel vm4, $0x1, v11  }
.LBB2_2:
0x56: {  	s9 =	sshra.s32 s8, $0x2  }
0x57: {  	[tilespmem:s4+$0x280] =	vst v11;
	vm4 =	vmmov vm1;
	s4 =	smov.u32 s1;
	s1 =	smov.u32 s2;
	p2 =	sne.s32 s8, $0x7C0  }
.Ltmp2:
0x58: {  	s8 =	sadd.s32 $0x40, s8;
	vm1 =	vne.s32 v10, $0x1;
	s2 =	spop (v2sf);
	(pc) =	sbr.rel @p2 .LBB2_2-.Ltmp2, $4  }
0x59: {  	v10 =	vld [tilespmem:s9+$0x0];
	v11 =	vsel vm1, $0x1, v0;
	s6 =	sadd.s32 s6, s2;
	s2 =	smov.u32 s0;
	s0 =	smov.u32 s5  }
0x5a: {  	s5 =	smov.u32 s9;
	(xrf0) =	vadd.scan.msk.s32 $0xffff, v11;
	v11 =	vadd.s32 s6, v8;
	v8 =	vmov v9;
	v9, _, _ =	vpop (xrf0)  }
0x5b: {  	(v2sf) =	vpush v9, $0xF;
	[tilespmem:s4+$0x500] =	vst v11;
	v11 =	vadd.s32 $0x1, v11  }
0x5c: {  	v11 =	vnsel vm3, $0x1, v11;
	vm3 =	vmmov vm2;
	vm2 =	vmmov vm4  }
0x5d: {  	_ = 	snop  }
0x5e: {  	vm4 =	vne.s32 v10, $0x1  }
0x5f: {  	v10 =	vsel vm4, $0x1, v0  }
0x60: {  	(xrf0) =	vadd.scan.msk.s32 $0xffff, v10  }
0x61: {  	v54, _, _ =	vpop (xrf0)  }
0x62: {  	(v2sf) =	vpush v54, $0xF;
	_ =	sdelay $0x3  }
0x63: {  	v12, _, _ =	vpop (xrf0)  }
0x64: {  	(v2sf) =	vpush v12, $0xF;
	_ =	sdelay $0x3  }
0x65: {  	s8 =	spop (v2sf)  }
0x66: {  	s6 =	sadd.s32 s6, s8  }
0x67: {  	s30 =	spop (v2sf);
	v8 =	vadd.s32 s6, v8  }
0x68: {  	[tilespmem:s4+$0x280] =	vst v11;
	s31 =	sadd.s32 s6, s30;
	v55 =	vadd.s32 $0x1, v8  }
0x69: {  	[tilespmem:s1+$0x500] =	vst v8;
	v9 =	vadd.s32 s31, v9;
	v8 =	vnsel vm3, $0x1, v55;
	s3 =	spop (v2sf)  }
0x6a: {  	vm1 =	vmmov vm1;
	vm2 =	vmmov vm2;
	[tilespmem:s1+$0x280] =	vst v8;
	v8 =	vadd.s32 $0x1, v9;
	s8 =	sadd.s32 s31, s3  }
0x6b: {  	vm1 =	vmmov vm1;
	[tilespmem:s2+$0x500] =	vst v9;
	v8 =	vnsel vm2, $0x1, v8;
	v56 =	vadd.s32 s8, v54;
	s9 =	spop (v2sf)  }
0x6c: {  	vm1 =	vmmov vm1;
	vm2 =	vmmov vm4;
	[tilespmem:s2+$0x280] =	vst v8;
	v8 =	vadd.s32 $0x1, v56;
	s1 =	sadd.s32 s8, s9  }
0x6d: {  	vm2 =	vmmov vm2;
	[tilespmem:s0+$0x500] =	vst v56;
	v8 =	vnsel vm1, $0x1, v8;
	v57 =	vadd.s32 s1, v12  }
0x6e: {  	vm1 =	vmmov vm2;
	[tilespmem:s0+$0x280] =	vst v8;
	v8 =	vadd.s32 $0x1, v57  }
0x6f: {  	[tilespmem:s5+$0x500] =	vst v57;
	v8 =	vnsel vm1, $0x1, v8  }
0x70: {  	s0 =	simm.s32 $0x7;
	[tilespmem:s5+$0x280] =	vst v8;
	s11 =	spop (v2sf)  }
0x71: {  	_ =	swait.ge [sflag:s0], $0x1000  }
0x72: {  	[sflag:s0] =	ssyncset.done $0x0  }
0x73: {  	[sflag:s0] =	ssyncadd.s32 $0xFFFFF000;
	s0 =	simm.s32 @!p0 $0x7  }
0x74: {  	_ =	swait.ge @!p0 [sflag:s0], $0x100  }
0x75: {  	[sflag:s0] =	ssyncset.done @!p0 $0x0  }
0x76: {  	[sflag:s0] =	ssyncadd.s32 @!p0 $0xFFFFFF00  }
0x77: {  	s12 =	simm.s32 $0x8F80;
	[bflag:$0x0] =	sbarrier.arrive $0xFFFF  }
0x78: {  	s9 =	simm.s32 $0x2000;
	s11 =	simm.s32 $0x400;
	s3 =	rddreg [dreg:$0x1c]  }
0x79: {  	[tilespmem:s12], [sflag:$0x8] =	stream.strided.gather [hbm4b:s3+s9], $0x0, s11, s9, $0x38;
	[tilespmem:$0x1D480] =	vst v63  }
0x7a: {  	s14 =	simm.s32 $0x0  }
0x7b: {  	[tilespmem:s12], [sflag:$0x8] =	stream.linear.gather [hbm4b:s3+s14], $0x80, $0x38;
	[tilespmem:$0x1D480] =	vst v63  }
0x7c: {  	s16 =	simm.s32 $0x9380;
	s15 =	sadd.s32 $0x80, s3  }
0x7d: {  	[tilespmem:s16], [sflag:$0x8] =	stream.linear.gather [hbm4b:s15+s14], $0x80, $0x38;
	[tilespmem:$0x1D480] =	vst v63  }
0x7e: {  	s18 =	simm.s32 $0x9780;
	s17 =	sadd.s32 $0x100, s3  }
0x7f: {  	[tilespmem:s18], [sflag:$0x8] =	stream.linear.gather [hbm4b:s17+s14], $0x80, $0x38;
	[tilespmem:$0x1D480] =	vst v63  }
0x80: {  	s20 =	simm.s32 $0x9B80;
	s19 =	sadd.s32 $0x180, s3  }
0x81: {  	[tilespmem:s20], [sflag:$0x8] =	stream.linear.gather [hbm4b:s19+s14], $0x80, $0x38;
	[tilespmem:$0x1D480] =	vst v63  }
0x82: {  	s22 =	simm.s32 $0x9F80;
	s21 =	sadd.s32 $0x200, s3  }
0x83: {  	[tilespmem:s22], [sflag:$0x8] =	stream.linear.gather [hbm4b:s21+s14], $0x80, $0x38;
	[tilespmem:$0x1D480] =	vst v63  }
0x84: {  	s24 =	simm.s32 $0xA380;
	s23 =	sadd.s32 $0x280, s3  }
0x85: {  	[tilespmem:s24], [sflag:$0x8] =	stream.linear.gather [hbm4b:s23+s14], $0x80, $0x38;
	[tilespmem:$0x1D480] =	vst v63  }
0x86: {  	s26 =	simm.s32 $0xA780;
	s25 =	sadd.s32 $0x300, s3  }
0x87: {  	[tilespmem:s26], [sflag:$0x8] =	stream.linear.gather [hbm4b:s25+s14], $0x80, $0x38;
	[tilespmem:$0x1D480] =	vst v63  }
0x88: {  	s28 =	sadd.s32 $0x380, s3;
	s12 =	simm.s32 $0xAB80  }
0x89: {  	[tilespmem:s12], [sflag:$0x8] =	stream.linear.gather [hbm4b:s28+s14], $0x80, $0x38;
	[tilespmem:$0x1D480] =	vst v63  }
0x8a: {  	_ =	swait.ge [sflag:s10], $0x400  }
0x8b: {  	[sflag:s10] =	ssyncset.done $0x0  }
0x8c: {  	s29 =	simm.s32 $0xEF80;
	[sflag:s10] =	ssyncadd.s32 $0xFFFFFC00  }
0x8d: {  	[tilespmem:s29], [sflag:$0x8] =	stream.strided.gather [hbm4b:s3+s9], $0x0, s11, s9, $0x38;
	[tilespmem:$0x1D480] =	vst v63  }
0x8e: {  	_ = 	snop  }
0x8f: {  	[tilespmem:s29], [sflag:$0x8] =	stream.linear.gather [hbm4b:s3+s14], $0x80, $0x38;
	[tilespmem:$0x1D480] =	vst v63  }
0x90: {  	s30 =	simm.s32 $0xF380  }
0x91: {  	[tilespmem:s30], [sflag:$0x8] =	stream.linear.gather [hbm4b:s15+s14], $0x80, $0x38;
	[tilespmem:$0x1D480] =	vst v63  }
0x92: {  	s31 =	simm.s32 $0xF780  }
0x93: {  	[tilespmem:s31], [sflag:$0x8] =	stream.linear.gather [hbm4b:s17+s14], $0x80, $0x38;
	[tilespmem:$0x1D480] =	vst v63  }
0x94: {  	s1 =	simm.s32 $0xFB80  }
0x95: {  	[tilespmem:s1], [sflag:$0x8] =	stream.linear.gather [hbm4b:s19+s14], $0x80, $0x38;
	[tilespmem:$0x1D480] =	vst v63  }
0x96: {  	s2 =	simm.s32 $0xFF80  }
0x97: {  	[tilespmem:s2], [sflag:$0x8] =	stream.linear.gather [hbm4b:s21+s14], $0x80, $0x38;
	[tilespmem:$0x1D480] =	vst v63  }
0x98: {  	s3 =	simm.s32 $0x10380  }
0x99: {  	[tilespmem:s3], [sflag:$0x8] =	stream.linear.gather [hbm4b:s23+s14], $0x80, $0x38;
	[tilespmem:$0x1D480] =	vst v63  }
0x9a: {  	s4 =	simm.s32 $0x10780  }
0x9b: {  	[tilespmem:s4], [sflag:$0x8] =	stream.linear.gather [hbm4b:s25+s14], $0x80, $0x38;
	[tilespmem:$0x1D480] =	vst v63  }
0x9c: {  	s5 =	simm.s32 $0x10B80  }
0x9d: {  	[tilespmem:s5], [sflag:$0x8] =	stream.linear.gather [hbm4b:s28+s14], $0x80, $0x38;
	[tilespmem:$0x1D480] =	vst v63  }
0x9e: {  	_ =	swait.ge [sflag:s10], $0x400  }
0x9f: {  	[sflag:s10] =	ssyncset.done $0x0  }
0xa0: {  	[sflag:s10] =	ssyncadd.s32 $0xFFFFFC00  }
0xa1: {  	v8 =	vld.msk [tilespmem:s13+$0x0], $0xff;
	_ =	sdelay $0x4  }
0xa2: {  	v58 =	vshll.u32 v8, $0x3  }
0xa3: {  	v8 =	vand.u32 $0x7, v8;
	v9 =	vand.u32 $0xFFFFFFC0, v58  }
0xa4: {  	v8 =	vor.u32 v8, v9  }
0xa5: {  	v8 =	vperm.xlane v8, v1;
	_ =	sdelay $0x1  }
0xa6: {  	v8 =	vadd.s32 v2, v8;
	_ =	sdelay $0x2  }
0xa7: {  	s12 =	rddreg [dreg:$0x1e]  }
0xa8: {  	s9 =	simm.s32 $0xF80;
	s6 =	rddreg [dreg:$0x1]  }
0xa9: {  	[tilespmem:s9], [sflag:$0x1] =	stream.indirect_vreg.gather [hbm4b:s6+s14], $0x80, v8, vm0, $0xb8;
	[tilespmem:$0x1D480] =	vst v63  }
0xaa: {  	s11 =	simm.s32 $0x1780;
	s10 =	rddreg [dreg:$0x1d]  }
0xab: {  	[tilespmem:s11], [sflag:$0x1] =	stream.indirect_vreg.gather [hbm4b:s10+s14], $0x80, v8, vm0, $0xb8;
	[tilespmem:$0x1D480] =	vst v63  }
0xac: {  	s15 =	simm.s32 $0x1F80;
	s18 =	sld [smem:$0x7F7]  }
0xad: {  	[tilespmem:s15], [sflag:$0x1] =	stream.indirect_vreg.gather [hbm4b:s12+s14], $0x80, v8, vm0, $0xb8;
	[tilespmem:$0x1D480] =	vst v63  }
0xae: {  	s17 =	simm.s32 $0x2780;
	s16 =	rddreg [dreg:$0x1f]  }
0xaf: {  	[tilespmem:s17], [sflag:$0x1] =	stream.indirect_vreg.gather [hbm4b:s16+s14], $0x80, v8, vm0, $0xb8;
	[tilespmem:$0x1D480] =	vst v63  }
0xb0: {  	v8 =	vld [tilespmem:s18+$0x4FF];
	_ =	sdelay $0x4  }
0xb1: {  	(v2sf) =	vpush v8, $0x0;
	_ =	sdelay $0xe  }
0xb2: {  	s19 =	spop (v2sf)  }
0xb3: {  	s0 =	sadd.s32 $0x1, s19  }
0xb4: {  	s0 =	simm.s32 @p1 $0x1  }
0xb5: {  	s20 =	sshra.s32 s0, $0x1F  }
0xb6: {  	s1 =	sshrl.u32 s20, $0x1D  }
0xb7: {  	s0 =	sadd.s32 s1, s0  }
0xb8: {  	s1 =	sshll.u32 s0, $0xA  }
0xb9: {  	s21 =	rddreg [dreg:$0x6];
	s1 =	sand.u32 $0x7FFFE000, s1  }
0xba: {  	s22 =	simm.s32 $0x4F80;
	s1 =	sadd.s32 s1, s21  }
0xbb: {  	[tilespmem:s22], [sflag:$0x3] =	stream.linear.gather [spmem:s1], $0x4000, $0x38;
	[tilespmem:$0x1D480] =	vst v63  }
0xbc: {  	v8 =	vld [tilespmem:s13+$0x280]  }
0xbd: {  	v59 =	vld [tilespmem:s13+$0x0];
	_ =	sdelay $0x2  }
0xbe: {  	s0 =	sand.u32 $0xFFFFFFF8, s0  }
0xbf: {  	v60 =	vmov s0  }
0xc0: {  	s23 =	sld [smem:$0x7F8];
	v8 =	vsub.s32 v8, v60;
	vm1 =	veq.s32 v59, $0x1  }
0xc1: {  	v8 =	vsel vm1, $0x10, v8  }
0xc2: {  	[tilespmem:$0x14F80] =	vst v8  }
0xc3: {  	v8 =	vld.msk [tilespmem:s23+$0x0], $0xff;
	_ =	sdelay $0x4  }
0xc4: {  	v61 =	vshll.u32 v8, $0x3  }
0xc5: {  	v8 =	vand.u32 $0x7, v8;
	v9 =	vand.u32 $0xFFFFFFC0, v61  }
0xc6: {  	v8 =	vor.u32 v8, v9  }
0xc7: {  	v8 =	vperm.xlane v8, v1;
	_ =	sdelay $0x1  }
0xc8: {  	v8 =	vadd.s32 v2, v8;
	_ =	sdelay $0x3  }
0xc9: {  	s24 =	simm.s32 $0x2F80  }
0xca: {  	[tilespmem:s24], [sflag:$0x2] =	stream.indirect_vreg.gather [hbm4b:s6+s14], $0x80, v8, vm0, $0xb8;
	[tilespmem:$0x1D480] =	vst v63  }
0xcb: {  	s25 =	simm.s32 $0x3780  }
0xcc: {  	[tilespmem:s25], [sflag:$0x2] =	stream.indirect_vreg.gather [hbm4b:s10+s14], $0x80, v8, vm0, $0xb8;
	[tilespmem:$0x1D480] =	vst v63  }
0xcd: {  	s26 =	simm.s32 $0x3F80  }
0xce: {  	[tilespmem:s26], [sflag:$0x2] =	stream.indirect_vreg.gather [hbm4b:s12+s14], $0x80, v8, vm0, $0xb8;
	[tilespmem:$0x1D480] =	vst v63  }
0xcf: {  	s28 =	simm.s32 $0x4780  }
0xd0: {  	[tilespmem:s28], [sflag:$0x2] =	stream.indirect_vreg.gather [hbm4b:s16+s14], $0x80, v8, vm0, $0xb8;
	[tilespmem:$0x1D480] =	vst v63  }
0xd1: {  	v8 =	vld [tilespmem:s13+$0x507];
	_ =	sdelay $0x4  }
0xd2: {  	(v2sf) =	vpush v8, $0x0;
	_ =	sdelay $0xe  }
0xd3: {  	s29 =	spop (v2sf)  }
0xd4: {  	s0 =	sadd.s32 $0x1, s29  }
0xd5: {  	s30 =	sshra.s32 s0, $0x1F  }
0xd6: {  	s1 =	sshrl.u32 s30, $0x1D  }
0xd7: {  	s0 =	sadd.s32 s1, s0  }
0xd8: {  	s1 =	sshll.u32 s0, $0xA  }
0xd9: {  	s1 =	sand.u32 $0x7FFFE000, s1  }
0xda: {  	s31 =	simm.s32 $0xAF80;
	s1 =	sadd.s32 s1, s21  }
0xdb: {  	[tilespmem:s31], [sflag:$0x4] =	stream.linear.gather [spmem:s1], $0x4000, $0x38;
	[tilespmem:$0x1D480] =	vst v63  }
0xdc: {  	v8 =	vld [tilespmem:s23+$0x280]  }
0xdd: {  	v62 =	vld [tilespmem:s23+$0x0];
	_ =	sdelay $0x2  }
0xde: {  	s0 =	sand.u32 $0xFFFFFFF8, s0  }
0xdf: {  	v63 =	vmov s0  }
0xe0: {  	v8 =	vsub.s32 v8, v63;
	vm1 =	veq.s32 v62, $0x1  }
0xe1: {  	v8 =	vsel vm1, $0x10, v8  }
0xe2: {  	s19 =	simm.s32 $0x0;
	[tilespmem:$0x15000] =	vst v8  }
.LBB2_4:
0xe3: {  	p2 =	seq.s32 s19, $0x0  }
0xe4: {  	s0 =	simm.s32 @!p2 $0x5  }
0xe5: {  	_ =	swait.ge @!p2 [sflag:s0], $0x2000  }
0xe6: {  	[sflag:s0] =	ssyncset.done @!p2 $0x0  }
0xe7: {  	s25 =	simm.s32 $0x1;
	[sflag:s0] =	ssyncadd.s32 @!p2 $0xFFFFE000  }
0xe8: {  	_ =	swait.ge [sflag:s25], $0x2000  }
0xe9: {  	[sflag:s25] =	ssyncset.done $0x0  }
0xea: {  	s26 =	simm.s32 $0x3;
	[sflag:s25] =	ssyncadd.s32 $0xFFFFE000  }
0xeb: {  	_ =	swait.ge [sflag:s26], $0x4000  }
0xec: {  	[sflag:s26] =	ssyncset.done $0x0  }
0xed: {  	[sflag:s26] =	ssyncadd.s32 $0xFFFFC000  }
0xee: {  	v8 =	vld [tilespmem:$0x14F80];
	_ =	sdelay $0x4  }
0xef: {  	(v2sf) =	vpush v8, $0x0  }
0xf0: {  	(v2sf) =	vpush v8, $0x1  }
0xf1: {  	(v2sf) =	vpush v8, $0x2  }
0xf2: {  	(v2sf) =	vpush v8, $0x3;
	_ =	sdelay $0x1  }
0xf3: {  	(v2sf) =	vpush v8, $0x4;
	_ =	sdelay $0x2  }
0xf4: {  	(v2sf) =	vpush v8, $0x5;
	_ =	sdelay $0x2  }
0xf5: {  	(v2sf) =	vpush v8, $0x6;
	_ =	sdelay $0x3  }
0xf6: {  	s29 =	spop (v2sf)  }
0xf7: {  	s1 =	spop (v2sf);
	s4 =	sshll.u32 s29, $0xA;
	s0 =	sshll.u32 s29, $0x7  }
0xf8: {  	s2 =	spop (v2sf);
	s4 =	sand.u32 $0xFFFFE000, s4;
	s0 =	sand.u32 $0x380, s0  }
0xf9: {  	(v2sf) =	vpush v8, $0x7;
	s3 =	sshll.u32 s1, $0xA;
	s1 =	sshll.u32 s1, $0x7;
	s5 =	spop (v2sf)  }
0xfa: {  	s0 =	sor.u32 s0, s4;
	s8 =	sand.u32 $0xFFFFE000, s3;
	s1 =	sand.u32 $0x380, s1  }
0xfb: {  	s9 =	sshll.u32 s2, $0xA;
	s2 =	sshll.u32 s2, $0x7;
	s6 =	spop (v2sf)  }
0xfc: {  	s0 =	sadd.s32 $0x4F80, s0;
	s2 =	sand.u32 $0x380, s2;
	s12 =	sshll.u32 s5, $0xA  }
0xfd: {  	s14 =	sshll.u32 s5, $0x7;
	[dreg:$0x8] =	wrdreg s0;
	s0 =	sor.u32 s1, s8  }
0xfe: {  	s1 =	sand.u32 $0xFFFFE000, s9;
	s10 =	spop (v2sf);
	s15 =	sand.u32 $0xFFFFE000, s12  }
0xff: {  	s16 =	sand.u32 $0x380, s14;
	s17 =	sshll.u32 s6, $0xA;
	s18 =	sshll.u32 s6, $0x7  }
0x100: {  	s0 =	sadd.s32 $0x4F80, s0;
	s11 =	sor.u32 s2, s1;
	s1 =	sand.u32 $0xFFFFE000, s17  }
0x101: {  	s2 =	sand.u32 $0x380, s18;
	s20 =	spop (v2sf);
	s9 =	rddreg [dreg:$0x8]  }
0x102: {  	s22 =	sshll.u32 s10, $0xA;
	s23 =	sshll.u32 s10, $0x7;
	[dreg:$0x9] =	wrdreg s0  }
0x103: {  	s0 =	sadd.s32 $0x4F80, s11;
	s21 =	sor.u32 s2, s1;
	s24 =	sand.u32 $0xFFFFE000, s22  }
0x104: {  	s25 =	sand.u32 $0x380, s23;
	[dreg:$0xa] =	wrdreg s0;
	s0 =	sor.u32 s16, s15  }
0x105: {  	s26 =	sshll.u32 s20, $0xA;
	s29 =	sshll.u32 s20, $0x7;
	s0 =	sadd.s32 $0x4F80, s0  }
0x106: {  	s1 =	sand.u32 $0xFFFFE000, s26;
	[dreg:$0xb] =	wrdreg s0;
	s0 =	sadd.s32 $0x4F80, s21  }
0x107: {  	s2 =	sand.u32 $0x380, s29;
	[dreg:$0xc] =	wrdreg s0;
	s0 =	sor.u32 s25, s24  }
0x108: {  	s5 =	sor.u32 s2, s1;
	s0 =	sadd.s32 $0x4F80, s0;
	s3 =	spop (v2sf)  }
0x109: {  	[dreg:$0xd] =	wrdreg s0;
	s6 =	sshll.u32 s3, $0xA;
	s8 =	sshll.u32 s3, $0x7  }
0x10a: {  	s0 =	sadd.s32 $0x4F80, s5;
	s1 =	sand.u32 $0xFFFFE000, s6;
	s2 =	sand.u32 $0x380, s8  }
0x10b: {  	[dreg:$0xe] =	wrdreg s0;
	s3 =	simm.s32 $0x0;
	s10 =	sor.u32 s2, s1  }
0x10c: {  	s1 =	sand.u32 $0x1C00, s3;
	s2 =	sand.u32 $0x70, s3;
	s0 =	sadd.s32 $0x4F80, s10  }
0x10d: {  	s11 =	sadd.s32 s1, s9;
	s14 =	sor.u32 s2, s1;
	[dreg:$0xf] =	wrdreg s0  }
0x10e: {  	s0 =	sadd.s32 s2, s11;
	v8 =	vld [tilespmem:s14+$0xF80]  }
0x10f: {  	v9 =	vld [tilespmem:s0+$0x0];
	_ =	sdelay $0x4  }
0x110: {  	s12 =	rddreg [dreg:$0x9];
	v10 =	vadd.f32 v9, v8  }
0x111: {  	s0 =	sadd.s32 s1, s12  }
0x112: {  	s0 =	sadd.s32 s2, s0;
	v8 =	vld [tilespmem:s14+$0x1000];
	[tilespmem:s14+$0x10F80] =	vst v10  }
0x113: {  	v9 =	vld [tilespmem:s0+$0x0];
	_ =	sdelay $0x2  }
0x114: {  	s11 =	simm.s32 $0x10;
	s12 =	simm.s32 $0x80  }
0x115: {  	s15 =	rddreg [dreg:$0x8];
	s4 =	sand.u32 $0x1C00, s12;
	s0 =	sand.u32 $0x70, s11  }
0x116: {  	v12 =	vld [tilespmem:s14+$0x1080];
	s5 =	sadd.s32 s4, s15;
	s16 =	rddreg [dreg:$0xa];
	s30 =	sor.u32 s0, s4;
	v13 =	vadd.f32 v9, v8  }
0x117: {  	s5 =	sadd.s32 s0, s5;
	s6 =	sadd.s32 s1, s16;
	v8 =	vld [tilespmem:s30+$0xF80]  }
0x118: {  	s17 =	sadd.s32 s2, s6;
	v9 =	vld [tilespmem:s5+$0x0];
	[tilespmem:s14+$0x11000] =	vst v13  }
0x119: {  	v14 =	vld [tilespmem:s17+$0x0];
	_ =	sdelay $0x3  }
0x11a: {  	s18 =	rddreg [dreg:$0x9];
	v16 =	vadd.f32 v9, v8  }
0x11b: {  	v15 =	vld [tilespmem:s30+$0x1000];
	s5 =	sadd.s32 s4, s18;
	s20 =	rddreg [dreg:$0xb];
	v14 =	vadd.f32 v14, v12  }
0x11c: {  	s5 =	sadd.s32 s0, s5;
	s6 =	sadd.s32 s1, s20;
	v8 =	vld [tilespmem:s14+$0x1100];
	[tilespmem:s30+$0x10F80] =	vst v16  }
0x11d: {  	s21 =	sadd.s32 s2, s6;
	v9 =	vld [tilespmem:s5+$0x0];
	[tilespmem:s14+$0x11080] =	vst v14  }
0x11e: {  	v12 =	vld [tilespmem:s21+$0x0]  }
0x11f: {  	v17 =	vld [tilespmem:s14+$0x1180]  }
0x120: {  	v23 =	vld [tilespmem:s14+$0x1200];
	s18 =	simm.s32 $0x100;
	s6 =	simm.s32 $0x20  }
0x121: {  	s22 =	rddreg [dreg:$0x8];
	v28 =	vld [tilespmem:s14+$0x1280];
	s28 =	sand.u32 $0x1C00, s18;
	s26 =	sand.u32 $0x70, s6  }
0x122: {  	v18 =	vld [tilespmem:s30+$0x1080];
	s10 =	sadd.s32 s28, s22;
	s8 =	rddreg [dreg:$0xa];
	s5 =	sor.u32 s26, s28;
	v15 =	vadd.f32 v9, v15  }
0x123: {  	s10 =	sadd.s32 s26, s10;
	v19 =	vld [tilespmem:s5+$0xF80];
	s8 =	sadd.s32 s4, s8;
	s9 =	rddreg [dreg:$0xc];
	v8 =	vadd.f32 v12, v8  }
0x124: {  	s8 =	sadd.s32 s0, s8;
	s9 =	sadd.s32 s1, s9;
	[tilespmem:s30+$0x11000] =	vst v15;
	v12 =	vld [tilespmem:s10+$0x0]  }
0x125: {  	s23 =	sadd.s32 s2, s9;
	v20 =	vld [tilespmem:s8+$0x0];
	[tilespmem:s14+$0x11100] =	vst v8  }
0x126: {  	v21 =	vld [tilespmem:s23+$0x0]  }
0x127: {  	v11 =	vld [tilespmem:s30+$0x1280]  }
0x128: {  	v24 =	vld [tilespmem:s30+$0x1180]  }
0x129: {  	s24 =	rddreg [dreg:$0x9];
	v61 =	vld [tilespmem:s30+$0x1200];
	v19 =	vadd.f32 v12, v19  }
0x12a: {  	v22 =	vld [tilespmem:s5+$0x1000];
	s25 =	rddreg [dreg:$0xb];
	s8 =	sadd.s32 s28, s24;
	v18 =	vadd.f32 v20, v18  }
0x12b: {  	s8 =	sadd.s32 s26, s8;
	s9 =	sadd.s32 s4, s25;
	s29 =	rddreg [dreg:$0xd];
	v20 =	vld [tilespmem:s30+$0x1100];
	[tilespmem:s5+$0x10F80] =	vst v19;
	v17 =	vadd.f32 v21, v17  }
0x12c: {  	s9 =	sadd.s32 s0, s9;
	s15 =	sadd.s32 s1, s29;
	[tilespmem:s30+$0x11080] =	vst v18;
	v21 =	vld [tilespmem:s8+$0x0]  }
0x12d: {  	v25 =	vld [tilespmem:s9+$0x0];
	s9 =	sadd.s32 s2, s15;
	[tilespmem:s14+$0x11180] =	vst v17  }
0x12e: {  	s31 =	simm.s32 $0x180;
	v26 =	vmul.f32 v10, v10;
	v12 =	vimm.f32 $0.0e+00;
	s8 =	simm.s32 $0x30;
	v27 =	vld [tilespmem:s9+$0x0]  }
0x12f: {  	v30 =	vld [tilespmem:s5+$0x1080];
	s21 =	rddreg [dreg:$0x8];
	s23 =	sand.u32 $0x1C00, s31;
	v10 =	vadd.f32 v10, v12;
	s20 =	sand.u32 $0x70, s8  }
0x130: {  	v37 =	vld [tilespmem:s5+$0x1100];
	s21 =	sadd.s32 s23, s21;
	v26 =	vadd.f32 v26, v12;
	v31 =	vadd.f32 v13, v12;
	s10 =	sor.u32 s20, s23  }
0x131: {  	v29 =	vmul.f32 v13, v13;
	v34 =	vadd.f32 v8, v12;
	s16 =	rddreg [dreg:$0xa];
	s21 =	sadd.s32 s20, s21;
	v32 =	vld [tilespmem:s10+$0xF80];
	v21 =	vadd.f32 v21, v22  }
0x132: {  	s22 =	rddreg [dreg:$0xc];
	v10 =	vadd.f32 v16, v10;
	s9 =	sadd.s32 s28, s16;
	v25 =	vadd.f32 v25, v20;
	v20 =	vld [tilespmem:s21+$0x0]  }
0x133: {  	v9 =	vld [tilespmem:s5+$0x1280];
	s17 =	sadd.s32 s4, s22;
	s24 =	rddreg [dreg:$0xe];
	s9 =	sadd.s32 s26, s9;
	v22 =	vadd.f32 v29, v12;
	v29 =	vmul.f32 v16, v16;
	[tilespmem:s5+$0x11000] =	vst v21;
	v13 =	vadd.f32 v27, v23  }
0x134: {  	v36 =	vadd.f32 v17, v12;
	v17 =	vmul.f32 v17, v17;
	s24 =	sadd.s32 s1, s24;
	v16 =	vmul.f32 v14, v14;
	s21 =	sadd.s32 s0, s17;
	[tilespmem:s30+$0x11100] =	vst v25;
	v27 =	vld [tilespmem:s9+$0x0]  }
0x135: {  	s22 =	rddreg [dreg:$0xf];
	s25 =	sadd.s32 s2, s24;
	v23 =	vadd.f32 v29, v26;
	v26 =	vmul.f32 v15, v15;
	v15 =	vadd.f32 v15, v31;
	v31 =	vld [tilespmem:s21+$0x0];
	[tilespmem:s14+$0x11200] =	vst v13  }
0x136: {  	v17 =	vadd.f32 v17, v12;
	v14 =	vadd.f32 v14, v12;
	v35 =	vld [tilespmem:s25+$0x0]  }
0x137: {  	s29 =	rddreg [dreg:$0x9];
	v8 =	vmul.f32 v8, v8;
	v33 =	vld [tilespmem:s10+$0x1000];
	v16 =	vadd.f32 v16, v12;
	v20 =	vadd.f32 v20, v32  }
0x138: {  	v14 =	vadd.f32 v18, v14;
	v18 =	vmul.f32 v18, v18;
	v29 =	vld [tilespmem:s5+$0x1180];
	s21 =	sadd.s32 s23, s29;
	v26 =	vadd.f32 v26, v22  }
0x139: {  	s3 =	sor.u32 s3, s3;
	s15 =	rddreg [dreg:$0xb];
	s21 =	sadd.s32 s20, s21;
	v22 =	vmul.f32 v19, v19;
	v19 =	vadd.f32 v19, v10;
	v10 =	vld [tilespmem:s10+$0x1280];
	[tilespmem:s10+$0x10F80] =	vst v20;
	v27 =	vadd.f32 v27, v30  }
0x13a: {  	s22 =	sadd.s32 s1, s22;
	s16 =	rddreg [dreg:$0xd];
	s9 =	sadd.s32 s28, s15;
	v62 =	vadd.f32 v21, v15;
	v41 =	vmul.f32 v13, v13;
	v24 =	vadd.f32 v31, v24;
	v38 =	vld [tilespmem:s21+$0x0]  }
0x13b: {  	s1 =	simm.s32 $0x200;
	s17 =	sadd.s32 s4, s16;
	s9 =	sadd.s32 s26, s9;
	v32 =	vimm.f32 $0.0e+00;
	v23 =	vadd.f32 v22, v23;
	v30 =	vld [tilespmem:s10+$0x1080];
	[tilespmem:s5+$0x11080] =	vst v27;
	v28 =	vadd.f32 v35, v28  }
0x13c: {  	s2 =	sadd.s32 s2, s22;
	s24 =	sor.u32 $0x380, s3;
	v15 =	vmul.f32 v20, v20;
	v31 =	vadd.f32 v18, v16;
	v16 =	vmul.f32 v21, v21;
	s21 =	sadd.s32 s0, s17;
	[tilespmem:s30+$0x11180] =	vst v24;
	v63 =	vld [tilespmem:s9+$0x0]  }
0x13d: {  	s15 =	rddreg [dreg:$0x8];
	s16 =	simm.s32 $0x40;
	s25 =	sand.u32 $0x1C00, s1;
	v22 =	vadd.f32 v25, v34;
	v20 =	vadd.f32 v20, v19;
	v34 =	vimm.f32 $0.0e+00;
	v40 =	vld [tilespmem:s21+$0x0];
	[tilespmem:s14+$0x11280] =	vst v28  }
0x13e: {  	s22 =	rddreg [dreg:$0xa];
	v15 =	vadd.f32 v15, v23;
	v26 =	vadd.f32 v16, v26;
	v16 =	vmul.f32 v24, v24;
	s9 =	sadd.s32 s25, s15;
	s14 =	sand.u32 $0x70, s16;
	v42 =	vld [tilespmem:s2+$0x0]  }
0x13f: {  	s3 =	sadd.s32 s23, s22;
	v21 =	vadd.f32 v24, v36;
	v18 =	vadd.f32 v27, v14;
	v19 =	vmul.f32 v27, v27;
	v43 =	vld [tilespmem:s24+$0xF80];
	s15 =	sadd.s32 s14, s9  }
0x140: {  	s22 =	sor.u32 s12, s11;
	s11 =	sshll.u32 s19, $0x4;
	v14 =	vadd.f32 v16, v17;
	v23 =	vmul.f32 v28, v28;
	v27 =	vadd.f32 v38, v33;
	s2 =	sor.u32 s14, s25;
	v39 =	vld [tilespmem:s15+$0x0]  }
0x141: {  	s12 =	sor.u32 s1, s16;
	s3 =	sadd.s32 s20, s3;
	s17 =	rddreg [dreg:$0xc];
	v35 =	vimm.f32 $0.0e+00;
	v16 =	vadd.f32 v28, v12;
	v28 =	vld [tilespmem:s2+$0xF80];
	v36 =	vadd.f32 v63, v37  }
0x142: {  	s29 =	rddreg [dreg:$0xe];
	s21 =	sor.u32 s18, s6;
	v17 =	vadd.f32 v19, v31;
	v19 =	vmul.f32 v25, v25;
	v24 =	vadd.f32 v23, v12;
	[tilespmem:s10+$0x11000] =	vst v27;
	s15 =	sadd.s32 s28, s17;
	v33 =	vld [tilespmem:s2+$0x1000]  }
0x143: {  	s18 =	sor.u32 s31, s8;
	s29 =	sadd.s32 s4, s29;
	v25 =	vadd.f32 v27, v62;
	v37 =	vmul.f32 v27, v27;
	v38 =	vld [tilespmem:s3+$0x0];
	v23 =	vadd.f32 v40, v61;
	s17 =	sadd.s32 s26, s15;
	[tilespmem:s5+$0x11100] =	vst v36  }
0x144: {  	s6 =	simm.s32 $0x50;
	s31 =	rddreg [dreg:$0xf];
	s9 =	sadd.s32 s0, s29;
	v27 =	vadd.f32 v8, v12;
	v31 =	vmul.f32 v36, v36;
	v8 =	vadd.f32 v42, v43;
	v40 =	vld [tilespmem:s17+$0x0]  }
.LBB2_5:
0x145: {  	s3 =	rddreg [dreg:$0x8];
	p2 =	sne.s32 s6, $0x3F0  }
0x146: {  	v42 =	vld [tilespmem:s2+$0x1280];
	s15 =	smov.u32 s6;
	s6 =	sadd.s32 $0x10, s6;
	s8 =	smov.u32 s18;
	[tilespmem:s30+$0x11200] =	vst v23  }
0x147: {  	s18 =	smov.u32 s12;
	s12 =	rddreg [dreg:$0x9];
	s1 =	sadd.s32 $0x80, s1;
	v43 =	vmov v31;
	v31 =	vld [tilespmem:s9+$0x0];
	[tilespmem:s24+$0x10F80] =	vst v8  }
0x148: {  	s4 =	sadd.s32 s4, s31;
	s29 =	rddreg [dreg:$0xd];
	s16 =	sand.u32 $0x1C00, s1;
	v44 =	vld [tilespmem:s5+$0x1200]  }
0x149: {  	v34 =	vadd.f32 v8, v34;
	s17 =	sand.u32 $0x70, s15;
	s12 =	sadd.s32 s25, s12;
	s0 =	sadd.s32 s0, s4;
	v8 =	vmul.f32 v8, v8;
	v28 =	vadd.f32 v39, v28;
	v56 =	vld [tilespmem:s10+$0x1180]  }
0x14a: {  	s29 =	sadd.s32 s28, s29;
	s24 =	rddreg [dreg:$0xb];
	s3 =	sadd.s32 s16, s3;
	v57 =	vadd.f32 v38, v30;
	v58 =	vld [tilespmem:s10+$0x1100]  }
0x14b: {  	s9 =	sadd.s32 s17, s3;
	s3 =	sadd.s32 s14, s12;
	v30 =	vld [tilespmem:s2+$0x1080];
	s24 =	sadd.s32 s23, s24;
	v32 =	vadd.f32 v8, v32;
	v8 =	vmul.f32 v28, v28;
	v29 =	vadd.f32 v40, v29;
	[tilespmem:s2+$0x10F80] =	vst v28  }
0x14c: {  	v12 =	vadd.f32 v13, v12;
	s4 =	smov.u32 s28;
	s28 =	smov.u32 s23;
	s24 =	sadd.s32 s20, s24;
	v59 =	vld [tilespmem:s3+$0x0];
	[tilespmem:s10+$0x11080] =	vst v57;
	v60 =	vadd.f32 v31, v11  }
0x14d: {  	v22 =	vadd.f32 v36, v22;
	s31 =	sor.u32 s17, s16;
	s12 =	sor.u32 s1, s15;
	s15 =	sadd.s32 s26, s29;
	v15 =	vadd.f32 v8, v15;
	v8 =	vmul.f32 v57, v57;
	v31 =	vld [tilespmem:s24+$0x0];
	[tilespmem:s5+$0x11180] =	vst v29  }
0x14e: {  	v35 =	vadd.f32 v41, v35;
	v26 =	vadd.f32 v37, v26;
	s23 =	smov.u32 s25;
	s25 =	smov.u32 s16;
	s29 =	rddreg [dreg:$0xe];
	v61 =	vld [tilespmem:s15+$0x0];
	[tilespmem:s30+$0x11280] =	vst v60  }
0x14f: {  	s16 =	rddreg [dreg:$0xa];
	v20 =	vadd.f32 v28, v20;
	s29 =	sadd.s32 s4, s29;
	v28 =	vmul.f32 v29, v29;
	s24 =	sor.u32 $0x380, s22;
	v17 =	vadd.f32 v8, v17;
	v8 =	vld [tilespmem:s0+$0x0]  }
0x150: {  	v27 =	vadd.f32 v19, v27;
	v18 =	vadd.f32 v57, v18;
	s3 =	sadd.s32 s23, s16;
	s22 =	rddreg [dreg:$0xc];
	s30 =	smov.u32 s5;
	v62 =	vld [tilespmem:s24+$0xF80]  }
.Ltmp3:
0x151: {  	v13 =	vmovc v23;
	v14 =	vadd.f32 v28, v14;
	v28 =	vmul.f32 v60, v60;
	s5 =	smov.u32 s10;
	s10 =	smov.u32 s2;
	v63 =	vadd.f32 v59, v33;
	v33 =	vld [tilespmem:s31+$0x1000];
	(pc) =	sbr.rel @p2 .LBB2_5-.Ltmp3, $4  }
0x152: {  	v41 =	vmul.f32 v23, v13;
	v21 =	vadd.f32 v29, v21;
	s0 =	smov.u32 s26;
	s26 =	smov.u32 s20;
	s20 =	smov.u32 s14;
	v39 =	vld [tilespmem:s9+$0x0];
	v36 =	vadd.f32 v31, v58  }
0x153: {  	v19 =	vmovc v43;
	v11 =	vmovc v9;
	v9 =	vmov v10;
	v10 =	vmov v42;
	s15 =	sadd.s32 s28, s22;
	s22 =	smov.u32 s21;
	v24 =	vadd.f32 v28, v24;
	v28 =	vld [tilespmem:s31+$0xF80];
	s3 =	sadd.s32 s20, s3;
	[tilespmem:s10+$0x11000] =	vst v63  }
0x154: {  	s21 =	smov.u32 s8;
	v16 =	vadd.f32 v60, v16;
	s14 =	smov.u32 s17;
	s17 =	sadd.s32 s26, s15;
	v25 =	vadd.f32 v63, v25;
	v37 =	vmul.f32 v63, v63;
	v38 =	vld [tilespmem:s3+$0x0];
	[tilespmem:s5+$0x11100] =	vst v36  }
0x155: {  	v29 =	vmovc v56;
	s2 =	smov.u32 s31;
	s9 =	sadd.s32 s0, s29;
	s31 =	rddreg [dreg:$0xf];
	v23 =	vadd.f32 v61, v44;
	v31 =	vmul.f32 v36, v36;
	v40 =	vld [tilespmem:s17+$0x0];
	v8 =	vadd.f32 v8, v62  }
0x156: {  	_ =	sdelay $0x1  }
0x157: {  	s1 =	rddreg [dreg:$0x9];
	v39 =	vadd.f32 v39, v28  }
0x158: {  	s1 =	sadd.s32 s25, s1  }
0x159: {  	v57 =	vld [tilespmem:s10+$0x1100];
	s1 =	sadd.s32 s14, s1;
	[tilespmem:s2+$0x10F80] =	vst v39  }
0x15a: {  	s3 =	rddreg [dreg:$0xb];
	[tilespmem:s30+$0x11200] =	vst v23;
	v30 =	vadd.f32 v38, v30;
	v43 =	vld [tilespmem:s1+$0x0]  }
0x15b: {  	s6 =	rddreg [dreg:$0xd];
	s3 =	sadd.s32 s23, s3;
	v42 =	vld [tilespmem:s9+$0x0];
	v29 =	vadd.f32 v40, v29  }
0x15c: {  	v58 =	vld [tilespmem:s5+$0x1200];
	s3 =	sadd.s32 s20, s3;
	[tilespmem:s10+$0x11080] =	vst v30;
	s1 =	sadd.s32 s28, s6  }
0x15d: {  	v12 =	vadd.f32 v13, v12;
	v13 =	vld [tilespmem:s3+$0x0];
	[tilespmem:s5+$0x11180] =	vst v29;
	s1 =	sadd.s32 s26, s1  }
0x15e: {  	v35 =	vadd.f32 v41, v35;
	v22 =	vadd.f32 v36, v22;
	v59 =	vld [tilespmem:s1+$0x0]  }
0x15f: {  	v26 =	vadd.f32 v37, v26;
	s8 =	rddreg [dreg:$0xa];
	v33 =	vadd.f32 v43, v33  }
0x160: {  	v44 =	vld [tilespmem:s10+$0x1180];
	v19 =	vadd.f32 v19, v27;
	s3 =	sadd.s32 s25, s8;
	v11 =	vadd.f32 v42, v11  }
0x161: {  	v61 =	vld [tilespmem:s2+$0x1080];
	v60 =	vmul.f32 v8, v8;
	v34 =	vadd.f32 v8, v34;
	s9 =	sadd.s32 s4, s31;
	v12 =	vadd.f32 v23, v12;
	s3 =	sadd.s32 s14, s3;
	[tilespmem:s2+$0x11000] =	vst v33  }
0x162: {  	v48 =	vmul.f32 v23, v23;
	v19 =	vadd.f32 v31, v19;
	s0 =	sadd.s32 s0, s9;
	s15 =	rddreg [dreg:$0xc];
	[tilespmem:s30+$0x11280] =	vst v11;
	v13 =	vadd.f32 v13, v57;
	v45 =	vld [tilespmem:s3+$0x0]  }
0x163: {  	v21 =	vadd.f32 v29, v21;
	v29 =	vmul.f32 v29, v29;
	s16 =	rddreg [dreg:$0xe];
	s1 =	sadd.s32 s23, s15;
	s30 =	sor.u32 $0x380, s22;
	v63 =	vld [tilespmem:s0+$0x0];
	v40 =	vadd.f32 v59, v58  }
0x164: {  	v32 =	vadd.f32 v60, v32;
	v18 =	vadd.f32 v30, v18;
	v30 =	vmul.f32 v30, v30;
	s1 =	sadd.s32 s20, s1;
	v46 =	vld [tilespmem:s30+$0xF80];
	s0 =	sadd.s32 s28, s16;
	[tilespmem:s10+$0x11100] =	vst v13  }
0x165: {  	v23 =	vadd.f32 v48, v35;
	v62 =	vmul.f32 v39, v39;
	s17 =	rddreg [dreg:$0xf];
	v14 =	vadd.f32 v29, v14;
	s0 =	sadd.s32 s26, s0;
	v29 =	vld [tilespmem:s1+$0x0];
	[tilespmem:s5+$0x11200] =	vst v40  }
0x166: {  	v20 =	vadd.f32 v39, v20;
	v17 =	vadd.f32 v30, v17;
	v47 =	vmul.f32 v11, v11;
	v30 =	vld [tilespmem:s0+$0x0]  }
0x167: {  	v15 =	vadd.f32 v62, v15;
	s22 =	rddreg [dreg:$0xb];
	v37 =	vadd.f32 v45, v61  }
0x168: {  	v16 =	vadd.f32 v11, v16;
	v24 =	vadd.f32 v47, v24;
	s1 =	sadd.s32 s25, s22  }
0x169: {  	v27 =	vld [tilespmem:s2+$0x1100];
	v25 =	vadd.f32 v33, v25;
	v33 =	vmul.f32 v33, v33;
	v22 =	vadd.f32 v13, v22;
	s1 =	sadd.s32 s14, s1;
	[tilespmem:s2+$0x11080] =	vst v37  }
0x16a: {  	v53 =	vmul.f32 v13, v13;
	s29 =	rddreg [dreg:$0xd];
	v11 =	vadd.f32 v63, v46;
	v29 =	vadd.f32 v29, v44;
	v51 =	vld [tilespmem:s1+$0x0]  }
0x16b: {  	v26 =	vadd.f32 v33, v26;
	s0 =	sadd.s32 s23, s29;
	v9 =	vadd.f32 v30, v9;
	v30 =	vperm.xlane v20, v3  }
0x16c: {  	v52 =	vld [tilespmem:s10+$0x1200];
	v12 =	vadd.f32 v40, v12;
	v19 =	vadd.f32 v53, v19;
	s0 =	sadd.s32 s20, s0;
	v50 =	vmul.f32 v11, v11;
	[tilespmem:s10+$0x11180] =	vst v29  }
0x16d: {  	s31 =	sadd.s32 s28, s17;
	v34 =	vadd.f32 v11, v34;
	v13 =	vld [tilespmem:s0+$0x0];
	v20 =	vadd.f32 v30, v20;
	v30 =	vperm.xlane v15, v3  }
0x16e: {  	v32 =	vadd.f32 v50, v32;
	s1 =	sadd.s32 s26, s31;
	v21 =	vadd.f32 v29, v21;
	v29 =	vmul.f32 v29, v29;
	[tilespmem:s5+$0x11280] =	vst v9  }
0x16f: {  	s4 =	sor.u32 $0x380, s21;
	s0 =	rddreg [dreg:$0xc];
	v55 =	vld [tilespmem:s1+$0x0];
	v57 =	vperm.xlane v20, v4;
	v15 =	vadd.f32 v30, v15;
	v27 =	vadd.f32 v51, v27  }
0x170: {  	v54 =	vmul.f32 v37, v37;
	v16 =	vadd.f32 v9, v16;
	v9 =	vmul.f32 v9, v9;
	v56 =	vld [tilespmem:s4+$0xF80];
	s3 =	sadd.s32 s25, s0  }
0x171: {  	v49 =	vld [tilespmem:s2+$0x1180];
	v14 =	vadd.f32 v29, v14;
	s3 =	sadd.s32 s14, s3;
	v20 =	vadd.f32 v57, v20;
	v29 =	vperm.xlane v15, v4;
	[tilespmem:s2+$0x11100] =	vst v27  }
0x172: {  	s5 =	rddreg [dreg:$0xe];
	v9 =	vadd.f32 v9, v24;
	v30 =	vmul.f32 v40, v40;
	v24 =	vadd.f32 v13, v52;
	v58 =	vld [tilespmem:s3+$0x0]  }
0x173: {  	v18 =	vadd.f32 v37, v18;
	s1 =	sadd.s32 s23, s5;
	v31 =	vperm.xlane v20, v5;
	v15 =	vadd.f32 v29, v15  }
0x174: {  	v17 =	vadd.f32 v54, v17;
	s6 =	rddreg [dreg:$0xf];
	s1 =	sadd.s32 s20, s1;
	v23 =	vadd.f32 v30, v23;
	v29 =	vperm.xlane v25, v3;
	[tilespmem:s10+$0x11200] =	vst v24  }
0x175: {  	v13 =	vadd.f32 v55, v56;
	v30 =	vld [tilespmem:s1+$0x0];
	v20 =	vadd.f32 v31, v20;
	v31 =	vperm.xlane v15, v5  }
0x176: {  	v22 =	vadd.f32 v27, v22;
	v25 =	vadd.f32 v29, v25;
	v29 =	vperm.xlane v26, v3  }
0x177: {  	s8 =	rddreg [dreg:$0xd];
	v59 =	vperm.xlane v20, v6;
	v15 =	vadd.f32 v31, v15;
	v33 =	vadd.f32 v58, v49  }
0x178: {  	v27 =	vmul.f32 v27, v27;
	s1 =	sadd.s32 s25, s8;
	v61 =	vperm.xlane v25, v4;
	v26 =	vadd.f32 v29, v26  }
0x179: {  	v60 =	vld [tilespmem:s2+$0x1200];
	v46 =	vmul.f32 v24, v24;
	s1 =	sadd.s32 s14, s1;
	v20 =	vadd.f32 v59, v20;
	v62 =	vperm.xlane v15, v6;
	[tilespmem:s2+$0x11180] =	vst v33  }
0x17a: {  	v25 =	vadd.f32 v61, v25;
	v40 =	vperm.xlane v26, v4;
	v30 =	vadd.f32 v30, v10;
	v63 =	vld [tilespmem:s1+$0x0]  }
0x17b: {  	s9 =	sadd.s32 s23, s6;
	v12 =	vadd.f32 v24, v12;
	v10 =	vmul.f32 $9.765625000e-04, v20;
	v15 =	vadd.f32 v62, v15  }
0x17c: {  	v20 =	vmul.f32 v33, v33;
	v41 =	vperm.xlane v25, v5;
	v26 =	vadd.f32 v40, v26;
	s1 =	sadd.s32 s20, s9;
	[tilespmem:s10+$0x11280] =	vst v30  }
0x17d: {  	v31 =	vadd.f32 v13, v34;
	s10 =	sor.u32 $0x380, s18;
	v42 =	vld [tilespmem:s1+$0x0];
	v15 =	vmul.f32 $9.765625000e-04, v15;
	v43 =	vmul.f32 v10, v10  }
0x17e: {  	v20 =	vadd.f32 v20, v14;
	v14 =	vld [tilespmem:s10+$0xF80];
	v25 =	vadd.f32 v41, v25;
	v44 =	vperm.xlane v26, v5  }
0x17f: {  	s15 =	rddreg [dreg:$0xe];
	v45 =	vmul.f32 v30, v30;
	v15 =	vsub.f32 v15, v43;
	v34 =	vadd.f32 v63, v60  }
0x180: {  	v16 =	vadd.f32 v30, v16;
	s1 =	sadd.s32 s25, s15;
	v30 =	vperm.xlane v25, v6;
	v26 =	vadd.f32 v44, v26  }
0x181: {  	v28 =	vld [tilespmem:s2+$0x1280];
	v19 =	vadd.f32 v27, v19;
	v27 =	vperm.xlane v22, v3;
	s16 =	rddreg [dreg:$0xf];
	s1 =	sadd.s32 s14, s1;
	v35 =	vadd.f32 $9.999999740e-06, v15;
	[tilespmem:s2+$0x11200] =	vst v34  }
0x182: {  	v29 =	vmul.f32 v13, v13;
	v25 =	vadd.f32 v30, v25;
	v30 =	vperm.xlane v26, v6;
	v47 =	vld [tilespmem:s1+$0x0]  }
0x183: {  	v15 =	vadd.f32 v42, v14;
	v14 =	vshra.s32 v35, $0x1;
	v48 =	vmul.f32 $5.000000000e-01, v35  }
0x184: {  	v49 =	vsub.s32 $0x5F3759DF, v14;
	v14 =	vmul.f32 $9.765625000e-04, v25;
	v25 =	vadd.f32 v30, v26  }
0x185: {  	v22 =	vadd.f32 v27, v22;
	v24 =	vmul.f32 v15, v15;
	v26 =	vmul.f32 v49, v48  }
0x186: {  	v29 =	vadd.f32 v29, v32;
	v25 =	vmul.f32 $9.765625000e-04, v25;
	v30 =	vmul.f32 v14, v14  }
0x187: {  	v50 =	vperm.xlane v18, v3;
	v9 =	vadd.f32 v45, v9;
	v28 =	vadd.f32 v47, v28  }
0x188: {  	v24 =	vadd.f32 v24, v29;
	v26 =	vmul.f32 v49, v26;
	v25 =	vsub.f32 v25, v30  }
0x189: {  	v29 =	vadd.f32 v28, v16;
	v16 =	vadd.f32 v50, v18;
	v18 =	vperm.xlane v17, v3  }
0x18a: {  	v26 =	vsub.f32 $1.500000000e+00, v26;
	v25 =	vadd.f32 $9.999999740e-06, v25  }
0x18b: {  	v30 =	vmul.f32 v28, v28;
	v32 =	vperm.xlane v16, v4;
	v17 =	vadd.f32 v18, v17  }
0x18c: {  	v18 =	vmul.f32 v49, v26;
	v26 =	vshra.s32 v25, $0x1;
	v25 =	vmul.f32 $5.000000000e-01, v25  }
0x18d: {  	v27 =	vperm.xlane v19, v3;
	v26 =	vsub.s32 $0x5F3759DF, v26;
	v16 =	vadd.f32 v32, v16  }
0x18e: {  	v30 =	vadd.f32 v30, v9;
	v51 =	vperm.xlane v17, v4;
	v9 =	vmul.f32 v26, v25  }
0x18f: {  	v23 =	vadd.f32 v46, v23;
	v53 =	vmul.f32 v18, v48;
	v54 =	vperm.xlane v16, v5  }
0x190: {  	v19 =	vadd.f32 v27, v19;
	v17 =	vadd.f32 v51, v17;
	v9 =	vmul.f32 v26, v9  }
0x191: {  	s17 =	sadd.s32 s25, s16;
	v52 =	vmul.f32 v34, v34;
	v55 =	vmul.f32 v53, v18;
	v16 =	vadd.f32 v54, v16  }
0x192: {  	v21 =	vadd.f32 v33, v21;
	s1 =	sadd.s32 s14, s17;
	[tilespmem:s2+$0x11280] =	vst v28;
	v56 =	vperm.xlane v17, v5;
	v9 =	vsub.f32 $1.500000000e+00, v9  }
0x193: {  	s18 =	sor.u32 $0x380, s12;
	v23 =	vadd.f32 v52, v23;
	v28 =	vld [tilespmem:s1+$0x0];
	v32 =	vsub.f32 $1.500000000e+00, v55;
	v37 =	vperm.xlane v16, v6  }
0x194: {  	v57 =	vld [tilespmem:s18+$0xF80];
	v17 =	vadd.f32 v56, v17;
	v9 =	vmul.f32 v26, v9;
	v26 =	vperm.xlane v22, v4  }
0x195: {  	v35 =	vperm.xlane v23, v3;
	v27 =	vmul.f32 v32, v18;
	v16 =	vadd.f32 v37, v16  }
0x196: {  	v18 =	vperm.xlane v17, v6;
	v22 =	vadd.f32 v26, v22;
	v26 =	vperm.xlane v19, v4  }
0x197: {  	v31 =	vadd.f32 v15, v31;
	v58 =	vmul.f32 v9, v25;
	v16 =	vmul.f32 $9.765625000e-04, v16  }
0x198: {  	v17 =	vadd.f32 v18, v17;
	v59 =	vperm.xlane v22, v5;
	v19 =	vadd.f32 v26, v19  }
0x199: {  	v32 =	vmul.f32 v58, v9;
	v18 =	vadd.f32 v28, v57;
	v28 =	vadd.f32 v34, v12  }
0x19a: {  	v17 =	vmul.f32 $9.765625000e-04, v17;
	v26 =	vmul.f32 v16, v16;
	v12 =	vadd.f32 v59, v22  }
0x19b: {  	v33 =	vmul.f32 v27, v48;
	v22 =	vperm.xlane v19, v5;
	v32 =	vsub.f32 $1.500000000e+00, v32  }
0x19c: {  	v36 =	vmul.f32 v18, v18;
	v17 =	vsub.f32 v17, v26;
	v26 =	vperm.xlane v12, v6  }
0x19d: {  	v19 =	vadd.f32 v22, v19;
	v22 =	vperm.xlane v21, v3;
	v32 =	vmul.f32 v32, v9  }
0x19e: {  	v24 =	vadd.f32 v36, v24;
	v9 =	vadd.f32 $9.999999740e-06, v17;
	v17 =	vperm.xlane v20, v3  }
0x19f: {  	v12 =	vadd.f32 v26, v12;
	v26 =	vperm.xlane v19, v6;
	v21 =	vadd.f32 v22, v21  }
0x1a0: {  	v22 =	vmul.f32 v32, v25;
	v25 =	vshra.s32 v9, $0x1;
	v20 =	vadd.f32 v17, v20  }
0x1a1: {  	v17 =	vmul.f32 $9.765625000e-04, v12;
	v12 =	vadd.f32 v26, v19;
	v26 =	vperm.xlane v21, v4  }
0x1a2: {  	v19 =	vmul.f32 $5.000000000e-01, v9;
	v25 =	vsub.s32 $0x5F3759DF, v25;
	v9 =	vperm.xlane v20, v4  }
0x1a3: {  	v12 =	vmul.f32 $9.765625000e-04, v12;
	v60 =	vmul.f32 v17, v17;
	v21 =	vadd.f32 v26, v21  }
0x1a4: {  	v33 =	vmul.f32 v33, v27;
	v26 =	vmul.f32 v25, v19;
	v20 =	vadd.f32 v9, v20  }
0x1a5: {  	v45 =	vperm.xlane v24, v3;
	v12 =	vsub.f32 v12, v60;
	v61 =	vperm.xlane v21, v5  }
0x1a6: {  	v9 =	vsub.f32 $1.500000000e+00, v33;
	v26 =	vmul.f32 v25, v26;
	v62 =	vperm.xlane v20, v5  }
0x1a7: {  	v22 =	vmul.f32 v22, v32;
	v12 =	vadd.f32 $9.999999740e-06, v12;
	v21 =	vadd.f32 v61, v21  }
0x1a8: {  	v9 =	vmul.f32 v9, v27;
	v26 =	vsub.f32 $1.500000000e+00, v26;
	v20 =	vadd.f32 v62, v20  }
0x1a9: {  	v27 =	vshra.s32 v12, $0x1;
	v33 =	vmul.f32 $5.000000000e-01, v12;
	v12 =	vperm.xlane v21, v6  }
0x1aa: {  	v22 =	vsub.f32 $1.500000000e+00, v22;
	v25 =	vmul.f32 v25, v26;
	v10 =	vmul.f32 v9, v10  }
0x1ab: {  	v26 =	vsub.s32 $0x5F3759DF, v27;
	v27 =	vperm.xlane v20, v6;
	v21 =	vadd.f32 v12, v21  }
0x1ac: {  	v23 =	vadd.f32 v35, v23;
	v63 =	vmul.f32 v26, v33;
	v12 =	vmul.f32 v22, v32  }
0x1ad: {  	v22 =	vmul.f32 v25, v19;
	v27 =	vadd.f32 v27, v20;
	v20 =	vmul.f32 $9.765625000e-04, v21  }
0x1ae: {  	v37 =	vmul.f32 v26, v63;
	v21 =	vadd.f32 v18, v31;
	v31 =	vperm.xlane v28, v3  }
0x1af: {  	v24 =	vadd.f32 v45, v24;
	v27 =	vmul.f32 $9.765625000e-04, v27;
	v38 =	vmul.f32 v20, v20  }
0x1b0: {  	v22 =	vmul.f32 v22, v25;
	v28 =	vadd.f32 v31, v28;
	v31 =	vperm.xlane v29, v3  }
0x1b1: {  	v14 =	vmul.f32 v12, v14;
	v32 =	vsub.f32 $1.500000000e+00, v37;
	v27 =	vsub.f32 v27, v38  }
0x1b2: {  	v39 =	vperm.xlane v28, v4;
	v29 =	vadd.f32 v31, v29;
	v31 =	vperm.xlane v30, v3  }
0x1b3: {  	v32 =	vmul.f32 v26, v32;
	v26 =	vadd.f32 $9.999999740e-06, v27;
	v27 =	vperm.xlane v23, v4  }
0x1b4: {  	v28 =	vadd.f32 v39, v28;
	v40 =	vperm.xlane v29, v4;
	v30 =	vadd.f32 v31, v30  }
0x1b5: {  	v44 =	vperm.xlane v21, v3;
	v22 =	vsub.f32 $1.500000000e+00, v22;
	v23 =	vadd.f32 v27, v23  }
0x1b6: {  	v27 =	vperm.xlane v28, v5;
	v29 =	vadd.f32 v40, v29;
	v42 =	vperm.xlane v30, v4  }
0x1b7: {  	v21 =	vadd.f32 v44, v21;
	v22 =	vmul.f32 v22, v25;
	v43 =	vperm.xlane v23, v5  }
0x1b8: {  	v27 =	vadd.f32 v27, v28;
	v28 =	vperm.xlane v29, v5;
	v30 =	vadd.f32 v42, v30  }
0x1b9: {  	v31 =	vmul.f32 v32, v33;
	v48 =	vperm.xlane v21, v4;
	v23 =	vadd.f32 v43, v23  }
0x1ba: {  	v46 =	vperm.xlane v27, v6;
	v28 =	vadd.f32 v28, v29;
	v29 =	vperm.xlane v30, v5  }
0x1bb: {  	v41 =	vshra.s32 v26, $0x1;
	v21 =	vadd.f32 v48, v21;
	v47 =	vperm.xlane v23, v6  }
0x1bc: {  	v27 =	vadd.f32 v46, v27;
	v49 =	vperm.xlane v28, v6;
	v29 =	vadd.f32 v29, v30  }
0x1bd: {  	v52 =	vmul.f32 $5.000000000e-01, v26;
	v30 =	vperm.xlane v24, v4;
	v23 =	vadd.f32 v47, v23  }
0x1be: {  	v27 =	vmul.f32 $9.765625000e-04, v27;
	v28 =	vadd.f32 v49, v28;
	v50 =	vperm.xlane v29, v6  }
0x1bf: {  	v51 =	vperm.xlane v21, v5;
	v24 =	vadd.f32 v30, v24;
	v23 =	vmul.f32 $9.765625000e-04, v23  }
0x1c0: {  	v30 =	vmul.f32 v27, v27;
	v28 =	vmul.f32 $9.765625000e-04, v28;
	v29 =	vadd.f32 v50, v29  }
0x1c1: {  	v35 =	vsub.s32 $0x5F3759DF, v41;
	v21 =	vadd.f32 v51, v21;
	v26 =	vperm.xlane v24, v5  }
0x1c2: {  	v23 =	vsub.f32 v23, v30;
	v29 =	vmul.f32 $9.765625000e-04, v29;
	v30 =	vmul.f32 v28, v28  }
0x1c3: {  	v53 =	vmul.f32 v35, v52;
	v54 =	vperm.xlane v21, v6;
	v24 =	vadd.f32 v26, v24  }
0x1c4: {  	v31 =	vmul.f32 v31, v32;
	v23 =	vadd.f32 $9.999999740e-06, v23;
	v26 =	vsub.f32 v29, v30  }
0x1c5: {  	v21 =	vadd.f32 v54, v21;
	v29 =	vmul.f32 v35, v53;
	v30 =	vperm.xlane v24, v6  }
0x1c6: {  	v55 =	vshra.s32 v23, $0x1;
	v23 =	vmul.f32 $5.000000000e-01, v23;
	v56 =	vadd.f32 $9.999999740e-06, v26  }
0x1c7: {  	v26 =	vmul.f32 $9.765625000e-04, v21;
	v21 =	vadd.f32 v30, v24;
	v36 =	vsub.s32 $0x5F3759DF, v55  }
0x1c8: {  	v24 =	vmul.f32 v36, v23;
	v30 =	vshra.s32 v56, $0x1;
	v37 =	vmul.f32 $5.000000000e-01, v56  }
0x1c9: {  	v21 =	vmul.f32 $9.765625000e-04, v21;
	v57 =	vmul.f32 v26, v26;
	v30 =	vsub.s32 $0x5F3759DF, v30  }
0x1ca: {  	v24 =	vmul.f32 v36, v24;
	v58 =	vmul.f32 v30, v37  }
0x1cb: {  	v19 =	vmul.f32 v22, v19;
	v29 =	vsub.f32 $1.500000000e+00, v29;
	v21 =	vsub.f32 v21, v57  }
0x1cc: {  	v31 =	vsub.f32 $1.500000000e+00, v31;
	v24 =	vsub.f32 $1.500000000e+00, v24;
	v59 =	vmul.f32 v30, v58  }
0x1cd: {  	[tilespmem:s24+$0x10F80] =	vst v8;
	v8 =	vmul.f32 v19, v22;
	v25 =	vmul.f32 v35, v29;
	v21 =	vadd.f32 $9.999999740e-06, v21  }
0x1ce: {  	v29 =	vmul.f32 v31, v32;
	v24 =	vmul.f32 v36, v24;
	v31 =	vsub.f32 $1.500000000e+00, v59  }
0x1cf: {  	v60 =	vmul.f32 v25, v52;
	v61 =	vshra.s32 v21, $0x1;
	v62 =	vmul.f32 $5.000000000e-01, v21  }
0x1d0: {  	v21 =	vmul.f32 v24, v23;
	v30 =	vmul.f32 v30, v31;
	v31 =	vsub.s32 $0x5F3759DF, v61  }
0x1d1: {  	v32 =	vmul.f32 v60, v25;
	v35 =	vmul.f32 v31, v62  }
0x1d2: {  	v21 =	vmul.f32 v21, v24;
	v63 =	vmul.f32 v30, v37  }
0x1d3: {  	v8 =	vsub.f32 $1.500000000e+00, v8;
	v32 =	vsub.f32 $1.500000000e+00, v32;
	v35 =	vmul.f32 v31, v35  }
0x1d4: {  	v33 =	vmul.f32 v29, v33;
	v21 =	vsub.f32 $1.500000000e+00, v21;
	v38 =	vmul.f32 v63, v30  }
0x1d5: {  	[tilespmem:s18+$0x10F80] =	vst v18;
	v18 =	vmul.f32 v8, v22;
	v25 =	vmul.f32 v32, v25;
	v19 =	vsub.f32 $1.500000000e+00, v35  }
0x1d6: {  	[tilespmem:s30+$0x10F80] =	vst v11;
	s20 =	simm.s32 $0x0;
	v11 =	vmul.f32 v33, v29;
	v24 =	vmul.f32 v21, v24;
	v21 =	vsub.f32 $1.500000000e+00, v38  }
0x1d7: {  	[tilespmem:s4+$0x10F80] =	vst v13;
	s21 =	sand.u32 $0x70, s20;
	s22 =	sand.u32 $0x1C00, s20;
	v13 =	vmul.f32 v25, v52;
	v31 =	vmul.f32 v31, v19  }
0x1d8: {  	[tilespmem:s10+$0x10F80] =	vst v15;
	s1 =	sor.u32 s21, s22;
	v15 =	vmul.f32 v24, v23;
	v23 =	vmul.f32 v21, v30  }
0x1d9: {  	v11 =	vsub.f32 $1.500000000e+00, v11;
	v13 =	vmul.f32 v13, v25;
	v30 =	vld [tilespmem:s1+$0x10F80];
	v19 =	vmul.f32 v31, v62  }
0x1da: {  	s6 =	sadd.s32 $0x10F80, s1;
	v15 =	vmul.f32 v15, v24;
	v21 =	vmul.f32 v23, v37  }
0x1db: {  	v39 =	vld [tilespmem:s6+$0x80];
	v8 =	vsub.f32 $1.500000000e+00, v13;
	v13 =	vmul.f32 v19, v31;
	v19 =	vmul.f32 v11, v29  }
0x1dc: {  	v40 =	vld [tilespmem:s6+$0x100];
	v11 =	vmul.f32 v18, v16;
	v29 =	vmul.f32 v21, v23  }
0x1dd: {  	v41 =	vld [tilespmem:s6+$0x300];
	v15 =	vsub.f32 $1.500000000e+00, v15;
	v21 =	vmul.f32 v8, v25;
	v8 =	vsub.f32 $1.500000000e+00, v13  }
0x1de: {  	v25 =	vld [tilespmem:s6+$0x180];
	v16 =	vmul.f32 v19, v17;
	v30 =	vmul.f32 v30, v9;
	v17 =	vsub.f32 $1.500000000e+00, v29  }
0x1df: {  	s23 =	simm.s32 $0x780;
	v22 =	vmul.f32 v15, v24;
	v24 =	vld [tilespmem:s6+$0x200];
	v29 =	vmul.f32 v8, v31  }
0x1e0: {  	v13 =	vmul.f32 v21, v20;
	v8 =	vld [tilespmem:s23+$0x0];
	v23 =	vmul.f32 v17, v23  }
0x1e1: {  	s24 =	simm.s32 $0xB80;
	s0 =	simm.s32 $0x80;
	s2 =	simm.s32 $0x10;
	v31 =	vld [tilespmem:s6+$0x280];
	v15 =	vmul.f32 v22, v27;
	v27 =	vmul.f32 v29, v62  }
0x1e2: {  	s26 =	sand.u32 $0x1C00, s0;
	s25 =	sand.u32 $0x70, s2;
	v17 =	vld [tilespmem:s24+$0x0];
	v20 =	vmul.f32 v23, v28;
	v28 =	vmul.f32 v39, v12  }
0x1e3: {  	s8 =	sor.u32 s25, s26;
	v42 =	vmul.f32 v40, v18;
	v30 =	vsub.f32 v30, v10;
	v25 =	vmul.f32 v25, v19  }
0x1e4: {  	s4 =	sadd.s32 $0x10F80, s8;
	v34 =	vmul.f32 v41, v23;
	v27 =	vmul.f32 v27, v29;
	v28 =	vsub.f32 v28, v14  }
0x1e5: {  	v45 =	vld [tilespmem:s4+$0x100];
	v32 =	vsub.f32 v42, v11;
	v24 =	vmul.f32 v24, v21;
	v30 =	vmul.f32 v30, v8  }
0x1e6: {  	v44 =	vld [tilespmem:s4+$0x80];
	v25 =	vsub.f32 v25, v16;
	v31 =	vmul.f32 v31, v22;
	v28 =	vmul.f32 v28, v8  }
0x1e7: {  	v43 =	vld [tilespmem:s8+$0x10F80];
	v32 =	vmul.f32 v32, v8;
	v24 =	vsub.f32 v24, v13;
	v30 =	vadd.f32 v30, v17  }
0x1e8: {  	v46 =	vld [tilespmem:s4+$0x180];
	v25 =	vmul.f32 v25, v8;
	v31 =	vsub.f32 v31, v15;
	v28 =	vadd.f32 v28, v17  }
0x1e9: {  	v47 =	vld [tilespmem:s4+$0x200];
	v34 =	vsub.f32 v34, v20;
	v48 =	vmul.f32 v24, v8;
	[tilespmem:s1+$0x10F80] =	vst v30;
	v30 =	vadd.f32 v32, v17  }
0x1ea: {  	s28 =	simm.s32 $0x790;
	v49 =	vld [tilespmem:s4+$0x280];
	v27 =	vsub.f32 $1.500000000e+00, v27;
	v31 =	vmul.f32 v31, v8;
	[tilespmem:s6+$0x80] =	vst v28;
	v28 =	vadd.f32 v25, v17  }
0x1eb: {  	v50 =	vmul.f32 v34, v8;
	v24 =	vld [tilespmem:s28+$0x0];
	[tilespmem:s6+$0x100] =	vst v30;
	v30 =	vadd.f32 v48, v17  }
0x1ec: {  	s12 =	simm.s32 $0xB90;
	s14 =	simm.s32 $0x100;
	v51 =	vld [tilespmem:s4+$0x300];
	s1 =	simm.s32 $0x20;
	v25 =	vmul.f32 v27, v29;
	v29 =	vmul.f32 v43, v9;
	[tilespmem:s6+$0x180] =	vst v28;
	v28 =	vadd.f32 v31, v17  }
0x1ed: {  	s30 =	sand.u32 $0x1C00, s14;
	s29 =	sand.u32 $0x70, s1;
	v27 =	vld [tilespmem:s12+$0x0];
	v31 =	vmul.f32 v44, v12;
	[tilespmem:s6+$0x200] =	vst v30;
	v30 =	vadd.f32 v50, v17  }
0x1ee: {  	s31 =	sor.u32 s20, s20;
	v52 =	vmul.f32 v45, v18;
	v54 =	vmul.f32 v47, v21;
	s10 =	sor.u32 s29, s30;
	v29 =	vsub.f32 v29, v10;
	[tilespmem:s6+$0x280] =	vst v28  }
0x1ef: {  	s5 =	sor.u32 $0x380, s31;
	v53 =	vmul.f32 v46, v19;
	v55 =	vmul.f32 v49, v22;
	v28 =	vld [tilespmem:s10+$0x10F80];
	v31 =	vsub.f32 v31, v14;
	[tilespmem:s6+$0x300] =	vst v30  }
0x1f0: {  	v60 =	vsub.f32 v54, v13;
	v32 =	vsub.f32 v52, v11;
	s6 =	sadd.s32 $0x10F80, s10;
	v56 =	vmul.f32 v29, v24;
	v57 =	vld [tilespmem:s5+$0x10F80]  }
0x1f1: {  	v33 =	vmul.f32 v51, v23;
	v34 =	vsub.f32 v53, v16;
	v29 =	vld [tilespmem:s6+$0x80];
	v58 =	vmul.f32 v31, v24  }
0x1f2: {  	v63 =	vsub.f32 v55, v15;
	v59 =	vmul.f32 v32, v24;
	v30 =	vld [tilespmem:s6+$0x100];
	v37 =	vadd.f32 v56, v27  }
0x1f3: {  	v38 =	vsub.f32 v33, v20;
	v62 =	vmul.f32 v34, v24;
	v32 =	vld [tilespmem:s6+$0x200];
	v61 =	vadd.f32 v58, v27  }
0x1f4: {  	v26 =	vmul.f32 v25, v26;
	v35 =	vadd.f32 v59, v27;
	v31 =	vld [tilespmem:s6+$0x180];
	[tilespmem:s8+$0x10F80] =	vst v37;
	v37 =	vmul.f32 v60, v24  }
0x1f5: {  	s20 =	simm.s32 $0x7A0;
	s18 =	simm.s32 $0x100;
	v39 =	vmul.f32 v63, v24;
	v34 =	vld [tilespmem:s6+$0x280];
	v36 =	vadd.f32 v62, v27;
	s8 =	simm.s32 $0x30;
	[tilespmem:s4+$0x80] =	vst v61;
	v33 =	vmul.f32 v57, v25  }
.LBB2_7:
0x1f6: {  	p2 =	sne.s32 s8, $0x3F0;
	v40 =	vld [tilespmem:s20+$0x0];
	[tilespmem:s4+$0x100] =	vst v35;
	v35 =	vadd.f32 v37, v27;
	v37 =	vmul.f32 v38, v24;
	v38 =	vmov v27  }
0x1f7: {  	v28 =	vmul.f32 v28, v9;
	s14 =	sadd.s32 $0x80, s14;
	s12 =	sadd.s32 $0x10, s12;
	v41 =	vld [tilespmem:s6+$0x300];
	[tilespmem:s4+$0x180] =	vst v36;
	v36 =	vadd.f32 v39, v38;
	v33 =	vsub.f32 v33, v26  }
0x1f8: {  	s3 =	sand.u32 $0x70, s8;
	v29 =	vmul.f32 v29, v12;
	s9 =	sand.u32 $0x1C00, s14;
	v30 =	vmul.f32 v30, v18;
	v27 =	vld [tilespmem:s12+$0x0];
	[tilespmem:s4+$0x200] =	vst v35;
	v35 =	vadd.f32 v37, v38  }
0x1f9: {  	s2 =	sor.u32 s0, s2;
	s0 =	smov.u32 s18;
	s3 =	sor.u32 s3, s9;
	v37 =	vsub.f32 v28, v10;
	v31 =	vmul.f32 v31, v19;
	[tilespmem:s4+$0x280] =	vst v36;
	v39 =	vmul.f32 v33, v8  }
0x1fa: {  	s18 =	smov.u32 s14;
	s9 =	sor.u32 $0x380, s2;
	v33 =	vsub.f32 v29, v14;
	v32 =	vmul.f32 v32, v21;
	v28 =	vld [tilespmem:s3+$0x10F80];
	v34 =	vmul.f32 v34, v22;
	[tilespmem:s4+$0x300] =	vst v35;
	s4 =	smov.u32 s6  }
0x1fb: {  	s2 =	smov.u32 s1;
	s1 =	smov.u32 s8;
	v36 =	vsub.f32 v30, v11;
	v8 =	vmovc v24;
	s6 =	sadd.s32 $0x10F80, s3;
	v35 =	vmul.f32 v37, v40;
	v42 =	vld [tilespmem:s9+$0x10F80];
	v44 =	vadd.f32 v39, v17  }
.Ltmp4:
0x1fc: {  	v33 =	vmul.f32 v33, v40;
	v37 =	vsub.f32 v31, v16;
	v24 =	vmovc v40;
	v29 =	vld [tilespmem:s6+$0x80];
	v39 =	vmul.f32 v41, v23;
	(pc) =	sbr.rel @p2 .LBB2_7-.Ltmp4, $4  }
0x1fd: {  	v40 =	vsub.f32 v32, v13;
	v36 =	vmul.f32 v36, v24;
	v30 =	vld [tilespmem:s6+$0x100];
	v35 =	vadd.f32 v35, v27;
	[tilespmem:s5+$0x10F80] =	vst v44;
	s5 =	smov.u32 s9  }
0x1fe: {  	v17 =	vmovc v38;
	v43 =	vsub.f32 v34, v15;
	v33 =	vadd.f32 v33, v27;
	v41 =	vmul.f32 v37, v24;
	v31 =	vld [tilespmem:s6+$0x180]  }
0x1ff: {  	v37 =	vmul.f32 v40, v24;
	v38 =	vsub.f32 v39, v20;
	v32 =	vld [tilespmem:s6+$0x200];
	[tilespmem:s10+$0x10F80] =	vst v35;
	v35 =	vadd.f32 v36, v27;
	s10 =	smov.u32 s3  }
0x200: {  	s20 =	sadd.s32 $0x10, s20;
	s8 =	sadd.s32 $0x10, s8;
	v39 =	vmul.f32 v43, v24;
	v36 =	vadd.f32 v41, v27;
	v34 =	vld [tilespmem:s6+$0x280];
	[tilespmem:s4+$0x80] =	vst v33;
	v33 =	vmul.f32 v42, v25  }
0x201: {  	v40 =	vld [tilespmem:s20+$0x0]  }
0x202: {  	v38 =	vmul.f32 v38, v24;
	v9 =	vmul.f32 v28, v9;
	v28 =	vld [tilespmem:s6+$0x300];
	s3 =	sadd.s32 $0x10, s12  }
0x203: {  	v37 =	vadd.f32 v37, v27;
	v12 =	vmul.f32 v29, v12;
	v39 =	vadd.f32 v39, v27;
	v29 =	vld [tilespmem:s3+$0x0]  }
0x204: {  	v18 =	vmul.f32 v30, v18;
	v30 =	vadd.f32 v38, v27;
	v9 =	vsub.f32 v9, v10  }
0x205: {  	[tilespmem:s4+$0x100] =	vst v35;
	v10 =	vmul.f32 v31, v19;
	v12 =	vsub.f32 v12, v14;
	v14 =	vmul.f32 v32, v21  }
0x206: {  	[tilespmem:s4+$0x180] =	vst v36;
	v11 =	vsub.f32 v18, v11;
	v19 =	vmul.f32 v34, v22;
	v9 =	vmul.f32 v9, v40  }
0x207: {  	[tilespmem:s4+$0x200] =	vst v37;
	v10 =	vsub.f32 v10, v16;
	v12 =	vmul.f32 v12, v40;
	v16 =	vmul.f32 v28, v23  }
0x208: {  	[tilespmem:s4+$0x280] =	vst v39;
	v11 =	vmul.f32 v11, v40;
	v13 =	vsub.f32 v14, v13;
	v9 =	vadd.f32 v9, v29  }
0x209: {  	[tilespmem:s4+$0x300] =	vst v30;
	v10 =	vmul.f32 v10, v40;
	v14 =	vsub.f32 v19, v15;
	v12 =	vadd.f32 v12, v29  }
0x20a: {  	[tilespmem:s10+$0x10F80] =	vst v9;
	v9 =	vadd.f32 v11, v29;
	v11 =	vmul.f32 v13, v40;
	v13 =	vsub.f32 v16, v20  }
0x20b: {  	v10 =	vadd.f32 v10, v29;
	[tilespmem:s6+$0x80] =	vst v12;
	v12 =	vmul.f32 v14, v40  }
0x20c: {  	[tilespmem:s6+$0x100] =	vst v9;
	v9 =	vadd.f32 v11, v29;
	v11 =	vmul.f32 v13, v40  }
0x20d: {  	[tilespmem:s6+$0x180] =	vst v10;
	v10 =	vadd.f32 v12, v29  }
0x20e: {  	s0 =	sor.u32 s0, s2;
	[tilespmem:s6+$0x200] =	vst v9;
	v9 =	vadd.f32 v11, v29  }
0x20f: {  	s1 =	sor.u32 s18, s1;
	s0 =	sor.u32 $0x380, s0;
	[tilespmem:s6+$0x280] =	vst v10  }
0x210: {  	s1 =	sor.u32 $0x380, s1;
	v10 =	vld [tilespmem:s0+$0x10F80];
	[tilespmem:s6+$0x300] =	vst v9  }
0x211: {  	v9 =	vld [tilespmem:s1+$0x10F80]  }
0x212: {  	v11 =	vsub.f32 v33, v26;
	_ =	sdelay $0x1  }
0x213: {  	v8 =	vmul.f32 v11, v8  }
0x214: {  	v10 =	vmul.f32 v10, v25  }
0x215: {  	v8 =	vadd.f32 v8, v17;
	v9 =	vmul.f32 v9, v25  }
0x216: {  	v10 =	vsub.f32 v10, v26  }
0x217: {  	[tilespmem:s5+$0x10F80] =	vst v8;
	v9 =	vsub.f32 v9, v26  }
0x218: {  	s26 =	sld [smem:$0x7FA];
	v10 =	vmul.f32 v10, v24  }
0x219: {  	v9 =	vmul.f32 v9, v40  }
0x21a: {  	s25 =	sshll.u32 s19, $0xE;
	v10 =	vadd.f32 v10, v27  }
0x21b: {  	s2 =	sadd.s32 s26, s25;
	v8 =	vadd.f32 v9, v29  }
0x21c: {  	s29 =	sshrl.u32 s2, $0x3;
	s2 =	rddreg [dreg:$0x5];
	[tilespmem:s0+$0x10F80] =	vst v10  }
0x21d: {  	p2 =	seq.s32 s19, $0xF;
	s3 =	simm.s32 $0x10F80;
	s0 =	sadd.s32 s2, s29;
	[tilespmem:s1+$0x10F80] =	vst v8  }
0x21e: {  	[hbm4b:s0+s7] =	stream.linear.scatter [tilespmem:s3], [sflag:$0x5], $0x2000, $0x38;
	[tilespmem:$0x1D480] =	vst v63  }
0x21f: {  	s0 =	sadd.s32 @!p2 $0x10, s11  }
0x220: {  	v8 =	vld.idx.msk @!p2 [tilespmem:v7+s0+$0x0 ss:$0x1], $0xff;
	_ =	sdelay $0x4  }
0x221: {  	v9 =	vshll.u32 @!p2 v8, $0x3  }
0x222: {  	v10 =	vlaneseq.u32 @!p2;
	v8 =	vand.u32 @!p2 $0x7, v8;
	v9 =	vand.u32 @!p2 $0xFFFFFFC0, v9  }
0x223: {  	v8 =	vor.u32 @!p2 v8, v9;
	v9 =	vand.u32 @!p2 $0x7, v10;
	v10 =	vshrl.u32 @!p2 v10, $0x3  }
0x224: {  	v8 =	vperm.xlane @!p2 v8, v9;
	v9 =	vmul.u32 @!p2 $0x8, v10;
	_ =	sdelay $0x1  }
0x225: {  	v8 =	vadd.s32 @!p2 v9, v8;
	_ =	sdelay $0x3  }
0x226: {  	vm1 =	vmmov @!p2 $0xffff;
	s2 =	simm.s32 @!p2 $0xF80;
	s1 =	simm.s32 @!p2 $0x0;
	s3 =	rddreg [dreg:$0x1]  }
0x227: {  	[tilespmem:s2], [sflag:$0x1] =	stream.indirect_vreg.gather @!p2 [hbm4b:s3+s1], $0x80, v8, vm1, $0xb8;
	[tilespmem:$0x1D480] =	vst v63  }
0x228: {  	s2 =	simm.s32 @!p2 $0x1780;
	s3 =	rddreg [dreg:$0x1d]  }
0x229: {  	[tilespmem:s2], [sflag:$0x1] =	stream.indirect_vreg.gather @!p2 [hbm4b:s3+s1], $0x80, v8, vm1, $0xb8;
	[tilespmem:$0x1D480] =	vst v63  }
0x22a: {  	s2 =	simm.s32 @!p2 $0x1F80;
	s3 =	rddreg [dreg:$0x1e]  }
0x22b: {  	[tilespmem:s2], [sflag:$0x1] =	stream.indirect_vreg.gather @!p2 [hbm4b:s3+s1], $0x80, v8, vm1, $0xb8;
	[tilespmem:$0x1D480] =	vst v63  }
0x22c: {  	s2 =	simm.s32 @!p2 $0x2780;
	s3 =	rddreg [dreg:$0x1f]  }
0x22d: {  	[tilespmem:s2], [sflag:$0x1] =	stream.indirect_vreg.gather @!p2 [hbm4b:s3+s1], $0x80, v8, vm1, $0xb8;
	[tilespmem:$0x1D480] =	vst v63  }
0x22e: {  	v8 =	vld.idx.msk @!p2 [tilespmem:v7+s0+$0x4FF ss:$0x1], $0xffff;
	_ =	sdelay $0x4  }
0x22f: {  	(v2sf) =	vpush @!p2 v8, $0x0;
	_ =	sdelay $0xe  }
0x230: {  	s1 =	spop @!p2 (v2sf)  }
0x231: {  	s1 =	sadd.s32 @!p2 $0x1, s1  }
0x232: {  	s2 =	sshra.s32 @!p2 s1, $0x1F  }
0x233: {  	s2 =	sshrl.u32 @!p2 s2, $0x1D  }
0x234: {  	s1 =	sadd.s32 @!p2 s2, s1  }
0x235: {  	s2 =	sshll.u32 @!p2 s1, $0xA  }
0x236: {  	s4 =	rddreg [dreg:$0x6];
	s2 =	sand.u32 @!p2 $0x7FFFE000, s2  }
0x237: {  	s3 =	sadd.s32 @!p2 s13, s0;
	s2 =	sadd.s32 @!p2 s2, s4;
	s4 =	simm.s32 @!p2 $0x4F80  }
0x238: {  	[tilespmem:s4], [sflag:$0x3] =	stream.linear.gather @!p2 [spmem:s2], $0x4000, $0x38;
	[tilespmem:$0x1D480] =	vst v63  }
0x239: {  	s0 =	sand.u32 @!p2 $0x70, s0;
	s2 =	sand.u32 @!p2 $0x380, s3  }
0x23a: {  	s0 =	sor.u32 @!p2 s0, s2  }
0x23b: {  	v8 =	vld @!p2 [tilespmem:s0+$0x280]  }
0x23c: {  	v9 =	vld @!p2 [tilespmem:s0+$0x0];
	_ =	sdelay $0x2  }
0x23d: {  	s0 =	sand.u32 @!p2 $0xFFFFFFF8, s1  }
0x23e: {  	v10 =	vmov @!p2 s0  }
0x23f: {  	p3 =	seq.s32 @!p2 s19, $0x0;
	v8 =	vsub.s32 @!p2 v8, v10;
	vm1 =	veq.s32 @!p2 v9, $0x1  }
0x240: {  	p3 =	por p2, !p3;
	v8 =	vsel @!p2 vm1, $0x10, v8  }
0x241: {  	s0 =	simm.s32 @p3 $0x6;
	[tilespmem:$0x14F80] =	vst @!p2 v8  }
0x242: {  	_ =	swait.ge @p3 [sflag:s0], $0x2000  }
0x243: {  	[sflag:s0] =	ssyncset.done @p3 $0x0  }
0x244: {  	s4 =	simm.s32 $0x2;
	[sflag:s0] =	ssyncadd.s32 @p3 $0xFFFFE000  }
0x245: {  	_ =	swait.ge [sflag:s4], $0x2000  }
0x246: {  	[sflag:s4] =	ssyncset.done $0x0  }
0x247: {  	s5 =	simm.s32 $0x4;
	[sflag:s4] =	ssyncadd.s32 $0xFFFFE000  }
0x248: {  	_ =	swait.ge [sflag:s5], $0x4000  }
0x249: {  	[sflag:s5] =	ssyncset.done $0x0  }
0x24a: {  	[sflag:s5] =	ssyncadd.s32 $0xFFFFC000  }
0x24b: {  	v8 =	vld [tilespmem:$0x15000];
	_ =	sdelay $0x4  }
0x24c: {  	(v2sf) =	vpush v8, $0x0  }
0x24d: {  	(v2sf) =	vpush v8, $0x1  }
0x24e: {  	(v2sf) =	vpush v8, $0x2  }
0x24f: {  	(v2sf) =	vpush v8, $0x3;
	_ =	sdelay $0x1  }
0x250: {  	(v2sf) =	vpush v8, $0x4;
	_ =	sdelay $0x2  }
0x251: {  	(v2sf) =	vpush v8, $0x5;
	_ =	sdelay $0x2  }
0x252: {  	(v2sf) =	vpush v8, $0x6;
	_ =	sdelay $0x3  }
0x253: {  	s6 =	spop (v2sf)  }
0x254: {  	s8 =	spop (v2sf);
	s10 =	sshll.u32 s6, $0xA;
	s0 =	sshll.u32 s6, $0x7  }
0x255: {  	s9 =	spop (v2sf);
	s3 =	sand.u32 $0xFFFFE000, s10;
	s0 =	sand.u32 $0x380, s0  }
0x256: {  	(v2sf) =	vpush v8, $0x7;
	s15 =	sshll.u32 s8, $0xA;
	s1 =	sshll.u32 s8, $0x7;
	s12 =	spop (v2sf)  }
0x257: {  	s0 =	sor.u32 s0, s3;
	s16 =	sand.u32 $0xFFFFE000, s15;
	s1 =	sand.u32 $0x380, s1  }
0x258: {  	s17 =	sshll.u32 s9, $0xA;
	s2 =	sshll.u32 s9, $0x7;
	s14 =	spop (v2sf)  }
0x259: {  	s0 =	sadd.s32 $0xAF80, s0;
	s2 =	sand.u32 $0x380, s2;
	s21 =	sshll.u32 s12, $0xA  }
0x25a: {  	s22 =	sshll.u32 s12, $0x7;
	[dreg:$0x10] =	wrdreg s0;
	s0 =	sor.u32 s1, s16  }
0x25b: {  	s1 =	sand.u32 $0xFFFFE000, s17;
	s18 =	spop (v2sf);
	s23 =	sand.u32 $0xFFFFE000, s21  }
0x25c: {  	s24 =	sand.u32 $0x380, s22;
	s25 =	sshll.u32 s14, $0xA;
	s26 =	sshll.u32 s14, $0x7  }
0x25d: {  	s0 =	sadd.s32 $0xAF80, s0;
	s20 =	sor.u32 s2, s1;
	s1 =	sand.u32 $0xFFFFE000, s25  }
0x25e: {  	s2 =	sand.u32 $0x380, s26;
	s29 =	spop (v2sf);
	s16 =	rddreg [dreg:$0x10]  }
0x25f: {  	s3 =	sshll.u32 s18, $0x7;
	[dreg:$0x11] =	wrdreg s0;
	s0 =	sadd.s32 $0xAF80, s20  }
0x260: {  	s1 =	sor.u32 s2, s1;
	s2 =	sshll.u32 s18, $0xA;
	s6 =	sand.u32 $0x380, s3  }
0x261: {  	s8 =	sshll.u32 s29, $0xA;
	[dreg:$0x12] =	wrdreg s0;
	s0 =	sor.u32 s24, s23  }
0x262: {  	s9 =	sshll.u32 s29, $0x7;
	s5 =	sand.u32 $0xFFFFE000, s2;
	s0 =	sadd.s32 $0xAF80, s0  }
0x263: {  	s2 =	sand.u32 $0x380, s9;
	[dreg:$0x13] =	wrdreg s0;
	s0 =	sadd.s32 $0xAF80, s1  }
0x264: {  	s1 =	sand.u32 $0xFFFFE000, s8;
	[dreg:$0x14] =	wrdreg s0;
	s0 =	sor.u32 s6, s5  }
0x265: {  	s12 =	sor.u32 s2, s1;
	s0 =	sadd.s32 $0xAF80, s0;
	s10 =	spop (v2sf)  }
0x266: {  	[dreg:$0x15] =	wrdreg s0;
	s14 =	sshll.u32 s10, $0xA;
	s15 =	sshll.u32 s10, $0x7  }
0x267: {  	s0 =	sadd.s32 $0xAF80, s12;
	s1 =	sand.u32 $0xFFFFE000, s14;
	s2 =	sand.u32 $0x380, s15  }
0x268: {  	s24 =	simm.s32 $0x0;
	[dreg:$0x16] =	wrdreg s0;
	s17 =	sor.u32 s2, s1  }
0x269: {  	s1 =	sand.u32 $0x1C00, s24;
	s2 =	sand.u32 $0x70, s24;
	s0 =	sadd.s32 $0xAF80, s17  }
0x26a: {  	s18 =	sadd.s32 s1, s16;
	s14 =	sor.u32 s2, s1;
	[dreg:$0x17] =	wrdreg s0  }
0x26b: {  	s0 =	sadd.s32 s2, s18;
	v8 =	vld [tilespmem:s14+$0x2F80]  }
0x26c: {  	v9 =	vld [tilespmem:s0+$0x0];
	_ =	sdelay $0x4  }
0x26d: {  	s20 =	rddreg [dreg:$0x11];
	v10 =	vadd.f32 v9, v8  }
0x26e: {  	s0 =	sadd.s32 s1, s20  }
0x26f: {  	s0 =	sadd.s32 s2, s0;
	v8 =	vld [tilespmem:s14+$0x3000];
	[tilespmem:s14+$0x12F80] =	vst v10  }
0x270: {  	v9 =	vld [tilespmem:s0+$0x0];
	_ =	sdelay $0x2  }
0x271: {  	s12 =	simm.s32 $0x10;
	s18 =	simm.s32 $0x80  }
0x272: {  	s21 =	rddreg [dreg:$0x10];
	s4 =	sand.u32 $0x1C00, s18;
	s0 =	sand.u32 $0x70, s12  }
0x273: {  	v12 =	vld [tilespmem:s14+$0x3080];
	s3 =	sadd.s32 s4, s21;
	s22 =	rddreg [dreg:$0x12];
	s30 =	sor.u32 s0, s4;
	v13 =	vadd.f32 v9, v8  }
0x274: {  	s3 =	sadd.s32 s0, s3;
	s5 =	sadd.s32 s1, s22;
	v8 =	vld [tilespmem:s30+$0x2F80]  }
0x275: {  	s23 =	sadd.s32 s2, s5;
	v9 =	vld [tilespmem:s3+$0x0];
	[tilespmem:s14+$0x13000] =	vst v13  }
0x276: {  	v14 =	vld [tilespmem:s23+$0x0];
	_ =	sdelay $0x3  }
0x277: {  	s25 =	rddreg [dreg:$0x11];
	v16 =	vadd.f32 v9, v8  }
0x278: {  	v15 =	vld [tilespmem:s30+$0x3000];
	s3 =	sadd.s32 s4, s25;
	s26 =	rddreg [dreg:$0x13];
	v14 =	vadd.f32 v14, v12  }
0x279: {  	s3 =	sadd.s32 s0, s3;
	s5 =	sadd.s32 s1, s26;
	v8 =	vld [tilespmem:s14+$0x3100];
	[tilespmem:s30+$0x12F80] =	vst v16  }
0x27a: {  	s29 =	sadd.s32 s2, s5;
	v9 =	vld [tilespmem:s3+$0x0];
	[tilespmem:s14+$0x13080] =	vst v14  }
0x27b: {  	v12 =	vld [tilespmem:s29+$0x0]  }
0x27c: {  	v17 =	vld [tilespmem:s14+$0x3180]  }
0x27d: {  	s6 =	simm.s32 $0x100;
	v23 =	vld [tilespmem:s14+$0x3200];
	s21 =	simm.s32 $0x20  }
0x27e: {  	s28 =	sand.u32 $0x1C00, s6;
	v28 =	vld [tilespmem:s14+$0x3280];
	s26 =	sand.u32 $0x70, s21;
	s5 =	rddreg [dreg:$0x10]  }
0x27f: {  	v18 =	vld [tilespmem:s30+$0x3080];
	s8 =	rddreg [dreg:$0x12];
	s3 =	sadd.s32 s28, s5;
	s5 =	sor.u32 s26, s28;
	v15 =	vadd.f32 v9, v15  }
0x280: {  	s3 =	sadd.s32 s26, s3;
	v19 =	vld [tilespmem:s5+$0x2F80];
	s8 =	sadd.s32 s4, s8;
	s9 =	rddreg [dreg:$0x14];
	v8 =	vadd.f32 v12, v8  }
0x281: {  	s8 =	sadd.s32 s0, s8;
	s9 =	sadd.s32 s1, s9;
	[tilespmem:s30+$0x13000] =	vst v15;
	v12 =	vld [tilespmem:s3+$0x0]  }
0x282: {  	s10 =	sadd.s32 s2, s9;
	v20 =	vld [tilespmem:s8+$0x0];
	[tilespmem:s14+$0x13100] =	vst v8  }
0x283: {  	v21 =	vld [tilespmem:s10+$0x0]  }
0x284: {  	v11 =	vld [tilespmem:s30+$0x3280]  }
0x285: {  	v24 =	vld [tilespmem:s30+$0x3180]  }
0x286: {  	s15 =	rddreg [dreg:$0x11];
	v59 =	vld [tilespmem:s30+$0x3200];
	v19 =	vadd.f32 v12, v19  }
0x287: {  	v22 =	vld [tilespmem:s5+$0x3000];
	s16 =	rddreg [dreg:$0x13];
	s3 =	sadd.s32 s28, s15;
	v18 =	vadd.f32 v20, v18  }
0x288: {  	s3 =	sadd.s32 s26, s3;
	s8 =	sadd.s32 s4, s16;
	s17 =	rddreg [dreg:$0x15];
	v20 =	vld [tilespmem:s30+$0x3100];
	[tilespmem:s5+$0x12F80] =	vst v19;
	v17 =	vadd.f32 v21, v17  }
0x289: {  	s20 =	sadd.s32 s0, s8;
	s22 =	sadd.s32 s1, s17;
	[tilespmem:s30+$0x13080] =	vst v18;
	v21 =	vld [tilespmem:s3+$0x0]  }
0x28a: {  	s23 =	sadd.s32 s2, s22;
	v25 =	vld [tilespmem:s20+$0x0];
	[tilespmem:s14+$0x13180] =	vst v17  }
0x28b: {  	v27 =	vld [tilespmem:s23+$0x0]  }
0x28c: {  	s31 =	simm.s32 $0x180;
	v26 =	vmul.f32 v10, v10;
	v30 =	vld [tilespmem:s5+$0x3080];
	s8 =	simm.s32 $0x30;
	v12 =	vimm.f32 $0.0e+00  }
0x28d: {  	s25 =	rddreg [dreg:$0x10];
	v60 =	vld [tilespmem:s5+$0x3100];
	v10 =	vadd.f32 v10, v12;
	s20 =	sand.u32 $0x70, s8;
	s23 =	sand.u32 $0x1C00, s31  }
0x28e: {  	v29 =	vmul.f32 v13, v13;
	v9 =	vld [tilespmem:s5+$0x3280];
	v26 =	vadd.f32 v26, v12;
	s29 =	rddreg [dreg:$0x12];
	s10 =	sor.u32 s20, s23;
	s9 =	sadd.s32 s23, s25;
	v21 =	vadd.f32 v21, v22  }
0x28f: {  	v35 =	vimm.f32 $0.0e+00;
	v31 =	vadd.f32 v13, v12;
	s15 =	rddreg [dreg:$0x14];
	s3 =	sadd.s32 s28, s29;
	v53 =	vld [tilespmem:s10+$0x2F80];
	s9 =	sadd.s32 s20, s9;
	v25 =	vadd.f32 v25, v20  }
0x290: {  	s17 =	sadd.s32 s4, s15;
	s3 =	sadd.s32 s26, s3;
	s16 =	rddreg [dreg:$0x16];
	v22 =	vadd.f32 v29, v12;
	v29 =	vmul.f32 v16, v16;
	v20 =	vld [tilespmem:s9+$0x0];
	[tilespmem:s5+$0x13000] =	vst v21;
	v13 =	vadd.f32 v27, v23  }
0x291: {  	v10 =	vadd.f32 v16, v10;
	s22 =	sadd.s32 s0, s17;
	s25 =	sadd.s32 s1, s16;
	v16 =	vmul.f32 v14, v14;
	v14 =	vadd.f32 v14, v12;
	[tilespmem:s30+$0x13100] =	vst v25;
	v27 =	vld [tilespmem:s3+$0x0]  }
0x292: {  	s29 =	rddreg [dreg:$0x17];
	s9 =	sadd.s32 s2, s25;
	v23 =	vadd.f32 v29, v26;
	v26 =	vmul.f32 v15, v15;
	v15 =	vadd.f32 v15, v31;
	v31 =	vld [tilespmem:s22+$0x0];
	[tilespmem:s14+$0x13200] =	vst v13  }
0x293: {  	v32 =	vimm.f32 $0.0e+00;
	v55 =	vadd.f32 v8, v12;
	v57 =	vadd.f32 v17, v12;
	v56 =	vld [tilespmem:s9+$0x0]  }
0x294: {  	v17 =	vmul.f32 v17, v17;
	v54 =	vld [tilespmem:s10+$0x3000];
	v16 =	vadd.f32 v16, v12;
	v14 =	vadd.f32 v18, v14  }
0x295: {  	s16 =	rddreg [dreg:$0x11];
	v18 =	vmul.f32 v18, v18;
	v29 =	vld [tilespmem:s5+$0x3180];
	v22 =	vadd.f32 v26, v22;
	v20 =	vadd.f32 v20, v53  }
0x296: {  	s15 =	sadd.s32 s1, s29;
	s17 =	rddreg [dreg:$0x13];
	v26 =	vmul.f32 v19, v19;
	v19 =	vadd.f32 v19, v10;
	v10 =	vld [tilespmem:s10+$0x3280];
	s9 =	sadd.s32 s23, s16;
	v27 =	vadd.f32 v27, v30  }
0x297: {  	v34 =	vimm.f32 $0.0e+00;
	v17 =	vadd.f32 v17, v12;
	s22 =	rddreg [dreg:$0x15];
	s3 =	sadd.s32 s28, s17;
	s9 =	sadd.s32 s20, s9;
	v24 =	vadd.f32 v31, v24;
	[tilespmem:s10+$0x12F80] =	vst v20;
	v30 =	vld [tilespmem:s10+$0x3080]  }
0x298: {  	s1 =	simm.s32 $0x200;
	v18 =	vadd.f32 v18, v16;
	v16 =	vmul.f32 v21, v21;
	s25 =	sadd.s32 s4, s22;
	s3 =	sadd.s32 s26, s3;
	v31 =	vld [tilespmem:s9+$0x0];
	[tilespmem:s5+$0x13080] =	vst v27;
	v28 =	vadd.f32 v56, v28  }
0x299: {  	v8 =	vmul.f32 v8, v8;
	s2 =	sadd.s32 s2, s15;
	s17 =	sor.u32 s24, s24;
	v61 =	vadd.f32 v21, v15;
	s29 =	sadd.s32 s0, s25;
	v58 =	vadd.f32 v26, v23;
	[tilespmem:s30+$0x13180] =	vst v24;
	v62 =	vld [tilespmem:s3+$0x0]  }
0x29a: {  	s25 =	sand.u32 $0x1C00, s1;
	s16 =	rddreg [dreg:$0x10];
	v23 =	vadd.f32 v25, v55;
	v26 =	vadd.f32 v16, v22;
	v15 =	vmul.f32 v20, v20;
	s9 =	simm.s32 $0x40;
	v22 =	vld [tilespmem:s29+$0x0];
	[tilespmem:s14+$0x13280] =	vst v28  }
0x29b: {  	s24 =	sor.u32 $0x380, s17;
	s15 =	sadd.s32 s25, s16;
	v20 =	vadd.f32 v20, v19;
	v16 =	vmul.f32 v24, v24;
	v21 =	vadd.f32 v24, v57;
	s14 =	sand.u32 $0x70, s9;
	v63 =	vld [tilespmem:s2+$0x0]  }
0x29c: {  	s22 =	rddreg [dreg:$0x12];
	v15 =	vadd.f32 v15, v58;
	v19 =	vadd.f32 v27, v14;
	v24 =	vmul.f32 v27, v27;
	v42 =	vld [tilespmem:s24+$0x2F80];
	s16 =	sadd.s32 s14, s15  }
0x29d: {  	s21 =	sor.u32 s6, s21;
	s17 =	rddreg [dreg:$0x14];
	v14 =	vadd.f32 v16, v17;
	v27 =	vmul.f32 v28, v28;
	v31 =	vadd.f32 v31, v54;
	s2 =	sor.u32 s14, s25;
	v39 =	vld [tilespmem:s16+$0x0]  }
0x29e: {  	s6 =	simm.s32 $0x50;
	v41 =	vmul.f32 v13, v13;
	s29 =	rddreg [dreg:$0x16];
	s3 =	sadd.s32 s23, s22;
	v16 =	vadd.f32 v28, v12;
	v28 =	vld [tilespmem:s2+$0x2F80];
	v36 =	vadd.f32 v62, v60  }
0x29f: {  	s22 =	sor.u32 s18, s12;
	v17 =	vadd.f32 v24, v18;
	v18 =	vmul.f32 v25, v25;
	s3 =	sadd.s32 s20, s3;
	v24 =	vadd.f32 v27, v12;
	s16 =	sadd.s32 s28, s17;
	v33 =	vld [tilespmem:s2+$0x3000];
	[tilespmem:s10+$0x13000] =	vst v31  }
0x2a0: {  	s18 =	sor.u32 s31, s8;
	s29 =	sadd.s32 s4, s29;
	v27 =	vadd.f32 v8, v12;
	v25 =	vadd.f32 v31, v61;
	v37 =	vmul.f32 v31, v31;
	s17 =	sadd.s32 s26, s16;
	v38 =	vld [tilespmem:s3+$0x0];
	[tilespmem:s5+$0x13100] =	vst v36  }
0x2a1: {  	s12 =	sor.u32 s1, s9;
	s31 =	rddreg [dreg:$0x17];
	s9 =	sadd.s32 s0, s29;
	v22 =	vadd.f32 v22, v59;
	v31 =	vmul.f32 v36, v36;
	v8 =	vadd.f32 v63, v42;
	v40 =	vld [tilespmem:s17+$0x0]  }
.LBB2_9:
0x2a2: {  	s3 =	rddreg [dreg:$0x10];
	p3 =	sne.s32 s6, $0x3F0  }
0x2a3: {  	v42 =	vld [tilespmem:s2+$0x3280];
	s15 =	smov.u32 s6;
	s6 =	sadd.s32 $0x10, s6;
	s8 =	smov.u32 s18;
	[tilespmem:s30+$0x13200] =	vst v22  }
0x2a4: {  	s18 =	smov.u32 s12;
	s12 =	rddreg [dreg:$0x11];
	s1 =	sadd.s32 $0x80, s1;
	v43 =	vmov v31;
	v31 =	vld [tilespmem:s9+$0x0];
	[tilespmem:s24+$0x12F80] =	vst v8  }
0x2a5: {  	s17 =	rddreg [dreg:$0x13];
	s4 =	sadd.s32 s4, s31;
	s16 =	sand.u32 $0x1C00, s1;
	v44 =	vld [tilespmem:s5+$0x3200]  }
0x2a6: {  	v34 =	vadd.f32 v8, v34;
	s29 =	sand.u32 $0x70, s15;
	s12 =	sadd.s32 s25, s12;
	s17 =	sadd.s32 s23, s17;
	v8 =	vmul.f32 v8, v8;
	v28 =	vadd.f32 v39, v28;
	v56 =	vld [tilespmem:s10+$0x3180]  }
0x2a7: {  	s0 =	sadd.s32 s0, s4;
	s4 =	smov.u32 s28;
	s3 =	sadd.s32 s16, s3;
	v57 =	vadd.f32 v38, v30;
	v58 =	vld [tilespmem:s10+$0x3100]  }
0x2a8: {  	s24 =	rddreg [dreg:$0x15];
	s9 =	sadd.s32 s29, s3;
	s3 =	sadd.s32 s14, s12;
	v30 =	vld [tilespmem:s2+$0x3080];
	v32 =	vadd.f32 v8, v32;
	v8 =	vmul.f32 v28, v28;
	v29 =	vadd.f32 v40, v29;
	[tilespmem:s2+$0x12F80] =	vst v28  }
0x2a9: {  	v12 =	vadd.f32 v13, v12;
	s31 =	sor.u32 s29, s16;
	s17 =	sadd.s32 s20, s17;
	s24 =	sadd.s32 s28, s24;
	v59 =	vld [tilespmem:s3+$0x0];
	[tilespmem:s10+$0x13080] =	vst v57;
	v60 =	vadd.f32 v31, v11  }
0x2aa: {  	v23 =	vadd.f32 v36, v23;
	s12 =	sor.u32 s1, s15;
	s28 =	smov.u32 s23;
	s15 =	sadd.s32 s26, s24;
	v15 =	vadd.f32 v8, v15;
	v8 =	vmul.f32 v57, v57;
	v31 =	vld [tilespmem:s17+$0x0];
	[tilespmem:s5+$0x13180] =	vst v29  }
0x2ab: {  	v35 =	vadd.f32 v41, v35;
	v26 =	vadd.f32 v37, v26;
	s23 =	smov.u32 s25;
	s25 =	smov.u32 s16;
	s17 =	rddreg [dreg:$0x12];
	v61 =	vld [tilespmem:s15+$0x0];
	[tilespmem:s30+$0x13280] =	vst v60  }
0x2ac: {  	v20 =	vadd.f32 v28, v20;
	s24 =	sor.u32 $0x380, s22;
	s22 =	rddreg [dreg:$0x14];
	v28 =	vmul.f32 v29, v29;
	v17 =	vadd.f32 v8, v17;
	s3 =	sadd.s32 s23, s17;
	v8 =	vld [tilespmem:s0+$0x0]  }
0x2ad: {  	v27 =	vadd.f32 v18, v27;
	v19 =	vadd.f32 v57, v19;
	s15 =	sadd.s32 s28, s22;
	s22 =	smov.u32 s21;
	s30 =	smov.u32 s5;
	v62 =	vld [tilespmem:s24+$0x2F80]  }
.Ltmp5:
0x2ae: {  	v13 =	vmovc v22;
	v14 =	vadd.f32 v28, v14;
	v28 =	vmul.f32 v60, v60;
	s5 =	smov.u32 s10;
	s10 =	smov.u32 s2;
	v63 =	vadd.f32 v59, v33;
	v33 =	vld [tilespmem:s31+$0x3000];
	(pc) =	sbr.rel @p3 .LBB2_9-.Ltmp5, $4  }
0x2af: {  	v41 =	vmul.f32 v22, v13;
	v21 =	vadd.f32 v29, v21;
	s0 =	smov.u32 s26;
	s26 =	smov.u32 s20;
	s20 =	smov.u32 s14;
	v39 =	vld [tilespmem:s9+$0x0];
	v36 =	vadd.f32 v31, v58  }
0x2b0: {  	v18 =	vmovc v43;
	v11 =	vmovc v9;
	v9 =	vmov v10;
	v10 =	vmov v42;
	s14 =	smov.u32 s29;
	s29 =	rddreg [dreg:$0x16];
	v24 =	vadd.f32 v28, v24;
	v28 =	vld [tilespmem:s31+$0x2F80];
	s3 =	sadd.s32 s20, s3;
	[tilespmem:s10+$0x13000] =	vst v63  }
0x2b1: {  	s21 =	smov.u32 s8;
	v16 =	vadd.f32 v60, v16;
	s17 =	sadd.s32 s26, s15;
	s29 =	sadd.s32 s4, s29;
	v25 =	vadd.f32 v63, v25;
	v37 =	vmul.f32 v63, v63;
	v38 =	vld [tilespmem:s3+$0x0];
	[tilespmem:s5+$0x13100] =	vst v36  }
0x2b2: {  	v29 =	vmovc v56;
	s2 =	smov.u32 s31;
	s31 =	rddreg [dreg:$0x17];
	s9 =	sadd.s32 s0, s29;
	v22 =	vadd.f32 v61, v44;
	v31 =	vmul.f32 v36, v36;
	v40 =	vld [tilespmem:s17+$0x0];
	v8 =	vadd.f32 v8, v62  }
0x2b3: {  	_ =	sdelay $0x1  }
0x2b4: {  	s1 =	rddreg [dreg:$0x11];
	v39 =	vadd.f32 v39, v28  }
0x2b5: {  	v57 =	vld [tilespmem:s10+$0x3100];
	[tilespmem:s30+$0x13200] =	vst v22;
	s1 =	sadd.s32 s25, s1  }
0x2b6: {  	s3 =	rddreg [dreg:$0x13];
	v42 =	vld [tilespmem:s9+$0x0];
	s1 =	sadd.s32 s14, s1;
	v30 =	vadd.f32 v38, v30;
	[tilespmem:s2+$0x12F80] =	vst v39  }
0x2b7: {  	s6 =	rddreg [dreg:$0x15];
	s3 =	sadd.s32 s23, s3;
	v29 =	vadd.f32 v40, v29;
	v43 =	vld [tilespmem:s1+$0x0]  }
0x2b8: {  	v58 =	vld [tilespmem:s5+$0x3200];
	v12 =	vadd.f32 v13, v12;
	s3 =	sadd.s32 s20, s3;
	[tilespmem:s10+$0x13080] =	vst v30;
	s1 =	sadd.s32 s28, s6  }
0x2b9: {  	v35 =	vadd.f32 v41, v35;
	v23 =	vadd.f32 v36, v23;
	v13 =	vld [tilespmem:s3+$0x0];
	[tilespmem:s5+$0x13180] =	vst v29;
	s1 =	sadd.s32 s26, s1  }
0x2ba: {  	v26 =	vadd.f32 v37, v26;
	v18 =	vadd.f32 v18, v27;
	v59 =	vld [tilespmem:s1+$0x0]  }
0x2bb: {  	v60 =	vmul.f32 v8, v8;
	v34 =	vadd.f32 v8, v34;
	v11 =	vadd.f32 v42, v11  }
0x2bc: {  	v44 =	vld [tilespmem:s10+$0x3180];
	v48 =	vmul.f32 v22, v22;
	s9 =	sadd.s32 s4, s31;
	v12 =	vadd.f32 v22, v12;
	s8 =	rddreg [dreg:$0x12];
	v33 =	vadd.f32 v43, v33  }
0x2bd: {  	v61 =	vld [tilespmem:s2+$0x3080];
	v18 =	vadd.f32 v31, v18;
	s0 =	sadd.s32 s0, s9;
	v32 =	vadd.f32 v60, v32;
	s3 =	sadd.s32 s25, s8;
	[tilespmem:s30+$0x13280] =	vst v11  }
0x2be: {  	v22 =	vadd.f32 v48, v35;
	s15 =	rddreg [dreg:$0x14];
	s3 =	sadd.s32 s14, s3;
	v63 =	vld [tilespmem:s0+$0x0];
	v13 =	vadd.f32 v13, v57;
	[tilespmem:s2+$0x13000] =	vst v33  }
0x2bf: {  	v21 =	vadd.f32 v29, v21;
	v29 =	vmul.f32 v29, v29;
	s16 =	rddreg [dreg:$0x16];
	s1 =	sadd.s32 s23, s15;
	s30 =	sor.u32 $0x380, s22;
	v40 =	vadd.f32 v59, v58;
	v45 =	vld [tilespmem:s3+$0x0]  }
0x2c0: {  	v62 =	vmul.f32 v39, v39;
	v19 =	vadd.f32 v30, v19;
	v30 =	vmul.f32 v30, v30;
	s1 =	sadd.s32 s20, s1;
	v46 =	vld [tilespmem:s30+$0x2F80];
	s0 =	sadd.s32 s28, s16;
	[tilespmem:s10+$0x13100] =	vst v13  }
0x2c1: {  	v20 =	vadd.f32 v39, v20;
	s17 =	rddreg [dreg:$0x17];
	v14 =	vadd.f32 v29, v14;
	v47 =	vmul.f32 v11, v11;
	s0 =	sadd.s32 s26, s0;
	v29 =	vld [tilespmem:s1+$0x0];
	[tilespmem:s5+$0x13200] =	vst v40  }
0x2c2: {  	v15 =	vadd.f32 v62, v15;
	v17 =	vadd.f32 v30, v17;
	v30 =	vld [tilespmem:s0+$0x0]  }
0x2c3: {  	v16 =	vadd.f32 v11, v16;
	v24 =	vadd.f32 v47, v24  }
0x2c4: {  	v25 =	vadd.f32 v33, v25;
	v33 =	vmul.f32 v33, v33;
	s22 =	rddreg [dreg:$0x13];
	v37 =	vadd.f32 v45, v61  }
0x2c5: {  	v23 =	vadd.f32 v13, v23;
	s1 =	sadd.s32 s25, s22;
	v11 =	vadd.f32 v63, v46  }
0x2c6: {  	v27 =	vld [tilespmem:s2+$0x3100];
	v53 =	vmul.f32 v13, v13;
	s29 =	rddreg [dreg:$0x15];
	v26 =	vadd.f32 v33, v26;
	s1 =	sadd.s32 s14, s1;
	v29 =	vadd.f32 v29, v44;
	[tilespmem:s2+$0x13080] =	vst v37  }
0x2c7: {  	v12 =	vadd.f32 v40, v12;
	s0 =	sadd.s32 s23, s29;
	v50 =	vmul.f32 v11, v11;
	v9 =	vadd.f32 v30, v9;
	v51 =	vld [tilespmem:s1+$0x0]  }
0x2c8: {  	v52 =	vld [tilespmem:s10+$0x3200];
	s31 =	sadd.s32 s28, s17;
	v18 =	vadd.f32 v53, v18;
	s0 =	sadd.s32 s20, s0;
	v34 =	vadd.f32 v11, v34;
	v30 =	vperm.xlane v20, v3;
	[tilespmem:s10+$0x13180] =	vst v29  }
0x2c9: {  	v32 =	vadd.f32 v50, v32;
	v19 =	vadd.f32 v37, v19;
	v54 =	vmul.f32 v37, v37;
	s1 =	sadd.s32 s26, s31;
	v13 =	vld [tilespmem:s0+$0x0];
	[tilespmem:s5+$0x13280] =	vst v9  }
0x2ca: {  	s4 =	sor.u32 $0x380, s21;
	v21 =	vadd.f32 v29, v21;
	v20 =	vadd.f32 v30, v20;
	v30 =	vperm.xlane v15, v3;
	v55 =	vld [tilespmem:s1+$0x0]  }
0x2cb: {  	v29 =	vmul.f32 v29, v29;
	v16 =	vadd.f32 v9, v16;
	v9 =	vmul.f32 v9, v9;
	v56 =	vld [tilespmem:s4+$0x2F80]  }
0x2cc: {  	s0 =	rddreg [dreg:$0x14];
	v57 =	vperm.xlane v20, v4;
	v15 =	vadd.f32 v30, v15;
	v27 =	vadd.f32 v51, v27  }
0x2cd: {  	v17 =	vadd.f32 v54, v17;
	v14 =	vadd.f32 v29, v14;
	s3 =	sadd.s32 s25, s0;
	v30 =	vmul.f32 v40, v40  }
0x2ce: {  	v49 =	vld [tilespmem:s2+$0x3180];
	s3 =	sadd.s32 s14, s3;
	v9 =	vadd.f32 v9, v24;
	v20 =	vadd.f32 v57, v20;
	v29 =	vperm.xlane v15, v4;
	[tilespmem:s2+$0x13100] =	vst v27  }
0x2cf: {  	s5 =	rddreg [dreg:$0x16];
	v22 =	vadd.f32 v30, v22;
	v24 =	vadd.f32 v13, v52;
	v58 =	vld [tilespmem:s3+$0x0]  }
0x2d0: {  	s1 =	sadd.s32 s23, s5;
	v31 =	vperm.xlane v20, v5;
	v15 =	vadd.f32 v29, v15;
	v13 =	vadd.f32 v55, v56  }
0x2d1: {  	s6 =	rddreg [dreg:$0x17];
	s1 =	sadd.s32 s20, s1;
	v29 =	vperm.xlane v25, v3;
	v23 =	vadd.f32 v27, v23;
	v27 =	vmul.f32 v27, v27;
	[tilespmem:s10+$0x13200] =	vst v24  }
0x2d2: {  	v46 =	vmul.f32 v24, v24;
	v30 =	vld [tilespmem:s1+$0x0];
	v20 =	vadd.f32 v31, v20;
	v31 =	vperm.xlane v15, v5  }
0x2d3: {  	v12 =	vadd.f32 v24, v12;
	v25 =	vadd.f32 v29, v25;
	v29 =	vperm.xlane v26, v3  }
0x2d4: {  	s8 =	rddreg [dreg:$0x15];
	v59 =	vperm.xlane v20, v6;
	v15 =	vadd.f32 v31, v15;
	v33 =	vadd.f32 v58, v49  }
0x2d5: {  	s1 =	sadd.s32 s25, s8;
	v18 =	vadd.f32 v27, v18;
	v61 =	vperm.xlane v25, v4;
	v26 =	vadd.f32 v29, v26  }
0x2d6: {  	v60 =	vld [tilespmem:s2+$0x3200];
	v27 =	vperm.xlane v23, v3;
	s1 =	sadd.s32 s14, s1;
	v20 =	vadd.f32 v59, v20;
	v62 =	vperm.xlane v15, v6;
	[tilespmem:s2+$0x13180] =	vst v33  }
0x2d7: {  	v25 =	vadd.f32 v61, v25;
	v40 =	vperm.xlane v26, v4;
	v30 =	vadd.f32 v30, v10;
	v63 =	vld [tilespmem:s1+$0x0]  }
0x2d8: {  	s9 =	sadd.s32 s23, s6;
	v22 =	vadd.f32 v46, v22;
	v10 =	vmul.f32 $9.765625000e-04, v20;
	v15 =	vadd.f32 v62, v15  }
0x2d9: {  	v20 =	vmul.f32 v33, v33;
	v41 =	vperm.xlane v25, v5;
	v26 =	vadd.f32 v40, v26;
	s1 =	sadd.s32 s20, s9;
	[tilespmem:s10+$0x13280] =	vst v30  }
0x2da: {  	v31 =	vadd.f32 v13, v34;
	s10 =	sor.u32 $0x380, s18;
	v42 =	vld [tilespmem:s1+$0x0];
	v15 =	vmul.f32 $9.765625000e-04, v15;
	v43 =	vmul.f32 v10, v10  }
0x2db: {  	v20 =	vadd.f32 v20, v14;
	v14 =	vld [tilespmem:s10+$0x2F80];
	v25 =	vadd.f32 v41, v25;
	v44 =	vperm.xlane v26, v5  }
0x2dc: {  	s15 =	rddreg [dreg:$0x16];
	v45 =	vmul.f32 v30, v30;
	v15 =	vsub.f32 v15, v43;
	v34 =	vadd.f32 v63, v60  }
0x2dd: {  	v16 =	vadd.f32 v30, v16;
	s1 =	sadd.s32 s25, s15;
	v30 =	vperm.xlane v25, v6;
	v26 =	vadd.f32 v44, v26  }
0x2de: {  	v28 =	vld [tilespmem:s2+$0x3280];
	v29 =	vmul.f32 v13, v13;
	v23 =	vadd.f32 v27, v23;
	s16 =	rddreg [dreg:$0x17];
	s1 =	sadd.s32 s14, s1;
	v35 =	vadd.f32 $9.999999740e-06, v15;
	[tilespmem:s2+$0x13200] =	vst v34  }
0x2df: {  	v27 =	vperm.xlane v18, v3;
	v25 =	vadd.f32 v30, v25;
	v30 =	vperm.xlane v26, v6;
	v47 =	vld [tilespmem:s1+$0x0]  }
0x2e0: {  	v15 =	vadd.f32 v42, v14;
	v14 =	vshra.s32 v35, $0x1;
	v48 =	vmul.f32 $5.000000000e-01, v35  }
0x2e1: {  	v49 =	vsub.s32 $0x5F3759DF, v14;
	v14 =	vmul.f32 $9.765625000e-04, v25;
	v25 =	vadd.f32 v30, v26  }
0x2e2: {  	v29 =	vadd.f32 v29, v32;
	v24 =	vmul.f32 v15, v15;
	v26 =	vmul.f32 v49, v48  }
0x2e3: {  	v18 =	vadd.f32 v27, v18;
	v25 =	vmul.f32 $9.765625000e-04, v25;
	v30 =	vmul.f32 v14, v14  }
0x2e4: {  	v50 =	vperm.xlane v19, v3;
	v9 =	vadd.f32 v45, v9;
	v28 =	vadd.f32 v47, v28  }
0x2e5: {  	v24 =	vadd.f32 v24, v29;
	v26 =	vmul.f32 v49, v26;
	v25 =	vsub.f32 v25, v30  }
0x2e6: {  	v29 =	vadd.f32 v28, v16;
	v16 =	vadd.f32 v50, v19;
	v19 =	vperm.xlane v17, v3  }
0x2e7: {  	v26 =	vsub.f32 $1.500000000e+00, v26;
	v25 =	vadd.f32 $9.999999740e-06, v25  }
0x2e8: {  	v30 =	vmul.f32 v28, v28;
	v32 =	vperm.xlane v16, v4;
	v17 =	vadd.f32 v19, v17  }
0x2e9: {  	v19 =	vmul.f32 v49, v26;
	v26 =	vshra.s32 v25, $0x1;
	v25 =	vmul.f32 $5.000000000e-01, v25  }
0x2ea: {  	v26 =	vsub.s32 $0x5F3759DF, v26;
	v16 =	vadd.f32 v32, v16;
	v51 =	vperm.xlane v17, v4  }
0x2eb: {  	v21 =	vadd.f32 v33, v21;
	v30 =	vadd.f32 v30, v9;
	v9 =	vmul.f32 v26, v25  }
0x2ec: {  	v53 =	vmul.f32 v19, v48;
	v54 =	vperm.xlane v16, v5;
	v17 =	vadd.f32 v51, v17  }
0x2ed: {  	v52 =	vmul.f32 v34, v34;
	v34 =	vadd.f32 v34, v12;
	v9 =	vmul.f32 v26, v9  }
0x2ee: {  	s17 =	sadd.s32 s25, s16;
	v55 =	vmul.f32 v53, v19;
	v16 =	vadd.f32 v54, v16;
	v56 =	vperm.xlane v17, v5  }
0x2ef: {  	v31 =	vadd.f32 v15, v31;
	s1 =	sadd.s32 s14, s17;
	[tilespmem:s2+$0x13280] =	vst v28;
	v9 =	vsub.f32 $1.500000000e+00, v9  }
0x2f0: {  	s18 =	sor.u32 $0x380, s12;
	v28 =	vld [tilespmem:s1+$0x0];
	v32 =	vsub.f32 $1.500000000e+00, v55;
	v37 =	vperm.xlane v16, v6;
	v17 =	vadd.f32 v56, v17  }
0x2f1: {  	v22 =	vadd.f32 v52, v22;
	v57 =	vld [tilespmem:s18+$0x2F80];
	v9 =	vmul.f32 v26, v9;
	v26 =	vperm.xlane v23, v4  }
0x2f2: {  	v27 =	vmul.f32 v32, v19;
	v16 =	vadd.f32 v37, v16;
	v19 =	vperm.xlane v17, v6  }
0x2f3: {  	v58 =	vmul.f32 v9, v25;
	v23 =	vadd.f32 v26, v23;
	v26 =	vperm.xlane v18, v4  }
0x2f4: {  	v33 =	vmul.f32 v27, v48;
	v16 =	vmul.f32 $9.765625000e-04, v16;
	v17 =	vadd.f32 v19, v17  }
0x2f5: {  	v19 =	vmul.f32 v58, v9;
	v59 =	vperm.xlane v23, v5;
	v26 =	vadd.f32 v26, v18  }
0x2f6: {  	v18 =	vadd.f32 v28, v57;
	v17 =	vmul.f32 $9.765625000e-04, v17;
	v28 =	vmul.f32 v16, v16  }
0x2f7: {  	v39 =	vperm.xlane v30, v3;
	v12 =	vadd.f32 v59, v23;
	v23 =	vperm.xlane v26, v5  }
0x2f8: {  	v60 =	vmul.f32 v33, v27;
	v19 =	vsub.f32 $1.500000000e+00, v19;
	v17 =	vsub.f32 v17, v28  }
0x2f9: {  	v28 =	vperm.xlane v12, v6;
	v23 =	vadd.f32 v23, v26;
	v26 =	vperm.xlane v21, v3  }
0x2fa: {  	v61 =	vmul.f32 v19, v9;
	v9 =	vadd.f32 $9.999999740e-06, v17;
	v17 =	vperm.xlane v20, v3  }
0x2fb: {  	v12 =	vadd.f32 v28, v12;
	v19 =	vperm.xlane v23, v6;
	v21 =	vadd.f32 v26, v21  }
0x2fc: {  	v25 =	vmul.f32 v61, v25;
	v26 =	vshra.s32 v9, $0x1;
	v20 =	vadd.f32 v17, v20  }
0x2fd: {  	v17 =	vmul.f32 $9.765625000e-04, v12;
	v12 =	vadd.f32 v19, v23;
	v23 =	vperm.xlane v21, v4  }
0x2fe: {  	v19 =	vmul.f32 $5.000000000e-01, v9;
	v26 =	vsub.s32 $0x5F3759DF, v26;
	v9 =	vperm.xlane v20, v4  }
0x2ff: {  	v12 =	vmul.f32 $9.765625000e-04, v12;
	v28 =	vmul.f32 v17, v17;
	v21 =	vadd.f32 v23, v21  }
0x300: {  	v23 =	vmul.f32 v25, v61;
	v25 =	vmul.f32 v26, v19;
	v20 =	vadd.f32 v9, v20  }
0x301: {  	v30 =	vadd.f32 v39, v30;
	v12 =	vsub.f32 v12, v28;
	v28 =	vperm.xlane v21, v5  }
0x302: {  	v9 =	vsub.f32 $1.500000000e+00, v60;
	v25 =	vmul.f32 v26, v25;
	v62 =	vperm.xlane v20, v5  }
0x303: {  	v35 =	vperm.xlane v22, v3;
	v12 =	vadd.f32 $9.999999740e-06, v12;
	v21 =	vadd.f32 v28, v21  }
0x304: {  	v9 =	vmul.f32 v9, v27;
	v25 =	vsub.f32 $1.500000000e+00, v25;
	v20 =	vadd.f32 v62, v20  }
0x305: {  	v27 =	vshra.s32 v12, $0x1;
	v28 =	vmul.f32 $5.000000000e-01, v12;
	v12 =	vperm.xlane v21, v6  }
0x306: {  	v22 =	vadd.f32 v35, v22;
	v43 =	vperm.xlane v30, v4;
	v25 =	vmul.f32 v26, v25  }
0x307: {  	v26 =	vsub.s32 $0x5F3759DF, v27;
	v27 =	vperm.xlane v20, v6;
	v21 =	vadd.f32 v12, v21  }
0x308: {  	v30 =	vadd.f32 v43, v30;
	v37 =	vperm.xlane v29, v3;
	v63 =	vmul.f32 v26, v28  }
0x309: {  	v36 =	vmul.f32 v18, v18;
	v27 =	vadd.f32 v27, v20;
	v20 =	vmul.f32 $9.765625000e-04, v21  }
0x30a: {  	v32 =	vmul.f32 v26, v63;
	v21 =	vadd.f32 v18, v31;
	v31 =	vperm.xlane v34, v3  }
0x30b: {  	v24 =	vadd.f32 v36, v24;
	v27 =	vmul.f32 $9.765625000e-04, v27;
	v36 =	vmul.f32 v20, v20  }
0x30c: {  	v29 =	vadd.f32 v37, v29;
	v31 =	vadd.f32 v31, v34  }
0x30d: {  	v32 =	vsub.f32 $1.500000000e+00, v32;
	v27 =	vsub.f32 v27, v36  }
0x30e: {  	v40 =	vperm.xlane v29, v4;
	v23 =	vsub.f32 $1.500000000e+00, v23;
	v38 =	vperm.xlane v31, v4  }
0x30f: {  	v32 =	vmul.f32 v26, v32;
	v26 =	vadd.f32 $9.999999740e-06, v27;
	v27 =	vperm.xlane v22, v4  }
0x310: {  	v29 =	vadd.f32 v40, v29;
	v46 =	vperm.xlane v24, v3;
	v31 =	vadd.f32 v38, v31  }
0x311: {  	v12 =	vmul.f32 v23, v61;
	v45 =	vperm.xlane v21, v3;
	v22 =	vadd.f32 v27, v22  }
0x312: {  	v24 =	vadd.f32 v46, v24;
	v23 =	vmul.f32 v25, v19;
	v27 =	vperm.xlane v31, v5  }
0x313: {  	v10 =	vmul.f32 v9, v10;
	v21 =	vadd.f32 v45, v21;
	v44 =	vperm.xlane v22, v5  }
0x314: {  	v23 =	vmul.f32 v23, v25;
	v27 =	vadd.f32 v27, v31;
	v31 =	vperm.xlane v29, v5  }
0x315: {  	v41 =	vmul.f32 v32, v28;
	v49 =	vperm.xlane v21, v4;
	v22 =	vadd.f32 v44, v22  }
0x316: {  	v47 =	vperm.xlane v27, v6;
	v29 =	vadd.f32 v31, v29;
	v31 =	vperm.xlane v30, v5  }
0x317: {  	v42 =	vshra.s32 v26, $0x1;
	v21 =	vadd.f32 v49, v21;
	v48 =	vperm.xlane v22, v6  }
0x318: {  	v27 =	vadd.f32 v47, v27;
	v50 =	vperm.xlane v29, v6;
	v30 =	vadd.f32 v31, v30  }
0x319: {  	v53 =	vmul.f32 $5.000000000e-01, v26;
	v31 =	vperm.xlane v24, v4;
	v22 =	vadd.f32 v48, v22  }
0x31a: {  	v27 =	vmul.f32 $9.765625000e-04, v27;
	v29 =	vadd.f32 v50, v29;
	v51 =	vperm.xlane v30, v6  }
0x31b: {  	v52 =	vperm.xlane v21, v5;
	v24 =	vadd.f32 v31, v24;
	v22 =	vmul.f32 $9.765625000e-04, v22  }
0x31c: {  	v31 =	vmul.f32 v27, v27;
	v29 =	vmul.f32 $9.765625000e-04, v29;
	v30 =	vadd.f32 v51, v30  }
0x31d: {  	v35 =	vsub.s32 $0x5F3759DF, v42;
	v21 =	vadd.f32 v52, v21;
	v26 =	vperm.xlane v24, v5  }
0x31e: {  	v22 =	vsub.f32 v22, v31;
	v30 =	vmul.f32 $9.765625000e-04, v30;
	v31 =	vmul.f32 v29, v29  }
0x31f: {  	v54 =	vmul.f32 v35, v53;
	v55 =	vperm.xlane v21, v6;
	v24 =	vadd.f32 v26, v24  }
0x320: {  	v34 =	vmul.f32 v41, v32;
	v22 =	vadd.f32 $9.999999740e-06, v22;
	v26 =	vsub.f32 v30, v31  }
0x321: {  	v21 =	vadd.f32 v55, v21;
	v30 =	vmul.f32 v35, v54;
	v31 =	vperm.xlane v24, v6  }
0x322: {  	v56 =	vshra.s32 v22, $0x1;
	v22 =	vmul.f32 $5.000000000e-01, v22;
	v57 =	vadd.f32 $9.999999740e-06, v26  }
0x323: {  	v26 =	vmul.f32 $9.765625000e-04, v21;
	v21 =	vadd.f32 v31, v24;
	v36 =	vsub.s32 $0x5F3759DF, v56  }
0x324: {  	v24 =	vmul.f32 v36, v22;
	v31 =	vshra.s32 v57, $0x1;
	v37 =	vmul.f32 $5.000000000e-01, v57  }
0x325: {  	v21 =	vmul.f32 $9.765625000e-04, v21;
	v58 =	vmul.f32 v26, v26;
	v31 =	vsub.s32 $0x5F3759DF, v31  }
0x326: {  	v23 =	vsub.f32 $1.500000000e+00, v23;
	v24 =	vmul.f32 v36, v24;
	v59 =	vmul.f32 v31, v37  }
0x327: {  	v14 =	vmul.f32 v12, v14;
	v30 =	vsub.f32 $1.500000000e+00, v30;
	v21 =	vsub.f32 v21, v58  }
0x328: {  	v34 =	vsub.f32 $1.500000000e+00, v34;
	v24 =	vsub.f32 $1.500000000e+00, v24;
	v60 =	vmul.f32 v31, v59  }
0x329: {  	v23 =	vmul.f32 v23, v25;
	v25 =	vmul.f32 v35, v30;
	v21 =	vadd.f32 $9.999999740e-06, v21  }
0x32a: {  	v30 =	vmul.f32 v34, v32;
	v24 =	vmul.f32 v36, v24;
	v61 =	vsub.f32 $1.500000000e+00, v60  }
0x32b: {  	v62 =	vmul.f32 v25, v53;
	v63 =	vshra.s32 v21, $0x1;
	v40 =	vmul.f32 $5.000000000e-01, v21  }
0x32c: {  	v41 =	vsub.s32 $0x5F3759DF, v63;
	v21 =	vmul.f32 v24, v22;
	v31 =	vmul.f32 v31, v61  }
0x32d: {  	v34 =	vmul.f32 v62, v25;
	v35 =	vmul.f32 v41, v40  }
0x32e: {  	v21 =	vmul.f32 v21, v24;
	v42 =	vmul.f32 v31, v37  }
0x32f: {  	v19 =	vmul.f32 v23, v19;
	v34 =	vsub.f32 $1.500000000e+00, v34;
	v35 =	vmul.f32 v41, v35  }
0x330: {  	v28 =	vmul.f32 v30, v28;
	v21 =	vsub.f32 $1.500000000e+00, v21;
	v38 =	vmul.f32 v42, v31  }
0x331: {  	[tilespmem:s24+$0x12F80] =	vst v8;
	v8 =	vmul.f32 v19, v23;
	v25 =	vmul.f32 v34, v25;
	v19 =	vsub.f32 $1.500000000e+00, v35  }
0x332: {  	[tilespmem:s30+$0x12F80] =	vst v11;
	v11 =	vmul.f32 v28, v30;
	v24 =	vmul.f32 v21, v24;
	v21 =	vsub.f32 $1.500000000e+00, v38  }
0x333: {  	[tilespmem:s4+$0x12F80] =	vst v13;
	s20 =	simm.s32 $0x0;
	v13 =	vmul.f32 v25, v53;
	v28 =	vmul.f32 v41, v19  }
0x334: {  	s21 =	sand.u32 $0x70, s20;
	s22 =	sand.u32 $0x1C00, s20;
	[tilespmem:s10+$0x12F80] =	vst v15;
	v15 =	vmul.f32 v24, v22;
	v31 =	vmul.f32 v21, v31  }
0x335: {  	s1 =	sor.u32 s21, s22;
	[tilespmem:s18+$0x12F80] =	vst v18;
	v8 =	vsub.f32 $1.500000000e+00, v8;
	v13 =	vmul.f32 v13, v25;
	v19 =	vmul.f32 v28, v40  }
0x336: {  	s6 =	sadd.s32 $0x12F80, s1;
	v43 =	vld [tilespmem:s1+$0x12F80];
	v11 =	vsub.f32 $1.500000000e+00, v11;
	v15 =	vmul.f32 v15, v24;
	v21 =	vmul.f32 v31, v37  }
0x337: {  	v45 =	vld [tilespmem:s6+$0x280];
	v18 =	vmul.f32 v8, v23;
	v8 =	vsub.f32 $1.500000000e+00, v13;
	v13 =	vmul.f32 v19, v28  }
0x338: {  	v44 =	vld [tilespmem:s6+$0x80];
	v19 =	vmul.f32 v11, v30;
	v15 =	vsub.f32 $1.500000000e+00, v15;
	v23 =	vmul.f32 v21, v31  }
0x339: {  	v30 =	vld [tilespmem:s6+$0x100];
	v11 =	vmul.f32 v18, v16;
	v21 =	vmul.f32 v8, v25;
	v8 =	vsub.f32 $1.500000000e+00, v13  }
0x33a: {  	v25 =	vld [tilespmem:s6+$0x180];
	v16 =	vmul.f32 v19, v17;
	v22 =	vmul.f32 v15, v24;
	v17 =	vsub.f32 $1.500000000e+00, v23  }
0x33b: {  	s23 =	simm.s32 $0x780;
	v24 =	vld [tilespmem:s6+$0x200];
	v13 =	vmul.f32 v21, v20;
	v28 =	vmul.f32 v8, v28  }
0x33c: {  	v8 =	vld [tilespmem:s23+$0x0];
	v15 =	vmul.f32 v22, v27;
	v23 =	vmul.f32 v17, v31  }
0x33d: {  	s24 =	simm.s32 $0xB80;
	s0 =	simm.s32 $0x80;
	s2 =	simm.s32 $0x10;
	v46 =	vld [tilespmem:s6+$0x300];
	v27 =	vmul.f32 v28, v40;
	v31 =	vmul.f32 v43, v9  }
0x33e: {  	s26 =	sand.u32 $0x1C00, s0;
	s25 =	sand.u32 $0x70, s2;
	v17 =	vld [tilespmem:s24+$0x0];
	v20 =	vmul.f32 v23, v29;
	v29 =	vmul.f32 v44, v12  }
0x33f: {  	s8 =	sor.u32 s25, s26;
	v30 =	vmul.f32 v30, v18;
	v34 =	vmul.f32 v45, v22;
	v31 =	vsub.f32 v31, v10  }
0x340: {  	s4 =	sadd.s32 $0x12F80, s8;
	v25 =	vmul.f32 v25, v19;
	v27 =	vmul.f32 v27, v28;
	v29 =	vsub.f32 v29, v14  }
0x341: {  	v49 =	vld [tilespmem:s4+$0x100];
	v30 =	vsub.f32 v30, v11;
	v24 =	vmul.f32 v24, v21;
	v31 =	vmul.f32 v31, v8  }
0x342: {  	v47 =	vld [tilespmem:s8+$0x12F80];
	v32 =	vmul.f32 v46, v23;
	v25 =	vsub.f32 v25, v16;
	v29 =	vmul.f32 v29, v8  }
0x343: {  	v48 =	vld [tilespmem:s4+$0x80];
	v30 =	vmul.f32 v30, v8;
	v24 =	vsub.f32 v24, v13;
	v31 =	vadd.f32 v31, v17  }
0x344: {  	v50 =	vld [tilespmem:s4+$0x180];
	v34 =	vsub.f32 v34, v15;
	v25 =	vmul.f32 v25, v8;
	v29 =	vadd.f32 v29, v17  }
0x345: {  	v52 =	vld [tilespmem:s4+$0x280];
	v32 =	vsub.f32 v32, v20;
	v30 =	vadd.f32 v30, v17;
	[tilespmem:s1+$0x12F80] =	vst v31;
	v31 =	vmul.f32 v24, v8  }
0x346: {  	s28 =	simm.s32 $0x790;
	v51 =	vld [tilespmem:s4+$0x200];
	v27 =	vsub.f32 $1.500000000e+00, v27;
	v34 =	vmul.f32 v34, v8;
	[tilespmem:s6+$0x80] =	vst v29;
	v29 =	vadd.f32 v25, v17  }
0x347: {  	v24 =	vld [tilespmem:s28+$0x0];
	[tilespmem:s6+$0x100] =	vst v30;
	v30 =	vadd.f32 v31, v17;
	v31 =	vmul.f32 v32, v8  }
0x348: {  	s12 =	simm.s32 $0xB90;
	s14 =	simm.s32 $0x100;
	v53 =	vld [tilespmem:s4+$0x300];
	s1 =	simm.s32 $0x20;
	v25 =	vmul.f32 v27, v28;
	v28 =	vmul.f32 v47, v9;
	[tilespmem:s6+$0x180] =	vst v29;
	v29 =	vadd.f32 v34, v17  }
0x349: {  	s30 =	sand.u32 $0x1C00, s14;
	v54 =	vmul.f32 v48, v12;
	v56 =	vmul.f32 v50, v19;
	s29 =	sand.u32 $0x70, s1;
	v27 =	vld [tilespmem:s12+$0x0];
	[tilespmem:s6+$0x200] =	vst v30;
	v30 =	vadd.f32 v31, v17  }
0x34a: {  	s31 =	sor.u32 s20, s20;
	s10 =	sor.u32 s29, s30;
	v31 =	vmul.f32 v49, v18;
	v55 =	vsub.f32 v28, v10;
	[tilespmem:s6+$0x280] =	vst v29  }
0x34b: {  	s5 =	sor.u32 $0x380, s31;
	v33 =	vsub.f32 v54, v14;
	v57 =	vmul.f32 v51, v21;
	v35 =	vsub.f32 v56, v16;
	v28 =	vld [tilespmem:s10+$0x12F80];
	[tilespmem:s6+$0x300] =	vst v30  }
0x34c: {  	v58 =	vmul.f32 v52, v22;
	s6 =	sadd.s32 $0x12F80, s10;
	v34 =	vmul.f32 v55, v24;
	v31 =	vsub.f32 v31, v11;
	v59 =	vld [tilespmem:s5+$0x12F80]  }
0x34d: {  	v36 =	vsub.f32 v57, v13;
	v60 =	vmul.f32 v53, v23;
	v33 =	vmul.f32 v33, v24;
	v29 =	vld [tilespmem:s6+$0x80]  }
0x34e: {  	v63 =	vsub.f32 v58, v15;
	v30 =	vld [tilespmem:s6+$0x100];
	v34 =	vadd.f32 v34, v27;
	v61 =	vmul.f32 v31, v24  }
0x34f: {  	v38 =	vsub.f32 v60, v20;
	v62 =	vmul.f32 v35, v24;
	v33 =	vadd.f32 v33, v27;
	v32 =	vld [tilespmem:s6+$0x200]  }
0x350: {  	v26 =	vmul.f32 v25, v26;
	v37 =	vmul.f32 v36, v24;
	v31 =	vld [tilespmem:s6+$0x180];
	[tilespmem:s8+$0x12F80] =	vst v34;
	v35 =	vadd.f32 v61, v27  }
0x351: {  	s20 =	simm.s32 $0x7A0;
	s18 =	simm.s32 $0x100;
	v39 =	vmul.f32 v63, v24;
	v36 =	vadd.f32 v62, v27;
	v34 =	vld [tilespmem:s6+$0x280];
	s8 =	simm.s32 $0x30;
	[tilespmem:s4+$0x80] =	vst v33;
	v33 =	vmul.f32 v59, v25  }
.LBB2_11:
0x352: {  	p3 =	sne.s32 s8, $0x3F0;
	v40 =	vld [tilespmem:s20+$0x0];
	[tilespmem:s4+$0x100] =	vst v35;
	v35 =	vadd.f32 v37, v27;
	v37 =	vmul.f32 v38, v24;
	v38 =	vmov v27  }
0x353: {  	v28 =	vmul.f32 v28, v9;
	s14 =	sadd.s32 $0x80, s14;
	s12 =	sadd.s32 $0x10, s12;
	v41 =	vld [tilespmem:s6+$0x300];
	[tilespmem:s4+$0x180] =	vst v36;
	v36 =	vadd.f32 v39, v38;
	v33 =	vsub.f32 v33, v26  }
0x354: {  	s3 =	sand.u32 $0x70, s8;
	v29 =	vmul.f32 v29, v12;
	s9 =	sand.u32 $0x1C00, s14;
	v30 =	vmul.f32 v30, v18;
	v27 =	vld [tilespmem:s12+$0x0];
	[tilespmem:s4+$0x200] =	vst v35;
	v35 =	vadd.f32 v37, v38  }
0x355: {  	s2 =	sor.u32 s0, s2;
	s0 =	smov.u32 s18;
	s3 =	sor.u32 s3, s9;
	v37 =	vsub.f32 v28, v10;
	v31 =	vmul.f32 v31, v19;
	[tilespmem:s4+$0x280] =	vst v36;
	v39 =	vmul.f32 v33, v8  }
0x356: {  	s18 =	smov.u32 s14;
	s9 =	sor.u32 $0x380, s2;
	v33 =	vsub.f32 v29, v14;
	v32 =	vmul.f32 v32, v21;
	v28 =	vld [tilespmem:s3+$0x12F80];
	v34 =	vmul.f32 v34, v22;
	[tilespmem:s4+$0x300] =	vst v35;
	s4 =	smov.u32 s6  }
0x357: {  	s2 =	smov.u32 s1;
	s1 =	smov.u32 s8;
	v36 =	vsub.f32 v30, v11;
	v8 =	vmovc v24;
	s6 =	sadd.s32 $0x12F80, s3;
	v35 =	vmul.f32 v37, v40;
	v42 =	vld [tilespmem:s9+$0x12F80];
	v44 =	vadd.f32 v39, v17  }
.Ltmp6:
0x358: {  	v33 =	vmul.f32 v33, v40;
	v37 =	vsub.f32 v31, v16;
	v24 =	vmovc v40;
	v29 =	vld [tilespmem:s6+$0x80];
	v39 =	vmul.f32 v41, v23;
	(pc) =	sbr.rel @p3 .LBB2_11-.Ltmp6, $4  }
0x359: {  	v40 =	vsub.f32 v32, v13;
	v36 =	vmul.f32 v36, v24;
	v30 =	vld [tilespmem:s6+$0x100];
	v35 =	vadd.f32 v35, v27;
	[tilespmem:s5+$0x12F80] =	vst v44;
	s5 =	smov.u32 s9  }
0x35a: {  	v17 =	vmovc v38;
	v43 =	vsub.f32 v34, v15;
	v33 =	vadd.f32 v33, v27;
	v41 =	vmul.f32 v37, v24;
	v31 =	vld [tilespmem:s6+$0x180]  }
0x35b: {  	v37 =	vmul.f32 v40, v24;
	v38 =	vsub.f32 v39, v20;
	v32 =	vld [tilespmem:s6+$0x200];
	[tilespmem:s10+$0x12F80] =	vst v35;
	v35 =	vadd.f32 v36, v27;
	s10 =	smov.u32 s3  }
0x35c: {  	s20 =	sadd.s32 $0x10, s20;
	s8 =	sadd.s32 $0x10, s8;
	v39 =	vmul.f32 v43, v24;
	v36 =	vadd.f32 v41, v27;
	v34 =	vld [tilespmem:s6+$0x280];
	[tilespmem:s4+$0x80] =	vst v33;
	v33 =	vmul.f32 v42, v25  }
0x35d: {  	v40 =	vld [tilespmem:s20+$0x0]  }
0x35e: {  	v38 =	vmul.f32 v38, v24;
	v9 =	vmul.f32 v28, v9;
	v46 =	vld [tilespmem:s6+$0x300];
	s3 =	sadd.s32 $0x10, s12  }
0x35f: {  	v37 =	vadd.f32 v37, v27;
	v12 =	vmul.f32 v29, v12;
	v39 =	vadd.f32 v39, v27;
	v47 =	vld [tilespmem:s3+$0x0]  }
0x360: {  	v18 =	vmul.f32 v30, v18;
	v48 =	vadd.f32 v38, v27;
	v9 =	vsub.f32 v9, v10  }
0x361: {  	[tilespmem:s4+$0x100] =	vst v35;
	v49 =	vmul.f32 v31, v19;
	v12 =	vsub.f32 v12, v14;
	v50 =	vmul.f32 v32, v21  }
0x362: {  	[tilespmem:s4+$0x180] =	vst v36;
	v11 =	vsub.f32 v18, v11;
	v51 =	vmul.f32 v34, v22;
	v9 =	vmul.f32 v9, v40  }
0x363: {  	[tilespmem:s4+$0x200] =	vst v37;
	v10 =	vsub.f32 v49, v16;
	v12 =	vmul.f32 v12, v40;
	v52 =	vmul.f32 v46, v23  }
0x364: {  	[tilespmem:s4+$0x280] =	vst v39;
	v11 =	vmul.f32 v11, v40;
	v13 =	vsub.f32 v50, v13;
	v9 =	vadd.f32 v9, v47  }
0x365: {  	[tilespmem:s4+$0x300] =	vst v48;
	v10 =	vmul.f32 v10, v40;
	v53 =	vsub.f32 v51, v15;
	v12 =	vadd.f32 v12, v47  }
0x366: {  	v54 =	vadd.f32 v11, v47;
	v55 =	vmul.f32 v13, v40;
	v56 =	vsub.f32 v52, v20;
	[tilespmem:s10+$0x12F80] =	vst v9  }
0x367: {  	v10 =	vadd.f32 v10, v47;
	v57 =	vmul.f32 v53, v40;
	[tilespmem:s6+$0x80] =	vst v12  }
0x368: {  	v58 =	vadd.f32 v55, v47;
	v59 =	vmul.f32 v56, v40;
	[tilespmem:s6+$0x100] =	vst v54  }
0x369: {  	[tilespmem:s6+$0x180] =	vst v10;
	v60 =	vadd.f32 v57, v47  }
0x36a: {  	s0 =	sor.u32 s0, s2;
	[tilespmem:s6+$0x200] =	vst v58;
	v61 =	vadd.f32 v59, v47  }
0x36b: {  	s1 =	sor.u32 s18, s1;
	s0 =	sor.u32 $0x380, s0;
	[tilespmem:s6+$0x280] =	vst v60  }
0x36c: {  	s1 =	sor.u32 $0x380, s1;
	v62 =	vld [tilespmem:s0+$0x12F80];
	[tilespmem:s6+$0x300] =	vst v61  }
0x36d: {  	v9 =	vld [tilespmem:s1+$0x12F80];
	_ =	sdelay $0x3  }
0x36e: {  	v10 =	vmul.f32 v62, v25  }
0x36f: {  	v63 =	vsub.f32 v33, v26;
	v9 =	vmul.f32 v9, v25  }
0x370: {  	v10 =	vsub.f32 v10, v26  }
0x371: {  	v8 =	vmul.f32 v63, v8;
	s29 =	sld [smem:$0x7F9];
	v9 =	vsub.f32 v9, v26  }
0x372: {  	v10 =	vmul.f32 v10, v24  }
0x373: {  	v8 =	vadd.f32 v8, v17;
	v9 =	vmul.f32 v9, v40  }
.Ltmp7:
0x374: {  	v10 =	vadd.f32 v10, v27;
	s2 =	sadd.s32 s11, s29;
	(pc) =	sbr.rel @p2 .LBB2_14-.Ltmp7, $4  }
0x375: {  	s30 =	rddreg [dreg:$0x5];
	[tilespmem:s5+$0x12F80] =	vst v8;
	s2 =	sshll.u32 s2, $0x7;
	v8 =	vadd.f32 v9, v47  }
0x376: {  	[tilespmem:s0+$0x12F80] =	vst v10;
	s0 =	sadd.s32 s30, s2  }
0x377: {  	s31 =	simm.s32 $0x12F80;
	s0 =	sadd.s32 $0x400, s0;
	[tilespmem:s1+$0x12F80] =	vst v8  }
0x378: {  	[hbm4b:s0+s7] =	stream.linear.scatter [tilespmem:s31], [sflag:$0x6], $0x2000, $0x38;
	[tilespmem:$0x1D480] =	vst v63  }
0x379: {  	_ =	sdelay $0x2  }
0x37a: {  	s0 =	sadd.s32 $0x18, s11  }
0x37b: {  	v8 =	vld.idx.msk [tilespmem:v7+s0+$0x0 ss:$0x1], $0xff;
	_ =	sdelay $0x4  }
0x37c: {  	v9 =	vshll.u32 v8, $0x3  }
0x37d: {  	v8 =	vand.u32 $0x7, v8;
	v9 =	vand.u32 $0xFFFFFFC0, v9  }
0x37e: {  	v8 =	vor.u32 v8, v9  }
0x37f: {  	v8 =	vperm.xlane v8, v1;
	_ =	sdelay $0x1  }
0x380: {  	v8 =	vadd.s32 v2, v8;
	_ =	sdelay $0x3  }
0x381: {  	s1 =	rddreg [dreg:$0x1];
	s2 =	simm.s32 $0x2F80  }
0x382: {  	[tilespmem:s2], [sflag:$0x2] =	stream.indirect_vreg.gather [hbm4b:s1+s7], $0x80, v8, vm0, $0xb8;
	[tilespmem:$0x1D480] =	vst v63  }
0x383: {  	s20 =	rddreg [dreg:$0x1d];
	s21 =	simm.s32 $0x3780  }
0x384: {  	[tilespmem:s21], [sflag:$0x2] =	stream.indirect_vreg.gather [hbm4b:s20+s7], $0x80, v8, vm0, $0xb8;
	[tilespmem:$0x1D480] =	vst v63  }
0x385: {  	s22 =	rddreg [dreg:$0x1e];
	s23 =	simm.s32 $0x3F80  }
0x386: {  	[tilespmem:s23], [sflag:$0x2] =	stream.indirect_vreg.gather [hbm4b:s22+s7], $0x80, v8, vm0, $0xb8;
	[tilespmem:$0x1D480] =	vst v63  }
0x387: {  	s24 =	rddreg [dreg:$0x1f];
	s25 =	simm.s32 $0x4780  }
0x388: {  	[tilespmem:s25], [sflag:$0x2] =	stream.indirect_vreg.gather [hbm4b:s24+s7], $0x80, v8, vm0, $0xb8;
	[tilespmem:$0x1D480] =	vst v63  }
0x389: {  	v8 =	vld.idx.msk [tilespmem:v7+s0+$0x4FF ss:$0x1], $0xffff;
	_ =	sdelay $0x4  }
0x38a: {  	(v2sf) =	vpush v8, $0x0;
	_ =	sdelay $0xe  }
0x38b: {  	s26 =	spop (v2sf)  }
0x38c: {  	s1 =	sadd.s32 $0x1, s26  }
0x38d: {  	s28 =	sshra.s32 s1, $0x1F  }
0x38e: {  	s2 =	sshrl.u32 s28, $0x1D  }
0x38f: {  	s1 =	sadd.s32 s2, s1  }
0x390: {  	s4 =	rddreg [dreg:$0x6];
	s3 =	sadd.s32 s13, s0;
	s2 =	sshll.u32 s1, $0xA  }
0x391: {  	s30 =	sand.u32 $0x380, s3;
	s0 =	sand.u32 $0x78, s0;
	s2 =	sand.u32 $0x7FFFE000, s2  }
0x392: {  	s29 =	simm.s32 $0xAF80;
	s0 =	sor.u32 s0, s30;
	s2 =	sadd.s32 s2, s4  }
0x393: {  	[tilespmem:s29], [sflag:$0x4] =	stream.linear.gather [spmem:s2], $0x4000, $0x38;
	[tilespmem:$0x1D480] =	vst v63  }
0x394: {  	v8 =	vld [tilespmem:s0+$0x280]  }
0x395: {  	v63 =	vld [tilespmem:s0+$0x0];
	_ =	sdelay $0x2  }
.Ltmp8:
0x396: {  	s31 =	sand.u32 $0xFFFFFFF8, s1;
	(pc) =	sbr.rel .LBB2_4-.Ltmp8, $4  }
0x397: {  	v10 =	vmov s31  }
0x398: {  	v8 =	vsub.s32 v8, v10;
	vm1 =	veq.s32 v63, $0x1  }
0x399: {  	v8 =	vsel vm1, $0x10, v8  }
0x39a: {  	s19 =	sadd.s32 $0x1, s19;
	[tilespmem:$0x15000] =	vst v8  }
.LBB2_15:
0x39b: {  	_ =	sfence.sel $0x180000  }
0x39c: {  	[bflag:$0x0] =	sbarrier.arrive $0xFFFF  }
0x39d: {  	_ =	strace $0x90000047  }
0x39e: {  	s0 =	stileid.u32;
	[bflag:$0x2] =	sbarrier.arrive $0xFFFF  }
0x39f: {  	p0 =	sne.s32 s0, $0x0;
	s0 =	rddreg [dreg:$0x7]  }
0x3a0: {  	s0 =	sadd.s32 @!p0 $0x100000, s0  }
0x3a1: {  	[sflag:s0] =	ssyncadd.tile.s32 @!p0 $0x1;
	_ =	shalt  }
.Lfunc_end2:
_tile_overlayer_lowered:
.L_overlay_start_2:
0x3a2: {  	(tag) =	ssettag $0x2  }
0x3a3: {  	s0 =	rddreg [dreg:$0x0];
	s2 =	stileid.u32  }
0x3a4: {  	s1 =	rddreg [dreg:$0x1];
	p0 =	sne.s32 s2, $0x0  }
0x3a5: {  	s3 =	rddreg [dreg:$0x2];
	[bflag:$0x3] =	sbarrier.arrive $0xFFFF;
	s2 =	simm.s32 @!p0 $0x1C08  }
0x3a6: {  	[timem:s3], [sflag:s2] =	dma.local @!p0 [hbm:s0], s1  }
0x3a7: {  	s0 =	simm.s32 @!p0 $0x8  }
0x3a8: {  	_ =	swait.ge @!p0 [sflag:s0], s1  }
0x3a9: {  	s1 =	ssub.s32 @!p0 $0x0, s1;
	[sflag:s0] =	ssyncset.done @!p0 $0x0  }
0x3aa: {  	[sflag:s0] =	ssyncadd.s32 @!p0 s1  }
0x3ab: {  	[bflag:$0x3] =	sbarrier.arrive $0xFFFF  }
0x3ac: {  	_ =	shalt  }

</sc_bundles>
